<compile_context>
chip_gen: v7x
topology: tpu7x:2x2x1
jax: 0.10.2.dev20260603
libtpu: 0.0.44.dev20260713+nightly
codegen_flags: <defaults>
</compile_context>

<pallas_src>
import functools

import jax
import jax.numpy as jnp
from jax import lax
from jax.experimental import pallas as pl
from jax.experimental.pallas import tpu as pltpu
from jax.experimental.pallas import tpu_sc as plsc

N, E, D, G = 10000, 320000, 128, 64
NC, NS = 2, 16
NW = NC * NS
CHUNK = 120
RB = 3
RI = 2 * RB
NCH = 114
A0, A1 = 96, 72
EPAD = NS * (A0 + A1) * CHUNK
NPAD = 10112
RPT = NPAD // NS

ROWS = 632
NBLK = NPAD // ROWS


def _sc_aggregate():
    mesh = plsc.VectorSubcoreMesh(core_axis_name="c", subcore_axis_name="s")

    @functools.partial(
        pl.kernel,
        mesh=mesh,
        out_type=jax.ShapeDtypeStruct((NC, NPAD, D), jnp.float32),
        scratch_types=(
            [pltpu.VMEM((CHUNK,), jnp.int32)] * RI +
            [pltpu.VMEM((CHUNK,), jnp.int32)] * RB +
            [pltpu.VMEM((CHUNK, D), jnp.float32)] * RB +
            [pltpu.VMEM_SHARED((NPAD, D), jnp.float32)] +
            [pltpu.SemaphoreType.DMA] * (RI + 2 * RB)
        ),
    )
    def agg(src_hbm, dst_hbm, feat_hbm, out_hbm, *refs):
        sb = refs[0:RI]
        db = refs[RI:RI + RB]
        rows = refs[RI + RB:RI + 2 * RB]
        acc = refs[RI + 2 * RB]
        isem = refs[RI + 2 * RB + 1:2 * RI + 2 * RB + 1]
        dsem = refs[2 * RI + 2 * RB + 1:2 * RI + 3 * RB + 1]
        gsem = refs[2 * RI + 3 * RB + 1:2 * RI + 4 * RB + 1]
        c = lax.axis_index("c")
        s = lax.axis_index("s")
        wid = c * NS + s
        active = jnp.where(c == 0, A0, A1)

        for t in range(RI):
            pltpu.async_copy(src_hbm.at[wid, t], sb[t], isem[t])
        for t in range(RB):
            pltpu.async_copy(dst_hbm.at[wid, t], db[t], dsem[t])
        pltpu.sync_copy(feat_hbm.at[pl.ds(s * RPT, RPT)], acc.at[pl.ds(s * RPT, RPT)])
        for t in range(RB):
            pltpu.make_async_copy(src_hbm.at[wid, t], sb[t], isem[t]).wait()
            pltpu.async_copy(feat_hbm.at[sb[t]], rows[t], gsem[t])
        plsc.subcore_barrier()

        def slot(k, ti, hasI, hasB):
            tb = ti % RB

            @pl.when(k < active)
            def _():
                pltpu.make_async_copy(feat_hbm.at[sb[ti]], rows[tb], gsem[tb]).wait()
                pltpu.make_async_copy(dst_hbm.at[wid, k], db[tb], dsem[tb]).wait()
                pltpu.sync_copy(rows[tb], acc.at[db[tb]], add=True)

            if hasI:
                @pl.when(k + RI < active)
                def _():
                    pltpu.async_copy(src_hbm.at[wid, k + RI], sb[ti], isem[ti])
            if hasB:
                @pl.when(k + RB < active)
                def _():
                    ui = (ti + RB) % RI
                    pltpu.async_copy(dst_hbm.at[wid, k + RB], db[tb], dsem[tb])
                    pltpu.make_async_copy(src_hbm.at[wid, k + RB], sb[ui], isem[ui]).wait()
                    pltpu.async_copy(feat_hbm.at[sb[ui]], rows[tb], gsem[tb])

        def body(j, carry):
            for ti in range(RI):
                slot(RI * j + ti, ti, True, True)
            return carry

        lax.fori_loop(0, NCH // RI - 1, body, 0)
        for ti in range(RI):
            slot(NCH - RI + ti, ti, False, ti < RI - RB)

        plsc.subcore_barrier()
        pltpu.sync_copy(acc.at[pl.ds(s * RPT, RPT)], out_hbm.at[c, pl.ds(s * RPT, RPT)])

    return agg


def _tc_mlp(parts, feat, wa, ba, wb, bb):

    def body(pp, xr, wa_r, ba_r, wb_r, bb_r, out):
        h0 = pp[0] + pp[1] - xr[...]
        t = jnp.dot(h0, wa_r[...], preferred_element_type=jnp.float32) + ba_r[...]
        t = jnp.maximum(t, 0.0)
        o = jnp.dot(t, wb_r[...], preferred_element_type=jnp.float32) + bb_r[...]
        out[...] = jnp.maximum(o, 0.0)

    return pl.pallas_call(
        body,
        grid=(NBLK,),
        in_specs=[
            pl.BlockSpec((NC, ROWS, D), lambda i: (0, i, 0)),
            pl.BlockSpec((ROWS, D), lambda i: (i, 0)),
            pl.BlockSpec((D, D), lambda i: (0, 0)),
            pl.BlockSpec((1, D), lambda i: (0, 0)),
            pl.BlockSpec((D, D), lambda i: (0, 0)),
            pl.BlockSpec((1, D), lambda i: (0, 0)),
        ],
        out_specs=pl.BlockSpec((ROWS, D), lambda i: (i, 0)),
        out_shape=jax.ShapeDtypeStruct((NPAD, D), jnp.float32),
    )(parts, feat, wa, ba, wb, bb)


def _tc_conv2_pool_head(parts, feat, batch3, wa, ba, wb, bb, wl1, bl1, wl2p, bl2p):

    def body(pp, xr, b_r, wa_r, ba_r, wb_r, bb_r, wl1_r, bl1_r, wl2_r, bl2_r,
             out, acc_s, acc_c):
        i = pl.program_id(0)
        h0 = pp[0] + pp[1] - xr[...]
        t = jnp.dot(h0, wa_r[...], preferred_element_type=jnp.float32) + ba_r[...]
        t = jnp.maximum(t, 0.0)
        h = jnp.dot(t, wb_r[...], preferred_element_type=jnp.float32) + bb_r[...]
        h = jnp.maximum(h, 0.0)
        ids = b_r[0]
        oh = (lax.broadcasted_iota(jnp.int32, (G, ROWS), 0) == ids).astype(jnp.float32)
        ps = jnp.dot(oh, h, preferred_element_type=jnp.float32)
        pc = jnp.broadcast_to(jnp.sum(oh, axis=1, keepdims=True), (G, D))

        @pl.when(i == 0)
        def _():
            acc_s[...] = ps
            acc_c[...] = pc

        @pl.when(i > 0)
        def _():
            acc_s[...] += ps
            acc_c[...] += pc

        @pl.when(i == NBLK - 1)
        def _():
            pooled = acc_s[...] / jnp.maximum(acc_c[...], 1.0)
            o1 = jnp.dot(pooled, wl1_r[...], preferred_element_type=jnp.float32) + bl1_r[...]
            o1 = jnp.maximum(o1, 0.0)
            out[...] = jnp.dot(o1, wl2_r[...], preferred_element_type=jnp.float32) + bl2_r[...]

    return pl.pallas_call(
        body,
        grid=(NBLK,),
        in_specs=[
            pl.BlockSpec((NC, ROWS, D), lambda i: (0, i, 0)),
            pl.BlockSpec((ROWS, D), lambda i: (i, 0)),
            pl.BlockSpec((1, 1, ROWS), lambda i: (i, 0, 0)),
            pl.BlockSpec((D, D), lambda i: (0, 0)),
            pl.BlockSpec((1, D), lambda i: (0, 0)),
            pl.BlockSpec((D, D), lambda i: (0, 0)),
            pl.BlockSpec((1, D), lambda i: (0, 0)),
            pl.BlockSpec((D, D), lambda i: (0, 0)),
            pl.BlockSpec((1, D), lambda i: (0, 0)),
            pl.BlockSpec((D, D), lambda i: (0, 0)),
            pl.BlockSpec((1, D), lambda i: (0, 0)),
        ],
        out_specs=pl.BlockSpec((G, D), lambda i: (0, 0)),
        out_shape=jax.ShapeDtypeStruct((G, D), jnp.float32),
        scratch_shapes=[
            pltpu.VMEM((G, D), jnp.float32),
            pltpu.VMEM((G, D), jnp.float32),
        ],
    )(parts, feat, batch3, wa, ba, wb, bb, wl1, bl1, wl2p, bl2p)


def kernel(x, edge_index, batch,
           W1a, b1a, W1b, b1b,
           W2a, b2a, W2b, b2b,
           Wl1, bl1, Wl2, bl2):
    pad = EPAD - E
    src = jnp.concatenate([edge_index[0], jnp.zeros((pad,), jnp.int32)])
    pad_dst = N + (jnp.arange(pad, dtype=jnp.int32) % (NPAD - N))
    dst = jnp.concatenate([edge_index[1], pad_dst])

    def _pack(a):
        cut = NS * A0 * CHUNK
        a0 = jnp.pad(a[:cut].reshape(NS, A0, CHUNK), ((0, 0), (0, NCH - A0), (0, 0)))
        a1 = jnp.pad(a[cut:].reshape(NS, A1, CHUNK), ((0, 0), (0, NCH - A1), (0, 0)))
        return jnp.concatenate([a0, a1], axis=0)

    src = _pack(src)
    dst = _pack(dst)
    xp = jnp.pad(x, ((0, NPAD - N), (0, 0)))
    batch3 = jnp.pad(batch, (0, NPAD - N), constant_values=G).reshape(NBLK, 1, ROWS)
    b1a_r = b1a.reshape(1, D)
    b1b_r = b1b.reshape(1, D)
    b2a_r = b2a.reshape(1, D)
    b2b_r = b2b.reshape(1, D)
    bl1_r = bl1.reshape(1, D)
    O = Wl2.shape[1]
    wl2p = jnp.pad(Wl2, ((0, 0), (0, D - O)))
    bl2p = jnp.pad(bl2, (0, D - O)).reshape(1, D)

    agg = _sc_aggregate()
    parts1 = agg(src, dst, xp)
    h1 = _tc_mlp(parts1, xp, W1a, b1a_r, W1b, b1b_r)
    parts2 = agg(src, dst, h1)
    out128 = _tc_conv2_pool_head(parts2, h1, batch3, W2a, b2a_r, W2b, b2b_r,
                                 Wl1, bl1_r, wl2p, bl2p)
    return out128[:, :O]

# --- scband reference (transcript-rebuilt; emitter-appended) ---
"""Pipeline reference for scband-multi-task-gnn-v1-78795470012786 (READ-ONLY COPY).

The authoritative reference and input builder live on the scoring server;
editing this copy changes nothing except your own understanding.
"""

import jax, jax.numpy as jnp
import numpy as np

N, E, D, H, O, G = 10000, 320000, 128, 128, 3, 64


def setup_inputs(seed: int = 0):
    key = jax.random.key(seed)
    ks = jax.random.split(key, 16)
    x = jax.random.normal(ks[0], (N, D), dtype=jnp.float32)
    edge_index = jax.random.randint(ks[1], (2, E), 0, N, dtype=jnp.int32)
    batch = jnp.sort(jax.random.randint(ks[2], (N,), 0, G, dtype=jnp.int32))
    sD = 1.0 / np.sqrt(D)
    sH = 1.0 / np.sqrt(H)
    W1a = jax.random.normal(ks[3], (D, H), dtype=jnp.float32) * sD
    b1a = jnp.zeros((H,), dtype=jnp.float32)
    W1b = jax.random.normal(ks[4], (H, H), dtype=jnp.float32) * sH
    b1b = jnp.zeros((H,), dtype=jnp.float32)
    W2a = jax.random.normal(ks[5], (H, H), dtype=jnp.float32) * sH
    b2a = jnp.zeros((H,), dtype=jnp.float32)
    W2b = jax.random.normal(ks[6], (H, H), dtype=jnp.float32) * sH
    b2b = jnp.zeros((H,), dtype=jnp.float32)
    Wl1 = jax.random.normal(ks[7], (H, H), dtype=jnp.float32) * sH
    bl1 = jnp.zeros((H,), dtype=jnp.float32)
    Wl2 = jax.random.normal(ks[8], (H, O), dtype=jnp.float32) * sH
    bl2 = jnp.zeros((O,), dtype=jnp.float32)
    return dict(x=x, edge_index=edge_index, batch=batch,
                W1a=W1a, b1a=b1a, W1b=W1b, b1b=b1b,
                W2a=W2a, b2a=b2a, W2b=W2b, b2b=b2b,
                Wl1=Wl1, bl1=bl1, Wl2=Wl2, bl2=bl2)


def _gin_conv(x, edge_index, Wa, ba, Wb, bb):
    # GINConv with eps=0 (train_eps=False default): nn((1+eps)*x + sum_{j in N(i)} x_j)
    src = edge_index[0]
    dst = edge_index[1]
    aggr = jax.ops.segment_sum(x[src], dst, num_segments=x.shape[0])
    h = x + aggr
    h = jnp.dot(h, Wa) + ba
    h = jax.nn.relu(h)
    # Dropout(0.2) is identity in eval mode
    h = jnp.dot(h, Wb) + bb
    return h


def reference(x, edge_index, batch,
              W1a, b1a, W1b, b1b,
              W2a, b2a, W2b, b2b,
              Wl1, bl1, Wl2, bl2):
    h = jax.nn.relu(_gin_conv(x, edge_index, W1a, b1a, W1b, b1b))
    h = jax.nn.relu(_gin_conv(h, edge_index, W2a, b2a, W2b, b2b))
    # global_mean_pool over graph ids in `batch`
    sums = jax.ops.segment_sum(h, batch, num_segments=G)
    cnt = jax.ops.segment_sum(jnp.ones((h.shape[0], 1), h.dtype), batch, num_segments=G)
    pooled = sums / jnp.clip(cnt, 1.0, None)
    out = jax.nn.relu(jnp.dot(pooled, Wl1) + bl1)
    return jnp.dot(out, Wl2) + bl2

if __name__ == "__main__":
    import jax
    _d = setup_inputs()
    print(jax.jit(kernel)(*tuple(_d.values())))

</pallas_src>

<mosaic_0001>
#map = affine_map<(d0, d1) -> (0, 0, 0)>
#map1 = affine_map<(d0, d1) -> (0, 0)>
module attributes {stable_mosaic.version = 14 : i64} {
  func.func @agg(%arg0: i32, %arg1: i32, %arg2: memref<32x114x120xi32, #tpu.memory_space<hbm>>, %arg3: memref<32x114x120xi32, #tpu.memory_space<hbm>>, %arg4: memref<10112x128xf32, #tpu.memory_space<hbm>>, %arg5: memref<2x10112x128xf32, #tpu.memory_space<hbm>>, %arg6: memref<120xi32, #tpu.memory_space<vmem>>, %arg7: memref<120xi32, #tpu.memory_space<vmem>>, %arg8: memref<120xi32, #tpu.memory_space<vmem>>, %arg9: memref<120xi32, #tpu.memory_space<vmem>>, %arg10: memref<120xi32, #tpu.memory_space<vmem>>, %arg11: memref<120xi32, #tpu.memory_space<vmem>>, %arg12: memref<120xi32, #tpu.memory_space<vmem>>, %arg13: memref<120xi32, #tpu.memory_space<vmem>>, %arg14: memref<120xi32, #tpu.memory_space<vmem>>, %arg15: memref<120x128xf32, #tpu.memory_space<vmem>>, %arg16: memref<120x128xf32, #tpu.memory_space<vmem>>, %arg17: memref<120x128xf32, #tpu.memory_space<vmem>>, %arg18: memref<10112x128xf32, #tpu.memory_space<vmem_shared>>, %arg19: memref<!tpu.dma_semaphore, #tpu.memory_space<semaphore_mem>>, %arg20: memref<!tpu.dma_semaphore, #tpu.memory_space<semaphore_mem>>, %arg21: memref<!tpu.dma_semaphore, #tpu.memory_space<semaphore_mem>>, %arg22: memref<!tpu.dma_semaphore, #tpu.memory_space<semaphore_mem>>, %arg23: memref<!tpu.dma_semaphore, #tpu.memory_space<semaphore_mem>>, %arg24: memref<!tpu.dma_semaphore, #tpu.memory_space<semaphore_mem>>, %arg25: memref<!tpu.dma_semaphore, #tpu.memory_space<semaphore_mem>>, %arg26: memref<!tpu.dma_semaphore, #tpu.memory_space<semaphore_mem>>, %arg27: memref<!tpu.dma_semaphore, #tpu.memory_space<semaphore_mem>>, %arg28: memref<!tpu.dma_semaphore, #tpu.memory_space<semaphore_mem>>, %arg29: memref<!tpu.dma_semaphore, #tpu.memory_space<semaphore_mem>>, %arg30: memref<!tpu.dma_semaphore, #tpu.memory_space<semaphore_mem>>) attributes {dimension_semantics = [#tpu.dimension_semantics<core_parallel>, #tpu.dimension_semantics<subcore_parallel>], iteration_bounds = array<i64: 2, 16>, scalar_prefetch = 0 : i64, scratch_operands = 25 : i64, tpu.core_type = #tpu.core_type<sc_vector_subcore>, window_params = [{transform_indices = #map}, {transform_indices = #map}, {transform_indices = #map1}, {transform_indices = #map}]} {
    %mul3A = arith.constant 16 : i32
    %mul3A_0 = arith.muli %arg0, %mul3A : i32
    %add3A = arith.addi %mul3A_0, %arg1 : i32
    %eq3A = arith.constant 0 : i32
    %eq3A_1 = arith.cmpi eq, %arg0, %eq3A : i32
    %jit3A = arith.constant 96 : i32
    %jit3A_2 = arith.constant 72 : i32
    %select_n3A = arith.select %eq3A_1, %jit3A, %jit3A_2 : i32
    %dma_start3A = arith.constant 0 : i32
    %dma_start3A_3 = arith.constant 0 : i32
    %dma_start3A_4 = tpu.memref_slice %arg2[%add3A, %dma_start3A, %dma_start3A_3] : memref<32x114x120xi32, #tpu.memory_space<hbm>> -> memref<1x1x120xi32, #tpu.memory_space<hbm>>
    %dma_start3A_5 = tpu.memref_squeeze %dma_start3A_4 : memref<1x1x120xi32, #tpu.memory_space<hbm>> -> memref<120xi32, #tpu.memory_space<hbm>>
    %dma_start3A_6 = arith.constant 0 : i32
    %dma_start3A_7 = tpu.memref_slice %arg2[%add3A, %dma_start3A, %dma_start3A_6] : memref<32x114x120xi32, #tpu.memory_space<hbm>> -> memref<1x1x120xi32, #tpu.memory_space<hbm>>
    %dma_start3A_8 = tpu.memref_squeeze %dma_start3A_7 : memref<1x1x120xi32, #tpu.memory_space<hbm>> -> memref<120xi32, #tpu.memory_space<hbm>>
    tpu.enqueue_dma source(%dma_start3A_8 : memref<120xi32, #tpu.memory_space<hbm>>) target(%arg6 : memref<120xi32, #tpu.memory_space<vmem>>) target_semaphore(%arg19 : memref<!tpu.dma_semaphore, #tpu.memory_space<semaphore_mem>>)
    %dma_start3A_9 = arith.constant 1 : i32
    %dma_start3A_10 = arith.constant 0 : i32
    %dma_start3A_11 = tpu.memref_slice %arg2[%add3A, %dma_start3A_9, %dma_start3A_10] : memref<32x114x120xi32, #tpu.memory_space<hbm>> -> memref<1x1x120xi32, #tpu.memory_space<hbm>>
    %dma_start3A_12 = tpu.memref_squeeze %dma_start3A_11 : memref<1x1x120xi32, #tpu.memory_space<hbm>> -> memref<120xi32, #tpu.memory_space<hbm>>
    %dma_start3A_13 = arith.constant 0 : i32
    %dma_start3A_14 = tpu.memref_slice %arg2[%add3A, %dma_start3A_9, %dma_start3A_13] : memref<32x114x120xi32, #tpu.memory_space<hbm>> -> memref<1x1x120xi32, #tpu.memory_space<hbm>>
    %dma_start3A_15 = tpu.memref_squeeze %dma_start3A_14 : memref<1x1x120xi32, #tpu.memory_space<hbm>> -> memref<120xi32, #tpu.memory_space<hbm>>
    tpu.enqueue_dma source(%dma_start3A_15 : memref<120xi32, #tpu.memory_space<hbm>>) target(%arg7 : memref<120xi32, #tpu.memory_space<vmem>>) target_semaphore(%arg20 : memref<!tpu.dma_semaphore, #tpu.memory_space<semaphore_mem>>)
    %dma_start3A_16 = arith.constant 2 : i32
    %dma_start3A_17 = arith.constant 0 : i32
    %dma_start3A_18 = tpu.memref_slice %arg2[%add3A, %dma_start3A_16, %dma_start3A_17] : memref<32x114x120xi32, #tpu.memory_space<hbm>> -> memref<1x1x120xi32, #tpu.memory_space<hbm>>
    %dma_start3A_19 = tpu.memref_squeeze %dma_start3A_18 : memref<1x1x120xi32, #tpu.memory_space<hbm>> -> memref<120xi32, #tpu.memory_space<hbm>>
    %dma_start3A_20 = arith.constant 0 : i32
    %dma_start3A_21 = tpu.memref_slice %arg2[%add3A, %dma_start3A_16, %dma_start3A_20] : memref<32x114x120xi32, #tpu.memory_space<hbm>> -> memref<1x1x120xi32, #tpu.memory_space<hbm>>
    %dma_start3A_22 = tpu.memref_squeeze %dma_start3A_21 : memref<1x1x120xi32, #tpu.memory_space<hbm>> -> memref<120xi32, #tpu.memory_space<hbm>>
    tpu.enqueue_dma source(%dma_start3A_22 : memref<120xi32, #tpu.memory_space<hbm>>) target(%arg8 : memref<120xi32, #tpu.memory_space<vmem>>) target_semaphore(%arg21 : memref<!tpu.dma_semaphore, #tpu.memory_space<semaphore_mem>>)
    %dma_start3A_23 = arith.constant 3 : i32
    %dma_start3A_24 = arith.constant 0 : i32
    %dma_start3A_25 = tpu.memref_slice %arg2[%add3A, %dma_start3A_23, %dma_start3A_24] : memref<32x114x120xi32, #tpu.memory_space<hbm>> -> memref<1x1x120xi32, #tpu.memory_space<hbm>>
    %dma_start3A_26 = tpu.memref_squeeze %dma_start3A_25 : memref<1x1x120xi32, #tpu.memory_space<hbm>> -> memref<120xi32, #tpu.memory_space<hbm>>
    %dma_start3A_27 = arith.constant 0 : i32
    %dma_start3A_28 = tpu.memref_slice %arg2[%add3A, %dma_start3A_23, %dma_start3A_27] : memref<32x114x120xi32, #tpu.memory_space<hbm>> -> memref<1x1x120xi32, #tpu.memory_space<hbm>>
    %dma_start3A_29 = tpu.memref_squeeze %dma_start3A_28 : memref<1x1x120xi32, #tpu.memory_space<hbm>> -> memref<120xi32, #tpu.memory_space<hbm>>
    tpu.enqueue_dma source(%dma_start3A_29 : memref<120xi32, #tpu.memory_space<hbm>>) target(%arg9 : memref<120xi32, #tpu.memory_space<vmem>>) target_semaphore(%arg22 : memref<!tpu.dma_semaphore, #tpu.memory_space<semaphore_mem>>)
    %dma_start3A_30 = arith.constant 4 : i32
    %dma_start3A_31 = arith.constant 0 : i32
    %dma_start3A_32 = tpu.memref_slice %arg2[%add3A, %dma_start3A_30, %dma_start3A_31] : memref<32x114x120xi32, #tpu.memory_space<hbm>> -> memref<1x1x120xi32, #tpu.memory_space<hbm>>
    %dma_start3A_33 = tpu.memref_squeeze %dma_start3A_32 : memref<1x1x120xi32, #tpu.memory_space<hbm>> -> memref<120xi32, #tpu.memory_space<hbm>>
    %dma_start3A_34 = arith.constant 0 : i32
    %dma_start3A_35 = tpu.memref_slice %arg2[%add3A, %dma_start3A_30, %dma_start3A_34] : memref<32x114x120xi32, #tpu.memory_space<hbm>> -> memref<1x1x120xi32, #tpu.memory_space<hbm>>
    %dma_start3A_36 = tpu.memref_squeeze %dma_start3A_35 : memref<1x1x120xi32, #tpu.memory_space<hbm>> -> memref<120xi32, #tpu.memory_space<hbm>>
    tpu.enqueue_dma source(%dma_start3A_36 : memref<120xi32, #tpu.memory_space<hbm>>) target(%arg10 : memref<120xi32, #tpu.memory_space<vmem>>) target_semaphore(%arg23 : memref<!tpu.dma_semaphore, #tpu.memory_space<semaphore_mem>>)
    %dma_start3A_37 = arith.constant 5 : i32
    %dma_start3A_38 = arith.constant 0 : i32
    %dma_start3A_39 = tpu.memref_slice %arg2[%add3A, %dma_start3A_37, %dma_start3A_38] : memref<32x114x120xi32, #tpu.memory_space<hbm>> -> memref<1x1x120xi32, #tpu.memory_space<hbm>>
    %dma_start3A_40 = tpu.memref_squeeze %dma_start3A_39 : memref<1x1x120xi32, #tpu.memory_space<hbm>> -> memref<120xi32, #tpu.memory_space<hbm>>
    %dma_start3A_41 = arith.constant 0 : i32
    %dma_start3A_42 = tpu.memref_slice %arg2[%add3A, %dma_start3A_37, %dma_start3A_41] : memref<32x114x120xi32, #tpu.memory_space<hbm>> -> memref<1x1x120xi32, #tpu.memory_space<hbm>>
    %dma_start3A_43 = tpu.memref_squeeze %dma_start3A_42 : memref<1x1x120xi32, #tpu.memory_space<hbm>> -> memref<120xi32, #tpu.memory_space<hbm>>
    tpu.enqueue_dma source(%dma_start3A_43 : memref<120xi32, #tpu.memory_space<hbm>>) target(%arg11 : memref<120xi32, #tpu.memory_space<vmem>>) target_semaphore(%arg24 : memref<!tpu.dma_semaphore, #tpu.memory_space<semaphore_mem>>)
    %dma_start3A_44 = arith.constant 0 : i32
    %dma_start3A_45 = arith.constant 0 : i32
    %dma_start3A_46 = tpu.memref_slice %arg3[%add3A, %dma_start3A_44, %dma_start3A_45] : memref<32x114x120xi32, #tpu.memory_space<hbm>> -> memref<1x1x120xi32, #tpu.memory_space<hbm>>
    %dma_start3A_47 = tpu.memref_squeeze %dma_start3A_46 : memref<1x1x120xi32, #tpu.memory_space<hbm>> -> memref<120xi32, #tpu.memory_space<hbm>>
    %dma_start3A_48 = arith.constant 0 : i32
    %dma_start3A_49 = tpu.memref_slice %arg3[%add3A, %dma_start3A_44, %dma_start3A_48] : memref<32x114x120xi32, #tpu.memory_space<hbm>> -> memref<1x1x120xi32, #tpu.memory_space<hbm>>
    %dma_start3A_50 = tpu.memref_squeeze %dma_start3A_49 : memref<1x1x120xi32, #tpu.memory_space<hbm>> -> memref<120xi32, #tpu.memory_space<hbm>>
    tpu.enqueue_dma source(%dma_start3A_50 : memref<120xi32, #tpu.memory_space<hbm>>) target(%arg12 : memref<120xi32, #tpu.memory_space<vmem>>) target_semaphore(%arg25 : memref<!tpu.dma_semaphore, #tpu.memory_space<semaphore_mem>>)
    %dma_start3A_51 = arith.constant 1 : i32
    %dma_start3A_52 = arith.constant 0 : i32
    %dma_start3A_53 = tpu.memref_slice %arg3[%add3A, %dma_start3A_51, %dma_start3A_52] : memref<32x114x120xi32, #tpu.memory_space<hbm>> -> memref<1x1x120xi32, #tpu.memory_space<hbm>>
    %dma_start3A_54 = tpu.memref_squeeze %dma_start3A_53 : memref<1x1x120xi32, #tpu.memory_space<hbm>> -> memref<120xi32, #tpu.memory_space<hbm>>
    %dma_start3A_55 = arith.constant 0 : i32
    %dma_start3A_56 = tpu.memref_slice %arg3[%add3A, %dma_start3A_51, %dma_start3A_55] : memref<32x114x120xi32, #tpu.memory_space<hbm>> -> memref<1x1x120xi32, #tpu.memory_space<hbm>>
    %dma_start3A_57 = tpu.memref_squeeze %dma_start3A_56 : memref<1x1x120xi32, #tpu.memory_space<hbm>> -> memref<120xi32, #tpu.memory_space<hbm>>
    tpu.enqueue_dma source(%dma_start3A_57 : memref<120xi32, #tpu.memory_space<hbm>>) target(%arg13 : memref<120xi32, #tpu.memory_space<vmem>>) target_semaphore(%arg26 : memref<!tpu.dma_semaphore, #tpu.memory_space<semaphore_mem>>)
    %dma_start3A_58 = arith.constant 2 : i32
    %dma_start3A_59 = arith.constant 0 : i32
    %dma_start3A_60 = tpu.memref_slice %arg3[%add3A, %dma_start3A_58, %dma_start3A_59] : memref<32x114x120xi32, #tpu.memory_space<hbm>> -> memref<1x1x120xi32, #tpu.memory_space<hbm>>
    %dma_start3A_61 = tpu.memref_squeeze %dma_start3A_60 : memref<1x1x120xi32, #tpu.memory_space<hbm>> -> memref<120xi32, #tpu.memory_space<hbm>>
    %dma_start3A_62 = arith.constant 0 : i32
    %dma_start3A_63 = tpu.memref_slice %arg3[%add3A, %dma_start3A_58, %dma_start3A_62] : memref<32x114x120xi32, #tpu.memory_space<hbm>> -> memref<1x1x120xi32, #tpu.memory_space<hbm>>
    %dma_start3A_64 = tpu.memref_squeeze %dma_start3A_63 : memref<1x1x120xi32, #tpu.memory_space<hbm>> -> memref<120xi32, #tpu.memory_space<hbm>>
    tpu.enqueue_dma source(%dma_start3A_64 : memref<120xi32, #tpu.memory_space<hbm>>) target(%arg14 : memref<120xi32, #tpu.memory_space<vmem>>) target_semaphore(%arg27 : memref<!tpu.dma_semaphore, #tpu.memory_space<semaphore_mem>>)
    %mul3A_65 = arith.constant 632 : i32
    %mul3A_66 = arith.muli %arg1, %mul3A_65 : i32
    %mul3A_67 = arith.constant 632 : i32
    %mul3A_68 = arith.muli %arg1, %mul3A_67 : i32
    "tpu.region"() ({
      %run_scoped3A = tpu.sem_alloc : memref<!tpu.dma_semaphore, #tpu.memory_space<semaphore_mem>>
      %dma_start3A_150 = arith.constant 0 : i32
      %dma_start3A_151 = tpu.memref_slice %arg18[%mul3A_68, %dma_start3A_150] : memref<10112x128xf32, #tpu.memory_space<vmem_shared>> -> memref<632x128xf32, #tpu.memory_space<vmem_shared>>
      %dma_start3A_152 = arith.constant 0 : i32
      %dma_start3A_153 = tpu.memref_slice %arg4[%mul3A_66, %dma_start3A_152] : memref<10112x128xf32, #tpu.memory_space<hbm>> -> memref<632x128xf32, #tpu.memory_space<hbm>>
      tpu.enqueue_dma source(%dma_start3A_153 : memref<632x128xf32, #tpu.memory_space<hbm>>) target(%dma_start3A_151 : memref<632x128xf32, #tpu.memory_space<vmem_shared>>) target_semaphore(%run_scoped3A : memref<!tpu.dma_semaphore, #tpu.memory_space<semaphore_mem>>)
      %dma_wait3A_154 = arith.constant 0 : i32
      %dma_wait3A_155 = tpu.memref_slice %arg18[%mul3A_68, %dma_wait3A_154] : memref<10112x128xf32, #tpu.memory_space<vmem_shared>> -> memref<632x128xf32, #tpu.memory_space<vmem_shared>>
      %dma_wait3A_156 = arith.constant 0 : i32
      %dma_wait3A_157 = tpu.memref_slice %arg4[%mul3A_66, %dma_wait3A_156] : memref<10112x128xf32, #tpu.memory_space<hbm>> -> memref<632x128xf32, #tpu.memory_space<hbm>>
      tpu.wait_dma2 semaphore(%run_scoped3A : memref<!tpu.dma_semaphore, #tpu.memory_space<semaphore_mem>>) src(%dma_wait3A_157 : memref<632x128xf32, #tpu.memory_space<hbm>>) dst(%dma_wait3A_155 : memref<632x128xf32, #tpu.memory_space<vmem_shared>>)
      tpu.yield
    }) : () -> ()
    %dma_wait3A = arith.constant 0 : i32
    %dma_wait3A_69 = arith.constant 0 : i32
    %dma_wait3A_70 = tpu.memref_slice %arg2[%add3A, %dma_wait3A, %dma_wait3A_69] : memref<32x114x120xi32, #tpu.memory_space<hbm>> -> memref<1x1x120xi32, #tpu.memory_space<hbm>>
    %dma_wait3A_71 = tpu.memref_squeeze %dma_wait3A_70 : memref<1x1x120xi32, #tpu.memory_space<hbm>> -> memref<120xi32, #tpu.memory_space<hbm>>
    %dma_wait3A_72 = arith.constant 0 : i32
    %dma_wait3A_73 = tpu.memref_slice %arg2[%add3A, %dma_wait3A, %dma_wait3A_72] : memref<32x114x120xi32, #tpu.memory_space<hbm>> -> memref<1x1x120xi32, #tpu.memory_space<hbm>>
    %dma_wait3A_74 = tpu.memref_squeeze %dma_wait3A_73 : memref<1x1x120xi32, #tpu.memory_space<hbm>> -> memref<120xi32, #tpu.memory_space<hbm>>
    tpu.wait_dma2 semaphore(%arg19 : memref<!tpu.dma_semaphore, #tpu.memory_space<semaphore_mem>>) src(%dma_wait3A_74 : memref<120xi32, #tpu.memory_space<hbm>>) dst(%arg6 : memref<120xi32, #tpu.memory_space<vmem>>)
    %dma_start3A_75 = arith.constant 0 : i32
    %dma_start3A_76 = arith.constant 0 : i32
    %dma_start3A_77 = tpu.memref_slice %arg4[%dma_start3A_75, %dma_start3A_76] : memref<10112x128xf32, #tpu.memory_space<hbm>> -> memref<10112x128xf32, #tpu.memory_space<hbm>>
    tpu.enqueue_indirect_dma source(%dma_start3A_77 : memref<10112x128xf32, #tpu.memory_space<hbm>>) target(%arg15 : memref<120x128xf32, #tpu.memory_space<vmem>>) offsets(%arg6 : memref<120xi32, #tpu.memory_space<vmem>>) semaphore(%arg28 : memref<!tpu.dma_semaphore, #tpu.memory_space<semaphore_mem>>)
    %dma_wait3A_78 = arith.constant 1 : i32
    %dma_wait3A_79 = arith.constant 0 : i32
    %dma_wait3A_80 = tpu.memref_slice %arg2[%add3A, %dma_wait3A_78, %dma_wait3A_79] : memref<32x114x120xi32, #tpu.memory_space<hbm>> -> memref<1x1x120xi32, #tpu.memory_space<hbm>>
    %dma_wait3A_81 = tpu.memref_squeeze %dma_wait3A_80 : memref<1x1x120xi32, #tpu.memory_space<hbm>> -> memref<120xi32, #tpu.memory_space<hbm>>
    %dma_wait3A_82 = arith.constant 0 : i32
    %dma_wait3A_83 = tpu.memref_slice %arg2[%add3A, %dma_wait3A_78, %dma_wait3A_82] : memref<32x114x120xi32, #tpu.memory_space<hbm>> -> memref<1x1x120xi32, #tpu.memory_space<hbm>>
    %dma_wait3A_84 = tpu.memref_squeeze %dma_wait3A_83 : memref<1x1x120xi32, #tpu.memory_space<hbm>> -> memref<120xi32, #tpu.memory_space<hbm>>
    tpu.wait_dma2 semaphore(%arg20 : memref<!tpu.dma_semaphore, #tpu.memory_space<semaphore_mem>>) src(%dma_wait3A_84 : memref<120xi32, #tpu.memory_space<hbm>>) dst(%arg7 : memref<120xi32, #tpu.memory_space<vmem>>)
    %dma_start3A_85 = arith.constant 0 : i32
    %dma_start3A_86 = arith.constant 0 : i32
    %dma_start3A_87 = tpu.memref_slice %arg4[%dma_start3A_85, %dma_start3A_86] : memref<10112x128xf32, #tpu.memory_space<hbm>> -> memref<10112x128xf32, #tpu.memory_space<hbm>>
    tpu.enqueue_indirect_dma source(%dma_start3A_87 : memref<10112x128xf32, #tpu.memory_space<hbm>>) target(%arg16 : memref<120x128xf32, #tpu.memory_space<vmem>>) offsets(%arg7 : memref<120xi32, #tpu.memory_space<vmem>>) semaphore(%arg29 : memref<!tpu.dma_semaphore, #tpu.memory_space<semaphore_mem>>)
    %dma_wait3A_88 = arith.constant 2 : i32
    %dma_wait3A_89 = arith.constant 0 : i32
    %dma_wait3A_90 = tpu.memref_slice %arg2[%add3A, %dma_wait3A_88, %dma_wait3A_89] : memref<32x114x120xi32, #tpu.memory_space<hbm>> -> memref<1x1x120xi32, #tpu.memory_space<hbm>>
    %dma_wait3A_91 = tpu.memref_squeeze %dma_wait3A_90 : memref<1x1x120xi32, #tpu.memory_space<hbm>> -> memref<120xi32, #tpu.memory_space<hbm>>
    %dma_wait3A_92 = arith.constant 0 : i32
    %dma_wait3A_93 = tpu.memref_slice %arg2[%add3A, %dma_wait3A_88, %dma_wait3A_92] : memref<32x114x120xi32, #tpu.memory_space<hbm>> -> memref<1x1x120xi32, #tpu.memory_space<hbm>>
    %dma_wait3A_94 = tpu.memref_squeeze %dma_wait3A_93 : memref<1x1x120xi32, #tpu.memory_space<hbm>> -> memref<120xi32, #tpu.memory_space<hbm>>
    tpu.wait_dma2 semaphore(%arg21 : memref<!tpu.dma_semaphore, #tpu.memory_space<semaphore_mem>>) src(%dma_wait3A_94 : memref<120xi32, #tpu.memory_space<hbm>>) dst(%arg8 : memref<120xi32, #tpu.memory_space<vmem>>)
    %dma_start3A_95 = arith.constant 0 : i32
    %dma_start3A_96 = arith.constant 0 : i32
    %dma_start3A_97 = tpu.memref_slice %arg4[%dma_start3A_95, %dma_start3A_96] : memref<10112x128xf32, #tpu.memory_space<hbm>> -> memref<10112x128xf32, #tpu.memory_space<hbm>>
    tpu.enqueue_indirect_dma source(%dma_start3A_97 : memref<10112x128xf32, #tpu.memory_space<hbm>>) target(%arg17 : memref<120x128xf32, #tpu.memory_space<vmem>>) offsets(%arg8 : memref<120xi32, #tpu.memory_space<vmem>>) semaphore(%arg30 : memref<!tpu.dma_semaphore, #tpu.memory_space<semaphore_mem>>)
    %barrier3A = arith.constant 0 : index
    tpu.barrier barrier_id(%barrier3A)
    %scan3A = arith.constant 0 : i32
    %scan3A_98 = arith.constant 0 : i32
    %scan3A_99 = arith.constant 18 : i32
    %scan3A_100 = arith.addi %scan3A_98, %scan3A_99 : i32
    %scan3A_101 = arith.constant 1 : i32
    scf.for %scan3A_150 = %scan3A_98 to %scan3A_100 step %scan3A_101  : i32 {
      %mul3A_151 = arith.constant 6 : i32
      %mul3A_152 = arith.muli %mul3A_151, %scan3A_150 : i32
      %add3A_153 = arith.constant 0 : i32
      %add3A_154 = arith.addi %mul3A_152, %add3A_153 : i32
      %lt3A = arith.cmpi slt, %add3A_154, %select_n3A : i32
      %convert_element_type3A_155 = arith.extui %lt3A : i1 to i32
      %cond3A_156 = arith.constant 0 : i32
      %cond3A_157 = arith.cmpi ne, %convert_element_type3A_155, %cond3A_156 : i32
      scf.if %cond3A_157 {
        %dma_wait3A_270 = arith.constant 0 : i32
        %dma_wait3A_271 = arith.constant 0 : i32
        %dma_wait3A_272 = tpu.memref_slice %arg4[%dma_wait3A_270, %dma_wait3A_271] : memref<10112x128xf32, #tpu.memory_space<hbm>> -> memref<10112x128xf32, #tpu.memory_space<hbm>>
        tpu.wait_indirect_dma semaphore(%arg28 : memref<!tpu.dma_semaphore, #tpu.memory_space<semaphore_mem>>) src(%dma_wait3A_272 : memref<10112x128xf32, #tpu.memory_space<hbm>>) dst(%arg15 : memref<120x128xf32, #tpu.memory_space<vmem>>)
        %dma_wait3A_273 = arith.constant 0 : i32
        %dma_wait3A_274 = tpu.memref_slice %arg3[%add3A, %add3A_154, %dma_wait3A_273] : memref<32x114x120xi32, #tpu.memory_space<hbm>> -> memref<1x1x120xi32, #tpu.memory_space<hbm>>
        %dma_wait3A_275 = tpu.memref_squeeze %dma_wait3A_274 : memref<1x1x120xi32, #tpu.memory_space<hbm>> -> memref<120xi32, #tpu.memory_space<hbm>>
        %dma_wait3A_276 = arith.constant 0 : i32
        %dma_wait3A_277 = tpu.memref_slice %arg3[%add3A, %add3A_154, %dma_wait3A_276] : memref<32x114x120xi32, #tpu.memory_space<hbm>> -> memref<1x1x120xi32, #tpu.memory_space<hbm>>
        %dma_wait3A_278 = tpu.memref_squeeze %dma_wait3A_277 : memref<1x1x120xi32, #tpu.memory_space<hbm>> -> memref<120xi32, #tpu.memory_space<hbm>>
        tpu.wait_dma2 semaphore(%arg25 : memref<!tpu.dma_semaphore, #tpu.memory_space<semaphore_mem>>) src(%dma_wait3A_278 : memref<120xi32, #tpu.memory_space<hbm>>) dst(%arg12 : memref<120xi32, #tpu.memory_space<vmem>>)
        "tpu.region"() ({
          %run_scoped3A = tpu.sem_alloc : memref<!tpu.dma_semaphore, #tpu.memory_space<semaphore_mem>>
          %dma_start3A_279 = arith.constant 0 : i32
          %dma_start3A_280 = arith.constant 0 : i32
          %dma_start3A_281 = tpu.memref_slice %arg18[%dma_start3A_279, %dma_start3A_280] : memref<10112x128xf32, #tpu.memory_space<vmem_shared>> -> memref<10112x128xf32, #tpu.memory_space<vmem_shared>>
          tpu.enqueue_indirect_dma source(%arg15 : memref<120x128xf32, #tpu.memory_space<vmem>>) target(%dma_start3A_281 : memref<10112x128xf32, #tpu.memory_space<vmem_shared>>) offsets(%arg12 : memref<120xi32, #tpu.memory_space<vmem>>) semaphore(%run_scoped3A : memref<!tpu.dma_semaphore, #tpu.memory_space<semaphore_mem>>) {add = true}
          %dma_wait3A_282 = arith.constant 0 : i32
          %dma_wait3A_283 = arith.constant 0 : i32
          %dma_wait3A_284 = tpu.memref_slice %arg18[%dma_wait3A_282, %dma_wait3A_283] : memref<10112x128xf32, #tpu.memory_space<vmem_shared>> -> memref<10112x128xf32, #tpu.memory_space<vmem_shared>>
          tpu.wait_indirect_dma semaphore(%run_scoped3A : memref<!tpu.dma_semaphore, #tpu.memory_space<semaphore_mem>>) src(%arg15 : memref<120x128xf32, #tpu.memory_space<vmem>>) dst(%dma_wait3A_284 : memref<10112x128xf32, #tpu.memory_space<vmem_shared>>)
          tpu.yield
        }) : () -> ()
      } else {
      }
      %add3A_158 = arith.constant 6 : i32
      %add3A_159 = arith.addi %add3A_154, %add3A_158 : i32
      %lt3A_160 = arith.cmpi slt, %add3A_159, %select_n3A : i32
      %convert_element_type3A_161 = arith.extui %lt3A_160 : i1 to i32
      %cond3A_162 = arith.constant 0 : i32
      %cond3A_163 = arith.cmpi ne, %convert_element_type3A_161, %cond3A_162 : i32
      scf.if %cond3A_163 {
        %add3A_270 = arith.constant 6 : i32
        %add3A_271 = arith.addi %add3A_154, %add3A_270 : i32
        %dma_start3A_272 = arith.constant 0 : i32
        %dma_start3A_273 = tpu.memref_slice %arg2[%add3A, %add3A_271, %dma_start3A_272] : memref<32x114x120xi32, #tpu.memory_space<hbm>> -> memref<1x1x120xi32, #tpu.memory_space<hbm>>
        %dma_start3A_274 = tpu.memref_squeeze %dma_start3A_273 : memref<1x1x120xi32, #tpu.memory_space<hbm>> -> memref<120xi32, #tpu.memory_space<hbm>>
        %dma_start3A_275 = arith.constant 0 : i32
        %dma_start3A_276 = tpu.memref_slice %arg2[%add3A, %add3A_271, %dma_start3A_275] : memref<32x114x120xi32, #tpu.memory_space<hbm>> -> memref<1x1x120xi32, #tpu.memory_space<hbm>>
        %dma_start3A_277 = tpu.memref_squeeze %dma_start3A_276 : memref<1x1x120xi32, #tpu.memory_space<hbm>> -> memref<120xi32, #tpu.memory_space<hbm>>
        tpu.enqueue_dma source(%dma_start3A_277 : memref<120xi32, #tpu.memory_space<hbm>>) target(%arg6 : memref<120xi32, #tpu.memory_space<vmem>>) target_semaphore(%arg19 : memref<!tpu.dma_semaphore, #tpu.memory_space<semaphore_mem>>)
      } else {
      }
      %add3A_164 = arith.constant 3 : i32
      %add3A_165 = arith.addi %add3A_154, %add3A_164 : i32
      %lt3A_166 = arith.cmpi slt, %add3A_165, %select_n3A : i32
      %convert_element_type3A_167 = arith.extui %lt3A_166 : i1 to i32
      %cond3A_168 = arith.constant 0 : i32
      %cond3A_169 = arith.cmpi ne, %convert_element_type3A_167, %cond3A_168 : i32
      scf.if %cond3A_169 {
        %add3A_270 = arith.constant 3 : i32
        %add3A_271 = arith.addi %add3A_154, %add3A_270 : i32
        %dma_start3A_272 = arith.constant 0 : i32
        %dma_start3A_273 = tpu.memref_slice %arg3[%add3A, %add3A_271, %dma_start3A_272] : memref<32x114x120xi32, #tpu.memory_space<hbm>> -> memref<1x1x120xi32, #tpu.memory_space<hbm>>
        %dma_start3A_274 = tpu.memref_squeeze %dma_start3A_273 : memref<1x1x120xi32, #tpu.memory_space<hbm>> -> memref<120xi32, #tpu.memory_space<hbm>>
        %dma_start3A_275 = arith.constant 0 : i32
        %dma_start3A_276 = tpu.memref_slice %arg3[%add3A, %add3A_271, %dma_start3A_275] : memref<32x114x120xi32, #tpu.memory_space<hbm>> -> memref<1x1x120xi32, #tpu.memory_space<hbm>>
        %dma_start3A_277 = tpu.memref_squeeze %dma_start3A_276 : memref<1x1x120xi32, #tpu.memory_space<hbm>> -> memref<120xi32, #tpu.memory_space<hbm>>
        tpu.enqueue_dma source(%dma_start3A_277 : memref<120xi32, #tpu.memory_space<hbm>>) target(%arg12 : memref<120xi32, #tpu.memory_space<vmem>>) target_semaphore(%arg25 : memref<!tpu.dma_semaphore, #tpu.memory_space<semaphore_mem>>)
        %add3A_278 = arith.constant 3 : i32
        %add3A_279 = arith.addi %add3A_154, %add3A_278 : i32
        %dma_wait3A_280 = arith.constant 0 : i32
        %dma_wait3A_281 = tpu.memref_slice %arg2[%add3A, %add3A_279, %dma_wait3A_280] : memref<32x114x120xi32, #tpu.memory_space<hbm>> -> memref<1x1x120xi32, #tpu.memory_space<hbm>>
        %dma_wait3A_282 = tpu.memref_squeeze %dma_wait3A_281 : memref<1x1x120xi32, #tpu.memory_space<hbm>> -> memref<120xi32, #tpu.memory_space<hbm>>
        %dma_wait3A_283 = arith.constant 0 : i32
        %dma_wait3A_284 = tpu.memref_slice %arg2[%add3A, %add3A_279, %dma_wait3A_283] : memref<32x114x120xi32, #tpu.memory_space<hbm>> -> memref<1x1x120xi32, #tpu.memory_space<hbm>>
        %dma_wait3A_285 = tpu.memref_squeeze %dma_wait3A_284 : memref<1x1x120xi32, #tpu.memory_space<hbm>> -> memref<120xi32, #tpu.memory_space<hbm>>
        tpu.wait_dma2 semaphore(%arg22 : memref<!tpu.dma_semaphore, #tpu.memory_space<semaphore_mem>>) src(%dma_wait3A_285 : memref<120xi32, #tpu.memory_space<hbm>>) dst(%arg9 : memref<120xi32, #tpu.memory_space<vmem>>)
        %dma_start3A_286 = arith.constant 0 : i32
        %dma_start3A_287 = arith.constant 0 : i32
        %dma_start3A_288 = tpu.memref_slice %arg4[%dma_start3A_286, %dma_start3A_287] : memref<10112x128xf32, #tpu.memory_space<hbm>> -> memref<10112x128xf32, #tpu.memory_space<hbm>>
        tpu.enqueue_indirect_dma source(%dma_start3A_288 : memref<10112x128xf32, #tpu.memory_space<hbm>>) target(%arg15 : memref<120x128xf32, #tpu.memory_space<vmem>>) offsets(%arg9 : memref<120xi32, #tpu.memory_space<vmem>>) semaphore(%arg28 : memref<!tpu.dma_semaphore, #tpu.memory_space<semaphore_mem>>)
      } else {
      }
      %mul3A_170 = arith.constant 6 : i32
      %mul3A_171 = arith.muli %mul3A_170, %scan3A_150 : i32
      %add3A_172 = arith.constant 1 : i32
      %add3A_173 = arith.addi %mul3A_171, %add3A_172 : i32
      %lt3A_174 = arith.cmpi slt, %add3A_173, %select_n3A : i32
      %convert_element_type3A_175 = arith.extui %lt3A_174 : i1 to i32
      %cond3A_176 = arith.constant 0 : i32
      %cond3A_177 = arith.cmpi ne, %convert_element_type3A_175, %cond3A_176 : i32
      scf.if %cond3A_177 {
        %dma_wait3A_270 = arith.constant 0 : i32
        %dma_wait3A_271 = arith.constant 0 : i32
        %dma_wait3A_272 = tpu.memref_slice %arg4[%dma_wait3A_270, %dma_wait3A_271] : memref<10112x128xf32, #tpu.memory_space<hbm>> -> memref<10112x128xf32, #tpu.memory_space<hbm>>
        tpu.wait_indirect_dma semaphore(%arg29 : memref<!tpu.dma_semaphore, #tpu.memory_space<semaphore_mem>>) src(%dma_wait3A_272 : memref<10112x128xf32, #tpu.memory_space<hbm>>) dst(%arg16 : memref<120x128xf32, #tpu.memory_space<vmem>>)
        %dma_wait3A_273 = arith.constant 0 : i32
        %dma_wait3A_274 = tpu.memref_slice %arg3[%add3A, %add3A_173, %dma_wait3A_273] : memref<32x114x120xi32, #tpu.memory_space<hbm>> -> memref<1x1x120xi32, #tpu.memory_space<hbm>>
        %dma_wait3A_275 = tpu.memref_squeeze %dma_wait3A_274 : memref<1x1x120xi32, #tpu.memory_space<hbm>> -> memref<120xi32, #tpu.memory_space<hbm>>
        %dma_wait3A_276 = arith.constant 0 : i32
        %dma_wait3A_277 = tpu.memref_slice %arg3[%add3A, %add3A_173, %dma_wait3A_276] : memref<32x114x120xi32, #tpu.memory_space<hbm>> -> memref<1x1x120xi32, #tpu.memory_space<hbm>>
        %dma_wait3A_278 = tpu.memref_squeeze %dma_wait3A_277 : memref<1x1x120xi32, #tpu.memory_space<hbm>> -> memref<120xi32, #tpu.memory_space<hbm>>
        tpu.wait_dma2 semaphore(%arg26 : memref<!tpu.dma_semaphore, #tpu.memory_space<semaphore_mem>>) src(%dma_wait3A_278 : memref<120xi32, #tpu.memory_space<hbm>>) dst(%arg13 : memref<120xi32, #tpu.memory_space<vmem>>)
        "tpu.region"() ({
          %run_scoped3A = tpu.sem_alloc : memref<!tpu.dma_semaphore, #tpu.memory_space<semaphore_mem>>
          %dma_start3A_279 = arith.constant 0 : i32
          %dma_start3A_280 = arith.constant 0 : i32
          %dma_start3A_281 = tpu.memref_slice %arg18[%dma_start3A_279, %dma_start3A_280] : memref<10112x128xf32, #tpu.memory_space<vmem_shared>> -> memref<10112x128xf32, #tpu.memory_space<vmem_shared>>
          tpu.enqueue_indirect_dma source(%arg16 : memref<120x128xf32, #tpu.memory_space<vmem>>) target(%dma_start3A_281 : memref<10112x128xf32, #tpu.memory_space<vmem_shared>>) offsets(%arg13 : memref<120xi32, #tpu.memory_space<vmem>>) semaphore(%run_scoped3A : memref<!tpu.dma_semaphore, #tpu.memory_space<semaphore_mem>>) {add = true}
          %dma_wait3A_282 = arith.constant 0 : i32
          %dma_wait3A_283 = arith.constant 0 : i32
          %dma_wait3A_284 = tpu.memref_slice %arg18[%dma_wait3A_282, %dma_wait3A_283] : memref<10112x128xf32, #tpu.memory_space<vmem_shared>> -> memref<10112x128xf32, #tpu.memory_space<vmem_shared>>
          tpu.wait_indirect_dma semaphore(%run_scoped3A : memref<!tpu.dma_semaphore, #tpu.memory_space<semaphore_mem>>) src(%arg16 : memref<120x128xf32, #tpu.memory_space<vmem>>) dst(%dma_wait3A_284 : memref<10112x128xf32, #tpu.memory_space<vmem_shared>>)
          tpu.yield
        }) : () -> ()
      } else {
      }
      %add3A_178 = arith.constant 6 : i32
      %add3A_179 = arith.addi %add3A_173, %add3A_178 : i32
      %lt3A_180 = arith.cmpi slt, %add3A_179, %select_n3A : i32
      %convert_element_type3A_181 = arith.extui %lt3A_180 : i1 to i32
      %cond3A_182 = arith.constant 0 : i32
      %cond3A_183 = arith.cmpi ne, %convert_element_type3A_181, %cond3A_182 : i32
      scf.if %cond3A_183 {
        %add3A_270 = arith.constant 6 : i32
        %add3A_271 = arith.addi %add3A_173, %add3A_270 : i32
        %dma_start3A_272 = arith.constant 0 : i32
        %dma_start3A_273 = tpu.memref_slice %arg2[%add3A, %add3A_271, %dma_start3A_272] : memref<32x114x120xi32, #tpu.memory_space<hbm>> -> memref<1x1x120xi32, #tpu.memory_space<hbm>>
        %dma_start3A_274 = tpu.memref_squeeze %dma_start3A_273 : memref<1x1x120xi32, #tpu.memory_space<hbm>> -> memref<120xi32, #tpu.memory_space<hbm>>
        %dma_start3A_275 = arith.constant 0 : i32
        %dma_start3A_276 = tpu.memref_slice %arg2[%add3A, %add3A_271, %dma_start3A_275] : memref<32x114x120xi32, #tpu.memory_space<hbm>> -> memref<1x1x120xi32, #tpu.memory_space<hbm>>
        %dma_start3A_277 = tpu.memref_squeeze %dma_start3A_276 : memref<1x1x120xi32, #tpu.memory_space<hbm>> -> memref<120xi32, #tpu.memory_space<hbm>>
        tpu.enqueue_dma source(%dma_start3A_277 : memref<120xi32, #tpu.memory_space<hbm>>) target(%arg7 : memref<120xi32, #tpu.memory_space<vmem>>) target_semaphore(%arg20 : memref<!tpu.dma_semaphore, #tpu.memory_space<semaphore_mem>>)
      } else {
      }
      %add3A_184 = arith.constant 3 : i32
      %add3A_185 = arith.addi %add3A_173, %add3A_184 : i32
      %lt3A_186 = arith.cmpi slt, %add3A_185, %select_n3A : i32
      %convert_element_type3A_187 = arith.extui %lt3A_186 : i1 to i32
      %cond3A_188 = arith.constant 0 : i32
      %cond3A_189 = arith.cmpi ne, %convert_element_type3A_187, %cond3A_188 : i32
      scf.if %cond3A_189 {
        %add3A_270 = arith.constant 3 : i32
        %add3A_271 = arith.addi %add3A_173, %add3A_270 : i32
        %dma_start3A_272 = arith.constant 0 : i32
        %dma_start3A_273 = tpu.memref_slice %arg3[%add3A, %add3A_271, %dma_start3A_272] : memref<32x114x120xi32, #tpu.memory_space<hbm>> -> memref<1x1x120xi32, #tpu.memory_space<hbm>>
        %dma_start3A_274 = tpu.memref_squeeze %dma_start3A_273 : memref<1x1x120xi32, #tpu.memory_space<hbm>> -> memref<120xi32, #tpu.memory_space<hbm>>
        %dma_start3A_275 = arith.constant 0 : i32
        %dma_start3A_276 = tpu.memref_slice %arg3[%add3A, %add3A_271, %dma_start3A_275] : memref<32x114x120xi32, #tpu.memory_space<hbm>> -> memref<1x1x120xi32, #tpu.memory_space<hbm>>
        %dma_start3A_277 = tpu.memref_squeeze %dma_start3A_276 : memref<1x1x120xi32, #tpu.memory_space<hbm>> -> memref<120xi32, #tpu.memory_space<hbm>>
        tpu.enqueue_dma source(%dma_start3A_277 : memref<120xi32, #tpu.memory_space<hbm>>) target(%arg13 : memref<120xi32, #tpu.memory_space<vmem>>) target_semaphore(%arg26 : memref<!tpu.dma_semaphore, #tpu.memory_space<semaphore_mem>>)
        %add3A_278 = arith.constant 3 : i32
        %add3A_279 = arith.addi %add3A_173, %add3A_278 : i32
        %dma_wait3A_280 = arith.constant 0 : i32
        %dma_wait3A_281 = tpu.memref_slice %arg2[%add3A, %add3A_279, %dma_wait3A_280] : memref<32x114x120xi32, #tpu.memory_space<hbm>> -> memref<1x1x120xi32, #tpu.memory_space<hbm>>
        %dma_wait3A_282 = tpu.memref_squeeze %dma_wait3A_281 : memref<1x1x120xi32, #tpu.memory_space<hbm>> -> memref<120xi32, #tpu.memory_space<hbm>>
        %dma_wait3A_283 = arith.constant 0 : i32
        %dma_wait3A_284 = tpu.memref_slice %arg2[%add3A, %add3A_279, %dma_wait3A_283] : memref<32x114x120xi32, #tpu.memory_space<hbm>> -> memref<1x1x120xi32, #tpu.memory_space<hbm>>
        %dma_wait3A_285 = tpu.memref_squeeze %dma_wait3A_284 : memref<1x1x120xi32, #tpu.memory_space<hbm>> -> memref<120xi32, #tpu.memory_space<hbm>>
        tpu.wait_dma2 semaphore(%arg23 : memref<!tpu.dma_semaphore, #tpu.memory_space<semaphore_mem>>) src(%dma_wait3A_285 : memref<120xi32, #tpu.memory_space<hbm>>) dst(%arg10 : memref<120xi32, #tpu.memory_space<vmem>>)
        %dma_start3A_286 = arith.constant 0 : i32
        %dma_start3A_287 = arith.constant 0 : i32
        %dma_start3A_288 = tpu.memref_slice %arg4[%dma_start3A_286, %dma_start3A_287] : memref<10112x128xf32, #tpu.memory_space<hbm>> -> memref<10112x128xf32, #tpu.memory_space<hbm>>
        tpu.enqueue_indirect_dma source(%dma_start3A_288 : memref<10112x128xf32, #tpu.memory_space<hbm>>) target(%arg16 : memref<120x128xf32, #tpu.memory_space<vmem>>) offsets(%arg10 : memref<120xi32, #tpu.memory_space<vmem>>) semaphore(%arg29 : memref<!tpu.dma_semaphore, #tpu.memory_space<semaphore_mem>>)
      } else {
      }
      %mul3A_190 = arith.constant 6 : i32
      %mul3A_191 = arith.muli %mul3A_190, %scan3A_150 : i32
      %add3A_192 = arith.constant 2 : i32
      %add3A_193 = arith.addi %mul3A_191, %add3A_192 : i32
      %lt3A_194 = arith.cmpi slt, %add3A_193, %select_n3A : i32
      %convert_element_type3A_195 = arith.extui %lt3A_194 : i1 to i32
      %cond3A_196 = arith.constant 0 : i32
      %cond3A_197 = arith.cmpi ne, %convert_element_type3A_195, %cond3A_196 : i32
      scf.if %cond3A_197 {
        %dma_wait3A_270 = arith.constant 0 : i32
        %dma_wait3A_271 = arith.constant 0 : i32
        %dma_wait3A_272 = tpu.memref_slice %arg4[%dma_wait3A_270, %dma_wait3A_271] : memref<10112x128xf32, #tpu.memory_space<hbm>> -> memref<10112x128xf32, #tpu.memory_space<hbm>>
        tpu.wait_indirect_dma semaphore(%arg30 : memref<!tpu.dma_semaphore, #tpu.memory_space<semaphore_mem>>) src(%dma_wait3A_272 : memref<10112x128xf32, #tpu.memory_space<hbm>>) dst(%arg17 : memref<120x128xf32, #tpu.memory_space<vmem>>)
        %dma_wait3A_273 = arith.constant 0 : i32
        %dma_wait3A_274 = tpu.memref_slice %arg3[%add3A, %add3A_193, %dma_wait3A_273] : memref<32x114x120xi32, #tpu.memory_space<hbm>> -> memref<1x1x120xi32, #tpu.memory_space<hbm>>
        %dma_wait3A_275 = tpu.memref_squeeze %dma_wait3A_274 : memref<1x1x120xi32, #tpu.memory_space<hbm>> -> memref<120xi32, #tpu.memory_space<hbm>>
        %dma_wait3A_276 = arith.constant 0 : i32
        %dma_wait3A_277 = tpu.memref_slice %arg3[%add3A, %add3A_193, %dma_wait3A_276] : memref<32x114x120xi32, #tpu.memory_space<hbm>> -> memref<1x1x120xi32, #tpu.memory_space<hbm>>
        %dma_wait3A_278 = tpu.memref_squeeze %dma_wait3A_277 : memref<1x1x120xi32, #tpu.memory_space<hbm>> -> memref<120xi32, #tpu.memory_space<hbm>>
        tpu.wait_dma2 semaphore(%arg27 : memref<!tpu.dma_semaphore, #tpu.memory_space<semaphore_mem>>) src(%dma_wait3A_278 : memref<120xi32, #tpu.memory_space<hbm>>) dst(%arg14 : memref<120xi32, #tpu.memory_space<vmem>>)
        "tpu.region"() ({
          %run_scoped3A = tpu.sem_alloc : memref<!tpu.dma_semaphore, #tpu.memory_space<semaphore_mem>>
          %dma_start3A_279 = arith.constant 0 : i32
          %dma_start3A_280 = arith.constant 0 : i32
          %dma_start3A_281 = tpu.memref_slice %arg18[%dma_start3A_279, %dma_start3A_280] : memref<10112x128xf32, #tpu.memory_space<vmem_shared>> -> memref<10112x128xf32, #tpu.memory_space<vmem_shared>>
          tpu.enqueue_indirect_dma source(%arg17 : memref<120x128xf32, #tpu.memory_space<vmem>>) target(%dma_start3A_281 : memref<10112x128xf32, #tpu.memory_space<vmem_shared>>) offsets(%arg14 : memref<120xi32, #tpu.memory_space<vmem>>) semaphore(%run_scoped3A : memref<!tpu.dma_semaphore, #tpu.memory_space<semaphore_mem>>) {add = true}
          %dma_wait3A_282 = arith.constant 0 : i32
          %dma_wait3A_283 = arith.constant 0 : i32
          %dma_wait3A_284 = tpu.memref_slice %arg18[%dma_wait3A_282, %dma_wait3A_283] : memref<10112x128xf32, #tpu.memory_space<vmem_shared>> -> memref<10112x128xf32, #tpu.memory_space<vmem_shared>>
          tpu.wait_indirect_dma semaphore(%run_scoped3A : memref<!tpu.dma_semaphore, #tpu.memory_space<semaphore_mem>>) src(%arg17 : memref<120x128xf32, #tpu.memory_space<vmem>>) dst(%dma_wait3A_284 : memref<10112x128xf32, #tpu.memory_space<vmem_shared>>)
          tpu.yield
        }) : () -> ()
      } else {
      }
      %add3A_198 = arith.constant 6 : i32
      %add3A_199 = arith.addi %add3A_193, %add3A_198 : i32
      %lt3A_200 = arith.cmpi slt, %add3A_199, %select_n3A : i32
      %convert_element_type3A_201 = arith.extui %lt3A_200 : i1 to i32
      %cond3A_202 = arith.constant 0 : i32
      %cond3A_203 = arith.cmpi ne, %convert_element_type3A_201, %cond3A_202 : i32
      scf.if %cond3A_203 {
        %add3A_270 = arith.constant 6 : i32
        %add3A_271 = arith.addi %add3A_193, %add3A_270 : i32
        %dma_start3A_272 = arith.constant 0 : i32
        %dma_start3A_273 = tpu.memref_slice %arg2[%add3A, %add3A_271, %dma_start3A_272] : memref<32x114x120xi32, #tpu.memory_space<hbm>> -> memref<1x1x120xi32, #tpu.memory_space<hbm>>
        %dma_start3A_274 = tpu.memref_squeeze %dma_start3A_273 : memref<1x1x120xi32, #tpu.memory_space<hbm>> -> memref<120xi32, #tpu.memory_space<hbm>>
        %dma_start3A_275 = arith.constant 0 : i32
        %dma_start3A_276 = tpu.memref_slice %arg2[%add3A, %add3A_271, %dma_start3A_275] : memref<32x114x120xi32, #tpu.memory_space<hbm>> -> memref<1x1x120xi32, #tpu.memory_space<hbm>>
        %dma_start3A_277 = tpu.memref_squeeze %dma_start3A_276 : memref<1x1x120xi32, #tpu.memory_space<hbm>> -> memref<120xi32, #tpu.memory_space<hbm>>
        tpu.enqueue_dma source(%dma_start3A_277 : memref<120xi32, #tpu.memory_space<hbm>>) target(%arg8 : memref<120xi32, #tpu.memory_space<vmem>>) target_semaphore(%arg21 : memref<!tpu.dma_semaphore, #tpu.memory_space<semaphore_mem>>)
      } else {
      }
      %add3A_204 = arith.constant 3 : i32
      %add3A_205 = arith.addi %add3A_193, %add3A_204 : i32
      %lt3A_206 = arith.cmpi slt, %add3A_205, %select_n3A : i32
      %convert_element_type3A_207 = arith.extui %lt3A_206 : i1 to i32
      %cond3A_208 = arith.constant 0 : i32
      %cond3A_209 = arith.cmpi ne, %convert_element_type3A_207, %cond3A_208 : i32
      scf.if %cond3A_209 {
        %add3A_270 = arith.constant 3 : i32
        %add3A_271 = arith.addi %add3A_193, %add3A_270 : i32
        %dma_start3A_272 = arith.constant 0 : i32
        %dma_start3A_273 = tpu.memref_slice %arg3[%add3A, %add3A_271, %dma_start3A_272] : memref<32x114x120xi32, #tpu.memory_space<hbm>> -> memref<1x1x120xi32, #tpu.memory_space<hbm>>
        %dma_start3A_274 = tpu.memref_squeeze %dma_start3A_273 : memref<1x1x120xi32, #tpu.memory_space<hbm>> -> memref<120xi32, #tpu.memory_space<hbm>>
        %dma_start3A_275 = arith.constant 0 : i32
        %dma_start3A_276 = tpu.memref_slice %arg3[%add3A, %add3A_271, %dma_start3A_275] : memref<32x114x120xi32, #tpu.memory_space<hbm>> -> memref<1x1x120xi32, #tpu.memory_space<hbm>>
        %dma_start3A_277 = tpu.memref_squeeze %dma_start3A_276 : memref<1x1x120xi32, #tpu.memory_space<hbm>> -> memref<120xi32, #tpu.memory_space<hbm>>
        tpu.enqueue_dma source(%dma_start3A_277 : memref<120xi32, #tpu.memory_space<hbm>>) target(%arg14 : memref<120xi32, #tpu.memory_space<vmem>>) target_semaphore(%arg27 : memref<!tpu.dma_semaphore, #tpu.memory_space<semaphore_mem>>)
        %add3A_278 = arith.constant 3 : i32
        %add3A_279 = arith.addi %add3A_193, %add3A_278 : i32
        %dma_wait3A_280 = arith.constant 0 : i32
        %dma_wait3A_281 = tpu.memref_slice %arg2[%add3A, %add3A_279, %dma_wait3A_280] : memref<32x114x120xi32, #tpu.memory_space<hbm>> -> memref<1x1x120xi32, #tpu.memory_space<hbm>>
        %dma_wait3A_282 = tpu.memref_squeeze %dma_wait3A_281 : memref<1x1x120xi32, #tpu.memory_space<hbm>> -> memref<120xi32, #tpu.memory_space<hbm>>
        %dma_wait3A_283 = arith.constant 0 : i32
        %dma_wait3A_284 = tpu.memref_slice %arg2[%add3A, %add3A_279, %dma_wait3A_283] : memref<32x114x120xi32, #tpu.memory_space<hbm>> -> memref<1x1x120xi32, #tpu.memory_space<hbm>>
        %dma_wait3A_285 = tpu.memref_squeeze %dma_wait3A_284 : memref<1x1x120xi32, #tpu.memory_space<hbm>> -> memref<120xi32, #tpu.memory_space<hbm>>
        tpu.wait_dma2 semaphore(%arg24 : memref<!tpu.dma_semaphore, #tpu.memory_space<semaphore_mem>>) src(%dma_wait3A_285 : memref<120xi32, #tpu.memory_space<hbm>>) dst(%arg11 : memref<120xi32, #tpu.memory_space<vmem>>)
        %dma_start3A_286 = arith.constant 0 : i32
        %dma_start3A_287 = arith.constant 0 : i32
        %dma_start3A_288 = tpu.memref_slice %arg4[%dma_start3A_286, %dma_start3A_287] : memref<10112x128xf32, #tpu.memory_space<hbm>> -> memref<10112x128xf32, #tpu.memory_space<hbm>>
        tpu.enqueue_indirect_dma source(%dma_start3A_288 : memref<10112x128xf32, #tpu.memory_space<hbm>>) target(%arg17 : memref<120x128xf32, #tpu.memory_space<vmem>>) offsets(%arg11 : memref<120xi32, #tpu.memory_space<vmem>>) semaphore(%arg30 : memref<!tpu.dma_semaphore, #tpu.memory_space<semaphore_mem>>)
      } else {
      }
      %mul3A_210 = arith.constant 6 : i32
      %mul3A_211 = arith.muli %mul3A_210, %scan3A_150 : i32
      %add3A_212 = arith.constant 3 : i32
      %add3A_213 = arith.addi %mul3A_211, %add3A_212 : i32
      %lt3A_214 = arith.cmpi slt, %add3A_213, %select_n3A : i32
      %convert_element_type3A_215 = arith.extui %lt3A_214 : i1 to i32
      %cond3A_216 = arith.constant 0 : i32
      %cond3A_217 = arith.cmpi ne, %convert_element_type3A_215, %cond3A_216 : i32
      scf.if %cond3A_217 {
        %dma_wait3A_270 = arith.constant 0 : i32
        %dma_wait3A_271 = arith.constant 0 : i32
        %dma_wait3A_272 = tpu.memref_slice %arg4[%dma_wait3A_270, %dma_wait3A_271] : memref<10112x128xf32, #tpu.memory_space<hbm>> -> memref<10112x128xf32, #tpu.memory_space<hbm>>
        tpu.wait_indirect_dma semaphore(%arg28 : memref<!tpu.dma_semaphore, #tpu.memory_space<semaphore_mem>>) src(%dma_wait3A_272 : memref<10112x128xf32, #tpu.memory_space<hbm>>) dst(%arg15 : memref<120x128xf32, #tpu.memory_space<vmem>>)
        %dma_wait3A_273 = arith.constant 0 : i32
        %dma_wait3A_274 = tpu.memref_slice %arg3[%add3A, %add3A_213, %dma_wait3A_273] : memref<32x114x120xi32, #tpu.memory_space<hbm>> -> memref<1x1x120xi32, #tpu.memory_space<hbm>>
        %dma_wait3A_275 = tpu.memref_squeeze %dma_wait3A_274 : memref<1x1x120xi32, #tpu.memory_space<hbm>> -> memref<120xi32, #tpu.memory_space<hbm>>
        %dma_wait3A_276 = arith.constant 0 : i32
        %dma_wait3A_277 = tpu.memref_slice %arg3[%add3A, %add3A_213, %dma_wait3A_276] : memref<32x114x120xi32, #tpu.memory_space<hbm>> -> memref<1x1x120xi32, #tpu.memory_space<hbm>>
        %dma_wait3A_278 = tpu.memref_squeeze %dma_wait3A_277 : memref<1x1x120xi32, #tpu.memory_space<hbm>> -> memref<120xi32, #tpu.memory_space<hbm>>
        tpu.wait_dma2 semaphore(%arg25 : memref<!tpu.dma_semaphore, #tpu.memory_space<semaphore_mem>>) src(%dma_wait3A_278 : memref<120xi32, #tpu.memory_space<hbm>>) dst(%arg12 : memref<120xi32, #tpu.memory_space<vmem>>)
        "tpu.region"() ({
          %run_scoped3A = tpu.sem_alloc : memref<!tpu.dma_semaphore, #tpu.memory_space<semaphore_mem>>
          %dma_start3A_279 = arith.constant 0 : i32
          %dma_start3A_280 = arith.constant 0 : i32
          %dma_start3A_281 = tpu.memref_slice %arg18[%dma_start3A_279, %dma_start3A_280] : memref<10112x128xf32, #tpu.memory_space<vmem_shared>> -> memref<10112x128xf32, #tpu.memory_space<vmem_shared>>
          tpu.enqueue_indirect_dma source(%arg15 : memref<120x128xf32, #tpu.memory_space<vmem>>) target(%dma_start3A_281 : memref<10112x128xf32, #tpu.memory_space<vmem_shared>>) offsets(%arg12 : memref<120xi32, #tpu.memory_space<vmem>>) semaphore(%run_scoped3A : memref<!tpu.dma_semaphore, #tpu.memory_space<semaphore_mem>>) {add = true}
          %dma_wait3A_282 = arith.constant 0 : i32
          %dma_wait3A_283 = arith.constant 0 : i32
          %dma_wait3A_284 = tpu.memref_slice %arg18[%dma_wait3A_282, %dma_wait3A_283] : memref<10112x128xf32, #tpu.memory_space<vmem_shared>> -> memref<10112x128xf32, #tpu.memory_space<vmem_shared>>
          tpu.wait_indirect_dma semaphore(%run_scoped3A : memref<!tpu.dma_semaphore, #tpu.memory_space<semaphore_mem>>) src(%arg15 : memref<120x128xf32, #tpu.memory_space<vmem>>) dst(%dma_wait3A_284 : memref<10112x128xf32, #tpu.memory_space<vmem_shared>>)
          tpu.yield
        }) : () -> ()
      } else {
      }
      %add3A_218 = arith.constant 6 : i32
      %add3A_219 = arith.addi %add3A_213, %add3A_218 : i32
      %lt3A_220 = arith.cmpi slt, %add3A_219, %select_n3A : i32
      %convert_element_type3A_221 = arith.extui %lt3A_220 : i1 to i32
      %cond3A_222 = arith.constant 0 : i32
      %cond3A_223 = arith.cmpi ne, %convert_element_type3A_221, %cond3A_222 : i32
      scf.if %cond3A_223 {
        %add3A_270 = arith.constant 6 : i32
        %add3A_271 = arith.addi %add3A_213, %add3A_270 : i32
        %dma_start3A_272 = arith.constant 0 : i32
        %dma_start3A_273 = tpu.memref_slice %arg2[%add3A, %add3A_271, %dma_start3A_272] : memref<32x114x120xi32, #tpu.memory_space<hbm>> -> memref<1x1x120xi32, #tpu.memory_space<hbm>>
        %dma_start3A_274 = tpu.memref_squeeze %dma_start3A_273 : memref<1x1x120xi32, #tpu.memory_space<hbm>> -> memref<120xi32, #tpu.memory_space<hbm>>
        %dma_start3A_275 = arith.constant 0 : i32
        %dma_start3A_276 = tpu.memref_slice %arg2[%add3A, %add3A_271, %dma_start3A_275] : memref<32x114x120xi32, #tpu.memory_space<hbm>> -> memref<1x1x120xi32, #tpu.memory_space<hbm>>
        %dma_start3A_277 = tpu.memref_squeeze %dma_start3A_276 : memref<1x1x120xi32, #tpu.memory_space<hbm>> -> memref<120xi32, #tpu.memory_space<hbm>>
        tpu.enqueue_dma source(%dma_start3A_277 : memref<120xi32, #tpu.memory_space<hbm>>) target(%arg9 : memref<120xi32, #tpu.memory_space<vmem>>) target_semaphore(%arg22 : memref<!tpu.dma_semaphore, #tpu.memory_space<semaphore_mem>>)
      } else {
      }
      %add3A_224 = arith.constant 3 : i32
      %add3A_225 = arith.addi %add3A_213, %add3A_224 : i32
      %lt3A_226 = arith.cmpi slt, %add3A_225, %select_n3A : i32
      %convert_element_type3A_227 = arith.extui %lt3A_226 : i1 to i32
      %cond3A_228 = arith.constant 0 : i32
      %cond3A_229 = arith.cmpi ne, %convert_element_type3A_227, %cond3A_228 : i32
      scf.if %cond3A_229 {
        %add3A_270 = arith.constant 3 : i32
        %add3A_271 = arith.addi %add3A_213, %add3A_270 : i32
        %dma_start3A_272 = arith.constant 0 : i32
        %dma_start3A_273 = tpu.memref_slice %arg3[%add3A, %add3A_271, %dma_start3A_272] : memref<32x114x120xi32, #tpu.memory_space<hbm>> -> memref<1x1x120xi32, #tpu.memory_space<hbm>>
        %dma_start3A_274 = tpu.memref_squeeze %dma_start3A_273 : memref<1x1x120xi32, #tpu.memory_space<hbm>> -> memref<120xi32, #tpu.memory_space<hbm>>
        %dma_start3A_275 = arith.constant 0 : i32
        %dma_start3A_276 = tpu.memref_slice %arg3[%add3A, %add3A_271, %dma_start3A_275] : memref<32x114x120xi32, #tpu.memory_space<hbm>> -> memref<1x1x120xi32, #tpu.memory_space<hbm>>
        %dma_start3A_277 = tpu.memref_squeeze %dma_start3A_276 : memref<1x1x120xi32, #tpu.memory_space<hbm>> -> memref<120xi32, #tpu.memory_space<hbm>>
        tpu.enqueue_dma source(%dma_start3A_277 : memref<120xi32, #tpu.memory_space<hbm>>) target(%arg12 : memref<120xi32, #tpu.memory_space<vmem>>) target_semaphore(%arg25 : memref<!tpu.dma_semaphore, #tpu.memory_space<semaphore_mem>>)
        %add3A_278 = arith.constant 3 : i32
        %add3A_279 = arith.addi %add3A_213, %add3A_278 : i32
        %dma_wait3A_280 = arith.constant 0 : i32
        %dma_wait3A_281 = tpu.memref_slice %arg2[%add3A, %add3A_279, %dma_wait3A_280] : memref<32x114x120xi32, #tpu.memory_space<hbm>> -> memref<1x1x120xi32, #tpu.memory_space<hbm>>
        %dma_wait3A_282 = tpu.memref_squeeze %dma_wait3A_281 : memref<1x1x120xi32, #tpu.memory_space<hbm>> -> memref<120xi32, #tpu.memory_space<hbm>>
        %dma_wait3A_283 = arith.constant 0 : i32
        %dma_wait3A_284 = tpu.memref_slice %arg2[%add3A, %add3A_279, %dma_wait3A_283] : memref<32x114x120xi32, #tpu.memory_space<hbm>> -> memref<1x1x120xi32, #tpu.memory_space<hbm>>
        %dma_wait3A_285 = tpu.memref_squeeze %dma_wait3A_284 : memref<1x1x120xi32, #tpu.memory_space<hbm>> -> memref<120xi32, #tpu.memory_space<hbm>>
        tpu.wait_dma2 semaphore(%arg19 : memref<!tpu.dma_semaphore, #tpu.memory_space<semaphore_mem>>) src(%dma_wait3A_285 : memref<120xi32, #tpu.memory_space<hbm>>) dst(%arg6 : memref<120xi32, #tpu.memory_space<vmem>>)
        %dma_start3A_286 = arith.constant 0 : i32
        %dma_start3A_287 = arith.constant 0 : i32
        %dma_start3A_288 = tpu.memref_slice %arg4[%dma_start3A_286, %dma_start3A_287] : memref<10112x128xf32, #tpu.memory_space<hbm>> -> memref<10112x128xf32, #tpu.memory_space<hbm>>
        tpu.enqueue_indirect_dma source(%dma_start3A_288 : memref<10112x128xf32, #tpu.memory_space<hbm>>) target(%arg15 : memref<120x128xf32, #tpu.memory_space<vmem>>) offsets(%arg6 : memref<120xi32, #tpu.memory_space<vmem>>) semaphore(%arg28 : memref<!tpu.dma_semaphore, #tpu.memory_space<semaphore_mem>>)
      } else {
      }
      %mul3A_230 = arith.constant 6 : i32
      %mul3A_231 = arith.muli %mul3A_230, %scan3A_150 : i32
      %add3A_232 = arith.constant 4 : i32
      %add3A_233 = arith.addi %mul3A_231, %add3A_232 : i32
      %lt3A_234 = arith.cmpi slt, %add3A_233, %select_n3A : i32
      %convert_element_type3A_235 = arith.extui %lt3A_234 : i1 to i32
      %cond3A_236 = arith.constant 0 : i32
      %cond3A_237 = arith.cmpi ne, %convert_element_type3A_235, %cond3A_236 : i32
      scf.if %cond3A_237 {
        %dma_wait3A_270 = arith.constant 0 : i32
        %dma_wait3A_271 = arith.constant 0 : i32
        %dma_wait3A_272 = tpu.memref_slice %arg4[%dma_wait3A_270, %dma_wait3A_271] : memref<10112x128xf32, #tpu.memory_space<hbm>> -> memref<10112x128xf32, #tpu.memory_space<hbm>>
        tpu.wait_indirect_dma semaphore(%arg29 : memref<!tpu.dma_semaphore, #tpu.memory_space<semaphore_mem>>) src(%dma_wait3A_272 : memref<10112x128xf32, #tpu.memory_space<hbm>>) dst(%arg16 : memref<120x128xf32, #tpu.memory_space<vmem>>)
        %dma_wait3A_273 = arith.constant 0 : i32
        %dma_wait3A_274 = tpu.memref_slice %arg3[%add3A, %add3A_233, %dma_wait3A_273] : memref<32x114x120xi32, #tpu.memory_space<hbm>> -> memref<1x1x120xi32, #tpu.memory_space<hbm>>
        %dma_wait3A_275 = tpu.memref_squeeze %dma_wait3A_274 : memref<1x1x120xi32, #tpu.memory_space<hbm>> -> memref<120xi32, #tpu.memory_space<hbm>>
        %dma_wait3A_276 = arith.constant 0 : i32
        %dma_wait3A_277 = tpu.memref_slice %arg3[%add3A, %add3A_233, %dma_wait3A_276] : memref<32x114x120xi32, #tpu.memory_space<hbm>> -> memref<1x1x120xi32, #tpu.memory_space<hbm>>
        %dma_wait3A_278 = tpu.memref_squeeze %dma_wait3A_277 : memref<1x1x120xi32, #tpu.memory_space<hbm>> -> memref<120xi32, #tpu.memory_space<hbm>>
        tpu.wait_dma2 semaphore(%arg26 : memref<!tpu.dma_semaphore, #tpu.memory_space<semaphore_mem>>) src(%dma_wait3A_278 : memref<120xi32, #tpu.memory_space<hbm>>) dst(%arg13 : memref<120xi32, #tpu.memory_space<vmem>>)
        "tpu.region"() ({
          %run_scoped3A = tpu.sem_alloc : memref<!tpu.dma_semaphore, #tpu.memory_space<semaphore_mem>>
          %dma_start3A_279 = arith.constant 0 : i32
          %dma_start3A_280 = arith.constant 0 : i32
          %dma_start3A_281 = tpu.memref_slice %arg18[%dma_start3A_279, %dma_start3A_280] : memref<10112x128xf32, #tpu.memory_space<vmem_shared>> -> memref<10112x128xf32, #tpu.memory_space<vmem_shared>>
          tpu.enqueue_indirect_dma source(%arg16 : memref<120x128xf32, #tpu.memory_space<vmem>>) target(%dma_start3A_281 : memref<10112x128xf32, #tpu.memory_space<vmem_shared>>) offsets(%arg13 : memref<120xi32, #tpu.memory_space<vmem>>) semaphore(%run_scoped3A : memref<!tpu.dma_semaphore, #tpu.memory_space<semaphore_mem>>) {add = true}
          %dma_wait3A_282 = arith.constant 0 : i32
          %dma_wait3A_283 = arith.constant 0 : i32
          %dma_wait3A_284 = tpu.memref_slice %arg18[%dma_wait3A_282, %dma_wait3A_283] : memref<10112x128xf32, #tpu.memory_space<vmem_shared>> -> memref<10112x128xf32, #tpu.memory_space<vmem_shared>>
          tpu.wait_indirect_dma semaphore(%run_scoped3A : memref<!tpu.dma_semaphore, #tpu.memory_space<semaphore_mem>>) src(%arg16 : memref<120x128xf32, #tpu.memory_space<vmem>>) dst(%dma_wait3A_284 : memref<10112x128xf32, #tpu.memory_space<vmem_shared>>)
          tpu.yield
        }) : () -> ()
      } else {
      }
      %add3A_238 = arith.constant 6 : i32
      %add3A_239 = arith.addi %add3A_233, %add3A_238 : i32
      %lt3A_240 = arith.cmpi slt, %add3A_239, %select_n3A : i32
      %convert_element_type3A_241 = arith.extui %lt3A_240 : i1 to i32
      %cond3A_242 = arith.constant 0 : i32
      %cond3A_243 = arith.cmpi ne, %convert_element_type3A_241, %cond3A_242 : i32
      scf.if %cond3A_243 {
        %add3A_270 = arith.constant 6 : i32
        %add3A_271 = arith.addi %add3A_233, %add3A_270 : i32
        %dma_start3A_272 = arith.constant 0 : i32
        %dma_start3A_273 = tpu.memref_slice %arg2[%add3A, %add3A_271, %dma_start3A_272] : memref<32x114x120xi32, #tpu.memory_space<hbm>> -> memref<1x1x120xi32, #tpu.memory_space<hbm>>
        %dma_start3A_274 = tpu.memref_squeeze %dma_start3A_273 : memref<1x1x120xi32, #tpu.memory_space<hbm>> -> memref<120xi32, #tpu.memory_space<hbm>>
        %dma_start3A_275 = arith.constant 0 : i32
        %dma_start3A_276 = tpu.memref_slice %arg2[%add3A, %add3A_271, %dma_start3A_275] : memref<32x114x120xi32, #tpu.memory_space<hbm>> -> memref<1x1x120xi32, #tpu.memory_space<hbm>>
        %dma_start3A_277 = tpu.memref_squeeze %dma_start3A_276 : memref<1x1x120xi32, #tpu.memory_space<hbm>> -> memref<120xi32, #tpu.memory_space<hbm>>
        tpu.enqueue_dma source(%dma_start3A_277 : memref<120xi32, #tpu.memory_space<hbm>>) target(%arg10 : memref<120xi32, #tpu.memory_space<vmem>>) target_semaphore(%arg23 : memref<!tpu.dma_semaphore, #tpu.memory_space<semaphore_mem>>)
      } else {
      }
      %add3A_244 = arith.constant 3 : i32
      %add3A_245 = arith.addi %add3A_233, %add3A_244 : i32
      %lt3A_246 = arith.cmpi slt, %add3A_245, %select_n3A : i32
      %convert_element_type3A_247 = arith.extui %lt3A_246 : i1 to i32
      %cond3A_248 = arith.constant 0 : i32
      %cond3A_249 = arith.cmpi ne, %convert_element_type3A_247, %cond3A_248 : i32
      scf.if %cond3A_249 {
        %add3A_270 = arith.constant 3 : i32
        %add3A_271 = arith.addi %add3A_233, %add3A_270 : i32
        %dma_start3A_272 = arith.constant 0 : i32
        %dma_start3A_273 = tpu.memref_slice %arg3[%add3A, %add3A_271, %dma_start3A_272] : memref<32x114x120xi32, #tpu.memory_space<hbm>> -> memref<1x1x120xi32, #tpu.memory_space<hbm>>
        %dma_start3A_274 = tpu.memref_squeeze %dma_start3A_273 : memref<1x1x120xi32, #tpu.memory_space<hbm>> -> memref<120xi32, #tpu.memory_space<hbm>>
        %dma_start3A_275 = arith.constant 0 : i32
        %dma_start3A_276 = tpu.memref_slice %arg3[%add3A, %add3A_271, %dma_start3A_275] : memref<32x114x120xi32, #tpu.memory_space<hbm>> -> memref<1x1x120xi32, #tpu.memory_space<hbm>>
        %dma_start3A_277 = tpu.memref_squeeze %dma_start3A_276 : memref<1x1x120xi32, #tpu.memory_space<hbm>> -> memref<120xi32, #tpu.memory_space<hbm>>
        tpu.enqueue_dma source(%dma_start3A_277 : memref<120xi32, #tpu.memory_space<hbm>>) target(%arg13 : memref<120xi32, #tpu.memory_space<vmem>>) target_semaphore(%arg26 : memref<!tpu.dma_semaphore, #tpu.memory_space<semaphore_mem>>)
        %add3A_278 = arith.constant 3 : i32
        %add3A_279 = arith.addi %add3A_233, %add3A_278 : i32
        %dma_wait3A_280 = arith.constant 0 : i32
        %dma_wait3A_281 = tpu.memref_slice %arg2[%add3A, %add3A_279, %dma_wait3A_280] : memref<32x114x120xi32, #tpu.memory_space<hbm>> -> memref<1x1x120xi32, #tpu.memory_space<hbm>>
        %dma_wait3A_282 = tpu.memref_squeeze %dma_wait3A_281 : memref<1x1x120xi32, #tpu.memory_space<hbm>> -> memref<120xi32, #tpu.memory_space<hbm>>
        %dma_wait3A_283 = arith.constant 0 : i32
        %dma_wait3A_284 = tpu.memref_slice %arg2[%add3A, %add3A_279, %dma_wait3A_283] : memref<32x114x120xi32, #tpu.memory_space<hbm>> -> memref<1x1x120xi32, #tpu.memory_space<hbm>>
        %dma_wait3A_285 = tpu.memref_squeeze %dma_wait3A_284 : memref<1x1x120xi32, #tpu.memory_space<hbm>> -> memref<120xi32, #tpu.memory_space<hbm>>
        tpu.wait_dma2 semaphore(%arg20 : memref<!tpu.dma_semaphore, #tpu.memory_space<semaphore_mem>>) src(%dma_wait3A_285 : memref<120xi32, #tpu.memory_space<hbm>>) dst(%arg7 : memref<120xi32, #tpu.memory_space<vmem>>)
        %dma_start3A_286 = arith.constant 0 : i32
        %dma_start3A_287 = arith.constant 0 : i32
        %dma_start3A_288 = tpu.memref_slice %arg4[%dma_start3A_286, %dma_start3A_287] : memref<10112x128xf32, #tpu.memory_space<hbm>> -> memref<10112x128xf32, #tpu.memory_space<hbm>>
        tpu.enqueue_indirect_dma source(%dma_start3A_288 : memref<10112x128xf32, #tpu.memory_space<hbm>>) target(%arg16 : memref<120x128xf32, #tpu.memory_space<vmem>>) offsets(%arg7 : memref<120xi32, #tpu.memory_space<vmem>>) semaphore(%arg29 : memref<!tpu.dma_semaphore, #tpu.memory_space<semaphore_mem>>)
      } else {
      }
      %mul3A_250 = arith.constant 6 : i32
      %mul3A_251 = arith.muli %mul3A_250, %scan3A_150 : i32
      %add3A_252 = arith.constant 5 : i32
      %add3A_253 = arith.addi %mul3A_251, %add3A_252 : i32
      %lt3A_254 = arith.cmpi slt, %add3A_253, %select_n3A : i32
      %convert_element_type3A_255 = arith.extui %lt3A_254 : i1 to i32
      %cond3A_256 = arith.constant 0 : i32
      %cond3A_257 = arith.cmpi ne, %convert_element_type3A_255, %cond3A_256 : i32
      scf.if %cond3A_257 {
        %dma_wait3A_270 = arith.constant 0 : i32
        %dma_wait3A_271 = arith.constant 0 : i32
        %dma_wait3A_272 = tpu.memref_slice %arg4[%dma_wait3A_270, %dma_wait3A_271] : memref<10112x128xf32, #tpu.memory_space<hbm>> -> memref<10112x128xf32, #tpu.memory_space<hbm>>
        tpu.wait_indirect_dma semaphore(%arg30 : memref<!tpu.dma_semaphore, #tpu.memory_space<semaphore_mem>>) src(%dma_wait3A_272 : memref<10112x128xf32, #tpu.memory_space<hbm>>) dst(%arg17 : memref<120x128xf32, #tpu.memory_space<vmem>>)
        %dma_wait3A_273 = arith.constant 0 : i32
        %dma_wait3A_274 = tpu.memref_slice %arg3[%add3A, %add3A_253, %dma_wait3A_273] : memref<32x114x120xi32, #tpu.memory_space<hbm>> -> memref<1x1x120xi32, #tpu.memory_space<hbm>>
        %dma_wait3A_275 = tpu.memref_squeeze %dma_wait3A_274 : memref<1x1x120xi32, #tpu.memory_space<hbm>> -> memref<120xi32, #tpu.memory_space<hbm>>
        %dma_wait3A_276 = arith.constant 0 : i32
        %dma_wait3A_277 = tpu.memref_slice %arg3[%add3A, %add3A_253, %dma_wait3A_276] : memref<32x114x120xi32, #tpu.memory_space<hbm>> -> memref<1x1x120xi32, #tpu.memory_space<hbm>>
        %dma_wait3A_278 = tpu.memref_squeeze %dma_wait3A_277 : memref<1x1x120xi32, #tpu.memory_space<hbm>> -> memref<120xi32, #tpu.memory_space<hbm>>
        tpu.wait_dma2 semaphore(%arg27 : memref<!tpu.dma_semaphore, #tpu.memory_space<semaphore_mem>>) src(%dma_wait3A_278 : memref<120xi32, #tpu.memory_space<hbm>>) dst(%arg14 : memref<120xi32, #tpu.memory_space<vmem>>)
        "tpu.region"() ({
          %run_scoped3A = tpu.sem_alloc : memref<!tpu.dma_semaphore, #tpu.memory_space<semaphore_mem>>
          %dma_start3A_279 = arith.constant 0 : i32
          %dma_start3A_280 = arith.constant 0 : i32
          %dma_start3A_281 = tpu.memref_slice %arg18[%dma_start3A_279, %dma_start3A_280] : memref<10112x128xf32, #tpu.memory_space<vmem_shared>> -> memref<10112x128xf32, #tpu.memory_space<vmem_shared>>
          tpu.enqueue_indirect_dma source(%arg17 : memref<120x128xf32, #tpu.memory_space<vmem>>) target(%dma_start3A_281 : memref<10112x128xf32, #tpu.memory_space<vmem_shared>>) offsets(%arg14 : memref<120xi32, #tpu.memory_space<vmem>>) semaphore(%run_scoped3A : memref<!tpu.dma_semaphore, #tpu.memory_space<semaphore_mem>>) {add = true}
          %dma_wait3A_282 = arith.constant 0 : i32
          %dma_wait3A_283 = arith.constant 0 : i32
          %dma_wait3A_284 = tpu.memref_slice %arg18[%dma_wait3A_282, %dma_wait3A_283] : memref<10112x128xf32, #tpu.memory_space<vmem_shared>> -> memref<10112x128xf32, #tpu.memory_space<vmem_shared>>
          tpu.wait_indirect_dma semaphore(%run_scoped3A : memref<!tpu.dma_semaphore, #tpu.memory_space<semaphore_mem>>) src(%arg17 : memref<120x128xf32, #tpu.memory_space<vmem>>) dst(%dma_wait3A_284 : memref<10112x128xf32, #tpu.memory_space<vmem_shared>>)
          tpu.yield
        }) : () -> ()
      } else {
      }
      %add3A_258 = arith.constant 6 : i32
      %add3A_259 = arith.addi %add3A_253, %add3A_258 : i32
      %lt3A_260 = arith.cmpi slt, %add3A_259, %select_n3A : i32
      %convert_element_type3A_261 = arith.extui %lt3A_260 : i1 to i32
      %cond3A_262 = arith.constant 0 : i32
      %cond3A_263 = arith.cmpi ne, %convert_element_type3A_261, %cond3A_262 : i32
      scf.if %cond3A_263 {
        %add3A_270 = arith.constant 6 : i32
        %add3A_271 = arith.addi %add3A_253, %add3A_270 : i32
        %dma_start3A_272 = arith.constant 0 : i32
        %dma_start3A_273 = tpu.memref_slice %arg2[%add3A, %add3A_271, %dma_start3A_272] : memref<32x114x120xi32, #tpu.memory_space<hbm>> -> memref<1x1x120xi32, #tpu.memory_space<hbm>>
        %dma_start3A_274 = tpu.memref_squeeze %dma_start3A_273 : memref<1x1x120xi32, #tpu.memory_space<hbm>> -> memref<120xi32, #tpu.memory_space<hbm>>
        %dma_start3A_275 = arith.constant 0 : i32
        %dma_start3A_276 = tpu.memref_slice %arg2[%add3A, %add3A_271, %dma_start3A_275] : memref<32x114x120xi32, #tpu.memory_space<hbm>> -> memref<1x1x120xi32, #tpu.memory_space<hbm>>
        %dma_start3A_277 = tpu.memref_squeeze %dma_start3A_276 : memref<1x1x120xi32, #tpu.memory_space<hbm>> -> memref<120xi32, #tpu.memory_space<hbm>>
        tpu.enqueue_dma source(%dma_start3A_277 : memref<120xi32, #tpu.memory_space<hbm>>) target(%arg11 : memref<120xi32, #tpu.memory_space<vmem>>) target_semaphore(%arg24 : memref<!tpu.dma_semaphore, #tpu.memory_space<semaphore_mem>>)
      } else {
      }
      %add3A_264 = arith.constant 3 : i32
      %add3A_265 = arith.addi %add3A_253, %add3A_264 : i32
      %lt3A_266 = arith.cmpi slt, %add3A_265, %select_n3A : i32
      %convert_element_type3A_267 = arith.extui %lt3A_266 : i1 to i32
      %cond3A_268 = arith.constant 0 : i32
      %cond3A_269 = arith.cmpi ne, %convert_element_type3A_267, %cond3A_268 : i32
      scf.if %cond3A_269 {
        %add3A_270 = arith.constant 3 : i32
        %add3A_271 = arith.addi %add3A_253, %add3A_270 : i32
        %dma_start3A_272 = arith.constant 0 : i32
        %dma_start3A_273 = tpu.memref_slice %arg3[%add3A, %add3A_271, %dma_start3A_272] : memref<32x114x120xi32, #tpu.memory_space<hbm>> -> memref<1x1x120xi32, #tpu.memory_space<hbm>>
        %dma_start3A_274 = tpu.memref_squeeze %dma_start3A_273 : memref<1x1x120xi32, #tpu.memory_space<hbm>> -> memref<120xi32, #tpu.memory_space<hbm>>
        %dma_start3A_275 = arith.constant 0 : i32
        %dma_start3A_276 = tpu.memref_slice %arg3[%add3A, %add3A_271, %dma_start3A_275] : memref<32x114x120xi32, #tpu.memory_space<hbm>> -> memref<1x1x120xi32, #tpu.memory_space<hbm>>
        %dma_start3A_277 = tpu.memref_squeeze %dma_start3A_276 : memref<1x1x120xi32, #tpu.memory_space<hbm>> -> memref<120xi32, #tpu.memory_space<hbm>>
        tpu.enqueue_dma source(%dma_start3A_277 : memref<120xi32, #tpu.memory_space<hbm>>) target(%arg14 : memref<120xi32, #tpu.memory_space<vmem>>) target_semaphore(%arg27 : memref<!tpu.dma_semaphore, #tpu.memory_space<semaphore_mem>>)
        %add3A_278 = arith.constant 3 : i32
        %add3A_279 = arith.addi %add3A_253, %add3A_278 : i32
        %dma_wait3A_280 = arith.constant 0 : i32
        %dma_wait3A_281 = tpu.memref_slice %arg2[%add3A, %add3A_279, %dma_wait3A_280] : memref<32x114x120xi32, #tpu.memory_space<hbm>> -> memref<1x1x120xi32, #tpu.memory_space<hbm>>
        %dma_wait3A_282 = tpu.memref_squeeze %dma_wait3A_281 : memref<1x1x120xi32, #tpu.memory_space<hbm>> -> memref<120xi32, #tpu.memory_space<hbm>>
        %dma_wait3A_283 = arith.constant 0 : i32
        %dma_wait3A_284 = tpu.memref_slice %arg2[%add3A, %add3A_279, %dma_wait3A_283] : memref<32x114x120xi32, #tpu.memory_space<hbm>> -> memref<1x1x120xi32, #tpu.memory_space<hbm>>
        %dma_wait3A_285 = tpu.memref_squeeze %dma_wait3A_284 : memref<1x1x120xi32, #tpu.memory_space<hbm>> -> memref<120xi32, #tpu.memory_space<hbm>>
        tpu.wait_dma2 semaphore(%arg21 : memref<!tpu.dma_semaphore, #tpu.memory_space<semaphore_mem>>) src(%dma_wait3A_285 : memref<120xi32, #tpu.memory_space<hbm>>) dst(%arg8 : memref<120xi32, #tpu.memory_space<vmem>>)
        %dma_start3A_286 = arith.constant 0 : i32
        %dma_start3A_287 = arith.constant 0 : i32
        %dma_start3A_288 = tpu.memref_slice %arg4[%dma_start3A_286, %dma_start3A_287] : memref<10112x128xf32, #tpu.memory_space<hbm>> -> memref<10112x128xf32, #tpu.memory_space<hbm>>
        tpu.enqueue_indirect_dma source(%dma_start3A_288 : memref<10112x128xf32, #tpu.memory_space<hbm>>) target(%arg17 : memref<120x128xf32, #tpu.memory_space<vmem>>) offsets(%arg8 : memref<120xi32, #tpu.memory_space<vmem>>) semaphore(%arg30 : memref<!tpu.dma_semaphore, #tpu.memory_space<semaphore_mem>>)
      } else {
      }
    }
    %scan3A_102 = arith.constant 18 : i32
    %gt3A = arith.constant 108 : i32
    %gt3A_103 = arith.cmpi sgt, %select_n3A, %gt3A : i32
    %convert_element_type3A = arith.extui %gt3A_103 : i1 to i32
    %cond3A = arith.constant 0 : i32
    %cond3A_104 = arith.cmpi ne, %convert_element_type3A, %cond3A : i32
    scf.if %cond3A_104 {
      %dma_wait3A_150 = arith.constant 0 : i32
      %dma_wait3A_151 = arith.constant 0 : i32
      %dma_wait3A_152 = tpu.memref_slice %arg4[%dma_wait3A_150, %dma_wait3A_151] : memref<10112x128xf32, #tpu.memory_space<hbm>> -> memref<10112x128xf32, #tpu.memory_space<hbm>>
      tpu.wait_indirect_dma semaphore(%arg28 : memref<!tpu.dma_semaphore, #tpu.memory_space<semaphore_mem>>) src(%dma_wait3A_152 : memref<10112x128xf32, #tpu.memory_space<hbm>>) dst(%arg15 : memref<120x128xf32, #tpu.memory_space<vmem>>)
      %dma_wait3A_153 = arith.constant 108 : i32
      %dma_wait3A_154 = arith.constant 0 : i32
      %dma_wait3A_155 = tpu.memref_slice %arg3[%add3A, %dma_wait3A_153, %dma_wait3A_154] : memref<32x114x120xi32, #tpu.memory_space<hbm>> -> memref<1x1x120xi32, #tpu.memory_space<hbm>>
      %dma_wait3A_156 = tpu.memref_squeeze %dma_wait3A_155 : memref<1x1x120xi32, #tpu.memory_space<hbm>> -> memref<120xi32, #tpu.memory_space<hbm>>
      %dma_wait3A_157 = arith.constant 0 : i32
      %dma_wait3A_158 = tpu.memref_slice %arg3[%add3A, %dma_wait3A_153, %dma_wait3A_157] : memref<32x114x120xi32, #tpu.memory_space<hbm>> -> memref<1x1x120xi32, #tpu.memory_space<hbm>>
      %dma_wait3A_159 = tpu.memref_squeeze %dma_wait3A_158 : memref<1x1x120xi32, #tpu.memory_space<hbm>> -> memref<120xi32, #tpu.memory_space<hbm>>
      tpu.wait_dma2 semaphore(%arg25 : memref<!tpu.dma_semaphore, #tpu.memory_space<semaphore_mem>>) src(%dma_wait3A_159 : memref<120xi32, #tpu.memory_space<hbm>>) dst(%arg12 : memref<120xi32, #tpu.memory_space<vmem>>)
      "tpu.region"() ({
        %run_scoped3A = tpu.sem_alloc : memref<!tpu.dma_semaphore, #tpu.memory_space<semaphore_mem>>
        %dma_start3A_160 = arith.constant 0 : i32
        %dma_start3A_161 = arith.constant 0 : i32
        %dma_start3A_162 = tpu.memref_slice %arg18[%dma_start3A_160, %dma_start3A_161] : memref<10112x128xf32, #tpu.memory_space<vmem_shared>> -> memref<10112x128xf32, #tpu.memory_space<vmem_shared>>
        tpu.enqueue_indirect_dma source(%arg15 : memref<120x128xf32, #tpu.memory_space<vmem>>) target(%dma_start3A_162 : memref<10112x128xf32, #tpu.memory_space<vmem_shared>>) offsets(%arg12 : memref<120xi32, #tpu.memory_space<vmem>>) semaphore(%run_scoped3A : memref<!tpu.dma_semaphore, #tpu.memory_space<semaphore_mem>>) {add = true}
        %dma_wait3A_163 = arith.constant 0 : i32
        %dma_wait3A_164 = arith.constant 0 : i32
        %dma_wait3A_165 = tpu.memref_slice %arg18[%dma_wait3A_163, %dma_wait3A_164] : memref<10112x128xf32, #tpu.memory_space<vmem_shared>> -> memref<10112x128xf32, #tpu.memory_space<vmem_shared>>
        tpu.wait_indirect_dma semaphore(%run_scoped3A : memref<!tpu.dma_semaphore, #tpu.memory_space<semaphore_mem>>) src(%arg15 : memref<120x128xf32, #tpu.memory_space<vmem>>) dst(%dma_wait3A_165 : memref<10112x128xf32, #tpu.memory_space<vmem_shared>>)
        tpu.yield
      }) : () -> ()
    } else {
    }
    %gt3A_105 = arith.constant 111 : i32
    %gt3A_106 = arith.cmpi sgt, %select_n3A, %gt3A_105 : i32
    %convert_element_type3A_107 = arith.extui %gt3A_106 : i1 to i32
    %cond3A_108 = arith.constant 0 : i32
    %cond3A_109 = arith.cmpi ne, %convert_element_type3A_107, %cond3A_108 : i32
    scf.if %cond3A_109 {
      %dma_start3A_150 = arith.constant 111 : i32
      %dma_start3A_151 = arith.constant 0 : i32
      %dma_start3A_152 = tpu.memref_slice %arg3[%add3A, %dma_start3A_150, %dma_start3A_151] : memref<32x114x120xi32, #tpu.memory_space<hbm>> -> memref<1x1x120xi32, #tpu.memory_space<hbm>>
      %dma_start3A_153 = tpu.memref_squeeze %dma_start3A_152 : memref<1x1x120xi32, #tpu.memory_space<hbm>> -> memref<120xi32, #tpu.memory_space<hbm>>
      %dma_start3A_154 = arith.constant 0 : i32
      %dma_start3A_155 = tpu.memref_slice %arg3[%add3A, %dma_start3A_150, %dma_start3A_154] : memref<32x114x120xi32, #tpu.memory_space<hbm>> -> memref<1x1x120xi32, #tpu.memory_space<hbm>>
      %dma_start3A_156 = tpu.memref_squeeze %dma_start3A_155 : memref<1x1x120xi32, #tpu.memory_space<hbm>> -> memref<120xi32, #tpu.memory_space<hbm>>
      tpu.enqueue_dma source(%dma_start3A_156 : memref<120xi32, #tpu.memory_space<hbm>>) target(%arg12 : memref<120xi32, #tpu.memory_space<vmem>>) target_semaphore(%arg25 : memref<!tpu.dma_semaphore, #tpu.memory_space<semaphore_mem>>)
      %dma_wait3A_157 = arith.constant 111 : i32
      %dma_wait3A_158 = arith.constant 0 : i32
      %dma_wait3A_159 = tpu.memref_slice %arg2[%add3A, %dma_wait3A_157, %dma_wait3A_158] : memref<32x114x120xi32, #tpu.memory_space<hbm>> -> memref<1x1x120xi32, #tpu.memory_space<hbm>>
      %dma_wait3A_160 = tpu.memref_squeeze %dma_wait3A_159 : memref<1x1x120xi32, #tpu.memory_space<hbm>> -> memref<120xi32, #tpu.memory_space<hbm>>
      %dma_wait3A_161 = arith.constant 0 : i32
      %dma_wait3A_162 = tpu.memref_slice %arg2[%add3A, %dma_wait3A_157, %dma_wait3A_161] : memref<32x114x120xi32, #tpu.memory_space<hbm>> -> memref<1x1x120xi32, #tpu.memory_space<hbm>>
      %dma_wait3A_163 = tpu.memref_squeeze %dma_wait3A_162 : memref<1x1x120xi32, #tpu.memory_space<hbm>> -> memref<120xi32, #tpu.memory_space<hbm>>
      tpu.wait_dma2 semaphore(%arg22 : memref<!tpu.dma_semaphore, #tpu.memory_space<semaphore_mem>>) src(%dma_wait3A_163 : memref<120xi32, #tpu.memory_space<hbm>>) dst(%arg9 : memref<120xi32, #tpu.memory_space<vmem>>)
      %dma_start3A_164 = arith.constant 0 : i32
      %dma_start3A_165 = arith.constant 0 : i32
      %dma_start3A_166 = tpu.memref_slice %arg4[%dma_start3A_164, %dma_start3A_165] : memref<10112x128xf32, #tpu.memory_space<hbm>> -> memref<10112x128xf32, #tpu.memory_space<hbm>>
      tpu.enqueue_indirect_dma source(%dma_start3A_166 : memref<10112x128xf32, #tpu.memory_space<hbm>>) target(%arg15 : memref<120x128xf32, #tpu.memory_space<vmem>>) offsets(%arg9 : memref<120xi32, #tpu.memory_space<vmem>>) semaphore(%arg28 : memref<!tpu.dma_semaphore, #tpu.memory_space<semaphore_mem>>)
    } else {
    }
    %gt3A_110 = arith.constant 109 : i32
    %gt3A_111 = arith.cmpi sgt, %select_n3A, %gt3A_110 : i32
    %convert_element_type3A_112 = arith.extui %gt3A_111 : i1 to i32
    %cond3A_113 = arith.constant 0 : i32
    %cond3A_114 = arith.cmpi ne, %convert_element_type3A_112, %cond3A_113 : i32
    scf.if %cond3A_114 {
      %dma_wait3A_150 = arith.constant 0 : i32
      %dma_wait3A_151 = arith.constant 0 : i32
      %dma_wait3A_152 = tpu.memref_slice %arg4[%dma_wait3A_150, %dma_wait3A_151] : memref<10112x128xf32, #tpu.memory_space<hbm>> -> memref<10112x128xf32, #tpu.memory_space<hbm>>
      tpu.wait_indirect_dma semaphore(%arg29 : memref<!tpu.dma_semaphore, #tpu.memory_space<semaphore_mem>>) src(%dma_wait3A_152 : memref<10112x128xf32, #tpu.memory_space<hbm>>) dst(%arg16 : memref<120x128xf32, #tpu.memory_space<vmem>>)
      %dma_wait3A_153 = arith.constant 109 : i32
      %dma_wait3A_154 = arith.constant 0 : i32
      %dma_wait3A_155 = tpu.memref_slice %arg3[%add3A, %dma_wait3A_153, %dma_wait3A_154] : memref<32x114x120xi32, #tpu.memory_space<hbm>> -> memref<1x1x120xi32, #tpu.memory_space<hbm>>
      %dma_wait3A_156 = tpu.memref_squeeze %dma_wait3A_155 : memref<1x1x120xi32, #tpu.memory_space<hbm>> -> memref<120xi32, #tpu.memory_space<hbm>>
      %dma_wait3A_157 = arith.constant 0 : i32
      %dma_wait3A_158 = tpu.memref_slice %arg3[%add3A, %dma_wait3A_153, %dma_wait3A_157] : memref<32x114x120xi32, #tpu.memory_space<hbm>> -> memref<1x1x120xi32, #tpu.memory_space<hbm>>
      %dma_wait3A_159 = tpu.memref_squeeze %dma_wait3A_158 : memref<1x1x120xi32, #tpu.memory_space<hbm>> -> memref<120xi32, #tpu.memory_space<hbm>>
      tpu.wait_dma2 semaphore(%arg26 : memref<!tpu.dma_semaphore, #tpu.memory_space<semaphore_mem>>) src(%dma_wait3A_159 : memref<120xi32, #tpu.memory_space<hbm>>) dst(%arg13 : memref<120xi32, #tpu.memory_space<vmem>>)
      "tpu.region"() ({
        %run_scoped3A = tpu.sem_alloc : memref<!tpu.dma_semaphore, #tpu.memory_space<semaphore_mem>>
        %dma_start3A_160 = arith.constant 0 : i32
        %dma_start3A_161 = arith.constant 0 : i32
        %dma_start3A_162 = tpu.memref_slice %arg18[%dma_start3A_160, %dma_start3A_161] : memref<10112x128xf32, #tpu.memory_space<vmem_shared>> -> memref<10112x128xf32, #tpu.memory_space<vmem_shared>>
        tpu.enqueue_indirect_dma source(%arg16 : memref<120x128xf32, #tpu.memory_space<vmem>>) target(%dma_start3A_162 : memref<10112x128xf32, #tpu.memory_space<vmem_shared>>) offsets(%arg13 : memref<120xi32, #tpu.memory_space<vmem>>) semaphore(%run_scoped3A : memref<!tpu.dma_semaphore, #tpu.memory_space<semaphore_mem>>) {add = true}
        %dma_wait3A_163 = arith.constant 0 : i32
        %dma_wait3A_164 = arith.constant 0 : i32
        %dma_wait3A_165 = tpu.memref_slice %arg18[%dma_wait3A_163, %dma_wait3A_164] : memref<10112x128xf32, #tpu.memory_space<vmem_shared>> -> memref<10112x128xf32, #tpu.memory_space<vmem_shared>>
        tpu.wait_indirect_dma semaphore(%run_scoped3A : memref<!tpu.dma_semaphore, #tpu.memory_space<semaphore_mem>>) src(%arg16 : memref<120x128xf32, #tpu.memory_space<vmem>>) dst(%dma_wait3A_165 : memref<10112x128xf32, #tpu.memory_space<vmem_shared>>)
        tpu.yield
      }) : () -> ()
    } else {
    }
    %gt3A_115 = arith.constant 112 : i32
    %gt3A_116 = arith.cmpi sgt, %select_n3A, %gt3A_115 : i32
    %convert_element_type3A_117 = arith.extui %gt3A_116 : i1 to i32
    %cond3A_118 = arith.constant 0 : i32
    %cond3A_119 = arith.cmpi ne, %convert_element_type3A_117, %cond3A_118 : i32
    scf.if %cond3A_119 {
      %dma_start3A_150 = arith.constant 112 : i32
      %dma_start3A_151 = arith.constant 0 : i32
      %dma_start3A_152 = tpu.memref_slice %arg3[%add3A, %dma_start3A_150, %dma_start3A_151] : memref<32x114x120xi32, #tpu.memory_space<hbm>> -> memref<1x1x120xi32, #tpu.memory_space<hbm>>
      %dma_start3A_153 = tpu.memref_squeeze %dma_start3A_152 : memref<1x1x120xi32, #tpu.memory_space<hbm>> -> memref<120xi32, #tpu.memory_space<hbm>>
      %dma_start3A_154 = arith.constant 0 : i32
      %dma_start3A_155 = tpu.memref_slice %arg3[%add3A, %dma_start3A_150, %dma_start3A_154] : memref<32x114x120xi32, #tpu.memory_space<hbm>> -> memref<1x1x120xi32, #tpu.memory_space<hbm>>
      %dma_start3A_156 = tpu.memref_squeeze %dma_start3A_155 : memref<1x1x120xi32, #tpu.memory_space<hbm>> -> memref<120xi32, #tpu.memory_space<hbm>>
      tpu.enqueue_dma source(%dma_start3A_156 : memref<120xi32, #tpu.memory_space<hbm>>) target(%arg13 : memref<120xi32, #tpu.memory_space<vmem>>) target_semaphore(%arg26 : memref<!tpu.dma_semaphore, #tpu.memory_space<semaphore_mem>>)
      %dma_wait3A_157 = arith.constant 112 : i32
      %dma_wait3A_158 = arith.constant 0 : i32
      %dma_wait3A_159 = tpu.memref_slice %arg2[%add3A, %dma_wait3A_157, %dma_wait3A_158] : memref<32x114x120xi32, #tpu.memory_space<hbm>> -> memref<1x1x120xi32, #tpu.memory_space<hbm>>
      %dma_wait3A_160 = tpu.memref_squeeze %dma_wait3A_159 : memref<1x1x120xi32, #tpu.memory_space<hbm>> -> memref<120xi32, #tpu.memory_space<hbm>>
      %dma_wait3A_161 = arith.constant 0 : i32
      %dma_wait3A_162 = tpu.memref_slice %arg2[%add3A, %dma_wait3A_157, %dma_wait3A_161] : memref<32x114x120xi32, #tpu.memory_space<hbm>> -> memref<1x1x120xi32, #tpu.memory_space<hbm>>
      %dma_wait3A_163 = tpu.memref_squeeze %dma_wait3A_162 : memref<1x1x120xi32, #tpu.memory_space<hbm>> -> memref<120xi32, #tpu.memory_space<hbm>>
      tpu.wait_dma2 semaphore(%arg23 : memref<!tpu.dma_semaphore, #tpu.memory_space<semaphore_mem>>) src(%dma_wait3A_163 : memref<120xi32, #tpu.memory_space<hbm>>) dst(%arg10 : memref<120xi32, #tpu.memory_space<vmem>>)
      %dma_start3A_164 = arith.constant 0 : i32
      %dma_start3A_165 = arith.constant 0 : i32
      %dma_start3A_166 = tpu.memref_slice %arg4[%dma_start3A_164, %dma_start3A_165] : memref<10112x128xf32, #tpu.memory_space<hbm>> -> memref<10112x128xf32, #tpu.memory_space<hbm>>
      tpu.enqueue_indirect_dma source(%dma_start3A_166 : memref<10112x128xf32, #tpu.memory_space<hbm>>) target(%arg16 : memref<120x128xf32, #tpu.memory_space<vmem>>) offsets(%arg10 : memref<120xi32, #tpu.memory_space<vmem>>) semaphore(%arg29 : memref<!tpu.dma_semaphore, #tpu.memory_space<semaphore_mem>>)
    } else {
    }
    %gt3A_120 = arith.constant 110 : i32
    %gt3A_121 = arith.cmpi sgt, %select_n3A, %gt3A_120 : i32
    %convert_element_type3A_122 = arith.extui %gt3A_121 : i1 to i32
    %cond3A_123 = arith.constant 0 : i32
    %cond3A_124 = arith.cmpi ne, %convert_element_type3A_122, %cond3A_123 : i32
    scf.if %cond3A_124 {
      %dma_wait3A_150 = arith.constant 0 : i32
      %dma_wait3A_151 = arith.constant 0 : i32
      %dma_wait3A_152 = tpu.memref_slice %arg4[%dma_wait3A_150, %dma_wait3A_151] : memref<10112x128xf32, #tpu.memory_space<hbm>> -> memref<10112x128xf32, #tpu.memory_space<hbm>>
      tpu.wait_indirect_dma semaphore(%arg30 : memref<!tpu.dma_semaphore, #tpu.memory_space<semaphore_mem>>) src(%dma_wait3A_152 : memref<10112x128xf32, #tpu.memory_space<hbm>>) dst(%arg17 : memref<120x128xf32, #tpu.memory_space<vmem>>)
      %dma_wait3A_153 = arith.constant 110 : i32
      %dma_wait3A_154 = arith.constant 0 : i32
      %dma_wait3A_155 = tpu.memref_slice %arg3[%add3A, %dma_wait3A_153, %dma_wait3A_154] : memref<32x114x120xi32, #tpu.memory_space<hbm>> -> memref<1x1x120xi32, #tpu.memory_space<hbm>>
      %dma_wait3A_156 = tpu.memref_squeeze %dma_wait3A_155 : memref<1x1x120xi32, #tpu.memory_space<hbm>> -> memref<120xi32, #tpu.memory_space<hbm>>
      %dma_wait3A_157 = arith.constant 0 : i32
      %dma_wait3A_158 = tpu.memref_slice %arg3[%add3A, %dma_wait3A_153, %dma_wait3A_157] : memref<32x114x120xi32, #tpu.memory_space<hbm>> -> memref<1x1x120xi32, #tpu.memory_space<hbm>>
      %dma_wait3A_159 = tpu.memref_squeeze %dma_wait3A_158 : memref<1x1x120xi32, #tpu.memory_space<hbm>> -> memref<120xi32, #tpu.memory_space<hbm>>
      tpu.wait_dma2 semaphore(%arg27 : memref<!tpu.dma_semaphore, #tpu.memory_space<semaphore_mem>>) src(%dma_wait3A_159 : memref<120xi32, #tpu.memory_space<hbm>>) dst(%arg14 : memref<120xi32, #tpu.memory_space<vmem>>)
      "tpu.region"() ({
        %run_scoped3A = tpu.sem_alloc : memref<!tpu.dma_semaphore, #tpu.memory_space<semaphore_mem>>
        %dma_start3A_160 = arith.constant 0 : i32
        %dma_start3A_161 = arith.constant 0 : i32
        %dma_start3A_162 = tpu.memref_slice %arg18[%dma_start3A_160, %dma_start3A_161] : memref<10112x128xf32, #tpu.memory_space<vmem_shared>> -> memref<10112x128xf32, #tpu.memory_space<vmem_shared>>
        tpu.enqueue_indirect_dma source(%arg17 : memref<120x128xf32, #tpu.memory_space<vmem>>) target(%dma_start3A_162 : memref<10112x128xf32, #tpu.memory_space<vmem_shared>>) offsets(%arg14 : memref<120xi32, #tpu.memory_space<vmem>>) semaphore(%run_scoped3A : memref<!tpu.dma_semaphore, #tpu.memory_space<semaphore_mem>>) {add = true}
        %dma_wait3A_163 = arith.constant 0 : i32
        %dma_wait3A_164 = arith.constant 0 : i32
        %dma_wait3A_165 = tpu.memref_slice %arg18[%dma_wait3A_163, %dma_wait3A_164] : memref<10112x128xf32, #tpu.memory_space<vmem_shared>> -> memref<10112x128xf32, #tpu.memory_space<vmem_shared>>
        tpu.wait_indirect_dma semaphore(%run_scoped3A : memref<!tpu.dma_semaphore, #tpu.memory_space<semaphore_mem>>) src(%arg17 : memref<120x128xf32, #tpu.memory_space<vmem>>) dst(%dma_wait3A_165 : memref<10112x128xf32, #tpu.memory_space<vmem_shared>>)
        tpu.yield
      }) : () -> ()
    } else {
    }
    %gt3A_125 = arith.constant 113 : i32
    %gt3A_126 = arith.cmpi sgt, %select_n3A, %gt3A_125 : i32
    %convert_element_type3A_127 = arith.extui %gt3A_126 : i1 to i32
    %cond3A_128 = arith.constant 0 : i32
    %cond3A_129 = arith.cmpi ne, %convert_element_type3A_127, %cond3A_128 : i32
    scf.if %cond3A_129 {
      %dma_start3A_150 = arith.constant 113 : i32
      %dma_start3A_151 = arith.constant 0 : i32
      %dma_start3A_152 = tpu.memref_slice %arg3[%add3A, %dma_start3A_150, %dma_start3A_151] : memref<32x114x120xi32, #tpu.memory_space<hbm>> -> memref<1x1x120xi32, #tpu.memory_space<hbm>>
      %dma_start3A_153 = tpu.memref_squeeze %dma_start3A_152 : memref<1x1x120xi32, #tpu.memory_space<hbm>> -> memref<120xi32, #tpu.memory_space<hbm>>
      %dma_start3A_154 = arith.constant 0 : i32
      %dma_start3A_155 = tpu.memref_slice %arg3[%add3A, %dma_start3A_150, %dma_start3A_154] : memref<32x114x120xi32, #tpu.memory_space<hbm>> -> memref<1x1x120xi32, #tpu.memory_space<hbm>>
      %dma_start3A_156 = tpu.memref_squeeze %dma_start3A_155 : memref<1x1x120xi32, #tpu.memory_space<hbm>> -> memref<120xi32, #tpu.memory_space<hbm>>
      tpu.enqueue_dma source(%dma_start3A_156 : memref<120xi32, #tpu.memory_space<hbm>>) target(%arg14 : memref<120xi32, #tpu.memory_space<vmem>>) target_semaphore(%arg27 : memref<!tpu.dma_semaphore, #tpu.memory_space<semaphore_mem>>)
      %dma_wait3A_157 = arith.constant 113 : i32
      %dma_wait3A_158 = arith.constant 0 : i32
      %dma_wait3A_159 = tpu.memref_slice %arg2[%add3A, %dma_wait3A_157, %dma_wait3A_158] : memref<32x114x120xi32, #tpu.memory_space<hbm>> -> memref<1x1x120xi32, #tpu.memory_space<hbm>>
      %dma_wait3A_160 = tpu.memref_squeeze %dma_wait3A_159 : memref<1x1x120xi32, #tpu.memory_space<hbm>> -> memref<120xi32, #tpu.memory_space<hbm>>
      %dma_wait3A_161 = arith.constant 0 : i32
      %dma_wait3A_162 = tpu.memref_slice %arg2[%add3A, %dma_wait3A_157, %dma_wait3A_161] : memref<32x114x120xi32, #tpu.memory_space<hbm>> -> memref<1x1x120xi32, #tpu.memory_space<hbm>>
      %dma_wait3A_163 = tpu.memref_squeeze %dma_wait3A_162 : memref<1x1x120xi32, #tpu.memory_space<hbm>> -> memref<120xi32, #tpu.memory_space<hbm>>
      tpu.wait_dma2 semaphore(%arg24 : memref<!tpu.dma_semaphore, #tpu.memory_space<semaphore_mem>>) src(%dma_wait3A_163 : memref<120xi32, #tpu.memory_space<hbm>>) dst(%arg11 : memref<120xi32, #tpu.memory_space<vmem>>)
      %dma_start3A_164 = arith.constant 0 : i32
      %dma_start3A_165 = arith.constant 0 : i32
      %dma_start3A_166 = tpu.memref_slice %arg4[%dma_start3A_164, %dma_start3A_165] : memref<10112x128xf32, #tpu.memory_space<hbm>> -> memref<10112x128xf32, #tpu.memory_space<hbm>>
      tpu.enqueue_indirect_dma source(%dma_start3A_166 : memref<10112x128xf32, #tpu.memory_space<hbm>>) target(%arg17 : memref<120x128xf32, #tpu.memory_space<vmem>>) offsets(%arg11 : memref<120xi32, #tpu.memory_space<vmem>>) semaphore(%arg30 : memref<!tpu.dma_semaphore, #tpu.memory_space<semaphore_mem>>)
    } else {
    }
    %gt3A_130 = arith.constant 111 : i32
    %gt3A_131 = arith.cmpi sgt, %select_n3A, %gt3A_130 : i32
    %convert_element_type3A_132 = arith.extui %gt3A_131 : i1 to i32
    %cond3A_133 = arith.constant 0 : i32
    %cond3A_134 = arith.cmpi ne, %convert_element_type3A_132, %cond3A_133 : i32
    scf.if %cond3A_134 {
      %dma_wait3A_150 = arith.constant 0 : i32
      %dma_wait3A_151 = arith.constant 0 : i32
      %dma_wait3A_152 = tpu.memref_slice %arg4[%dma_wait3A_150, %dma_wait3A_151] : memref<10112x128xf32, #tpu.memory_space<hbm>> -> memref<10112x128xf32, #tpu.memory_space<hbm>>
      tpu.wait_indirect_dma semaphore(%arg28 : memref<!tpu.dma_semaphore, #tpu.memory_space<semaphore_mem>>) src(%dma_wait3A_152 : memref<10112x128xf32, #tpu.memory_space<hbm>>) dst(%arg15 : memref<120x128xf32, #tpu.memory_space<vmem>>)
      %dma_wait3A_153 = arith.constant 111 : i32
      %dma_wait3A_154 = arith.constant 0 : i32
      %dma_wait3A_155 = tpu.memref_slice %arg3[%add3A, %dma_wait3A_153, %dma_wait3A_154] : memref<32x114x120xi32, #tpu.memory_space<hbm>> -> memref<1x1x120xi32, #tpu.memory_space<hbm>>
      %dma_wait3A_156 = tpu.memref_squeeze %dma_wait3A_155 : memref<1x1x120xi32, #tpu.memory_space<hbm>> -> memref<120xi32, #tpu.memory_space<hbm>>
      %dma_wait3A_157 = arith.constant 0 : i32
      %dma_wait3A_158 = tpu.memref_slice %arg3[%add3A, %dma_wait3A_153, %dma_wait3A_157] : memref<32x114x120xi32, #tpu.memory_space<hbm>> -> memref<1x1x120xi32, #tpu.memory_space<hbm>>
      %dma_wait3A_159 = tpu.memref_squeeze %dma_wait3A_158 : memref<1x1x120xi32, #tpu.memory_space<hbm>> -> memref<120xi32, #tpu.memory_space<hbm>>
      tpu.wait_dma2 semaphore(%arg25 : memref<!tpu.dma_semaphore, #tpu.memory_space<semaphore_mem>>) src(%dma_wait3A_159 : memref<120xi32, #tpu.memory_space<hbm>>) dst(%arg12 : memref<120xi32, #tpu.memory_space<vmem>>)
      "tpu.region"() ({
        %run_scoped3A = tpu.sem_alloc : memref<!tpu.dma_semaphore, #tpu.memory_space<semaphore_mem>>
        %dma_start3A_160 = arith.constant 0 : i32
        %dma_start3A_161 = arith.constant 0 : i32
        %dma_start3A_162 = tpu.memref_slice %arg18[%dma_start3A_160, %dma_start3A_161] : memref<10112x128xf32, #tpu.memory_space<vmem_shared>> -> memref<10112x128xf32, #tpu.memory_space<vmem_shared>>
        tpu.enqueue_indirect_dma source(%arg15 : memref<120x128xf32, #tpu.memory_space<vmem>>) target(%dma_start3A_162 : memref<10112x128xf32, #tpu.memory_space<vmem_shared>>) offsets(%arg12 : memref<120xi32, #tpu.memory_space<vmem>>) semaphore(%run_scoped3A : memref<!tpu.dma_semaphore, #tpu.memory_space<semaphore_mem>>) {add = true}
        %dma_wait3A_163 = arith.constant 0 : i32
        %dma_wait3A_164 = arith.constant 0 : i32
        %dma_wait3A_165 = tpu.memref_slice %arg18[%dma_wait3A_163, %dma_wait3A_164] : memref<10112x128xf32, #tpu.memory_space<vmem_shared>> -> memref<10112x128xf32, #tpu.memory_space<vmem_shared>>
        tpu.wait_indirect_dma semaphore(%run_scoped3A : memref<!tpu.dma_semaphore, #tpu.memory_space<semaphore_mem>>) src(%arg15 : memref<120x128xf32, #tpu.memory_space<vmem>>) dst(%dma_wait3A_165 : memref<10112x128xf32, #tpu.memory_space<vmem_shared>>)
        tpu.yield
      }) : () -> ()
    } else {
    }
    %gt3A_135 = arith.constant 112 : i32
    %gt3A_136 = arith.cmpi sgt, %select_n3A, %gt3A_135 : i32
    %convert_element_type3A_137 = arith.extui %gt3A_136 : i1 to i32
    %cond3A_138 = arith.constant 0 : i32
    %cond3A_139 = arith.cmpi ne, %convert_element_type3A_137, %cond3A_138 : i32
    scf.if %cond3A_139 {
      %dma_wait3A_150 = arith.constant 0 : i32
      %dma_wait3A_151 = arith.constant 0 : i32
      %dma_wait3A_152 = tpu.memref_slice %arg4[%dma_wait3A_150, %dma_wait3A_151] : memref<10112x128xf32, #tpu.memory_space<hbm>> -> memref<10112x128xf32, #tpu.memory_space<hbm>>
      tpu.wait_indirect_dma semaphore(%arg29 : memref<!tpu.dma_semaphore, #tpu.memory_space<semaphore_mem>>) src(%dma_wait3A_152 : memref<10112x128xf32, #tpu.memory_space<hbm>>) dst(%arg16 : memref<120x128xf32, #tpu.memory_space<vmem>>)
      %dma_wait3A_153 = arith.constant 112 : i32
      %dma_wait3A_154 = arith.constant 0 : i32
      %dma_wait3A_155 = tpu.memref_slice %arg3[%add3A, %dma_wait3A_153, %dma_wait3A_154] : memref<32x114x120xi32, #tpu.memory_space<hbm>> -> memref<1x1x120xi32, #tpu.memory_space<hbm>>
      %dma_wait3A_156 = tpu.memref_squeeze %dma_wait3A_155 : memref<1x1x120xi32, #tpu.memory_space<hbm>> -> memref<120xi32, #tpu.memory_space<hbm>>
      %dma_wait3A_157 = arith.constant 0 : i32
      %dma_wait3A_158 = tpu.memref_slice %arg3[%add3A, %dma_wait3A_153, %dma_wait3A_157] : memref<32x114x120xi32, #tpu.memory_space<hbm>> -> memref<1x1x120xi32, #tpu.memory_space<hbm>>
      %dma_wait3A_159 = tpu.memref_squeeze %dma_wait3A_158 : memref<1x1x120xi32, #tpu.memory_space<hbm>> -> memref<120xi32, #tpu.memory_space<hbm>>
      tpu.wait_dma2 semaphore(%arg26 : memref<!tpu.dma_semaphore, #tpu.memory_space<semaphore_mem>>) src(%dma_wait3A_159 : memref<120xi32, #tpu.memory_space<hbm>>) dst(%arg13 : memref<120xi32, #tpu.memory_space<vmem>>)
      "tpu.region"() ({
        %run_scoped3A = tpu.sem_alloc : memref<!tpu.dma_semaphore, #tpu.memory_space<semaphore_mem>>
        %dma_start3A_160 = arith.constant 0 : i32
        %dma_start3A_161 = arith.constant 0 : i32
        %dma_start3A_162 = tpu.memref_slice %arg18[%dma_start3A_160, %dma_start3A_161] : memref<10112x128xf32, #tpu.memory_space<vmem_shared>> -> memref<10112x128xf32, #tpu.memory_space<vmem_shared>>
        tpu.enqueue_indirect_dma source(%arg16 : memref<120x128xf32, #tpu.memory_space<vmem>>) target(%dma_start3A_162 : memref<10112x128xf32, #tpu.memory_space<vmem_shared>>) offsets(%arg13 : memref<120xi32, #tpu.memory_space<vmem>>) semaphore(%run_scoped3A : memref<!tpu.dma_semaphore, #tpu.memory_space<semaphore_mem>>) {add = true}
        %dma_wait3A_163 = arith.constant 0 : i32
        %dma_wait3A_164 = arith.constant 0 : i32
        %dma_wait3A_165 = tpu.memref_slice %arg18[%dma_wait3A_163, %dma_wait3A_164] : memref<10112x128xf32, #tpu.memory_space<vmem_shared>> -> memref<10112x128xf32, #tpu.memory_space<vmem_shared>>
        tpu.wait_indirect_dma semaphore(%run_scoped3A : memref<!tpu.dma_semaphore, #tpu.memory_space<semaphore_mem>>) src(%arg16 : memref<120x128xf32, #tpu.memory_space<vmem>>) dst(%dma_wait3A_165 : memref<10112x128xf32, #tpu.memory_space<vmem_shared>>)
        tpu.yield
      }) : () -> ()
    } else {
    }
    %gt3A_140 = arith.constant 113 : i32
    %gt3A_141 = arith.cmpi sgt, %select_n3A, %gt3A_140 : i32
    %convert_element_type3A_142 = arith.extui %gt3A_141 : i1 to i32
    %cond3A_143 = arith.constant 0 : i32
    %cond3A_144 = arith.cmpi ne, %convert_element_type3A_142, %cond3A_143 : i32
    scf.if %cond3A_144 {
      %dma_wait3A_150 = arith.constant 0 : i32
      %dma_wait3A_151 = arith.constant 0 : i32
      %dma_wait3A_152 = tpu.memref_slice %arg4[%dma_wait3A_150, %dma_wait3A_151] : memref<10112x128xf32, #tpu.memory_space<hbm>> -> memref<10112x128xf32, #tpu.memory_space<hbm>>
      tpu.wait_indirect_dma semaphore(%arg30 : memref<!tpu.dma_semaphore, #tpu.memory_space<semaphore_mem>>) src(%dma_wait3A_152 : memref<10112x128xf32, #tpu.memory_space<hbm>>) dst(%arg17 : memref<120x128xf32, #tpu.memory_space<vmem>>)
      %dma_wait3A_153 = arith.constant 113 : i32
      %dma_wait3A_154 = arith.constant 0 : i32
      %dma_wait3A_155 = tpu.memref_slice %arg3[%add3A, %dma_wait3A_153, %dma_wait3A_154] : memref<32x114x120xi32, #tpu.memory_space<hbm>> -> memref<1x1x120xi32, #tpu.memory_space<hbm>>
      %dma_wait3A_156 = tpu.memref_squeeze %dma_wait3A_155 : memref<1x1x120xi32, #tpu.memory_space<hbm>> -> memref<120xi32, #tpu.memory_space<hbm>>
      %dma_wait3A_157 = arith.constant 0 : i32
      %dma_wait3A_158 = tpu.memref_slice %arg3[%add3A, %dma_wait3A_153, %dma_wait3A_157] : memref<32x114x120xi32, #tpu.memory_space<hbm>> -> memref<1x1x120xi32, #tpu.memory_space<hbm>>
      %dma_wait3A_159 = tpu.memref_squeeze %dma_wait3A_158 : memref<1x1x120xi32, #tpu.memory_space<hbm>> -> memref<120xi32, #tpu.memory_space<hbm>>
      tpu.wait_dma2 semaphore(%arg27 : memref<!tpu.dma_semaphore, #tpu.memory_space<semaphore_mem>>) src(%dma_wait3A_159 : memref<120xi32, #tpu.memory_space<hbm>>) dst(%arg14 : memref<120xi32, #tpu.memory_space<vmem>>)
      "tpu.region"() ({
        %run_scoped3A = tpu.sem_alloc : memref<!tpu.dma_semaphore, #tpu.memory_space<semaphore_mem>>
        %dma_start3A_160 = arith.constant 0 : i32
        %dma_start3A_161 = arith.constant 0 : i32
        %dma_start3A_162 = tpu.memref_slice %arg18[%dma_start3A_160, %dma_start3A_161] : memref<10112x128xf32, #tpu.memory_space<vmem_shared>> -> memref<10112x128xf32, #tpu.memory_space<vmem_shared>>
        tpu.enqueue_indirect_dma source(%arg17 : memref<120x128xf32, #tpu.memory_space<vmem>>) target(%dma_start3A_162 : memref<10112x128xf32, #tpu.memory_space<vmem_shared>>) offsets(%arg14 : memref<120xi32, #tpu.memory_space<vmem>>) semaphore(%run_scoped3A : memref<!tpu.dma_semaphore, #tpu.memory_space<semaphore_mem>>) {add = true}
        %dma_wait3A_163 = arith.constant 0 : i32
        %dma_wait3A_164 = arith.constant 0 : i32
        %dma_wait3A_165 = tpu.memref_slice %arg18[%dma_wait3A_163, %dma_wait3A_164] : memref<10112x128xf32, #tpu.memory_space<vmem_shared>> -> memref<10112x128xf32, #tpu.memory_space<vmem_shared>>
        tpu.wait_indirect_dma semaphore(%run_scoped3A : memref<!tpu.dma_semaphore, #tpu.memory_space<semaphore_mem>>) src(%arg17 : memref<120x128xf32, #tpu.memory_space<vmem>>) dst(%dma_wait3A_165 : memref<10112x128xf32, #tpu.memory_space<vmem_shared>>)
        tpu.yield
      }) : () -> ()
    } else {
    }
    %barrier3A_145 = arith.constant 0 : index
    tpu.barrier barrier_id(%barrier3A_145)
    %mul3A_146 = arith.constant 632 : i32
    %mul3A_147 = arith.muli %arg1, %mul3A_146 : i32
    %mul3A_148 = arith.constant 632 : i32
    %mul3A_149 = arith.muli %arg1, %mul3A_148 : i32
    "tpu.region"() ({
      %run_scoped3A = tpu.sem_alloc : memref<!tpu.dma_semaphore, #tpu.memory_space<semaphore_mem>>
      %dma_start3A_150 = arith.constant 0 : i32
      %dma_start3A_151 = tpu.memref_slice %arg5[%arg0, %mul3A_149, %dma_start3A_150] : memref<2x10112x128xf32, #tpu.memory_space<hbm>> -> memref<1x632x128xf32, #tpu.memory_space<hbm>>
      %dma_start3A_152 = tpu.memref_squeeze %dma_start3A_151 : memref<1x632x128xf32, #tpu.memory_space<hbm>> -> memref<632x128xf32, #tpu.memory_space<hbm>>
      %dma_start3A_153 = arith.constant 0 : i32
      %dma_start3A_154 = tpu.memref_slice %arg18[%mul3A_147, %dma_start3A_153] : memref<10112x128xf32, #tpu.memory_space<vmem_shared>> -> memref<632x128xf32, #tpu.memory_space<vmem_shared>>
      tpu.enqueue_dma source(%dma_start3A_154 : memref<632x128xf32, #tpu.memory_space<vmem_shared>>) target(%dma_start3A_152 : memref<632x128xf32, #tpu.memory_space<hbm>>) target_semaphore(%run_scoped3A : memref<!tpu.dma_semaphore, #tpu.memory_space<semaphore_mem>>)
      %dma_wait3A_155 = arith.constant 0 : i32
      %dma_wait3A_156 = tpu.memref_slice %arg5[%arg0, %mul3A_149, %dma_wait3A_155] : memref<2x10112x128xf32, #tpu.memory_space<hbm>> -> memref<1x632x128xf32, #tpu.memory_space<hbm>>
      %dma_wait3A_157 = tpu.memref_squeeze %dma_wait3A_156 : memref<1x632x128xf32, #tpu.memory_space<hbm>> -> memref<632x128xf32, #tpu.memory_space<hbm>>
      %dma_wait3A_158 = arith.constant 0 : i32
      %dma_wait3A_159 = tpu.memref_slice %arg18[%mul3A_147, %dma_wait3A_158] : memref<10112x128xf32, #tpu.memory_space<vmem_shared>> -> memref<632x128xf32, #tpu.memory_space<vmem_shared>>
      tpu.wait_dma2 semaphore(%run_scoped3A : memref<!tpu.dma_semaphore, #tpu.memory_space<semaphore_mem>>) src(%dma_wait3A_159 : memref<632x128xf32, #tpu.memory_space<vmem_shared>>) dst(%dma_wait3A_157 : memref<632x128xf32, #tpu.memory_space<hbm>>)
      tpu.yield
    }) : () -> ()
    return
  }
}

#map = affine_map<(d0, d1) -> (0, 0, 0)>
#map1 = affine_map<(d0, d1) -> (0, 0)>
module attributes {stable_mosaic.version = 14 : i64} {
  func.func @agg(%arg0: i32, %arg1: i32, %arg2: memref<32x114x120xi32, #tpu.memory_space<hbm>>, %arg3: memref<32x114x120xi32, #tpu.memory_space<hbm>>, %arg4: memref<10112x128xf32, #tpu.memory_space<hbm>>, %arg5: memref<2x10112x128xf32, #tpu.memory_space<hbm>>, %arg6: memref<120xi32, #tpu.memory_space<vmem>>, %arg7: memref<120xi32, #tpu.memory_space<vmem>>, %arg8: memref<120xi32, #tpu.memory_space<vmem>>, %arg9: memref<120xi32, #tpu.memory_space<vmem>>, %arg10: memref<120xi32, #tpu.memory_space<vmem>>, %arg11: memref<120xi32, #tpu.memory_space<vmem>>, %arg12: memref<120xi32, #tpu.memory_space<vmem>>, %arg13: memref<120xi32, #tpu.memory_space<vmem>>, %arg14: memref<120xi32, #tpu.memory_space<vmem>>, %arg15: memref<120x128xf32, #tpu.memory_space<vmem>>, %arg16: memref<120x128xf32, #tpu.memory_space<vmem>>, %arg17: memref<120x128xf32, #tpu.memory_space<vmem>>, %arg18: memref<10112x128xf32, #tpu.memory_space<vmem_shared>>, %arg19: memref<!tpu.dma_semaphore, #tpu.memory_space<semaphore_mem>>, %arg20: memref<!tpu.dma_semaphore, #tpu.memory_space<semaphore_mem>>, %arg21: memref<!tpu.dma_semaphore, #tpu.memory_space<semaphore_mem>>, %arg22: memref<!tpu.dma_semaphore, #tpu.memory_space<semaphore_mem>>, %arg23: memref<!tpu.dma_semaphore, #tpu.memory_space<semaphore_mem>>, %arg24: memref<!tpu.dma_semaphore, #tpu.memory_space<semaphore_mem>>, %arg25: memref<!tpu.dma_semaphore, #tpu.memory_space<semaphore_mem>>, %arg26: memref<!tpu.dma_semaphore, #tpu.memory_space<semaphore_mem>>, %arg27: memref<!tpu.dma_semaphore, #tpu.memory_space<semaphore_mem>>, %arg28: memref<!tpu.dma_semaphore, #tpu.memory_space<semaphore_mem>>, %arg29: memref<!tpu.dma_semaphore, #tpu.memory_space<semaphore_mem>>, %arg30: memref<!tpu.dma_semaphore, #tpu.memory_space<semaphore_mem>>) attributes {dimension_semantics = [#tpu.dimension_semantics<core_parallel>, #tpu.dimension_semantics<subcore_parallel>], iteration_bounds = array<i64: 2, 16>, scalar_prefetch = 0 : i64, scratch_operands = 25 : i64, tpu.core_type = #tpu.core_type<sc_vector_subcore>, window_params = [{transform_indices = #map}, {transform_indices = #map}, {transform_indices = #map1}, {transform_indices = #map}]} {
    %mul3A = arith.constant 16 : i32
    %mul3A_0 = arith.muli %arg0, %mul3A : i32
    %add3A = arith.addi %mul3A_0, %arg1 : i32
    %eq3A = arith.constant 0 : i32
    %eq3A_1 = arith.cmpi eq, %arg0, %eq3A : i32
    %jit3A = arith.constant 96 : i32
    %jit3A_2 = arith.constant 72 : i32
    %select_n3A = arith.select %eq3A_1, %jit3A, %jit3A_2 : i32
    %dma_start3A = arith.constant 0 : i32
    %dma_start3A_3 = arith.constant 0 : i32
    %dma_start3A_4 = tpu.memref_slice %arg2[%add3A, %dma_start3A, %dma_start3A_3] : memref<32x114x120xi32, #tpu.memory_space<hbm>> -> memref<1x1x120xi32, #tpu.memory_space<hbm>>
    %dma_start3A_5 = tpu.memref_squeeze %dma_start3A_4 : memref<1x1x120xi32, #tpu.memory_space<hbm>> -> memref<120xi32, #tpu.memory_space<hbm>>
    %dma_start3A_6 = arith.constant 0 : i32
    %dma_start3A_7 = tpu.memref_slice %arg2[%add3A, %dma_start3A, %dma_start3A_6] : memref<32x114x120xi32, #tpu.memory_space<hbm>> -> memref<1x1x120xi32, #tpu.memory_space<hbm>>
    %dma_start3A_8 = tpu.memref_squeeze %dma_start3A_7 : memref<1x1x120xi32, #tpu.memory_space<hbm>> -> memref<120xi32, #tpu.memory_space<hbm>>
    tpu.enqueue_dma source(%dma_start3A_8 : memref<120xi32, #tpu.memory_space<hbm>>) target(%arg6 : memref<120xi32, #tpu.memory_space<vmem>>) target_semaphore(%arg19 : memref<!tpu.dma_semaphore, #tpu.memory_space<semaphore_mem>>)
    %dma_start3A_9 = arith.constant 1 : i32
    %dma_start3A_10 = arith.constant 0 : i32
    %dma_start3A_11 = tpu.memref_slice %arg2[%add3A, %dma_start3A_9, %dma_start3A_10] : memref<32x114x120xi32, #tpu.memory_space<hbm>> -> memref<1x1x120xi32, #tpu.memory_space<hbm>>
    %dma_start3A_12 = tpu.memref_squeeze %dma_start3A_11 : memref<1x1x120xi32, #tpu.memory_space<hbm>> -> memref<120xi32, #tpu.memory_space<hbm>>
    %dma_start3A_13 = arith.constant 0 : i32
    %dma_start3A_14 = tpu.memref_slice %arg2[%add3A, %dma_start3A_9, %dma_start3A_13] : memref<32x114x120xi32, #tpu.memory_space<hbm>> -> memref<1x1x120xi32, #tpu.memory_space<hbm>>
    %dma_start3A_15 = tpu.memref_squeeze %dma_start3A_14 : memref<1x1x120xi32, #tpu.memory_space<hbm>> -> memref<120xi32, #tpu.memory_space<hbm>>
    tpu.enqueue_dma source(%dma_start3A_15 : memref<120xi32, #tpu.memory_space<hbm>>) target(%arg7 : memref<120xi32, #tpu.memory_space<vmem>>) target_semaphore(%arg20 : memref<!tpu.dma_semaphore, #tpu.memory_space<semaphore_mem>>)
    %dma_start3A_16 = arith.constant 2 : i32
    %dma_start3A_17 = arith.constant 0 : i32
    %dma_start3A_18 = tpu.memref_slice %arg2[%add3A, %dma_start3A_16, %dma_start3A_17] : memref<32x114x120xi32, #tpu.memory_space<hbm>> -> memref<1x1x120xi32, #tpu.memory_space<hbm>>
    %dma_start3A_19 = tpu.memref_squeeze %dma_start3A_18 : memref<1x1x120xi32, #tpu.memory_space<hbm>> -> memref<120xi32, #tpu.memory_space<hbm>>
    %dma_start3A_20 = arith.constant 0 : i32
    %dma_start3A_21 = tpu.memref_slice %arg2[%add3A, %dma_start3A_16, %dma_start3A_20] : memref<32x114x120xi32, #tpu.memory_space<hbm>> -> memref<1x1x120xi32, #tpu.memory_space<hbm>>
    %dma_start3A_22 = tpu.memref_squeeze %dma_start3A_21 : memref<1x1x120xi32, #tpu.memory_space<hbm>> -> memref<120xi32, #tpu.memory_space<hbm>>
    tpu.enqueue_dma source(%dma_start3A_22 : memref<120xi32, #tpu.memory_space<hbm>>) target(%arg8 : memref<120xi32, #tpu.memory_space<vmem>>) target_semaphore(%arg21 : memref<!tpu.dma_semaphore, #tpu.memory_space<semaphore_mem>>)
    %dma_start3A_23 = arith.constant 3 : i32
    %dma_start3A_24 = arith.constant 0 : i32
    %dma_start3A_25 = tpu.memref_slice %arg2[%add3A, %dma_start3A_23, %dma_start3A_24] : memref<32x114x120xi32, #tpu.memory_space<hbm>> -> memref<1x1x120xi32, #tpu.memory_space<hbm>>
    %dma_start3A_26 = tpu.memref_squeeze %dma_start3A_25 : memref<1x1x120xi32, #tpu.memory_space<hbm>> -> memref<120xi32, #tpu.memory_space<hbm>>
    %dma_start3A_27 = arith.constant 0 : i32
    %dma_start3A_28 = tpu.memref_slice %arg2[%add3A, %dma_start3A_23, %dma_start3A_27] : memref<32x114x120xi32, #tpu.memory_space<hbm>> -> memref<1x1x120xi32, #tpu.memory_space<hbm>>
    %dma_start3A_29 = tpu.memref_squeeze %dma_start3A_28 : memref<1x1x120xi32, #tpu.memory_space<hbm>> -> memref<120xi32, #tpu.memory_space<hbm>>
    tpu.enqueue_dma source(%dma_start3A_29 : memref<120xi32, #tpu.memory_space<hbm>>) target(%arg9 : memref<120xi32, #tpu.memory_space<vmem>>) target_semaphore(%arg22 : memref<!tpu.dma_semaphore, #tpu.memory_space<semaphore_mem>>)
    %dma_start3A_30 = arith.constant 4 : i32
    %dma_start3A_31 = arith.constant 0 : i32
    %dma_start3A_32 = tpu.memref_slice %arg2[%add3A, %dma_start3A_30, %dma_start3A_31] : memref<32x114x120xi32, #tpu.memory_space<hbm>> -> memref<1x1x120xi32, #tpu.memory_space<hbm>>
    %dma_start3A_33 = tpu.memref_squeeze %dma_start3A_32 : memref<1x1x120xi32, #tpu.memory_space<hbm>> -> memref<120xi32, #tpu.memory_space<hbm>>
    %dma_start3A_34 = arith.constant 0 : i32
    %dma_start3A_35 = tpu.memref_slice %arg2[%add3A, %dma_start3A_30, %dma_start3A_34] : memref<32x114x120xi32, #tpu.memory_space<hbm>> -> memref<1x1x120xi32, #tpu.memory_space<hbm>>
    %dma_start3A_36 = tpu.memref_squeeze %dma_start3A_35 : memref<1x1x120xi32, #tpu.memory_space<hbm>> -> memref<120xi32, #tpu.memory_space<hbm>>
    tpu.enqueue_dma source(%dma_start3A_36 : memref<120xi32, #tpu.memory_space<hbm>>) target(%arg10 : memref<120xi32, #tpu.memory_space<vmem>>) target_semaphore(%arg23 : memref<!tpu.dma_semaphore, #tpu.memory_space<semaphore_mem>>)
    %dma_start3A_37 = arith.constant 5 : i32
    %dma_start3A_38 = arith.constant 0 : i32
    %dma_start3A_39 = tpu.memref_slice %arg2[%add3A, %dma_start3A_37, %dma_start3A_38] : memref<32x114x120xi32, #tpu.memory_space<hbm>> -> memref<1x1x120xi32, #tpu.memory_space<hbm>>
    %dma_start3A_40 = tpu.memref_squeeze %dma_start3A_39 : memref<1x1x120xi32, #tpu.memory_space<hbm>> -> memref<120xi32, #tpu.memory_space<hbm>>
    %dma_start3A_41 = arith.constant 0 : i32
    %dma_start3A_42 = tpu.memref_slice %arg2[%add3A, %dma_start3A_37, %dma_start3A_41] : memref<32x114x120xi32, #tpu.memory_space<hbm>> -> memref<1x1x120xi32, #tpu.memory_space<hbm>>
    %dma_start3A_43 = tpu.memref_squeeze %dma_start3A_42 : memref<1x1x120xi32, #tpu.memory_space<hbm>> -> memref<120xi32, #tpu.memory_space<hbm>>
    tpu.enqueue_dma source(%dma_start3A_43 : memref<120xi32, #tpu.memory_space<hbm>>) target(%arg11 : memref<120xi32, #tpu.memory_space<vmem>>) target_semaphore(%arg24 : memref<!tpu.dma_semaphore, #tpu.memory_space<semaphore_mem>>)
    %dma_start3A_44 = arith.constant 0 : i32
    %dma_start3A_45 = arith.constant 0 : i32
    %dma_start3A_46 = tpu.memref_slice %arg3[%add3A, %dma_start3A_44, %dma_start3A_45] : memref<32x114x120xi32, #tpu.memory_space<hbm>> -> memref<1x1x120xi32, #tpu.memory_space<hbm>>
    %dma_start3A_47 = tpu.memref_squeeze %dma_start3A_46 : memref<1x1x120xi32, #tpu.memory_space<hbm>> -> memref<120xi32, #tpu.memory_space<hbm>>
    %dma_start3A_48 = arith.constant 0 : i32
    %dma_start3A_49 = tpu.memref_slice %arg3[%add3A, %dma_start3A_44, %dma_start3A_48] : memref<32x114x120xi32, #tpu.memory_space<hbm>> -> memref<1x1x120xi32, #tpu.memory_space<hbm>>
    %dma_start3A_50 = tpu.memref_squeeze %dma_start3A_49 : memref<1x1x120xi32, #tpu.memory_space<hbm>> -> memref<120xi32, #tpu.memory_space<hbm>>
    tpu.enqueue_dma source(%dma_start3A_50 : memref<120xi32, #tpu.memory_space<hbm>>) target(%arg12 : memref<120xi32, #tpu.memory_space<vmem>>) target_semaphore(%arg25 : memref<!tpu.dma_semaphore, #tpu.memory_space<semaphore_mem>>)
    %dma_start3A_51 = arith.constant 1 : i32
    %dma_start3A_52 = arith.constant 0 : i32
    %dma_start3A_53 = tpu.memref_slice %arg3[%add3A, %dma_start3A_51, %dma_start3A_52] : memref<32x114x120xi32, #tpu.memory_space<hbm>> -> memref<1x1x120xi32, #tpu.memory_space<hbm>>
    %dma_start3A_54 = tpu.memref_squeeze %dma_start3A_53 : memref<1x1x120xi32, #tpu.memory_space<hbm>> -> memref<120xi32, #tpu.memory_space<hbm>>
    %dma_start3A_55 = arith.constant 0 : i32
    %dma_start3A_56 = tpu.memref_slice %arg3[%add3A, %dma_start3A_51, %dma_start3A_55] : memref<32x114x120xi32, #tpu.memory_space<hbm>> -> memref<1x1x120xi32, #tpu.memory_space<hbm>>
    %dma_start3A_57 = tpu.memref_squeeze %dma_start3A_56 : memref<1x1x120xi32, #tpu.memory_space<hbm>> -> memref<120xi32, #tpu.memory_space<hbm>>
    tpu.enqueue_dma source(%dma_start3A_57 : memref<120xi32, #tpu.memory_space<hbm>>) target(%arg13 : memref<120xi32, #tpu.memory_space<vmem>>) target_semaphore(%arg26 : memref<!tpu.dma_semaphore, #tpu.memory_space<semaphore_mem>>)
    %dma_start3A_58 = arith.constant 2 : i32
    %dma_start3A_59 = arith.constant 0 : i32
    %dma_start3A_60 = tpu.memref_slice %arg3[%add3A, %dma_start3A_58, %dma_start3A_59] : memref<32x114x120xi32, #tpu.memory_space<hbm>> -> memref<1x1x120xi32, #tpu.memory_space<hbm>>
    %dma_start3A_61 = tpu.memref_squeeze %dma_start3A_60 : memref<1x1x120xi32, #tpu.memory_space<hbm>> -> memref<120xi32, #tpu.memory_space<hbm>>
    %dma_start3A_62 = arith.constant 0 : i32
    %dma_start3A_63 = tpu.memref_slice %arg3[%add3A, %dma_start3A_58, %dma_start3A_62] : memref<32x114x120xi32, #tpu.memory_space<hbm>> -> memref<1x1x120xi32, #tpu.memory_space<hbm>>
    %dma_start3A_64 = tpu.memref_squeeze %dma_start3A_63 : memref<1x1x120xi32, #tpu.memory_space<hbm>> -> memref<120xi32, #tpu.memory_space<hbm>>
    tpu.enqueue_dma source(%dma_start3A_64 : memref<120xi32, #tpu.memory_space<hbm>>) target(%arg14 : memref<120xi32, #tpu.memory_space<vmem>>) target_semaphore(%arg27 : memref<!tpu.dma_semaphore, #tpu.memory_space<semaphore_mem>>)
    %mul3A_65 = arith.constant 632 : i32
    %mul3A_66 = arith.muli %arg1, %mul3A_65 : i32
    %mul3A_67 = arith.constant 632 : i32
    %mul3A_68 = arith.muli %arg1, %mul3A_67 : i32
    "tpu.region"() ({
      %run_scoped3A = tpu.sem_alloc : memref<!tpu.dma_semaphore, #tpu.memory_space<semaphore_mem>>
      %dma_start3A_150 = arith.constant 0 : i32
      %dma_start3A_151 = tpu.memref_slice %arg18[%mul3A_68, %dma_start3A_150] : memref<10112x128xf32, #tpu.memory_space<vmem_shared>> -> memref<632x128xf32, #tpu.memory_space<vmem_shared>>
      %dma_start3A_152 = arith.constant 0 : i32
      %dma_start3A_153 = tpu.memref_slice %arg4[%mul3A_66, %dma_start3A_152] : memref<10112x128xf32, #tpu.memory_space<hbm>> -> memref<632x128xf32, #tpu.memory_space<hbm>>
      tpu.enqueue_dma source(%dma_start3A_153 : memref<632x128xf32, #tpu.memory_space<hbm>>) target(%dma_start3A_151 : memref<632x128xf32, #tpu.memory_space<vmem_shared>>) target_semaphore(%run_scoped3A : memref<!tpu.dma_semaphore, #tpu.memory_space<semaphore_mem>>)
      %dma_wait3A_154 = arith.constant 0 : i32
      %dma_wait3A_155 = tpu.memref_slice %arg18[%mul3A_68, %dma_wait3A_154] : memref<10112x128xf32, #tpu.memory_space<vmem_shared>> -> memref<632x128xf32, #tpu.memory_space<vmem_shared>>
      %dma_wait3A_156 = arith.constant 0 : i32
      %dma_wait3A_157 = tpu.memref_slice %arg4[%mul3A_66, %dma_wait3A_156] : memref<10112x128xf32, #tpu.memory_space<hbm>> -> memref<632x128xf32, #tpu.memory_space<hbm>>
      tpu.wait_dma2 semaphore(%run_scoped3A : memref<!tpu.dma_semaphore, #tpu.memory_space<semaphore_mem>>) src(%dma_wait3A_157 : memref<632x128xf32, #tpu.memory_space<hbm>>) dst(%dma_wait3A_155 : memref<632x128xf32, #tpu.memory_space<vmem_shared>>)
      tpu.yield
    }) : () -> ()
    %dma_wait3A = arith.constant 0 : i32
    %dma_wait3A_69 = arith.constant 0 : i32
    %dma_wait3A_70 = tpu.memref_slice %arg2[%add3A, %dma_wait3A, %dma_wait3A_69] : memref<32x114x120xi32, #tpu.memory_space<hbm>> -> memref<1x1x120xi32, #tpu.memory_space<hbm>>
    %dma_wait3A_71 = tpu.memref_squeeze %dma_wait3A_70 : memref<1x1x120xi32, #tpu.memory_space<hbm>> -> memref<120xi32, #tpu.memory_space<hbm>>
    %dma_wait3A_72 = arith.constant 0 : i32
    %dma_wait3A_73 = tpu.memref_slice %arg2[%add3A, %dma_wait3A, %dma_wait3A_72] : memref<32x114x120xi32, #tpu.memory_space<hbm>> -> memref<1x1x120xi32, #tpu.memory_space<hbm>>
    %dma_wait3A_74 = tpu.memref_squeeze %dma_wait3A_73 : memref<1x1x120xi32, #tpu.memory_space<hbm>> -> memref<120xi32, #tpu.memory_space<hbm>>
    tpu.wait_dma2 semaphore(%arg19 : memref<!tpu.dma_semaphore, #tpu.memory_space<semaphore_mem>>) src(%dma_wait3A_74 : memref<120xi32, #tpu.memory_space<hbm>>) dst(%arg6 : memref<120xi32, #tpu.memory_space<vmem>>)
    %dma_start3A_75 = arith.constant 0 : i32
    %dma_start3A_76 = arith.constant 0 : i32
    %dma_start3A_77 = tpu.memref_slice %arg4[%dma_start3A_75, %dma_start3A_76] : memref<10112x128xf32, #tpu.memory_space<hbm>> -> memref<10112x128xf32, #tpu.memory_space<hbm>>
    tpu.enqueue_indirect_dma source(%dma_start3A_77 : memref<10112x128xf32, #tpu.memory_space<hbm>>) target(%arg15 : memref<120x128xf32, #tpu.memory_space<vmem>>) offsets(%arg6 : memref<120xi32, #tpu.memory_space<vmem>>) semaphore(%arg28 : memref<!tpu.dma_semaphore, #tpu.memory_space<semaphore_mem>>)
    %dma_wait3A_78 = arith.constant 1 : i32
    %dma_wait3A_79 = arith.constant 0 : i32
    %dma_wait3A_80 = tpu.memref_slice %arg2[%add3A, %dma_wait3A_78, %dma_wait3A_79] : memref<32x114x120xi32, #tpu.memory_space<hbm>> -> memref<1x1x120xi32, #tpu.memory_space<hbm>>
    %dma_wait3A_81 = tpu.memref_squeeze %dma_wait3A_80 : memref<1x1x120xi32, #tpu.memory_space<hbm>> -> memref<120xi32, #tpu.memory_space<hbm>>
    %dma_wait3A_82 = arith.constant 0 : i32
    %dma_wait3A_83 = tpu.memref_slice %arg2[%add3A, %dma_wait3A_78, %dma_wait3A_82] : memref<32x114x120xi32, #tpu.memory_space<hbm>> -> memref<1x1x120xi32, #tpu.memory_space<hbm>>
    %dma_wait3A_84 = tpu.memref_squeeze %dma_wait3A_83 : memref<1x1x120xi32, #tpu.memory_space<hbm>> -> memref<120xi32, #tpu.memory_space<hbm>>
    tpu.wait_dma2 semaphore(%arg20 : memref<!tpu.dma_semaphore, #tpu.memory_space<semaphore_mem>>) src(%dma_wait3A_84 : memref<120xi32, #tpu.memory_space<hbm>>) dst(%arg7 : memref<120xi32, #tpu.memory_space<vmem>>)
    %dma_start3A_85 = arith.constant 0 : i32
    %dma_start3A_86 = arith.constant 0 : i32
    %dma_start3A_87 = tpu.memref_slice %arg4[%dma_start3A_85, %dma_start3A_86] : memref<10112x128xf32, #tpu.memory_space<hbm>> -> memref<10112x128xf32, #tpu.memory_space<hbm>>
    tpu.enqueue_indirect_dma source(%dma_start3A_87 : memref<10112x128xf32, #tpu.memory_space<hbm>>) target(%arg16 : memref<120x128xf32, #tpu.memory_space<vmem>>) offsets(%arg7 : memref<120xi32, #tpu.memory_space<vmem>>) semaphore(%arg29 : memref<!tpu.dma_semaphore, #tpu.memory_space<semaphore_mem>>)
    %dma_wait3A_88 = arith.constant 2 : i32
    %dma_wait3A_89 = arith.constant 0 : i32
    %dma_wait3A_90 = tpu.memref_slice %arg2[%add3A, %dma_wait3A_88, %dma_wait3A_89] : memref<32x114x120xi32, #tpu.memory_space<hbm>> -> memref<1x1x120xi32, #tpu.memory_space<hbm>>
    %dma_wait3A_91 = tpu.memref_squeeze %dma_wait3A_90 : memref<1x1x120xi32, #tpu.memory_space<hbm>> -> memref<120xi32, #tpu.memory_space<hbm>>
    %dma_wait3A_92 = arith.constant 0 : i32
    %dma_wait3A_93 = tpu.memref_slice %arg2[%add3A, %dma_wait3A_88, %dma_wait3A_92] : memref<32x114x120xi32, #tpu.memory_space<hbm>> -> memref<1x1x120xi32, #tpu.memory_space<hbm>>
    %dma_wait3A_94 = tpu.memref_squeeze %dma_wait3A_93 : memref<1x1x120xi32, #tpu.memory_space<hbm>> -> memref<120xi32, #tpu.memory_space<hbm>>
    tpu.wait_dma2 semaphore(%arg21 : memref<!tpu.dma_semaphore, #tpu.memory_space<semaphore_mem>>) src(%dma_wait3A_94 : memref<120xi32, #tpu.memory_space<hbm>>) dst(%arg8 : memref<120xi32, #tpu.memory_space<vmem>>)
    %dma_start3A_95 = arith.constant 0 : i32
    %dma_start3A_96 = arith.constant 0 : i32
    %dma_start3A_97 = tpu.memref_slice %arg4[%dma_start3A_95, %dma_start3A_96] : memref<10112x128xf32, #tpu.memory_space<hbm>> -> memref<10112x128xf32, #tpu.memory_space<hbm>>
    tpu.enqueue_indirect_dma source(%dma_start3A_97 : memref<10112x128xf32, #tpu.memory_space<hbm>>) target(%arg17 : memref<120x128xf32, #tpu.memory_space<vmem>>) offsets(%arg8 : memref<120xi32, #tpu.memory_space<vmem>>) semaphore(%arg30 : memref<!tpu.dma_semaphore, #tpu.memory_space<semaphore_mem>>)
    %barrier3A = arith.constant 0 : index
    tpu.barrier barrier_id(%barrier3A)
    %scan3A = arith.constant 0 : i32
    %scan3A_98 = arith.constant 0 : i32
    %scan3A_99 = arith.constant 18 : i32
    %scan3A_100 = arith.addi %scan3A_98, %scan3A_99 : i32
    %scan3A_101 = arith.constant 1 : i32
    scf.for %scan3A_150 = %scan3A_98 to %scan3A_100 step %scan3A_101  : i32 {
      %mul3A_151 = arith.constant 6 : i32
      %mul3A_152 = arith.muli %mul3A_151, %scan3A_150 : i32
      %add3A_153 = arith.constant 0 : i32
      %add3A_154 = arith.addi %mul3A_152, %add3A_153 : i32
      %lt3A = arith.cmpi slt, %add3A_154, %select_n3A : i32
      %convert_element_type3A_155 = arith.extui %lt3A : i1 to i32
      %cond3A_156 = arith.constant 0 : i32
      %cond3A_157 = arith.cmpi ne, %convert_element_type3A_155, %cond3A_156 : i32
      scf.if %cond3A_157 {
        %dma_wait3A_270 = arith.constant 0 : i32
        %dma_wait3A_271 = arith.constant 0 : i32
        %dma_wait3A_272 = tpu.memref_slice %arg4[%dma_wait3A_270, %dma_wait3A_271] : memref<10112x128xf32, #tpu.memory_space<hbm>> -> memref<10112x128xf32, #tpu.memory_space<hbm>>
        tpu.wait_indirect_dma semaphore(%arg28 : memref<!tpu.dma_semaphore, #tpu.memory_space<semaphore_mem>>) src(%dma_wait3A_272 : memref<10112x128xf32, #tpu.memory_space<hbm>>) dst(%arg15 : memref<120x128xf32, #tpu.memory_space<vmem>>)
        %dma_wait3A_273 = arith.constant 0 : i32
        %dma_wait3A_274 = tpu.memref_slice %arg3[%add3A, %add3A_154, %dma_wait3A_273] : memref<32x114x120xi32, #tpu.memory_space<hbm>> -> memref<1x1x120xi32, #tpu.memory_space<hbm>>
        %dma_wait3A_275 = tpu.memref_squeeze %dma_wait3A_274 : memref<1x1x120xi32, #tpu.memory_space<hbm>> -> memref<120xi32, #tpu.memory_space<hbm>>
        %dma_wait3A_276 = arith.constant 0 : i32
        %dma_wait3A_277 = tpu.memref_slice %arg3[%add3A, %add3A_154, %dma_wait3A_276] : memref<32x114x120xi32, #tpu.memory_space<hbm>> -> memref<1x1x120xi32, #tpu.memory_space<hbm>>
        %dma_wait3A_278 = tpu.memref_squeeze %dma_wait3A_277 : memref<1x1x120xi32, #tpu.memory_space<hbm>> -> memref<120xi32, #tpu.memory_space<hbm>>
        tpu.wait_dma2 semaphore(%arg25 : memref<!tpu.dma_semaphore, #tpu.memory_space<semaphore_mem>>) src(%dma_wait3A_278 : memref<120xi32, #tpu.memory_space<hbm>>) dst(%arg12 : memref<120xi32, #tpu.memory_space<vmem>>)
        "tpu.region"() ({
          %run_scoped3A = tpu.sem_alloc : memref<!tpu.dma_semaphore, #tpu.memory_space<semaphore_mem>>
          %dma_start3A_279 = arith.constant 0 : i32
          %dma_start3A_280 = arith.constant 0 : i32
          %dma_start3A_281 = tpu.memref_slice %arg18[%dma_start3A_279, %dma_start3A_280] : memref<10112x128xf32, #tpu.memory_space<vmem_shared>> -> memref<10112x128xf32, #tpu.memory_space<vmem_shared>>
          tpu.enqueue_indirect_dma source(%arg15 : memref<120x128xf32, #tpu.memory_space<vmem>>) target(%dma_start3A_281 : memref<10112x128xf32, #tpu.memory_space<vmem_shared>>) offsets(%arg12 : memref<120xi32, #tpu.memory_space<vmem>>) semaphore(%run_scoped3A : memref<!tpu.dma_semaphore, #tpu.memory_space<semaphore_mem>>) {add = true}
          %dma_wait3A_282 = arith.constant 0 : i32
          %dma_wait3A_283 = arith.constant 0 : i32
          %dma_wait3A_284 = tpu.memref_slice %arg18[%dma_wait3A_282, %dma_wait3A_283] : memref<10112x128xf32, #tpu.memory_space<vmem_shared>> -> memref<10112x128xf32, #tpu.memory_space<vmem_shared>>
          tpu.wait_indirect_dma semaphore(%run_scoped3A : memref<!tpu.dma_semaphore, #tpu.memory_space<semaphore_mem>>) src(%arg15 : memref<120x128xf32, #tpu.memory_space<vmem>>) dst(%dma_wait3A_284 : memref<10112x128xf32, #tpu.memory_space<vmem_shared>>)
          tpu.yield
        }) : () -> ()
      } else {
      }
      %add3A_158 = arith.constant 6 : i32
      %add3A_159 = arith.addi %add3A_154, %add3A_158 : i32
      %lt3A_160 = arith.cmpi slt, %add3A_159, %select_n3A : i32
      %convert_element_type3A_161 = arith.extui %lt3A_160 : i1 to i32
      %cond3A_162 = arith.constant 0 : i32
      %cond3A_163 = arith.cmpi ne, %convert_element_type3A_161, %cond3A_162 : i32
      scf.if %cond3A_163 {
        %add3A_270 = arith.constant 6 : i32
        %add3A_271 = arith.addi %add3A_154, %add3A_270 : i32
        %dma_start3A_272 = arith.constant 0 : i32
        %dma_start3A_273 = tpu.memref_slice %arg2[%add3A, %add3A_271, %dma_start3A_272] : memref<32x114x120xi32, #tpu.memory_space<hbm>> -> memref<1x1x120xi32, #tpu.memory_space<hbm>>
        %dma_start3A_274 = tpu.memref_squeeze %dma_start3A_273 : memref<1x1x120xi32, #tpu.memory_space<hbm>> -> memref<120xi32, #tpu.memory_space<hbm>>
        %dma_start3A_275 = arith.constant 0 : i32
        %dma_start3A_276 = tpu.memref_slice %arg2[%add3A, %add3A_271, %dma_start3A_275] : memref<32x114x120xi32, #tpu.memory_space<hbm>> -> memref<1x1x120xi32, #tpu.memory_space<hbm>>
        %dma_start3A_277 = tpu.memref_squeeze %dma_start3A_276 : memref<1x1x120xi32, #tpu.memory_space<hbm>> -> memref<120xi32, #tpu.memory_space<hbm>>
        tpu.enqueue_dma source(%dma_start3A_277 : memref<120xi32, #tpu.memory_space<hbm>>) target(%arg6 : memref<120xi32, #tpu.memory_space<vmem>>) target_semaphore(%arg19 : memref<!tpu.dma_semaphore, #tpu.memory_space<semaphore_mem>>)
      } else {
      }
      %add3A_164 = arith.constant 3 : i32
      %add3A_165 = arith.addi %add3A_154, %add3A_164 : i32
      %lt3A_166 = arith.cmpi slt, %add3A_165, %select_n3A : i32
      %convert_element_type3A_167 = arith.extui %lt3A_166 : i1 to i32
      %cond3A_168 = arith.constant 0 : i32
      %cond3A_169 = arith.cmpi ne, %convert_element_type3A_167, %cond3A_168 : i32
      scf.if %cond3A_169 {
        %add3A_270 = arith.constant 3 : i32
        %add3A_271 = arith.addi %add3A_154, %add3A_270 : i32
        %dma_start3A_272 = arith.constant 0 : i32
        %dma_start3A_273 = tpu.memref_slice %arg3[%add3A, %add3A_271, %dma_start3A_272] : memref<32x114x120xi32, #tpu.memory_space<hbm>> -> memref<1x1x120xi32, #tpu.memory_space<hbm>>
        %dma_start3A_274 = tpu.memref_squeeze %dma_start3A_273 : memref<1x1x120xi32, #tpu.memory_space<hbm>> -> memref<120xi32, #tpu.memory_space<hbm>>
        %dma_start3A_275 = arith.constant 0 : i32
        %dma_start3A_276 = tpu.memref_slice %arg3[%add3A, %add3A_271, %dma_start3A_275] : memref<32x114x120xi32, #tpu.memory_space<hbm>> -> memref<1x1x120xi32, #tpu.memory_space<hbm>>
        %dma_start3A_277 = tpu.memref_squeeze %dma_start3A_276 : memref<1x1x120xi32, #tpu.memory_space<hbm>> -> memref<120xi32, #tpu.memory_space<hbm>>
        tpu.enqueue_dma source(%dma_start3A_277 : memref<120xi32, #tpu.memory_space<hbm>>) target(%arg12 : memref<120xi32, #tpu.memory_space<vmem>>) target_semaphore(%arg25 : memref<!tpu.dma_semaphore, #tpu.memory_space<semaphore_mem>>)
        %add3A_278 = arith.constant 3 : i32
        %add3A_279 = arith.addi %add3A_154, %add3A_278 : i32
        %dma_wait3A_280 = arith.constant 0 : i32
        %dma_wait3A_281 = tpu.memref_slice %arg2[%add3A, %add3A_279, %dma_wait3A_280] : memref<32x114x120xi32, #tpu.memory_space<hbm>> -> memref<1x1x120xi32, #tpu.memory_space<hbm>>
        %dma_wait3A_282 = tpu.memref_squeeze %dma_wait3A_281 : memref<1x1x120xi32, #tpu.memory_space<hbm>> -> memref<120xi32, #tpu.memory_space<hbm>>
        %dma_wait3A_283 = arith.constant 0 : i32
        %dma_wait3A_284 = tpu.memref_slice %arg2[%add3A, %add3A_279, %dma_wait3A_283] : memref<32x114x120xi32, #tpu.memory_space<hbm>> -> memref<1x1x120xi32, #tpu.memory_space<hbm>>
        %dma_wait3A_285 = tpu.memref_squeeze %dma_wait3A_284 : memref<1x1x120xi32, #tpu.memory_space<hbm>> -> memref<120xi32, #tpu.memory_space<hbm>>
        tpu.wait_dma2 semaphore(%arg22 : memref<!tpu.dma_semaphore, #tpu.memory_space<semaphore_mem>>) src(%dma_wait3A_285 : memref<120xi32, #tpu.memory_space<hbm>>) dst(%arg9 : memref<120xi32, #tpu.memory_space<vmem>>)
        %dma_start3A_286 = arith.constant 0 : i32
        %dma_start3A_287 = arith.constant 0 : i32
        %dma_start3A_288 = tpu.memref_slice %arg4[%dma_start3A_286, %dma_start3A_287] : memref<10112x128xf32, #tpu.memory_space<hbm>> -> memref<10112x128xf32, #tpu.memory_space<hbm>>
        tpu.enqueue_indirect_dma source(%dma_start3A_288 : memref<10112x128xf32, #tpu.memory_space<hbm>>) target(%arg15 : memref<120x128xf32, #tpu.memory_space<vmem>>) offsets(%arg9 : memref<120xi32, #tpu.memory_space<vmem>>) semaphore(%arg28 : memref<!tpu.dma_semaphore, #tpu.memory_space<semaphore_mem>>)
      } else {
      }
      %mul3A_170 = arith.constant 6 : i32
      %mul3A_171 = arith.muli %mul3A_170, %scan3A_150 : i32
      %add3A_172 = arith.constant 1 : i32
      %add3A_173 = arith.addi %mul3A_171, %add3A_172 : i32
      %lt3A_174 = arith.cmpi slt, %add3A_173, %select_n3A : i32
      %convert_element_type3A_175 = arith.extui %lt3A_174 : i1 to i32
      %cond3A_176 = arith.constant 0 : i32
      %cond3A_177 = arith.cmpi ne, %convert_element_type3A_175, %cond3A_176 : i32
      scf.if %cond3A_177 {
        %dma_wait3A_270 = arith.constant 0 : i32
        %dma_wait3A_271 = arith.constant 0 : i32
        %dma_wait3A_272 = tpu.memref_slice %arg4[%dma_wait3A_270, %dma_wait3A_271] : memref<10112x128xf32, #tpu.memory_space<hbm>> -> memref<10112x128xf32, #tpu.memory_space<hbm>>
        tpu.wait_indirect_dma semaphore(%arg29 : memref<!tpu.dma_semaphore, #tpu.memory_space<semaphore_mem>>) src(%dma_wait3A_272 : memref<10112x128xf32, #tpu.memory_space<hbm>>) dst(%arg16 : memref<120x128xf32, #tpu.memory_space<vmem>>)
        %dma_wait3A_273 = arith.constant 0 : i32
        %dma_wait3A_274 = tpu.memref_slice %arg3[%add3A, %add3A_173, %dma_wait3A_273] : memref<32x114x120xi32, #tpu.memory_space<hbm>> -> memref<1x1x120xi32, #tpu.memory_space<hbm>>
        %dma_wait3A_275 = tpu.memref_squeeze %dma_wait3A_274 : memref<1x1x120xi32, #tpu.memory_space<hbm>> -> memref<120xi32, #tpu.memory_space<hbm>>
        %dma_wait3A_276 = arith.constant 0 : i32
        %dma_wait3A_277 = tpu.memref_slice %arg3[%add3A, %add3A_173, %dma_wait3A_276] : memref<32x114x120xi32, #tpu.memory_space<hbm>> -> memref<1x1x120xi32, #tpu.memory_space<hbm>>
        %dma_wait3A_278 = tpu.memref_squeeze %dma_wait3A_277 : memref<1x1x120xi32, #tpu.memory_space<hbm>> -> memref<120xi32, #tpu.memory_space<hbm>>
        tpu.wait_dma2 semaphore(%arg26 : memref<!tpu.dma_semaphore, #tpu.memory_space<semaphore_mem>>) src(%dma_wait3A_278 : memref<120xi32, #tpu.memory_space<hbm>>) dst(%arg13 : memref<120xi32, #tpu.memory_space<vmem>>)
        "tpu.region"() ({
          %run_scoped3A = tpu.sem_alloc : memref<!tpu.dma_semaphore, #tpu.memory_space<semaphore_mem>>
          %dma_start3A_279 = arith.constant 0 : i32
          %dma_start3A_280 = arith.constant 0 : i32
          %dma_start3A_281 = tpu.memref_slice %arg18[%dma_start3A_279, %dma_start3A_280] : memref<10112x128xf32, #tpu.memory_space<vmem_shared>> -> memref<10112x128xf32, #tpu.memory_space<vmem_shared>>
          tpu.enqueue_indirect_dma source(%arg16 : memref<120x128xf32, #tpu.memory_space<vmem>>) target(%dma_start3A_281 : memref<10112x128xf32, #tpu.memory_space<vmem_shared>>) offsets(%arg13 : memref<120xi32, #tpu.memory_space<vmem>>) semaphore(%run_scoped3A : memref<!tpu.dma_semaphore, #tpu.memory_space<semaphore_mem>>) {add = true}
          %dma_wait3A_282 = arith.constant 0 : i32
          %dma_wait3A_283 = arith.constant 0 : i32
          %dma_wait3A_284 = tpu.memref_slice %arg18[%dma_wait3A_282, %dma_wait3A_283] : memref<10112x128xf32, #tpu.memory_space<vmem_shared>> -> memref<10112x128xf32, #tpu.memory_space<vmem_shared>>
          tpu.wait_indirect_dma semaphore(%run_scoped3A : memref<!tpu.dma_semaphore, #tpu.memory_space<semaphore_mem>>) src(%arg16 : memref<120x128xf32, #tpu.memory_space<vmem>>) dst(%dma_wait3A_284 : memref<10112x128xf32, #tpu.memory_space<vmem_shared>>)
          tpu.yield
        }) : () -> ()
      } else {
      }
      %add3A_178 = arith.constant 6 : i32
      %add3A_179 = arith.addi %add3A_173, %add3A_178 : i32
      %lt3A_180 = arith.cmpi slt, %add3A_179, %select_n3A : i32
      %convert_element_type3A_181 = arith.extui %lt3A_180 : i1 to i32
      %cond3A_182 = arith.constant 0 : i32
      %cond3A_183 = arith.cmpi ne, %convert_element_type3A_181, %cond3A_182 : i32
      scf.if %cond3A_183 {
        %add3A_270 = arith.constant 6 : i32
        %add3A_271 = arith.addi %add3A_173, %add3A_270 : i32
        %dma_start3A_272 = arith.constant 0 : i32
        %dma_start3A_273 = tpu.memref_slice %arg2[%add3A, %add3A_271, %dma_start3A_272] : memref<32x114x120xi32, #tpu.memory_space<hbm>> -> memref<1x1x120xi32, #tpu.memory_space<hbm>>
        %dma_start3A_274 = tpu.memref_squeeze %dma_start3A_273 : memref<1x1x120xi32, #tpu.memory_space<hbm>> -> memref<120xi32, #tpu.memory_space<hbm>>
        %dma_start3A_275 = arith.constant 0 : i32
        %dma_start3A_276 = tpu.memref_slice %arg2[%add3A, %add3A_271, %dma_start3A_275] : memref<32x114x120xi32, #tpu.memory_space<hbm>> -> memref<1x1x120xi32, #tpu.memory_space<hbm>>
        %dma_start3A_277 = tpu.memref_squeeze %dma_start3A_276 : memref<1x1x120xi32, #tpu.memory_space<hbm>> -> memref<120xi32, #tpu.memory_space<hbm>>
        tpu.enqueue_dma source(%dma_start3A_277 : memref<120xi32, #tpu.memory_space<hbm>>) target(%arg7 : memref<120xi32, #tpu.memory_space<vmem>>) target_semaphore(%arg20 : memref<!tpu.dma_semaphore, #tpu.memory_space<semaphore_mem>>)
      } else {
      }
      %add3A_184 = arith.constant 3 : i32
      %add3A_185 = arith.addi %add3A_173, %add3A_184 : i32
      %lt3A_186 = arith.cmpi slt, %add3A_185, %select_n3A : i32
      %convert_element_type3A_187 = arith.extui %lt3A_186 : i1 to i32
      %cond3A_188 = arith.constant 0 : i32
      %cond3A_189 = arith.cmpi ne, %convert_element_type3A_187, %cond3A_188 : i32
      scf.if %cond3A_189 {
        %add3A_270 = arith.constant 3 : i32
        %add3A_271 = arith.addi %add3A_173, %add3A_270 : i32
        %dma_start3A_272 = arith.constant 0 : i32
        %dma_start3A_273 = tpu.memref_slice %arg3[%add3A, %add3A_271, %dma_start3A_272] : memref<32x114x120xi32, #tpu.memory_space<hbm>> -> memref<1x1x120xi32, #tpu.memory_space<hbm>>
        %dma_start3A_274 = tpu.memref_squeeze %dma_start3A_273 : memref<1x1x120xi32, #tpu.memory_space<hbm>> -> memref<120xi32, #tpu.memory_space<hbm>>
        %dma_start3A_275 = arith.constant 0 : i32
        %dma_start3A_276 = tpu.memref_slice %arg3[%add3A, %add3A_271, %dma_start3A_275] : memref<32x114x120xi32, #tpu.memory_space<hbm>> -> memref<1x1x120xi32, #tpu.memory_space<hbm>>
        %dma_start3A_277 = tpu.memref_squeeze %dma_start3A_276 : memref<1x1x120xi32, #tpu.memory_space<hbm>> -> memref<120xi32, #tpu.memory_space<hbm>>
        tpu.enqueue_dma source(%dma_start3A_277 : memref<120xi32, #tpu.memory_space<hbm>>) target(%arg13 : memref<120xi32, #tpu.memory_space<vmem>>) target_semaphore(%arg26 : memref<!tpu.dma_semaphore, #tpu.memory_space<semaphore_mem>>)
        %add3A_278 = arith.constant 3 : i32
        %add3A_279 = arith.addi %add3A_173, %add3A_278 : i32
        %dma_wait3A_280 = arith.constant 0 : i32
        %dma_wait3A_281 = tpu.memref_slice %arg2[%add3A, %add3A_279, %dma_wait3A_280] : memref<32x114x120xi32, #tpu.memory_space<hbm>> -> memref<1x1x120xi32, #tpu.memory_space<hbm>>
        %dma_wait3A_282 = tpu.memref_squeeze %dma_wait3A_281 : memref<1x1x120xi32, #tpu.memory_space<hbm>> -> memref<120xi32, #tpu.memory_space<hbm>>
        %dma_wait3A_283 = arith.constant 0 : i32
        %dma_wait3A_284 = tpu.memref_slice %arg2[%add3A, %add3A_279, %dma_wait3A_283] : memref<32x114x120xi32, #tpu.memory_space<hbm>> -> memref<1x1x120xi32, #tpu.memory_space<hbm>>
        %dma_wait3A_285 = tpu.memref_squeeze %dma_wait3A_284 : memref<1x1x120xi32, #tpu.memory_space<hbm>> -> memref<120xi32, #tpu.memory_space<hbm>>
        tpu.wait_dma2 semaphore(%arg23 : memref<!tpu.dma_semaphore, #tpu.memory_space<semaphore_mem>>) src(%dma_wait3A_285 : memref<120xi32, #tpu.memory_space<hbm>>) dst(%arg10 : memref<120xi32, #tpu.memory_space<vmem>>)
        %dma_start3A_286 = arith.constant 0 : i32
        %dma_start3A_287 = arith.constant 0 : i32
        %dma_start3A_288 = tpu.memref_slice %arg4[%dma_start3A_286, %dma_start3A_287] : memref<10112x128xf32, #tpu.memory_space<hbm>> -> memref<10112x128xf32, #tpu.memory_space<hbm>>
        tpu.enqueue_indirect_dma source(%dma_start3A_288 : memref<10112x128xf32, #tpu.memory_space<hbm>>) target(%arg16 : memref<120x128xf32, #tpu.memory_space<vmem>>) offsets(%arg10 : memref<120xi32, #tpu.memory_space<vmem>>) semaphore(%arg29 : memref<!tpu.dma_semaphore, #tpu.memory_space<semaphore_mem>>)
      } else {
      }
      %mul3A_190 = arith.constant 6 : i32
      %mul3A_191 = arith.muli %mul3A_190, %scan3A_150 : i32
      %add3A_192 = arith.constant 2 : i32
      %add3A_193 = arith.addi %mul3A_191, %add3A_192 : i32
      %lt3A_194 = arith.cmpi slt, %add3A_193, %select_n3A : i32
      %convert_element_type3A_195 = arith.extui %lt3A_194 : i1 to i32
      %cond3A_196 = arith.constant 0 : i32
      %cond3A_197 = arith.cmpi ne, %convert_element_type3A_195, %cond3A_196 : i32
      scf.if %cond3A_197 {
        %dma_wait3A_270 = arith.constant 0 : i32
        %dma_wait3A_271 = arith.constant 0 : i32
        %dma_wait3A_272 = tpu.memref_slice %arg4[%dma_wait3A_270, %dma_wait3A_271] : memref<10112x128xf32, #tpu.memory_space<hbm>> -> memref<10112x128xf32, #tpu.memory_space<hbm>>
        tpu.wait_indirect_dma semaphore(%arg30 : memref<!tpu.dma_semaphore, #tpu.memory_space<semaphore_mem>>) src(%dma_wait3A_272 : memref<10112x128xf32, #tpu.memory_space<hbm>>) dst(%arg17 : memref<120x128xf32, #tpu.memory_space<vmem>>)
        %dma_wait3A_273 = arith.constant 0 : i32
        %dma_wait3A_274 = tpu.memref_slice %arg3[%add3A, %add3A_193, %dma_wait3A_273] : memref<32x114x120xi32, #tpu.memory_space<hbm>> -> memref<1x1x120xi32, #tpu.memory_space<hbm>>
        %dma_wait3A_275 = tpu.memref_squeeze %dma_wait3A_274 : memref<1x1x120xi32, #tpu.memory_space<hbm>> -> memref<120xi32, #tpu.memory_space<hbm>>
        %dma_wait3A_276 = arith.constant 0 : i32
        %dma_wait3A_277 = tpu.memref_slice %arg3[%add3A, %add3A_193, %dma_wait3A_276] : memref<32x114x120xi32, #tpu.memory_space<hbm>> -> memref<1x1x120xi32, #tpu.memory_space<hbm>>
        %dma_wait3A_278 = tpu.memref_squeeze %dma_wait3A_277 : memref<1x1x120xi32, #tpu.memory_space<hbm>> -> memref<120xi32, #tpu.memory_space<hbm>>
        tpu.wait_dma2 semaphore(%arg27 : memref<!tpu.dma_semaphore, #tpu.memory_space<semaphore_mem>>) src(%dma_wait3A_278 : memref<120xi32, #tpu.memory_space<hbm>>) dst(%arg14 : memref<120xi32, #tpu.memory_space<vmem>>)
        "tpu.region"() ({
          %run_scoped3A = tpu.sem_alloc : memref<!tpu.dma_semaphore, #tpu.memory_space<semaphore_mem>>
          %dma_start3A_279 = arith.constant 0 : i32
          %dma_start3A_280 = arith.constant 0 : i32
          %dma_start3A_281 = tpu.memref_slice %arg18[%dma_start3A_279, %dma_start3A_280] : memref<10112x128xf32, #tpu.memory_space<vmem_shared>> -> memref<10112x128xf32, #tpu.memory_space<vmem_shared>>
          tpu.enqueue_indirect_dma source(%arg17 : memref<120x128xf32, #tpu.memory_space<vmem>>) target(%dma_start3A_281 : memref<10112x128xf32, #tpu.memory_space<vmem_shared>>) offsets(%arg14 : memref<120xi32, #tpu.memory_space<vmem>>) semaphore(%run_scoped3A : memref<!tpu.dma_semaphore, #tpu.memory_space<semaphore_mem>>) {add = true}
          %dma_wait3A_282 = arith.constant 0 : i32
          %dma_wait3A_283 = arith.constant 0 : i32
          %dma_wait3A_284 = tpu.memref_slice %arg18[%dma_wait3A_282, %dma_wait3A_283] : memref<10112x128xf32, #tpu.memory_space<vmem_shared>> -> memref<10112x128xf32, #tpu.memory_space<vmem_shared>>
          tpu.wait_indirect_dma semaphore(%run_scoped3A : memref<!tpu.dma_semaphore, #tpu.memory_space<semaphore_mem>>) src(%arg17 : memref<120x128xf32, #tpu.memory_space<vmem>>) dst(%dma_wait3A_284 : memref<10112x128xf32, #tpu.memory_space<vmem_shared>>)
          tpu.yield
        }) : () -> ()
      } else {
      }
      %add3A_198 = arith.constant 6 : i32
      %add3A_199 = arith.addi %add3A_193, %add3A_198 : i32
      %lt3A_200 = arith.cmpi slt, %add3A_199, %select_n3A : i32
      %convert_element_type3A_201 = arith.extui %lt3A_200 : i1 to i32
      %cond3A_202 = arith.constant 0 : i32
      %cond3A_203 = arith.cmpi ne, %convert_element_type3A_201, %cond3A_202 : i32
      scf.if %cond3A_203 {
        %add3A_270 = arith.constant 6 : i32
        %add3A_271 = arith.addi %add3A_193, %add3A_270 : i32
        %dma_start3A_272 = arith.constant 0 : i32
        %dma_start3A_273 = tpu.memref_slice %arg2[%add3A, %add3A_271, %dma_start3A_272] : memref<32x114x120xi32, #tpu.memory_space<hbm>> -> memref<1x1x120xi32, #tpu.memory_space<hbm>>
        %dma_start3A_274 = tpu.memref_squeeze %dma_start3A_273 : memref<1x1x120xi32, #tpu.memory_space<hbm>> -> memref<120xi32, #tpu.memory_space<hbm>>
        %dma_start3A_275 = arith.constant 0 : i32
        %dma_start3A_276 = tpu.memref_slice %arg2[%add3A, %add3A_271, %dma_start3A_275] : memref<32x114x120xi32, #tpu.memory_space<hbm>> -> memref<1x1x120xi32, #tpu.memory_space<hbm>>
        %dma_start3A_277 = tpu.memref_squeeze %dma_start3A_276 : memref<1x1x120xi32, #tpu.memory_space<hbm>> -> memref<120xi32, #tpu.memory_space<hbm>>
        tpu.enqueue_dma source(%dma_start3A_277 : memref<120xi32, #tpu.memory_space<hbm>>) target(%arg8 : memref<120xi32, #tpu.memory_space<vmem>>) target_semaphore(%arg21 : memref<!tpu.dma_semaphore, #tpu.memory_space<semaphore_mem>>)
      } else {
      }
      %add3A_204 = arith.constant 3 : i32
      %add3A_205 = arith.addi %add3A_193, %add3A_204 : i32
      %lt3A_206 = arith.cmpi slt, %add3A_205, %select_n3A : i32
      %convert_element_type3A_207 = arith.extui %lt3A_206 : i1 to i32
      %cond3A_208 = arith.constant 0 : i32
      %cond3A_209 = arith.cmpi ne, %convert_element_type3A_207, %cond3A_208 : i32
      scf.if %cond3A_209 {
        %add3A_270 = arith.constant 3 : i32
        %add3A_271 = arith.addi %add3A_193, %add3A_270 : i32
        %dma_start3A_272 = arith.constant 0 : i32
        %dma_start3A_273 = tpu.memref_slice %arg3[%add3A, %add3A_271, %dma_start3A_272] : memref<32x114x120xi32, #tpu.memory_space<hbm>> -> memref<1x1x120xi32, #tpu.memory_space<hbm>>
        %dma_start3A_274 = tpu.memref_squeeze %dma_start3A_273 : memref<1x1x120xi32, #tpu.memory_space<hbm>> -> memref<120xi32, #tpu.memory_space<hbm>>
        %dma_start3A_275 = arith.constant 0 : i32
        %dma_start3A_276 = tpu.memref_slice %arg3[%add3A, %add3A_271, %dma_start3A_275] : memref<32x114x120xi32, #tpu.memory_space<hbm>> -> memref<1x1x120xi32, #tpu.memory_space<hbm>>
        %dma_start3A_277 = tpu.memref_squeeze %dma_start3A_276 : memref<1x1x120xi32, #tpu.memory_space<hbm>> -> memref<120xi32, #tpu.memory_space<hbm>>
        tpu.enqueue_dma source(%dma_start3A_277 : memref<120xi32, #tpu.memory_space<hbm>>) target(%arg14 : memref<120xi32, #tpu.memory_space<vmem>>) target_semaphore(%arg27 : memref<!tpu.dma_semaphore, #tpu.memory_space<semaphore_mem>>)
        %add3A_278 = arith.constant 3 : i32
        %add3A_279 = arith.addi %add3A_193, %add3A_278 : i32
        %dma_wait3A_280 = arith.constant 0 : i32
        %dma_wait3A_281 = tpu.memref_slice %arg2[%add3A, %add3A_279, %dma_wait3A_280] : memref<32x114x120xi32, #tpu.memory_space<hbm>> -> memref<1x1x120xi32, #tpu.memory_space<hbm>>
        %dma_wait3A_282 = tpu.memref_squeeze %dma_wait3A_281 : memref<1x1x120xi32, #tpu.memory_space<hbm>> -> memref<120xi32, #tpu.memory_space<hbm>>
        %dma_wait3A_283 = arith.constant 0 : i32
        %dma_wait3A_284 = tpu.memref_slice %arg2[%add3A, %add3A_279, %dma_wait3A_283] : memref<32x114x120xi32, #tpu.memory_space<hbm>> -> memref<1x1x120xi32, #tpu.memory_space<hbm>>
        %dma_wait3A_285 = tpu.memref_squeeze %dma_wait3A_284 : memref<1x1x120xi32, #tpu.memory_space<hbm>> -> memref<120xi32, #tpu.memory_space<hbm>>
        tpu.wait_dma2 semaphore(%arg24 : memref<!tpu.dma_semaphore, #tpu.memory_space<semaphore_mem>>) src(%dma_wait3A_285 : memref<120xi32, #tpu.memory_space<hbm>>) dst(%arg11 : memref<120xi32, #tpu.memory_space<vmem>>)
        %dma_start3A_286 = arith.constant 0 : i32
        %dma_start3A_287 = arith.constant 0 : i32
        %dma_start3A_288 = tpu.memref_slice %arg4[%dma_start3A_286, %dma_start3A_287] : memref<10112x128xf32, #tpu.memory_space<hbm>> -> memref<10112x128xf32, #tpu.memory_space<hbm>>
        tpu.enqueue_indirect_dma source(%dma_start3A_288 : memref<10112x128xf32, #tpu.memory_space<hbm>>) target(%arg17 : memref<120x128xf32, #tpu.memory_space<vmem>>) offsets(%arg11 : memref<120xi32, #tpu.memory_space<vmem>>) semaphore(%arg30 : memref<!tpu.dma_semaphore, #tpu.memory_space<semaphore_mem>>)
      } else {
      }
      %mul3A_210 = arith.constant 6 : i32
      %mul3A_211 = arith.muli %mul3A_210, %scan3A_150 : i32
      %add3A_212 = arith.constant 3 : i32
      %add3A_213 = arith.addi %mul3A_211, %add3A_212 : i32
      %lt3A_214 = arith.cmpi slt, %add3A_213, %select_n3A : i32
      %convert_element_type3A_215 = arith.extui %lt3A_214 : i1 to i32
      %cond3A_216 = arith.constant 0 : i32
      %cond3A_217 = arith.cmpi ne, %convert_element_type3A_215, %cond3A_216 : i32
      scf.if %cond3A_217 {
        %dma_wait3A_270 = arith.constant 0 : i32
        %dma_wait3A_271 = arith.constant 0 : i32
        %dma_wait3A_272 = tpu.memref_slice %arg4[%dma_wait3A_270, %dma_wait3A_271] : memref<10112x128xf32, #tpu.memory_space<hbm>> -> memref<10112x128xf32, #tpu.memory_space<hbm>>
        tpu.wait_indirect_dma semaphore(%arg28 : memref<!tpu.dma_semaphore, #tpu.memory_space<semaphore_mem>>) src(%dma_wait3A_272 : memref<10112x128xf32, #tpu.memory_space<hbm>>) dst(%arg15 : memref<120x128xf32, #tpu.memory_space<vmem>>)
        %dma_wait3A_273 = arith.constant 0 : i32
        %dma_wait3A_274 = tpu.memref_slice %arg3[%add3A, %add3A_213, %dma_wait3A_273] : memref<32x114x120xi32, #tpu.memory_space<hbm>> -> memref<1x1x120xi32, #tpu.memory_space<hbm>>
        %dma_wait3A_275 = tpu.memref_squeeze %dma_wait3A_274 : memref<1x1x120xi32, #tpu.memory_space<hbm>> -> memref<120xi32, #tpu.memory_space<hbm>>
        %dma_wait3A_276 = arith.constant 0 : i32
        %dma_wait3A_277 = tpu.memref_slice %arg3[%add3A, %add3A_213, %dma_wait3A_276] : memref<32x114x120xi32, #tpu.memory_space<hbm>> -> memref<1x1x120xi32, #tpu.memory_space<hbm>>
        %dma_wait3A_278 = tpu.memref_squeeze %dma_wait3A_277 : memref<1x1x120xi32, #tpu.memory_space<hbm>> -> memref<120xi32, #tpu.memory_space<hbm>>
        tpu.wait_dma2 semaphore(%arg25 : memref<!tpu.dma_semaphore, #tpu.memory_space<semaphore_mem>>) src(%dma_wait3A_278 : memref<120xi32, #tpu.memory_space<hbm>>) dst(%arg12 : memref<120xi32, #tpu.memory_space<vmem>>)
        "tpu.region"() ({
          %run_scoped3A = tpu.sem_alloc : memref<!tpu.dma_semaphore, #tpu.memory_space<semaphore_mem>>
          %dma_start3A_279 = arith.constant 0 : i32
          %dma_start3A_280 = arith.constant 0 : i32
          %dma_start3A_281 = tpu.memref_slice %arg18[%dma_start3A_279, %dma_start3A_280] : memref<10112x128xf32, #tpu.memory_space<vmem_shared>> -> memref<10112x128xf32, #tpu.memory_space<vmem_shared>>
          tpu.enqueue_indirect_dma source(%arg15 : memref<120x128xf32, #tpu.memory_space<vmem>>) target(%dma_start3A_281 : memref<10112x128xf32, #tpu.memory_space<vmem_shared>>) offsets(%arg12 : memref<120xi32, #tpu.memory_space<vmem>>) semaphore(%run_scoped3A : memref<!tpu.dma_semaphore, #tpu.memory_space<semaphore_mem>>) {add = true}
          %dma_wait3A_282 = arith.constant 0 : i32
          %dma_wait3A_283 = arith.constant 0 : i32
          %dma_wait3A_284 = tpu.memref_slice %arg18[%dma_wait3A_282, %dma_wait3A_283] : memref<10112x128xf32, #tpu.memory_space<vmem_shared>> -> memref<10112x128xf32, #tpu.memory_space<vmem_shared>>
          tpu.wait_indirect_dma semaphore(%run_scoped3A : memref<!tpu.dma_semaphore, #tpu.memory_space<semaphore_mem>>) src(%arg15 : memref<120x128xf32, #tpu.memory_space<vmem>>) dst(%dma_wait3A_284 : memref<10112x128xf32, #tpu.memory_space<vmem_shared>>)
          tpu.yield
        }) : () -> ()
      } else {
      }
      %add3A_218 = arith.constant 6 : i32
      %add3A_219 = arith.addi %add3A_213, %add3A_218 : i32
      %lt3A_220 = arith.cmpi slt, %add3A_219, %select_n3A : i32
      %convert_element_type3A_221 = arith.extui %lt3A_220 : i1 to i32
      %cond3A_222 = arith.constant 0 : i32
      %cond3A_223 = arith.cmpi ne, %convert_element_type3A_221, %cond3A_222 : i32
      scf.if %cond3A_223 {
        %add3A_270 = arith.constant 6 : i32
        %add3A_271 = arith.addi %add3A_213, %add3A_270 : i32
        %dma_start3A_272 = arith.constant 0 : i32
        %dma_start3A_273 = tpu.memref_slice %arg2[%add3A, %add3A_271, %dma_start3A_272] : memref<32x114x120xi32, #tpu.memory_space<hbm>> -> memref<1x1x120xi32, #tpu.memory_space<hbm>>
        %dma_start3A_274 = tpu.memref_squeeze %dma_start3A_273 : memref<1x1x120xi32, #tpu.memory_space<hbm>> -> memref<120xi32, #tpu.memory_space<hbm>>
        %dma_start3A_275 = arith.constant 0 : i32
        %dma_start3A_276 = tpu.memref_slice %arg2[%add3A, %add3A_271, %dma_start3A_275] : memref<32x114x120xi32, #tpu.memory_space<hbm>> -> memref<1x1x120xi32, #tpu.memory_space<hbm>>
        %dma_start3A_277 = tpu.memref_squeeze %dma_start3A_276 : memref<1x1x120xi32, #tpu.memory_space<hbm>> -> memref<120xi32, #tpu.memory_space<hbm>>
        tpu.enqueue_dma source(%dma_start3A_277 : memref<120xi32, #tpu.memory_space<hbm>>) target(%arg9 : memref<120xi32, #tpu.memory_space<vmem>>) target_semaphore(%arg22 : memref<!tpu.dma_semaphore, #tpu.memory_space<semaphore_mem>>)
      } else {
      }
      %add3A_224 = arith.constant 3 : i32
      %add3A_225 = arith.addi %add3A_213, %add3A_224 : i32
      %lt3A_226 = arith.cmpi slt, %add3A_225, %select_n3A : i32
      %convert_element_type3A_227 = arith.extui %lt3A_226 : i1 to i32
      %cond3A_228 = arith.constant 0 : i32
      %cond3A_229 = arith.cmpi ne, %convert_element_type3A_227, %cond3A_228 : i32
      scf.if %cond3A_229 {
        %add3A_270 = arith.constant 3 : i32
        %add3A_271 = arith.addi %add3A_213, %add3A_270 : i32
        %dma_start3A_272 = arith.constant 0 : i32
        %dma_start3A_273 = tpu.memref_slice %arg3[%add3A, %add3A_271, %dma_start3A_272] : memref<32x114x120xi32, #tpu.memory_space<hbm>> -> memref<1x1x120xi32, #tpu.memory_space<hbm>>
        %dma_start3A_274 = tpu.memref_squeeze %dma_start3A_273 : memref<1x1x120xi32, #tpu.memory_space<hbm>> -> memref<120xi32, #tpu.memory_space<hbm>>
        %dma_start3A_275 = arith.constant 0 : i32
        %dma_start3A_276 = tpu.memref_slice %arg3[%add3A, %add3A_271, %dma_start3A_275] : memref<32x114x120xi32, #tpu.memory_space<hbm>> -> memref<1x1x120xi32, #tpu.memory_space<hbm>>
        %dma_start3A_277 = tpu.memref_squeeze %dma_start3A_276 : memref<1x1x120xi32, #tpu.memory_space<hbm>> -> memref<120xi32, #tpu.memory_space<hbm>>
        tpu.enqueue_dma source(%dma_start3A_277 : memref<120xi32, #tpu.memory_space<hbm>>) target(%arg12 : memref<120xi32, #tpu.memory_space<vmem>>) target_semaphore(%arg25 : memref<!tpu.dma_semaphore, #tpu.memory_space<semaphore_mem>>)
        %add3A_278 = arith.constant 3 : i32
        %add3A_279 = arith.addi %add3A_213, %add3A_278 : i32
        %dma_wait3A_280 = arith.constant 0 : i32
        %dma_wait3A_281 = tpu.memref_slice %arg2[%add3A, %add3A_279, %dma_wait3A_280] : memref<32x114x120xi32, #tpu.memory_space<hbm>> -> memref<1x1x120xi32, #tpu.memory_space<hbm>>
        %dma_wait3A_282 = tpu.memref_squeeze %dma_wait3A_281 : memref<1x1x120xi32, #tpu.memory_space<hbm>> -> memref<120xi32, #tpu.memory_space<hbm>>
        %dma_wait3A_283 = arith.constant 0 : i32
        %dma_wait3A_284 = tpu.memref_slice %arg2[%add3A, %add3A_279, %dma_wait3A_283] : memref<32x114x120xi32, #tpu.memory_space<hbm>> -> memref<1x1x120xi32, #tpu.memory_space<hbm>>
        %dma_wait3A_285 = tpu.memref_squeeze %dma_wait3A_284 : memref<1x1x120xi32, #tpu.memory_space<hbm>> -> memref<120xi32, #tpu.memory_space<hbm>>
        tpu.wait_dma2 semaphore(%arg19 : memref<!tpu.dma_semaphore, #tpu.memory_space<semaphore_mem>>) src(%dma_wait3A_285 : memref<120xi32, #tpu.memory_space<hbm>>) dst(%arg6 : memref<120xi32, #tpu.memory_space<vmem>>)
        %dma_start3A_286 = arith.constant 0 : i32
        %dma_start3A_287 = arith.constant 0 : i32
        %dma_start3A_288 = tpu.memref_slice %arg4[%dma_start3A_286, %dma_start3A_287] : memref<10112x128xf32, #tpu.memory_space<hbm>> -> memref<10112x128xf32, #tpu.memory_space<hbm>>
        tpu.enqueue_indirect_dma source(%dma_start3A_288 : memref<10112x128xf32, #tpu.memory_space<hbm>>) target(%arg15 : memref<120x128xf32, #tpu.memory_space<vmem>>) offsets(%arg6 : memref<120xi32, #tpu.memory_space<vmem>>) semaphore(%arg28 : memref<!tpu.dma_semaphore, #tpu.memory_space<semaphore_mem>>)
      } else {
      }
      %mul3A_230 = arith.constant 6 : i32
      %mul3A_231 = arith.muli %mul3A_230, %scan3A_150 : i32
      %add3A_232 = arith.constant 4 : i32
      %add3A_233 = arith.addi %mul3A_231, %add3A_232 : i32
      %lt3A_234 = arith.cmpi slt, %add3A_233, %select_n3A : i32
      %convert_element_type3A_235 = arith.extui %lt3A_234 : i1 to i32
      %cond3A_236 = arith.constant 0 : i32
      %cond3A_237 = arith.cmpi ne, %convert_element_type3A_235, %cond3A_236 : i32
      scf.if %cond3A_237 {
        %dma_wait3A_270 = arith.constant 0 : i32
        %dma_wait3A_271 = arith.constant 0 : i32
        %dma_wait3A_272 = tpu.memref_slice %arg4[%dma_wait3A_270, %dma_wait3A_271] : memref<10112x128xf32, #tpu.memory_space<hbm>> -> memref<10112x128xf32, #tpu.memory_space<hbm>>
        tpu.wait_indirect_dma semaphore(%arg29 : memref<!tpu.dma_semaphore, #tpu.memory_space<semaphore_mem>>) src(%dma_wait3A_272 : memref<10112x128xf32, #tpu.memory_space<hbm>>) dst(%arg16 : memref<120x128xf32, #tpu.memory_space<vmem>>)
        %dma_wait3A_273 = arith.constant 0 : i32
        %dma_wait3A_274 = tpu.memref_slice %arg3[%add3A, %add3A_233, %dma_wait3A_273] : memref<32x114x120xi32, #tpu.memory_space<hbm>> -> memref<1x1x120xi32, #tpu.memory_space<hbm>>
        %dma_wait3A_275 = tpu.memref_squeeze %dma_wait3A_274 : memref<1x1x120xi32, #tpu.memory_space<hbm>> -> memref<120xi32, #tpu.memory_space<hbm>>
        %dma_wait3A_276 = arith.constant 0 : i32
        %dma_wait3A_277 = tpu.memref_slice %arg3[%add3A, %add3A_233, %dma_wait3A_276] : memref<32x114x120xi32, #tpu.memory_space<hbm>> -> memref<1x1x120xi32, #tpu.memory_space<hbm>>
        %dma_wait3A_278 = tpu.memref_squeeze %dma_wait3A_277 : memref<1x1x120xi32, #tpu.memory_space<hbm>> -> memref<120xi32, #tpu.memory_space<hbm>>
        tpu.wait_dma2 semaphore(%arg26 : memref<!tpu.dma_semaphore, #tpu.memory_space<semaphore_mem>>) src(%dma_wait3A_278 : memref<120xi32, #tpu.memory_space<hbm>>) dst(%arg13 : memref<120xi32, #tpu.memory_space<vmem>>)
        "tpu.region"() ({
          %run_scoped3A = tpu.sem_alloc : memref<!tpu.dma_semaphore, #tpu.memory_space<semaphore_mem>>
          %dma_start3A_279 = arith.constant 0 : i32
          %dma_start3A_280 = arith.constant 0 : i32
          %dma_start3A_281 = tpu.memref_slice %arg18[%dma_start3A_279, %dma_start3A_280] : memref<10112x128xf32, #tpu.memory_space<vmem_shared>> -> memref<10112x128xf32, #tpu.memory_space<vmem_shared>>
          tpu.enqueue_indirect_dma source(%arg16 : memref<120x128xf32, #tpu.memory_space<vmem>>) target(%dma_start3A_281 : memref<10112x128xf32, #tpu.memory_space<vmem_shared>>) offsets(%arg13 : memref<120xi32, #tpu.memory_space<vmem>>) semaphore(%run_scoped3A : memref<!tpu.dma_semaphore, #tpu.memory_space<semaphore_mem>>) {add = true}
          %dma_wait3A_282 = arith.constant 0 : i32
          %dma_wait3A_283 = arith.constant 0 : i32
          %dma_wait3A_284 = tpu.memref_slice %arg18[%dma_wait3A_282, %dma_wait3A_283] : memref<10112x128xf32, #tpu.memory_space<vmem_shared>> -> memref<10112x128xf32, #tpu.memory_space<vmem_shared>>
          tpu.wait_indirect_dma semaphore(%run_scoped3A : memref<!tpu.dma_semaphore, #tpu.memory_space<semaphore_mem>>) src(%arg16 : memref<120x128xf32, #tpu.memory_space<vmem>>) dst(%dma_wait3A_284 : memref<10112x128xf32, #tpu.memory_space<vmem_shared>>)
          tpu.yield
        }) : () -> ()
      } else {
      }
      %add3A_238 = arith.constant 6 : i32
      %add3A_239 = arith.addi %add3A_233, %add3A_238 : i32
      %lt3A_240 = arith.cmpi slt, %add3A_239, %select_n3A : i32
      %convert_element_type3A_241 = arith.extui %lt3A_240 : i1 to i32
      %cond3A_242 = arith.constant 0 : i32
      %cond3A_243 = arith.cmpi ne, %convert_element_type3A_241, %cond3A_242 : i32
      scf.if %cond3A_243 {
        %add3A_270 = arith.constant 6 : i32
        %add3A_271 = arith.addi %add3A_233, %add3A_270 : i32
        %dma_start3A_272 = arith.constant 0 : i32
        %dma_start3A_273 = tpu.memref_slice %arg2[%add3A, %add3A_271, %dma_start3A_272] : memref<32x114x120xi32, #tpu.memory_space<hbm>> -> memref<1x1x120xi32, #tpu.memory_space<hbm>>
        %dma_start3A_274 = tpu.memref_squeeze %dma_start3A_273 : memref<1x1x120xi32, #tpu.memory_space<hbm>> -> memref<120xi32, #tpu.memory_space<hbm>>
        %dma_start3A_275 = arith.constant 0 : i32
        %dma_start3A_276 = tpu.memref_slice %arg2[%add3A, %add3A_271, %dma_start3A_275] : memref<32x114x120xi32, #tpu.memory_space<hbm>> -> memref<1x1x120xi32, #tpu.memory_space<hbm>>
        %dma_start3A_277 = tpu.memref_squeeze %dma_start3A_276 : memref<1x1x120xi32, #tpu.memory_space<hbm>> -> memref<120xi32, #tpu.memory_space<hbm>>
        tpu.enqueue_dma source(%dma_start3A_277 : memref<120xi32, #tpu.memory_space<hbm>>) target(%arg10 : memref<120xi32, #tpu.memory_space<vmem>>) target_semaphore(%arg23 : memref<!tpu.dma_semaphore, #tpu.memory_space<semaphore_mem>>)
      } else {
      }
      %add3A_244 = arith.constant 3 : i32
      %add3A_245 = arith.addi %add3A_233, %add3A_244 : i32
      %lt3A_246 = arith.cmpi slt, %add3A_245, %select_n3A : i32
      %convert_element_type3A_247 = arith.extui %lt3A_246 : i1 to i32
      %cond3A_248 = arith.constant 0 : i32
      %cond3A_249 = arith.cmpi ne, %convert_element_type3A_247, %cond3A_248 : i32
      scf.if %cond3A_249 {
        %add3A_270 = arith.constant 3 : i32
        %add3A_271 = arith.addi %add3A_233, %add3A_270 : i32
        %dma_start3A_272 = arith.constant 0 : i32
        %dma_start3A_273 = tpu.memref_slice %arg3[%add3A, %add3A_271, %dma_start3A_272] : memref<32x114x120xi32, #tpu.memory_space<hbm>> -> memref<1x1x120xi32, #tpu.memory_space<hbm>>
        %dma_start3A_274 = tpu.memref_squeeze %dma_start3A_273 : memref<1x1x120xi32, #tpu.memory_space<hbm>> -> memref<120xi32, #tpu.memory_space<hbm>>
        %dma_start3A_275 = arith.constant 0 : i32
        %dma_start3A_276 = tpu.memref_slice %arg3[%add3A, %add3A_271, %dma_start3A_275] : memref<32x114x120xi32, #tpu.memory_space<hbm>> -> memref<1x1x120xi32, #tpu.memory_space<hbm>>
        %dma_start3A_277 = tpu.memref_squeeze %dma_start3A_276 : memref<1x1x120xi32, #tpu.memory_space<hbm>> -> memref<120xi32, #tpu.memory_space<hbm>>
        tpu.enqueue_dma source(%dma_start3A_277 : memref<120xi32, #tpu.memory_space<hbm>>) target(%arg13 : memref<120xi32, #tpu.memory_space<vmem>>) target_semaphore(%arg26 : memref<!tpu.dma_semaphore, #tpu.memory_space<semaphore_mem>>)
        %add3A_278 = arith.constant 3 : i32
        %add3A_279 = arith.addi %add3A_233, %add3A_278 : i32
        %dma_wait3A_280 = arith.constant 0 : i32
        %dma_wait3A_281 = tpu.memref_slice %arg2[%add3A, %add3A_279, %dma_wait3A_280] : memref<32x114x120xi32, #tpu.memory_space<hbm>> -> memref<1x1x120xi32, #tpu.memory_space<hbm>>
        %dma_wait3A_282 = tpu.memref_squeeze %dma_wait3A_281 : memref<1x1x120xi32, #tpu.memory_space<hbm>> -> memref<120xi32, #tpu.memory_space<hbm>>
        %dma_wait3A_283 = arith.constant 0 : i32
        %dma_wait3A_284 = tpu.memref_slice %arg2[%add3A, %add3A_279, %dma_wait3A_283] : memref<32x114x120xi32, #tpu.memory_space<hbm>> -> memref<1x1x120xi32, #tpu.memory_space<hbm>>
        %dma_wait3A_285 = tpu.memref_squeeze %dma_wait3A_284 : memref<1x1x120xi32, #tpu.memory_space<hbm>> -> memref<120xi32, #tpu.memory_space<hbm>>
        tpu.wait_dma2 semaphore(%arg20 : memref<!tpu.dma_semaphore, #tpu.memory_space<semaphore_mem>>) src(%dma_wait3A_285 : memref<120xi32, #tpu.memory_space<hbm>>) dst(%arg7 : memref<120xi32, #tpu.memory_space<vmem>>)
        %dma_start3A_286 = arith.constant 0 : i32
        %dma_start3A_287 = arith.constant 0 : i32
        %dma_start3A_288 = tpu.memref_slice %arg4[%dma_start3A_286, %dma_start3A_287] : memref<10112x128xf32, #tpu.memory_space<hbm>> -> memref<10112x128xf32, #tpu.memory_space<hbm>>
        tpu.enqueue_indirect_dma source(%dma_start3A_288 : memref<10112x128xf32, #tpu.memory_space<hbm>>) target(%arg16 : memref<120x128xf32, #tpu.memory_space<vmem>>) offsets(%arg7 : memref<120xi32, #tpu.memory_space<vmem>>) semaphore(%arg29 : memref<!tpu.dma_semaphore, #tpu.memory_space<semaphore_mem>>)
      } else {
      }
      %mul3A_250 = arith.constant 6 : i32
      %mul3A_251 = arith.muli %mul3A_250, %scan3A_150 : i32
      %add3A_252 = arith.constant 5 : i32
      %add3A_253 = arith.addi %mul3A_251, %add3A_252 : i32
      %lt3A_254 = arith.cmpi slt, %add3A_253, %select_n3A : i32
      %convert_element_type3A_255 = arith.extui %lt3A_254 : i1 to i32
      %cond3A_256 = arith.constant 0 : i32
      %cond3A_257 = arith.cmpi ne, %convert_element_type3A_255, %cond3A_256 : i32
      scf.if %cond3A_257 {
        %dma_wait3A_270 = arith.constant 0 : i32
        %dma_wait3A_271 = arith.constant 0 : i32
        %dma_wait3A_272 = tpu.memref_slice %arg4[%dma_wait3A_270, %dma_wait3A_271] : memref<10112x128xf32, #tpu.memory_space<hbm>> -> memref<10112x128xf32, #tpu.memory_space<hbm>>
        tpu.wait_indirect_dma semaphore(%arg30 : memref<!tpu.dma_semaphore, #tpu.memory_space<semaphore_mem>>) src(%dma_wait3A_272 : memref<10112x128xf32, #tpu.memory_space<hbm>>) dst(%arg17 : memref<120x128xf32, #tpu.memory_space<vmem>>)
        %dma_wait3A_273 = arith.constant 0 : i32
        %dma_wait3A_274 = tpu.memref_slice %arg3[%add3A, %add3A_253, %dma_wait3A_273] : memref<32x114x120xi32, #tpu.memory_space<hbm>> -> memref<1x1x120xi32, #tpu.memory_space<hbm>>
        %dma_wait3A_275 = tpu.memref_squeeze %dma_wait3A_274 : memref<1x1x120xi32, #tpu.memory_space<hbm>> -> memref<120xi32, #tpu.memory_space<hbm>>
        %dma_wait3A_276 = arith.constant 0 : i32
        %dma_wait3A_277 = tpu.memref_slice %arg3[%add3A, %add3A_253, %dma_wait3A_276] : memref<32x114x120xi32, #tpu.memory_space<hbm>> -> memref<1x1x120xi32, #tpu.memory_space<hbm>>
        %dma_wait3A_278 = tpu.memref_squeeze %dma_wait3A_277 : memref<1x1x120xi32, #tpu.memory_space<hbm>> -> memref<120xi32, #tpu.memory_space<hbm>>
        tpu.wait_dma2 semaphore(%arg27 : memref<!tpu.dma_semaphore, #tpu.memory_space<semaphore_mem>>) src(%dma_wait3A_278 : memref<120xi32, #tpu.memory_space<hbm>>) dst(%arg14 : memref<120xi32, #tpu.memory_space<vmem>>)
        "tpu.region"() ({
          %run_scoped3A = tpu.sem_alloc : memref<!tpu.dma_semaphore, #tpu.memory_space<semaphore_mem>>
          %dma_start3A_279 = arith.constant 0 : i32
          %dma_start3A_280 = arith.constant 0 : i32
          %dma_start3A_281 = tpu.memref_slice %arg18[%dma_start3A_279, %dma_start3A_280] : memref<10112x128xf32, #tpu.memory_space<vmem_shared>> -> memref<10112x128xf32, #tpu.memory_space<vmem_shared>>
          tpu.enqueue_indirect_dma source(%arg17 : memref<120x128xf32, #tpu.memory_space<vmem>>) target(%dma_start3A_281 : memref<10112x128xf32, #tpu.memory_space<vmem_shared>>) offsets(%arg14 : memref<120xi32, #tpu.memory_space<vmem>>) semaphore(%run_scoped3A : memref<!tpu.dma_semaphore, #tpu.memory_space<semaphore_mem>>) {add = true}
          %dma_wait3A_282 = arith.constant 0 : i32
          %dma_wait3A_283 = arith.constant 0 : i32
          %dma_wait3A_284 = tpu.memref_slice %arg18[%dma_wait3A_282, %dma_wait3A_283] : memref<10112x128xf32, #tpu.memory_space<vmem_shared>> -> memref<10112x128xf32, #tpu.memory_space<vmem_shared>>
          tpu.wait_indirect_dma semaphore(%run_scoped3A : memref<!tpu.dma_semaphore, #tpu.memory_space<semaphore_mem>>) src(%arg17 : memref<120x128xf32, #tpu.memory_space<vmem>>) dst(%dma_wait3A_284 : memref<10112x128xf32, #tpu.memory_space<vmem_shared>>)
          tpu.yield
        }) : () -> ()
      } else {
      }
      %add3A_258 = arith.constant 6 : i32
      %add3A_259 = arith.addi %add3A_253, %add3A_258 : i32
      %lt3A_260 = arith.cmpi slt, %add3A_259, %select_n3A : i32
      %convert_element_type3A_261 = arith.extui %lt3A_260 : i1 to i32
      %cond3A_262 = arith.constant 0 : i32
      %cond3A_263 = arith.cmpi ne, %convert_element_type3A_261, %cond3A_262 : i32
      scf.if %cond3A_263 {
        %add3A_270 = arith.constant 6 : i32
        %add3A_271 = arith.addi %add3A_253, %add3A_270 : i32
        %dma_start3A_272 = arith.constant 0 : i32
        %dma_start3A_273 = tpu.memref_slice %arg2[%add3A, %add3A_271, %dma_start3A_272] : memref<32x114x120xi32, #tpu.memory_space<hbm>> -> memref<1x1x120xi32, #tpu.memory_space<hbm>>
        %dma_start3A_274 = tpu.memref_squeeze %dma_start3A_273 : memref<1x1x120xi32, #tpu.memory_space<hbm>> -> memref<120xi32, #tpu.memory_space<hbm>>
        %dma_start3A_275 = arith.constant 0 : i32
        %dma_start3A_276 = tpu.memref_slice %arg2[%add3A, %add3A_271, %dma_start3A_275] : memref<32x114x120xi32, #tpu.memory_space<hbm>> -> memref<1x1x120xi32, #tpu.memory_space<hbm>>
        %dma_start3A_277 = tpu.memref_squeeze %dma_start3A_276 : memref<1x1x120xi32, #tpu.memory_space<hbm>> -> memref<120xi32, #tpu.memory_space<hbm>>
        tpu.enqueue_dma source(%dma_start3A_277 : memref<120xi32, #tpu.memory_space<hbm>>) target(%arg11 : memref<120xi32, #tpu.memory_space<vmem>>) target_semaphore(%arg24 : memref<!tpu.dma_semaphore, #tpu.memory_space<semaphore_mem>>)
      } else {
      }
      %add3A_264 = arith.constant 3 : i32
      %add3A_265 = arith.addi %add3A_253, %add3A_264 : i32
      %lt3A_266 = arith.cmpi slt, %add3A_265, %select_n3A : i32
      %convert_element_type3A_267 = arith.extui %lt3A_266 : i1 to i32
      %cond3A_268 = arith.constant 0 : i32
      %cond3A_269 = arith.cmpi ne, %convert_element_type3A_267, %cond3A_268 : i32
      scf.if %cond3A_269 {
        %add3A_270 = arith.constant 3 : i32
        %add3A_271 = arith.addi %add3A_253, %add3A_270 : i32
        %dma_start3A_272 = arith.constant 0 : i32
        %dma_start3A_273 = tpu.memref_slice %arg3[%add3A, %add3A_271, %dma_start3A_272] : memref<32x114x120xi32, #tpu.memory_space<hbm>> -> memref<1x1x120xi32, #tpu.memory_space<hbm>>
        %dma_start3A_274 = tpu.memref_squeeze %dma_start3A_273 : memref<1x1x120xi32, #tpu.memory_space<hbm>> -> memref<120xi32, #tpu.memory_space<hbm>>
        %dma_start3A_275 = arith.constant 0 : i32
        %dma_start3A_276 = tpu.memref_slice %arg3[%add3A, %add3A_271, %dma_start3A_275] : memref<32x114x120xi32, #tpu.memory_space<hbm>> -> memref<1x1x120xi32, #tpu.memory_space<hbm>>
        %dma_start3A_277 = tpu.memref_squeeze %dma_start3A_276 : memref<1x1x120xi32, #tpu.memory_space<hbm>> -> memref<120xi32, #tpu.memory_space<hbm>>
        tpu.enqueue_dma source(%dma_start3A_277 : memref<120xi32, #tpu.memory_space<hbm>>) target(%arg14 : memref<120xi32, #tpu.memory_space<vmem>>) target_semaphore(%arg27 : memref<!tpu.dma_semaphore, #tpu.memory_space<semaphore_mem>>)
        %add3A_278 = arith.constant 3 : i32
        %add3A_279 = arith.addi %add3A_253, %add3A_278 : i32
        %dma_wait3A_280 = arith.constant 0 : i32
        %dma_wait3A_281 = tpu.memref_slice %arg2[%add3A, %add3A_279, %dma_wait3A_280] : memref<32x114x120xi32, #tpu.memory_space<hbm>> -> memref<1x1x120xi32, #tpu.memory_space<hbm>>
        %dma_wait3A_282 = tpu.memref_squeeze %dma_wait3A_281 : memref<1x1x120xi32, #tpu.memory_space<hbm>> -> memref<120xi32, #tpu.memory_space<hbm>>
        %dma_wait3A_283 = arith.constant 0 : i32
        %dma_wait3A_284 = tpu.memref_slice %arg2[%add3A, %add3A_279, %dma_wait3A_283] : memref<32x114x120xi32, #tpu.memory_space<hbm>> -> memref<1x1x120xi32, #tpu.memory_space<hbm>>
        %dma_wait3A_285 = tpu.memref_squeeze %dma_wait3A_284 : memref<1x1x120xi32, #tpu.memory_space<hbm>> -> memref<120xi32, #tpu.memory_space<hbm>>
        tpu.wait_dma2 semaphore(%arg21 : memref<!tpu.dma_semaphore, #tpu.memory_space<semaphore_mem>>) src(%dma_wait3A_285 : memref<120xi32, #tpu.memory_space<hbm>>) dst(%arg8 : memref<120xi32, #tpu.memory_space<vmem>>)
        %dma_start3A_286 = arith.constant 0 : i32
        %dma_start3A_287 = arith.constant 0 : i32
        %dma_start3A_288 = tpu.memref_slice %arg4[%dma_start3A_286, %dma_start3A_287] : memref<10112x128xf32, #tpu.memory_space<hbm>> -> memref<10112x128xf32, #tpu.memory_space<hbm>>
        tpu.enqueue_indirect_dma source(%dma_start3A_288 : memref<10112x128xf32, #tpu.memory_space<hbm>>) target(%arg17 : memref<120x128xf32, #tpu.memory_space<vmem>>) offsets(%arg8 : memref<120xi32, #tpu.memory_space<vmem>>) semaphore(%arg30 : memref<!tpu.dma_semaphore, #tpu.memory_space<semaphore_mem>>)
      } else {
      }
    }
    %scan3A_102 = arith.constant 18 : i32
    %gt3A = arith.constant 108 : i32
    %gt3A_103 = arith.cmpi sgt, %select_n3A, %gt3A : i32
    %convert_element_type3A = arith.extui %gt3A_103 : i1 to i32
    %cond3A = arith.constant 0 : i32
    %cond3A_104 = arith.cmpi ne, %convert_element_type3A, %cond3A : i32
    scf.if %cond3A_104 {
      %dma_wait3A_150 = arith.constant 0 : i32
      %dma_wait3A_151 = arith.constant 0 : i32
      %dma_wait3A_152 = tpu.memref_slice %arg4[%dma_wait3A_150, %dma_wait3A_151] : memref<10112x128xf32, #tpu.memory_space<hbm>> -> memref<10112x128xf32, #tpu.memory_space<hbm>>
      tpu.wait_indirect_dma semaphore(%arg28 : memref<!tpu.dma_semaphore, #tpu.memory_space<semaphore_mem>>) src(%dma_wait3A_152 : memref<10112x128xf32, #tpu.memory_space<hbm>>) dst(%arg15 : memref<120x128xf32, #tpu.memory_space<vmem>>)
      %dma_wait3A_153 = arith.constant 108 : i32
      %dma_wait3A_154 = arith.constant 0 : i32
      %dma_wait3A_155 = tpu.memref_slice %arg3[%add3A, %dma_wait3A_153, %dma_wait3A_154] : memref<32x114x120xi32, #tpu.memory_space<hbm>> -> memref<1x1x120xi32, #tpu.memory_space<hbm>>
      %dma_wait3A_156 = tpu.memref_squeeze %dma_wait3A_155 : memref<1x1x120xi32, #tpu.memory_space<hbm>> -> memref<120xi32, #tpu.memory_space<hbm>>
      %dma_wait3A_157 = arith.constant 0 : i32
      %dma_wait3A_158 = tpu.memref_slice %arg3[%add3A, %dma_wait3A_153, %dma_wait3A_157] : memref<32x114x120xi32, #tpu.memory_space<hbm>> -> memref<1x1x120xi32, #tpu.memory_space<hbm>>
      %dma_wait3A_159 = tpu.memref_squeeze %dma_wait3A_158 : memref<1x1x120xi32, #tpu.memory_space<hbm>> -> memref<120xi32, #tpu.memory_space<hbm>>
      tpu.wait_dma2 semaphore(%arg25 : memref<!tpu.dma_semaphore, #tpu.memory_space<semaphore_mem>>) src(%dma_wait3A_159 : memref<120xi32, #tpu.memory_space<hbm>>) dst(%arg12 : memref<120xi32, #tpu.memory_space<vmem>>)
      "tpu.region"() ({
        %run_scoped3A = tpu.sem_alloc : memref<!tpu.dma_semaphore, #tpu.memory_space<semaphore_mem>>
        %dma_start3A_160 = arith.constant 0 : i32
        %dma_start3A_161 = arith.constant 0 : i32
        %dma_start3A_162 = tpu.memref_slice %arg18[%dma_start3A_160, %dma_start3A_161] : memref<10112x128xf32, #tpu.memory_space<vmem_shared>> -> memref<10112x128xf32, #tpu.memory_space<vmem_shared>>
        tpu.enqueue_indirect_dma source(%arg15 : memref<120x128xf32, #tpu.memory_space<vmem>>) target(%dma_start3A_162 : memref<10112x128xf32, #tpu.memory_space<vmem_shared>>) offsets(%arg12 : memref<120xi32, #tpu.memory_space<vmem>>) semaphore(%run_scoped3A : memref<!tpu.dma_semaphore, #tpu.memory_space<semaphore_mem>>) {add = true}
        %dma_wait3A_163 = arith.constant 0 : i32
        %dma_wait3A_164 = arith.constant 0 : i32
        %dma_wait3A_165 = tpu.memref_slice %arg18[%dma_wait3A_163, %dma_wait3A_164] : memref<10112x128xf32, #tpu.memory_space<vmem_shared>> -> memref<10112x128xf32, #tpu.memory_space<vmem_shared>>
        tpu.wait_indirect_dma semaphore(%run_scoped3A : memref<!tpu.dma_semaphore, #tpu.memory_space<semaphore_mem>>) src(%arg15 : memref<120x128xf32, #tpu.memory_space<vmem>>) dst(%dma_wait3A_165 : memref<10112x128xf32, #tpu.memory_space<vmem_shared>>)
        tpu.yield
      }) : () -> ()
    } else {
    }
    %gt3A_105 = arith.constant 111 : i32
    %gt3A_106 = arith.cmpi sgt, %select_n3A, %gt3A_105 : i32
    %convert_element_type3A_107 = arith.extui %gt3A_106 : i1 to i32
    %cond3A_108 = arith.constant 0 : i32
    %cond3A_109 = arith.cmpi ne, %convert_element_type3A_107, %cond3A_108 : i32
    scf.if %cond3A_109 {
      %dma_start3A_150 = arith.constant 111 : i32
      %dma_start3A_151 = arith.constant 0 : i32
      %dma_start3A_152 = tpu.memref_slice %arg3[%add3A, %dma_start3A_150, %dma_start3A_151] : memref<32x114x120xi32, #tpu.memory_space<hbm>> -> memref<1x1x120xi32, #tpu.memory_space<hbm>>
      %dma_start3A_153 = tpu.memref_squeeze %dma_start3A_152 : memref<1x1x120xi32, #tpu.memory_space<hbm>> -> memref<120xi32, #tpu.memory_space<hbm>>
      %dma_start3A_154 = arith.constant 0 : i32
      %dma_start3A_155 = tpu.memref_slice %arg3[%add3A, %dma_start3A_150, %dma_start3A_154] : memref<32x114x120xi32, #tpu.memory_space<hbm>> -> memref<1x1x120xi32, #tpu.memory_space<hbm>>
      %dma_start3A_156 = tpu.memref_squeeze %dma_start3A_155 : memref<1x1x120xi32, #tpu.memory_space<hbm>> -> memref<120xi32, #tpu.memory_space<hbm>>
      tpu.enqueue_dma source(%dma_start3A_156 : memref<120xi32, #tpu.memory_space<hbm>>) target(%arg12 : memref<120xi32, #tpu.memory_space<vmem>>) target_semaphore(%arg25 : memref<!tpu.dma_semaphore, #tpu.memory_space<semaphore_mem>>)
      %dma_wait3A_157 = arith.constant 111 : i32
      %dma_wait3A_158 = arith.constant 0 : i32
      %dma_wait3A_159 = tpu.memref_slice %arg2[%add3A, %dma_wait3A_157, %dma_wait3A_158] : memref<32x114x120xi32, #tpu.memory_space<hbm>> -> memref<1x1x120xi32, #tpu.memory_space<hbm>>
      %dma_wait3A_160 = tpu.memref_squeeze %dma_wait3A_159 : memref<1x1x120xi32, #tpu.memory_space<hbm>> -> memref<120xi32, #tpu.memory_space<hbm>>
      %dma_wait3A_161 = arith.constant 0 : i32
      %dma_wait3A_162 = tpu.memref_slice %arg2[%add3A, %dma_wait3A_157, %dma_wait3A_161] : memref<32x114x120xi32, #tpu.memory_space<hbm>> -> memref<1x1x120xi32, #tpu.memory_space<hbm>>
      %dma_wait3A_163 = tpu.memref_squeeze %dma_wait3A_162 : memref<1x1x120xi32, #tpu.memory_space<hbm>> -> memref<120xi32, #tpu.memory_space<hbm>>
      tpu.wait_dma2 semaphore(%arg22 : memref<!tpu.dma_semaphore, #tpu.memory_space<semaphore_mem>>) src(%dma_wait3A_163 : memref<120xi32, #tpu.memory_space<hbm>>) dst(%arg9 : memref<120xi32, #tpu.memory_space<vmem>>)
      %dma_start3A_164 = arith.constant 0 : i32
      %dma_start3A_165 = arith.constant 0 : i32
      %dma_start3A_166 = tpu.memref_slice %arg4[%dma_start3A_164, %dma_start3A_165] : memref<10112x128xf32, #tpu.memory_space<hbm>> -> memref<10112x128xf32, #tpu.memory_space<hbm>>
      tpu.enqueue_indirect_dma source(%dma_start3A_166 : memref<10112x128xf32, #tpu.memory_space<hbm>>) target(%arg15 : memref<120x128xf32, #tpu.memory_space<vmem>>) offsets(%arg9 : memref<120xi32, #tpu.memory_space<vmem>>) semaphore(%arg28 : memref<!tpu.dma_semaphore, #tpu.memory_space<semaphore_mem>>)
    } else {
    }
    %gt3A_110 = arith.constant 109 : i32
    %gt3A_111 = arith.cmpi sgt, %select_n3A, %gt3A_110 : i32
    %convert_element_type3A_112 = arith.extui %gt3A_111 : i1 to i32
    %cond3A_113 = arith.constant 0 : i32
    %cond3A_114 = arith.cmpi ne, %convert_element_type3A_112, %cond3A_113 : i32
    scf.if %cond3A_114 {
      %dma_wait3A_150 = arith.constant 0 : i32
      %dma_wait3A_151 = arith.constant 0 : i32
      %dma_wait3A_152 = tpu.memref_slice %arg4[%dma_wait3A_150, %dma_wait3A_151] : memref<10112x128xf32, #tpu.memory_space<hbm>> -> memref<10112x128xf32, #tpu.memory_space<hbm>>
      tpu.wait_indirect_dma semaphore(%arg29 : memref<!tpu.dma_semaphore, #tpu.memory_space<semaphore_mem>>) src(%dma_wait3A_152 : memref<10112x128xf32, #tpu.memory_space<hbm>>) dst(%arg16 : memref<120x128xf32, #tpu.memory_space<vmem>>)
      %dma_wait3A_153 = arith.constant 109 : i32
      %dma_wait3A_154 = arith.constant 0 : i32
      %dma_wait3A_155 = tpu.memref_slice %arg3[%add3A, %dma_wait3A_153, %dma_wait3A_154] : memref<32x114x120xi32, #tpu.memory_space<hbm>> -> memref<1x1x120xi32, #tpu.memory_space<hbm>>
      %dma_wait3A_156 = tpu.memref_squeeze %dma_wait3A_155 : memref<1x1x120xi32, #tpu.memory_space<hbm>> -> memref<120xi32, #tpu.memory_space<hbm>>
      %dma_wait3A_157 = arith.constant 0 : i32
      %dma_wait3A_158 = tpu.memref_slice %arg3[%add3A, %dma_wait3A_153, %dma_wait3A_157] : memref<32x114x120xi32, #tpu.memory_space<hbm>> -> memref<1x1x120xi32, #tpu.memory_space<hbm>>
      %dma_wait3A_159 = tpu.memref_squeeze %dma_wait3A_158 : memref<1x1x120xi32, #tpu.memory_space<hbm>> -> memref<120xi32, #tpu.memory_space<hbm>>
      tpu.wait_dma2 semaphore(%arg26 : memref<!tpu.dma_semaphore, #tpu.memory_space<semaphore_mem>>) src(%dma_wait3A_159 : memref<120xi32, #tpu.memory_space<hbm>>) dst(%arg13 : memref<120xi32, #tpu.memory_space<vmem>>)
      "tpu.region"() ({
        %run_scoped3A = tpu.sem_alloc : memref<!tpu.dma_semaphore, #tpu.memory_space<semaphore_mem>>
        %dma_start3A_160 = arith.constant 0 : i32
        %dma_start3A_161 = arith.constant 0 : i32
        %dma_start3A_162 = tpu.memref_slice %arg18[%dma_start3A_160, %dma_start3A_161] : memref<10112x128xf32, #tpu.memory_space<vmem_shared>> -> memref<10112x128xf32, #tpu.memory_space<vmem_shared>>
        tpu.enqueue_indirect_dma source(%arg16 : memref<120x128xf32, #tpu.memory_space<vmem>>) target(%dma_start3A_162 : memref<10112x128xf32, #tpu.memory_space<vmem_shared>>) offsets(%arg13 : memref<120xi32, #tpu.memory_space<vmem>>) semaphore(%run_scoped3A : memref<!tpu.dma_semaphore, #tpu.memory_space<semaphore_mem>>) {add = true}
        %dma_wait3A_163 = arith.constant 0 : i32
        %dma_wait3A_164 = arith.constant 0 : i32
        %dma_wait3A_165 = tpu.memref_slice %arg18[%dma_wait3A_163, %dma_wait3A_164] : memref<10112x128xf32, #tpu.memory_space<vmem_shared>> -> memref<10112x128xf32, #tpu.memory_space<vmem_shared>>
        tpu.wait_indirect_dma semaphore(%run_scoped3A : memref<!tpu.dma_semaphore, #tpu.memory_space<semaphore_mem>>) src(%arg16 : memref<120x128xf32, #tpu.memory_space<vmem>>) dst(%dma_wait3A_165 : memref<10112x128xf32, #tpu.memory_space<vmem_shared>>)
        tpu.yield
      }) : () -> ()
    } else {
    }
    %gt3A_115 = arith.constant 112 : i32
    %gt3A_116 = arith.cmpi sgt, %select_n3A, %gt3A_115 : i32
    %convert_element_type3A_117 = arith.extui %gt3A_116 : i1 to i32
    %cond3A_118 = arith.constant 0 : i32
    %cond3A_119 = arith.cmpi ne, %convert_element_type3A_117, %cond3A_118 : i32
    scf.if %cond3A_119 {
      %dma_start3A_150 = arith.constant 112 : i32
      %dma_start3A_151 = arith.constant 0 : i32
      %dma_start3A_152 = tpu.memref_slice %arg3[%add3A, %dma_start3A_150, %dma_start3A_151] : memref<32x114x120xi32, #tpu.memory_space<hbm>> -> memref<1x1x120xi32, #tpu.memory_space<hbm>>
      %dma_start3A_153 = tpu.memref_squeeze %dma_start3A_152 : memref<1x1x120xi32, #tpu.memory_space<hbm>> -> memref<120xi32, #tpu.memory_space<hbm>>
      %dma_start3A_154 = arith.constant 0 : i32
      %dma_start3A_155 = tpu.memref_slice %arg3[%add3A, %dma_start3A_150, %dma_start3A_154] : memref<32x114x120xi32, #tpu.memory_space<hbm>> -> memref<1x1x120xi32, #tpu.memory_space<hbm>>
      %dma_start3A_156 = tpu.memref_squeeze %dma_start3A_155 : memref<1x1x120xi32, #tpu.memory_space<hbm>> -> memref<120xi32, #tpu.memory_space<hbm>>
      tpu.enqueue_dma source(%dma_start3A_156 : memref<120xi32, #tpu.memory_space<hbm>>) target(%arg13 : memref<120xi32, #tpu.memory_space<vmem>>) target_semaphore(%arg26 : memref<!tpu.dma_semaphore, #tpu.memory_space<semaphore_mem>>)
      %dma_wait3A_157 = arith.constant 112 : i32
      %dma_wait3A_158 = arith.constant 0 : i32
      %dma_wait3A_159 = tpu.memref_slice %arg2[%add3A, %dma_wait3A_157, %dma_wait3A_158] : memref<32x114x120xi32, #tpu.memory_space<hbm>> -> memref<1x1x120xi32, #tpu.memory_space<hbm>>
      %dma_wait3A_160 = tpu.memref_squeeze %dma_wait3A_159 : memref<1x1x120xi32, #tpu.memory_space<hbm>> -> memref<120xi32, #tpu.memory_space<hbm>>
      %dma_wait3A_161 = arith.constant 0 : i32
      %dma_wait3A_162 = tpu.memref_slice %arg2[%add3A, %dma_wait3A_157, %dma_wait3A_161] : memref<32x114x120xi32, #tpu.memory_space<hbm>> -> memref<1x1x120xi32, #tpu.memory_space<hbm>>
      %dma_wait3A_163 = tpu.memref_squeeze %dma_wait3A_162 : memref<1x1x120xi32, #tpu.memory_space<hbm>> -> memref<120xi32, #tpu.memory_space<hbm>>
      tpu.wait_dma2 semaphore(%arg23 : memref<!tpu.dma_semaphore, #tpu.memory_space<semaphore_mem>>) src(%dma_wait3A_163 : memref<120xi32, #tpu.memory_space<hbm>>) dst(%arg10 : memref<120xi32, #tpu.memory_space<vmem>>)
      %dma_start3A_164 = arith.constant 0 : i32
      %dma_start3A_165 = arith.constant 0 : i32
      %dma_start3A_166 = tpu.memref_slice %arg4[%dma_start3A_164, %dma_start3A_165] : memref<10112x128xf32, #tpu.memory_space<hbm>> -> memref<10112x128xf32, #tpu.memory_space<hbm>>
      tpu.enqueue_indirect_dma source(%dma_start3A_166 : memref<10112x128xf32, #tpu.memory_space<hbm>>) target(%arg16 : memref<120x128xf32, #tpu.memory_space<vmem>>) offsets(%arg10 : memref<120xi32, #tpu.memory_space<vmem>>) semaphore(%arg29 : memref<!tpu.dma_semaphore, #tpu.memory_space<semaphore_mem>>)
    } else {
    }
    %gt3A_120 = arith.constant 110 : i32
    %gt3A_121 = arith.cmpi sgt, %select_n3A, %gt3A_120 : i32
    %convert_element_type3A_122 = arith.extui %gt3A_121 : i1 to i32
    %cond3A_123 = arith.constant 0 : i32
    %cond3A_124 = arith.cmpi ne, %convert_element_type3A_122, %cond3A_123 : i32
    scf.if %cond3A_124 {
      %dma_wait3A_150 = arith.constant 0 : i32
      %dma_wait3A_151 = arith.constant 0 : i32
      %dma_wait3A_152 = tpu.memref_slice %arg4[%dma_wait3A_150, %dma_wait3A_151] : memref<10112x128xf32, #tpu.memory_space<hbm>> -> memref<10112x128xf32, #tpu.memory_space<hbm>>
      tpu.wait_indirect_dma semaphore(%arg30 : memref<!tpu.dma_semaphore, #tpu.memory_space<semaphore_mem>>) src(%dma_wait3A_152 : memref<10112x128xf32, #tpu.memory_space<hbm>>) dst(%arg17 : memref<120x128xf32, #tpu.memory_space<vmem>>)
      %dma_wait3A_153 = arith.constant 110 : i32
      %dma_wait3A_154 = arith.constant 0 : i32
      %dma_wait3A_155 = tpu.memref_slice %arg3[%add3A, %dma_wait3A_153, %dma_wait3A_154] : memref<32x114x120xi32, #tpu.memory_space<hbm>> -> memref<1x1x120xi32, #tpu.memory_space<hbm>>
      %dma_wait3A_156 = tpu.memref_squeeze %dma_wait3A_155 : memref<1x1x120xi32, #tpu.memory_space<hbm>> -> memref<120xi32, #tpu.memory_space<hbm>>
      %dma_wait3A_157 = arith.constant 0 : i32
      %dma_wait3A_158 = tpu.memref_slice %arg3[%add3A, %dma_wait3A_153, %dma_wait3A_157] : memref<32x114x120xi32, #tpu.memory_space<hbm>> -> memref<1x1x120xi32, #tpu.memory_space<hbm>>
      %dma_wait3A_159 = tpu.memref_squeeze %dma_wait3A_158 : memref<1x1x120xi32, #tpu.memory_space<hbm>> -> memref<120xi32, #tpu.memory_space<hbm>>
      tpu.wait_dma2 semaphore(%arg27 : memref<!tpu.dma_semaphore, #tpu.memory_space<semaphore_mem>>) src(%dma_wait3A_159 : memref<120xi32, #tpu.memory_space<hbm>>) dst(%arg14 : memref<120xi32, #tpu.memory_space<vmem>>)
      "tpu.region"() ({
        %run_scoped3A = tpu.sem_alloc : memref<!tpu.dma_semaphore, #tpu.memory_space<semaphore_mem>>
        %dma_start3A_160 = arith.constant 0 : i32
        %dma_start3A_161 = arith.constant 0 : i32
        %dma_start3A_162 = tpu.memref_slice %arg18[%dma_start3A_160, %dma_start3A_161] : memref<10112x128xf32, #tpu.memory_space<vmem_shared>> -> memref<10112x128xf32, #tpu.memory_space<vmem_shared>>
        tpu.enqueue_indirect_dma source(%arg17 : memref<120x128xf32, #tpu.memory_space<vmem>>) target(%dma_start3A_162 : memref<10112x128xf32, #tpu.memory_space<vmem_shared>>) offsets(%arg14 : memref<120xi32, #tpu.memory_space<vmem>>) semaphore(%run_scoped3A : memref<!tpu.dma_semaphore, #tpu.memory_space<semaphore_mem>>) {add = true}
        %dma_wait3A_163 = arith.constant 0 : i32
        %dma_wait3A_164 = arith.constant 0 : i32
        %dma_wait3A_165 = tpu.memref_slice %arg18[%dma_wait3A_163, %dma_wait3A_164] : memref<10112x128xf32, #tpu.memory_space<vmem_shared>> -> memref<10112x128xf32, #tpu.memory_space<vmem_shared>>
        tpu.wait_indirect_dma semaphore(%run_scoped3A : memref<!tpu.dma_semaphore, #tpu.memory_space<semaphore_mem>>) src(%arg17 : memref<120x128xf32, #tpu.memory_space<vmem>>) dst(%dma_wait3A_165 : memref<10112x128xf32, #tpu.memory_space<vmem_shared>>)
        tpu.yield
      }) : () -> ()
    } else {
    }
    %gt3A_125 = arith.constant 113 : i32
    %gt3A_126 = arith.cmpi sgt, %select_n3A, %gt3A_125 : i32
    %convert_element_type3A_127 = arith.extui %gt3A_126 : i1 to i32
    %cond3A_128 = arith.constant 0 : i32
    %cond3A_129 = arith.cmpi ne, %convert_element_type3A_127, %cond3A_128 : i32
    scf.if %cond3A_129 {
      %dma_start3A_150 = arith.constant 113 : i32
      %dma_start3A_151 = arith.constant 0 : i32
      %dma_start3A_152 = tpu.memref_slice %arg3[%add3A, %dma_start3A_150, %dma_start3A_151] : memref<32x114x120xi32, #tpu.memory_space<hbm>> -> memref<1x1x120xi32, #tpu.memory_space<hbm>>
      %dma_start3A_153 = tpu.memref_squeeze %dma_start3A_152 : memref<1x1x120xi32, #tpu.memory_space<hbm>> -> memref<120xi32, #tpu.memory_space<hbm>>
      %dma_start3A_154 = arith.constant 0 : i32
      %dma_start3A_155 = tpu.memref_slice %arg3[%add3A, %dma_start3A_150, %dma_start3A_154] : memref<32x114x120xi32, #tpu.memory_space<hbm>> -> memref<1x1x120xi32, #tpu.memory_space<hbm>>
      %dma_start3A_156 = tpu.memref_squeeze %dma_start3A_155 : memref<1x1x120xi32, #tpu.memory_space<hbm>> -> memref<120xi32, #tpu.memory_space<hbm>>
      tpu.enqueue_dma source(%dma_start3A_156 : memref<120xi32, #tpu.memory_space<hbm>>) target(%arg14 : memref<120xi32, #tpu.memory_space<vmem>>) target_semaphore(%arg27 : memref<!tpu.dma_semaphore, #tpu.memory_space<semaphore_mem>>)
      %dma_wait3A_157 = arith.constant 113 : i32
      %dma_wait3A_158 = arith.constant 0 : i32
      %dma_wait3A_159 = tpu.memref_slice %arg2[%add3A, %dma_wait3A_157, %dma_wait3A_158] : memref<32x114x120xi32, #tpu.memory_space<hbm>> -> memref<1x1x120xi32, #tpu.memory_space<hbm>>
      %dma_wait3A_160 = tpu.memref_squeeze %dma_wait3A_159 : memref<1x1x120xi32, #tpu.memory_space<hbm>> -> memref<120xi32, #tpu.memory_space<hbm>>
      %dma_wait3A_161 = arith.constant 0 : i32
      %dma_wait3A_162 = tpu.memref_slice %arg2[%add3A, %dma_wait3A_157, %dma_wait3A_161] : memref<32x114x120xi32, #tpu.memory_space<hbm>> -> memref<1x1x120xi32, #tpu.memory_space<hbm>>
      %dma_wait3A_163 = tpu.memref_squeeze %dma_wait3A_162 : memref<1x1x120xi32, #tpu.memory_space<hbm>> -> memref<120xi32, #tpu.memory_space<hbm>>
      tpu.wait_dma2 semaphore(%arg24 : memref<!tpu.dma_semaphore, #tpu.memory_space<semaphore_mem>>) src(%dma_wait3A_163 : memref<120xi32, #tpu.memory_space<hbm>>) dst(%arg11 : memref<120xi32, #tpu.memory_space<vmem>>)
      %dma_start3A_164 = arith.constant 0 : i32
      %dma_start3A_165 = arith.constant 0 : i32
      %dma_start3A_166 = tpu.memref_slice %arg4[%dma_start3A_164, %dma_start3A_165] : memref<10112x128xf32, #tpu.memory_space<hbm>> -> memref<10112x128xf32, #tpu.memory_space<hbm>>
      tpu.enqueue_indirect_dma source(%dma_start3A_166 : memref<10112x128xf32, #tpu.memory_space<hbm>>) target(%arg17 : memref<120x128xf32, #tpu.memory_space<vmem>>) offsets(%arg11 : memref<120xi32, #tpu.memory_space<vmem>>) semaphore(%arg30 : memref<!tpu.dma_semaphore, #tpu.memory_space<semaphore_mem>>)
    } else {
    }
    %gt3A_130 = arith.constant 111 : i32
    %gt3A_131 = arith.cmpi sgt, %select_n3A, %gt3A_130 : i32
    %convert_element_type3A_132 = arith.extui %gt3A_131 : i1 to i32
    %cond3A_133 = arith.constant 0 : i32
    %cond3A_134 = arith.cmpi ne, %convert_element_type3A_132, %cond3A_133 : i32
    scf.if %cond3A_134 {
      %dma_wait3A_150 = arith.constant 0 : i32
      %dma_wait3A_151 = arith.constant 0 : i32
      %dma_wait3A_152 = tpu.memref_slice %arg4[%dma_wait3A_150, %dma_wait3A_151] : memref<10112x128xf32, #tpu.memory_space<hbm>> -> memref<10112x128xf32, #tpu.memory_space<hbm>>
      tpu.wait_indirect_dma semaphore(%arg28 : memref<!tpu.dma_semaphore, #tpu.memory_space<semaphore_mem>>) src(%dma_wait3A_152 : memref<10112x128xf32, #tpu.memory_space<hbm>>) dst(%arg15 : memref<120x128xf32, #tpu.memory_space<vmem>>)
      %dma_wait3A_153 = arith.constant 111 : i32
      %dma_wait3A_154 = arith.constant 0 : i32
      %dma_wait3A_155 = tpu.memref_slice %arg3[%add3A, %dma_wait3A_153, %dma_wait3A_154] : memref<32x114x120xi32, #tpu.memory_space<hbm>> -> memref<1x1x120xi32, #tpu.memory_space<hbm>>
      %dma_wait3A_156 = tpu.memref_squeeze %dma_wait3A_155 : memref<1x1x120xi32, #tpu.memory_space<hbm>> -> memref<120xi32, #tpu.memory_space<hbm>>
      %dma_wait3A_157 = arith.constant 0 : i32
      %dma_wait3A_158 = tpu.memref_slice %arg3[%add3A, %dma_wait3A_153, %dma_wait3A_157] : memref<32x114x120xi32, #tpu.memory_space<hbm>> -> memref<1x1x120xi32, #tpu.memory_space<hbm>>
      %dma_wait3A_159 = tpu.memref_squeeze %dma_wait3A_158 : memref<1x1x120xi32, #tpu.memory_space<hbm>> -> memref<120xi32, #tpu.memory_space<hbm>>
      tpu.wait_dma2 semaphore(%arg25 : memref<!tpu.dma_semaphore, #tpu.memory_space<semaphore_mem>>) src(%dma_wait3A_159 : memref<120xi32, #tpu.memory_space<hbm>>) dst(%arg12 : memref<120xi32, #tpu.memory_space<vmem>>)
      "tpu.region"() ({
        %run_scoped3A = tpu.sem_alloc : memref<!tpu.dma_semaphore, #tpu.memory_space<semaphore_mem>>
        %dma_start3A_160 = arith.constant 0 : i32
        %dma_start3A_161 = arith.constant 0 : i32
        %dma_start3A_162 = tpu.memref_slice %arg18[%dma_start3A_160, %dma_start3A_161] : memref<10112x128xf32, #tpu.memory_space<vmem_shared>> -> memref<10112x128xf32, #tpu.memory_space<vmem_shared>>
        tpu.enqueue_indirect_dma source(%arg15 : memref<120x128xf32, #tpu.memory_space<vmem>>) target(%dma_start3A_162 : memref<10112x128xf32, #tpu.memory_space<vmem_shared>>) offsets(%arg12 : memref<120xi32, #tpu.memory_space<vmem>>) semaphore(%run_scoped3A : memref<!tpu.dma_semaphore, #tpu.memory_space<semaphore_mem>>) {add = true}
        %dma_wait3A_163 = arith.constant 0 : i32
        %dma_wait3A_164 = arith.constant 0 : i32
        %dma_wait3A_165 = tpu.memref_slice %arg18[%dma_wait3A_163, %dma_wait3A_164] : memref<10112x128xf32, #tpu.memory_space<vmem_shared>> -> memref<10112x128xf32, #tpu.memory_space<vmem_shared>>
        tpu.wait_indirect_dma semaphore(%run_scoped3A : memref<!tpu.dma_semaphore, #tpu.memory_space<semaphore_mem>>) src(%arg15 : memref<120x128xf32, #tpu.memory_space<vmem>>) dst(%dma_wait3A_165 : memref<10112x128xf32, #tpu.memory_space<vmem_shared>>)
        tpu.yield
      }) : () -> ()
    } else {
    }
    %gt3A_135 = arith.constant 112 : i32
    %gt3A_136 = arith.cmpi sgt, %select_n3A, %gt3A_135 : i32
    %convert_element_type3A_137 = arith.extui %gt3A_136 : i1 to i32
    %cond3A_138 = arith.constant 0 : i32
    %cond3A_139 = arith.cmpi ne, %convert_element_type3A_137, %cond3A_138 : i32
    scf.if %cond3A_139 {
      %dma_wait3A_150 = arith.constant 0 : i32
      %dma_wait3A_151 = arith.constant 0 : i32
      %dma_wait3A_152 = tpu.memref_slice %arg4[%dma_wait3A_150, %dma_wait3A_151] : memref<10112x128xf32, #tpu.memory_space<hbm>> -> memref<10112x128xf32, #tpu.memory_space<hbm>>
      tpu.wait_indirect_dma semaphore(%arg29 : memref<!tpu.dma_semaphore, #tpu.memory_space<semaphore_mem>>) src(%dma_wait3A_152 : memref<10112x128xf32, #tpu.memory_space<hbm>>) dst(%arg16 : memref<120x128xf32, #tpu.memory_space<vmem>>)
      %dma_wait3A_153 = arith.constant 112 : i32
      %dma_wait3A_154 = arith.constant 0 : i32
      %dma_wait3A_155 = tpu.memref_slice %arg3[%add3A, %dma_wait3A_153, %dma_wait3A_154] : memref<32x114x120xi32, #tpu.memory_space<hbm>> -> memref<1x1x120xi32, #tpu.memory_space<hbm>>
      %dma_wait3A_156 = tpu.memref_squeeze %dma_wait3A_155 : memref<1x1x120xi32, #tpu.memory_space<hbm>> -> memref<120xi32, #tpu.memory_space<hbm>>
      %dma_wait3A_157 = arith.constant 0 : i32
      %dma_wait3A_158 = tpu.memref_slice %arg3[%add3A, %dma_wait3A_153, %dma_wait3A_157] : memref<32x114x120xi32, #tpu.memory_space<hbm>> -> memref<1x1x120xi32, #tpu.memory_space<hbm>>
      %dma_wait3A_159 = tpu.memref_squeeze %dma_wait3A_158 : memref<1x1x120xi32, #tpu.memory_space<hbm>> -> memref<120xi32, #tpu.memory_space<hbm>>
      tpu.wait_dma2 semaphore(%arg26 : memref<!tpu.dma_semaphore, #tpu.memory_space<semaphore_mem>>) src(%dma_wait3A_159 : memref<120xi32, #tpu.memory_space<hbm>>) dst(%arg13 : memref<120xi32, #tpu.memory_space<vmem>>)
      "tpu.region"() ({
        %run_scoped3A = tpu.sem_alloc : memref<!tpu.dma_semaphore, #tpu.memory_space<semaphore_mem>>
        %dma_start3A_160 = arith.constant 0 : i32
        %dma_start3A_161 = arith.constant 0 : i32
        %dma_start3A_162 = tpu.memref_slice %arg18[%dma_start3A_160, %dma_start3A_161] : memref<10112x128xf32, #tpu.memory_space<vmem_shared>> -> memref<10112x128xf32, #tpu.memory_space<vmem_shared>>
        tpu.enqueue_indirect_dma source(%arg16 : memref<120x128xf32, #tpu.memory_space<vmem>>) target(%dma_start3A_162 : memref<10112x128xf32, #tpu.memory_space<vmem_shared>>) offsets(%arg13 : memref<120xi32, #tpu.memory_space<vmem>>) semaphore(%run_scoped3A : memref<!tpu.dma_semaphore, #tpu.memory_space<semaphore_mem>>) {add = true}
        %dma_wait3A_163 = arith.constant 0 : i32
        %dma_wait3A_164 = arith.constant 0 : i32
        %dma_wait3A_165 = tpu.memref_slice %arg18[%dma_wait3A_163, %dma_wait3A_164] : memref<10112x128xf32, #tpu.memory_space<vmem_shared>> -> memref<10112x128xf32, #tpu.memory_space<vmem_shared>>
        tpu.wait_indirect_dma semaphore(%run_scoped3A : memref<!tpu.dma_semaphore, #tpu.memory_space<semaphore_mem>>) src(%arg16 : memref<120x128xf32, #tpu.memory_space<vmem>>) dst(%dma_wait3A_165 : memref<10112x128xf32, #tpu.memory_space<vmem_shared>>)
        tpu.yield
      }) : () -> ()
    } else {
    }
    %gt3A_140 = arith.constant 113 : i32
    %gt3A_141 = arith.cmpi sgt, %select_n3A, %gt3A_140 : i32
    %convert_element_type3A_142 = arith.extui %gt3A_141 : i1 to i32
    %cond3A_143 = arith.constant 0 : i32
    %cond3A_144 = arith.cmpi ne, %convert_element_type3A_142, %cond3A_143 : i32
    scf.if %cond3A_144 {
      %dma_wait3A_150 = arith.constant 0 : i32
      %dma_wait3A_151 = arith.constant 0 : i32
      %dma_wait3A_152 = tpu.memref_slice %arg4[%dma_wait3A_150, %dma_wait3A_151] : memref<10112x128xf32, #tpu.memory_space<hbm>> -> memref<10112x128xf32, #tpu.memory_space<hbm>>
      tpu.wait_indirect_dma semaphore(%arg30 : memref<!tpu.dma_semaphore, #tpu.memory_space<semaphore_mem>>) src(%dma_wait3A_152 : memref<10112x128xf32, #tpu.memory_space<hbm>>) dst(%arg17 : memref<120x128xf32, #tpu.memory_space<vmem>>)
      %dma_wait3A_153 = arith.constant 113 : i32
      %dma_wait3A_154 = arith.constant 0 : i32
      %dma_wait3A_155 = tpu.memref_slice %arg3[%add3A, %dma_wait3A_153, %dma_wait3A_154] : memref<32x114x120xi32, #tpu.memory_space<hbm>> -> memref<1x1x120xi32, #tpu.memory_space<hbm>>
      %dma_wait3A_156 = tpu.memref_squeeze %dma_wait3A_155 : memref<1x1x120xi32, #tpu.memory_space<hbm>> -> memref<120xi32, #tpu.memory_space<hbm>>
      %dma_wait3A_157 = arith.constant 0 : i32
      %dma_wait3A_158 = tpu.memref_slice %arg3[%add3A, %dma_wait3A_153, %dma_wait3A_157] : memref<32x114x120xi32, #tpu.memory_space<hbm>> -> memref<1x1x120xi32, #tpu.memory_space<hbm>>
      %dma_wait3A_159 = tpu.memref_squeeze %dma_wait3A_158 : memref<1x1x120xi32, #tpu.memory_space<hbm>> -> memref<120xi32, #tpu.memory_space<hbm>>
      tpu.wait_dma2 semaphore(%arg27 : memref<!tpu.dma_semaphore, #tpu.memory_space<semaphore_mem>>) src(%dma_wait3A_159 : memref<120xi32, #tpu.memory_space<hbm>>) dst(%arg14 : memref<120xi32, #tpu.memory_space<vmem>>)
      "tpu.region"() ({
        %run_scoped3A = tpu.sem_alloc : memref<!tpu.dma_semaphore, #tpu.memory_space<semaphore_mem>>
        %dma_start3A_160 = arith.constant 0 : i32
        %dma_start3A_161 = arith.constant 0 : i32
        %dma_start3A_162 = tpu.memref_slice %arg18[%dma_start3A_160, %dma_start3A_161] : memref<10112x128xf32, #tpu.memory_space<vmem_shared>> -> memref<10112x128xf32, #tpu.memory_space<vmem_shared>>
        tpu.enqueue_indirect_dma source(%arg17 : memref<120x128xf32, #tpu.memory_space<vmem>>) target(%dma_start3A_162 : memref<10112x128xf32, #tpu.memory_space<vmem_shared>>) offsets(%arg14 : memref<120xi32, #tpu.memory_space<vmem>>) semaphore(%run_scoped3A : memref<!tpu.dma_semaphore, #tpu.memory_space<semaphore_mem>>) {add = true}
        %dma_wait3A_163 = arith.constant 0 : i32
        %dma_wait3A_164 = arith.constant 0 : i32
        %dma_wait3A_165 = tpu.memref_slice %arg18[%dma_wait3A_163, %dma_wait3A_164] : memref<10112x128xf32, #tpu.memory_space<vmem_shared>> -> memref<10112x128xf32, #tpu.memory_space<vmem_shared>>
        tpu.wait_indirect_dma semaphore(%run_scoped3A : memref<!tpu.dma_semaphore, #tpu.memory_space<semaphore_mem>>) src(%arg17 : memref<120x128xf32, #tpu.memory_space<vmem>>) dst(%dma_wait3A_165 : memref<10112x128xf32, #tpu.memory_space<vmem_shared>>)
        tpu.yield
      }) : () -> ()
    } else {
    }
    %barrier3A_145 = arith.constant 0 : index
    tpu.barrier barrier_id(%barrier3A_145)
    %mul3A_146 = arith.constant 632 : i32
    %mul3A_147 = arith.muli %arg1, %mul3A_146 : i32
    %mul3A_148 = arith.constant 632 : i32
    %mul3A_149 = arith.muli %arg1, %mul3A_148 : i32
    "tpu.region"() ({
      %run_scoped3A = tpu.sem_alloc : memref<!tpu.dma_semaphore, #tpu.memory_space<semaphore_mem>>
      %dma_start3A_150 = arith.constant 0 : i32
      %dma_start3A_151 = tpu.memref_slice %arg5[%arg0, %mul3A_149, %dma_start3A_150] : memref<2x10112x128xf32, #tpu.memory_space<hbm>> -> memref<1x632x128xf32, #tpu.memory_space<hbm>>
      %dma_start3A_152 = tpu.memref_squeeze %dma_start3A_151 : memref<1x632x128xf32, #tpu.memory_space<hbm>> -> memref<632x128xf32, #tpu.memory_space<hbm>>
      %dma_start3A_153 = arith.constant 0 : i32
      %dma_start3A_154 = tpu.memref_slice %arg18[%mul3A_147, %dma_start3A_153] : memref<10112x128xf32, #tpu.memory_space<vmem_shared>> -> memref<632x128xf32, #tpu.memory_space<vmem_shared>>
      tpu.enqueue_dma source(%dma_start3A_154 : memref<632x128xf32, #tpu.memory_space<vmem_shared>>) target(%dma_start3A_152 : memref<632x128xf32, #tpu.memory_space<hbm>>) target_semaphore(%run_scoped3A : memref<!tpu.dma_semaphore, #tpu.memory_space<semaphore_mem>>)
      %dma_wait3A_155 = arith.constant 0 : i32
      %dma_wait3A_156 = tpu.memref_slice %arg5[%arg0, %mul3A_149, %dma_wait3A_155] : memref<2x10112x128xf32, #tpu.memory_space<hbm>> -> memref<1x632x128xf32, #tpu.memory_space<hbm>>
      %dma_wait3A_157 = tpu.memref_squeeze %dma_wait3A_156 : memref<1x632x128xf32, #tpu.memory_space<hbm>> -> memref<632x128xf32, #tpu.memory_space<hbm>>
      %dma_wait3A_158 = arith.constant 0 : i32
      %dma_wait3A_159 = tpu.memref_slice %arg18[%mul3A_147, %dma_wait3A_158] : memref<10112x128xf32, #tpu.memory_space<vmem_shared>> -> memref<632x128xf32, #tpu.memory_space<vmem_shared>>
      tpu.wait_dma2 semaphore(%run_scoped3A : memref<!tpu.dma_semaphore, #tpu.memory_space<semaphore_mem>>) src(%dma_wait3A_159 : memref<632x128xf32, #tpu.memory_space<vmem_shared>>) dst(%dma_wait3A_157 : memref<632x128xf32, #tpu.memory_space<hbm>>)
      tpu.yield
    }) : () -> ()
    return
  }
}

module attributes {stable_mosaic.version = 14 : i64} {
  func.func @body(%arg0: i32, %arg1: memref<2x632x128xf32, #tpu.memory_space<vmem>>, %arg2: memref<632x128xf32, #tpu.memory_space<vmem>>, %arg3: memref<128x128xf32, #tpu.memory_space<vmem>>, %arg4: memref<1x128xf32, #tpu.memory_space<vmem>>, %arg5: memref<128x128xf32, #tpu.memory_space<vmem>>, %arg6: memref<1x128xf32, #tpu.memory_space<vmem>>, %arg7: memref<632x128xf32, #tpu.memory_space<vmem>>) attributes {dimension_semantics = [#tpu.dimension_semantics<arbitrary>], iteration_bounds = array<i64: 16>, scalar_prefetch = 0 : i64, scratch_operands = 0 : i64, tpu.core_type = #tpu.core_type<tc>, window_params = [{transform_indices = @transform_0, window_bounds = array<i64: 2, 632, 128>}, {transform_indices = @transform_1, window_bounds = array<i64: 632, 128>}, {pipeline_mode = #tpu.pipeline_mode<synchronous>, transform_indices = @transform_2, window_bounds = array<i64: 128, 128>}, {pipeline_mode = #tpu.pipeline_mode<synchronous>, transform_indices = @transform_3, window_bounds = array<i64: 1, 128>}, {pipeline_mode = #tpu.pipeline_mode<synchronous>, transform_indices = @transform_4, window_bounds = array<i64: 128, 128>}, {pipeline_mode = #tpu.pipeline_mode<synchronous>, transform_indices = @transform_5, window_bounds = array<i64: 1, 128>}, {transform_indices = @transform_6, window_bounds = array<i64: 632, 128>}]} {
    %get3A = arith.constant 0 : index
    %get3A_0 = arith.constant 0 : index
    %get3A_1 = arith.constant 0 : index
    %get3A_2 = vector.load %arg1[%get3A, %get3A_0, %get3A_1] : memref<2x632x128xf32, #tpu.memory_space<vmem>>, vector<1x632x128xf32>
    %get3A_3 = vector.shape_cast %get3A_2 : vector<1x632x128xf32> to vector<632x128xf32>
    %get3A_4 = arith.constant 1 : index
    %get3A_5 = arith.constant 0 : index
    %get3A_6 = arith.constant 0 : index
    %get3A_7 = vector.load %arg1[%get3A_4, %get3A_5, %get3A_6] : memref<2x632x128xf32, #tpu.memory_space<vmem>>, vector<1x632x128xf32>
    %get3A_8 = vector.shape_cast %get3A_7 : vector<1x632x128xf32> to vector<632x128xf32>
    %add3A = arith.addf %get3A_3, %get3A_8 : vector<632x128xf32>
    %get3A_9 = arith.constant 0 : index
    %get3A_10 = arith.constant 0 : index
    %get3A_11 = vector.load %arg2[%get3A_9, %get3A_10] : memref<632x128xf32, #tpu.memory_space<vmem>>, vector<632x128xf32>
    %sub3A = arith.subf %add3A, %get3A_11 : vector<632x128xf32>
    %get3A_12 = arith.constant 0 : index
    %get3A_13 = arith.constant 0 : index
    %get3A_14 = vector.load %arg3[%get3A_12, %get3A_13] : memref<128x128xf32, #tpu.memory_space<vmem>>, vector<128x128xf32>
    %dot_general3A = arith.constant dense<0.000000e+00> : vector<632x128xf32>
    %dot_general3A_15 = tpu.matmul %sub3A, %get3A_14, %dot_general3A {dimension_numbers = #tpu.dot_dimension_numbers<[1], [0], [0], [1], [0, 0, 1, 1], [], []>, transpose_lhs_hint = false} : vector<632x128xf32>, vector<128x128xf32>, vector<632x128xf32> -> vector<632x128xf32>
    %get3A_16 = arith.constant 0 : index
    %get3A_17 = arith.constant 0 : index
    %get3A_18 = vector.load %arg4[%get3A_16, %get3A_17] : memref<1x128xf32, #tpu.memory_space<vmem>>, vector<1x128xf32>
    %add3A_19 = vector.broadcast %get3A_18 : vector<1x128xf32> to vector<632x128xf32>
    %add3A_20 = arith.addf %dot_general3A_15, %add3A_19 : vector<632x128xf32>
    %max3A = arith.constant 0.000000e+00 : f32
    %max3A_21 = vector.broadcast %max3A : f32 to vector<632x128xf32>
    %max3A_22 = arith.maximumf %add3A_20, %max3A_21 : vector<632x128xf32>
    %get3A_23 = arith.constant 0 : index
    %get3A_24 = arith.constant 0 : index
    %get3A_25 = vector.load %arg5[%get3A_23, %get3A_24] : memref<128x128xf32, #tpu.memory_space<vmem>>, vector<128x128xf32>
    %dot_general3A_26 = arith.constant dense<0.000000e+00> : vector<632x128xf32>
    %dot_general3A_27 = tpu.matmul %max3A_22, %get3A_25, %dot_general3A_26 {dimension_numbers = #tpu.dot_dimension_numbers<[1], [0], [0], [1], [0, 0, 1, 1], [], []>, transpose_lhs_hint = false} : vector<632x128xf32>, vector<128x128xf32>, vector<632x128xf32> -> vector<632x128xf32>
    %get3A_28 = arith.constant 0 : index
    %get3A_29 = arith.constant 0 : index
    %get3A_30 = vector.load %arg6[%get3A_28, %get3A_29] : memref<1x128xf32, #tpu.memory_space<vmem>>, vector<1x128xf32>
    %add3A_31 = vector.broadcast %get3A_30 : vector<1x128xf32> to vector<632x128xf32>
    %add3A_32 = arith.addf %dot_general3A_27, %add3A_31 : vector<632x128xf32>
    %max3A_33 = arith.constant 0.000000e+00 : f32
    %max3A_34 = vector.broadcast %max3A_33 : f32 to vector<632x128xf32>
    %max3A_35 = arith.maximumf %add3A_32, %max3A_34 : vector<632x128xf32>
    %swap3A = arith.constant 0 : index
    %swap3A_36 = arith.constant 0 : index
    %swap3A_37 = vector.load %arg7[%swap3A, %swap3A_36] : memref<632x128xf32, #tpu.memory_space<vmem>>, vector<632x128xf32>
    tpu.vector_store %arg7[%swap3A, %swap3A_36], %max3A_35 {strides = array<i32>} : memref<632x128xf32, #tpu.memory_space<vmem>>, vector<632x128xf32>,
    return
  }
  func.func @transform_0(%arg0: i32) -> (i32, i32, i32) {
    %c0_i32 = arith.constant 0 : i32
    %c0_i32_0 = arith.constant 0 : i32
    %c0_i32_1 = arith.constant 0 : i32
    return %c0_i32, %arg0, %c0_i32_0 : i32, i32, i32
  }
  func.func @transform_1(%arg0: i32) -> (i32, i32) {
    %c0_i32 = arith.constant 0 : i32
    %c0_i32_0 = arith.constant 0 : i32
    return %arg0, %c0_i32 : i32, i32
  }
  func.func @transform_2(%arg0: i32) -> (i32, i32) {
    %c0_i32 = arith.constant 0 : i32
    %c0_i32_0 = arith.constant 0 : i32
    %c0_i32_1 = arith.constant 0 : i32
    return %c0_i32, %c0_i32_0 : i32, i32
  }
  func.func @transform_3(%arg0: i32) -> (i32, i32) {
    %c0_i32 = arith.constant 0 : i32
    %c0_i32_0 = arith.constant 0 : i32
    %c0_i32_1 = arith.constant 0 : i32
    return %c0_i32, %c0_i32_0 : i32, i32
  }
  func.func @transform_4(%arg0: i32) -> (i32, i32) {
    %c0_i32 = arith.constant 0 : i32
    %c0_i32_0 = arith.constant 0 : i32
    %c0_i32_1 = arith.constant 0 : i32
    return %c0_i32, %c0_i32_0 : i32, i32
  }
  func.func @transform_5(%arg0: i32) -> (i32, i32) {
    %c0_i32 = arith.constant 0 : i32
    %c0_i32_0 = arith.constant 0 : i32
    %c0_i32_1 = arith.constant 0 : i32
    return %c0_i32, %c0_i32_0 : i32, i32
  }
  func.func @transform_6(%arg0: i32) -> (i32, i32) {
    %c0_i32 = arith.constant 0 : i32
    %c0_i32_0 = arith.constant 0 : i32
    return %arg0, %c0_i32 : i32, i32
  }
}

module attributes {stable_mosaic.version = 14 : i64} {
  func.func @body(%arg0: i32, %arg1: memref<2x632x128xf32, #tpu.memory_space<vmem>>, %arg2: memref<632x128xf32, #tpu.memory_space<vmem>>, %arg3: memref<1x1x632xi32, #tpu.memory_space<vmem>>, %arg4: memref<128x128xf32, #tpu.memory_space<vmem>>, %arg5: memref<1x128xf32, #tpu.memory_space<vmem>>, %arg6: memref<128x128xf32, #tpu.memory_space<vmem>>, %arg7: memref<1x128xf32, #tpu.memory_space<vmem>>, %arg8: memref<128x128xf32, #tpu.memory_space<vmem>>, %arg9: memref<1x128xf32, #tpu.memory_space<vmem>>, %arg10: memref<128x128xf32, #tpu.memory_space<vmem>>, %arg11: memref<1x128xf32, #tpu.memory_space<vmem>>, %arg12: memref<64x128xf32, #tpu.memory_space<vmem>>, %arg13: memref<64x128xf32, #tpu.memory_space<vmem>>, %arg14: memref<64x128xf32, #tpu.memory_space<vmem>>) attributes {dimension_semantics = [#tpu.dimension_semantics<arbitrary>], iteration_bounds = array<i64: 16>, scalar_prefetch = 0 : i64, scratch_operands = 2 : i64, tpu.core_type = #tpu.core_type<tc>, window_params = [{transform_indices = @transform_0, window_bounds = array<i64: 2, 632, 128>}, {transform_indices = @transform_1, window_bounds = array<i64: 632, 128>}, {transform_indices = @transform_2, window_bounds = array<i64: 1, 1, 632>}, {pipeline_mode = #tpu.pipeline_mode<synchronous>, transform_indices = @transform_3, window_bounds = array<i64: 128, 128>}, {pipeline_mode = #tpu.pipeline_mode<synchronous>, transform_indices = @transform_4, window_bounds = array<i64: 1, 128>}, {pipeline_mode = #tpu.pipeline_mode<synchronous>, transform_indices = @transform_5, window_bounds = array<i64: 128, 128>}, {pipeline_mode = #tpu.pipeline_mode<synchronous>, transform_indices = @transform_6, window_bounds = array<i64: 1, 128>}, {pipeline_mode = #tpu.pipeline_mode<synchronous>, transform_indices = @transform_7, window_bounds = array<i64: 128, 128>}, {pipeline_mode = #tpu.pipeline_mode<synchronous>, transform_indices = @transform_8, window_bounds = array<i64: 1, 128>}, {pipeline_mode = #tpu.pipeline_mode<synchronous>, transform_indices = @transform_9, window_bounds = array<i64: 128, 128>}, {pipeline_mode = #tpu.pipeline_mode<synchronous>, transform_indices = @transform_10, window_bounds = array<i64: 1, 128>}, {pipeline_mode = #tpu.pipeline_mode<synchronous>, transform_indices = @transform_11, window_bounds = array<i64: 64, 128>}]} {
    %get3A = arith.constant 0 : index
    %get3A_0 = arith.constant 0 : index
    %get3A_1 = arith.constant 0 : index
    %get3A_2 = vector.load %arg1[%get3A, %get3A_0, %get3A_1] : memref<2x632x128xf32, #tpu.memory_space<vmem>>, vector<1x632x128xf32>
    %get3A_3 = vector.shape_cast %get3A_2 : vector<1x632x128xf32> to vector<632x128xf32>
    %get3A_4 = arith.constant 1 : index
    %get3A_5 = arith.constant 0 : index
    %get3A_6 = arith.constant 0 : index
    %get3A_7 = vector.load %arg1[%get3A_4, %get3A_5, %get3A_6] : memref<2x632x128xf32, #tpu.memory_space<vmem>>, vector<1x632x128xf32>
    %get3A_8 = vector.shape_cast %get3A_7 : vector<1x632x128xf32> to vector<632x128xf32>
    %add3A = arith.addf %get3A_3, %get3A_8 : vector<632x128xf32>
    %get3A_9 = arith.constant 0 : index
    %get3A_10 = arith.constant 0 : index
    %get3A_11 = vector.load %arg2[%get3A_9, %get3A_10] : memref<632x128xf32, #tpu.memory_space<vmem>>, vector<632x128xf32>
    %sub3A = arith.subf %add3A, %get3A_11 : vector<632x128xf32>
    %get3A_12 = arith.constant 0 : index
    %get3A_13 = arith.constant 0 : index
    %get3A_14 = vector.load %arg4[%get3A_12, %get3A_13] : memref<128x128xf32, #tpu.memory_space<vmem>>, vector<128x128xf32>
    %dot_general3A = arith.constant dense<0.000000e+00> : vector<632x128xf32>
    %dot_general3A_15 = tpu.matmul %sub3A, %get3A_14, %dot_general3A {dimension_numbers = #tpu.dot_dimension_numbers<[1], [0], [0], [1], [0, 0, 1, 1], [], []>, transpose_lhs_hint = false} : vector<632x128xf32>, vector<128x128xf32>, vector<632x128xf32> -> vector<632x128xf32>
    %get3A_16 = arith.constant 0 : index
    %get3A_17 = arith.constant 0 : index
    %get3A_18 = vector.load %arg5[%get3A_16, %get3A_17] : memref<1x128xf32, #tpu.memory_space<vmem>>, vector<1x128xf32>
    %add3A_19 = vector.broadcast %get3A_18 : vector<1x128xf32> to vector<632x128xf32>
    %add3A_20 = arith.addf %dot_general3A_15, %add3A_19 : vector<632x128xf32>
    %max3A = arith.constant 0.000000e+00 : f32
    %max3A_21 = vector.broadcast %max3A : f32 to vector<632x128xf32>
    %max3A_22 = arith.maximumf %add3A_20, %max3A_21 : vector<632x128xf32>
    %get3A_23 = arith.constant 0 : index
    %get3A_24 = arith.constant 0 : index
    %get3A_25 = vector.load %arg6[%get3A_23, %get3A_24] : memref<128x128xf32, #tpu.memory_space<vmem>>, vector<128x128xf32>
    %dot_general3A_26 = arith.constant dense<0.000000e+00> : vector<632x128xf32>
    %dot_general3A_27 = tpu.matmul %max3A_22, %get3A_25, %dot_general3A_26 {dimension_numbers = #tpu.dot_dimension_numbers<[1], [0], [0], [1], [0, 0, 1, 1], [], []>, transpose_lhs_hint = false} : vector<632x128xf32>, vector<128x128xf32>, vector<632x128xf32> -> vector<632x128xf32>
    %get3A_28 = arith.constant 0 : index
    %get3A_29 = arith.constant 0 : index
    %get3A_30 = vector.load %arg7[%get3A_28, %get3A_29] : memref<1x128xf32, #tpu.memory_space<vmem>>, vector<1x128xf32>
    %add3A_31 = vector.broadcast %get3A_30 : vector<1x128xf32> to vector<632x128xf32>
    %add3A_32 = arith.addf %dot_general3A_27, %add3A_31 : vector<632x128xf32>
    %max3A_33 = arith.constant 0.000000e+00 : f32
    %max3A_34 = vector.broadcast %max3A_33 : f32 to vector<632x128xf32>
    %max3A_35 = arith.maximumf %add3A_32, %max3A_34 : vector<632x128xf32>
    %get3A_36 = arith.constant 0 : index
    %get3A_37 = arith.constant 0 : index
    %get3A_38 = arith.constant 0 : index
    %get3A_39 = vector.load %arg3[%get3A_36, %get3A_37, %get3A_38] : memref<1x1x632xi32, #tpu.memory_space<vmem>>, vector<1x1x632xi32>
    %get3A_40 = vector.shape_cast %get3A_39 : vector<1x1x632xi32> to vector<1x632xi32>
    %iota3A = tpu.iota {dimensions = array<i32: 0>} : vector<64x632xi32>
    %eq3A = vector.broadcast %get3A_40 : vector<1x632xi32> to vector<64x632xi32>
    %eq3A_41 = arith.cmpi eq, %iota3A, %eq3A : vector<64x632xi32>
    %convert_element_type3A = arith.extui %eq3A_41 : vector<64x632xi1> to vector<64x632xi32>
    %convert_element_type3A_42 = arith.sitofp %convert_element_type3A : vector<64x632xi32> to vector<64x632xf32>
    %dot_general3A_43 = arith.constant dense<0.000000e+00> : vector<64x128xf32>
    %dot_general3A_44 = tpu.matmul %convert_element_type3A_42, %max3A_35, %dot_general3A_43 {dimension_numbers = #tpu.dot_dimension_numbers<[1], [0], [0], [1], [0, 0, 1, 1], [], []>, transpose_lhs_hint = false} : vector<64x632xf32>, vector<632x128xf32>, vector<64x128xf32> -> vector<64x128xf32>
    %reduce_sum3A = arith.constant dense<0.000000e+00> : vector<64xf32>
    %reduce_sum3A_45 = vector.multi_reduction <add>, %convert_element_type3A_42, %reduce_sum3A [1] : vector<64x632xf32> to vector<64xf32>
    %broadcast_in_dim3A = vector.shape_cast %reduce_sum3A_45 : vector<64xf32> to vector<64x1xf32>
    %broadcast_in_dim3A_46 = vector.shape_cast %broadcast_in_dim3A : vector<64x1xf32> to vector<64x1xf32>
    %broadcast_in_dim3A_47 = vector.broadcast %broadcast_in_dim3A_46 : vector<64x1xf32> to vector<64x128xf32>
    %eq3A_48 = arith.constant 0 : i32
    %eq3A_49 = arith.cmpi eq, %arg0, %eq3A_48 : i32
    %convert_element_type3A_50 = arith.extui %eq3A_49 : i1 to i32
    %cond3A = arith.constant 0 : i32
    %cond3A_51 = arith.cmpi ne, %convert_element_type3A_50, %cond3A : i32
    scf.if %cond3A_51 {
      %swap3A = arith.constant 0 : index
      %swap3A_61 = arith.constant 0 : index
      %swap3A_62 = vector.load %arg13[%swap3A, %swap3A_61] : memref<64x128xf32, #tpu.memory_space<vmem>>, vector<64x128xf32>
      tpu.vector_store %arg13[%swap3A, %swap3A_61], %dot_general3A_44 {strides = array<i32>} : memref<64x128xf32, #tpu.memory_space<vmem>>, vector<64x128xf32>,
      %swap3A_63 = arith.constant 0 : index
      %swap3A_64 = arith.constant 0 : index
      %swap3A_65 = vector.load %arg14[%swap3A_63, %swap3A_64] : memref<64x128xf32, #tpu.memory_space<vmem>>, vector<64x128xf32>
      tpu.vector_store %arg14[%swap3A_63, %swap3A_64], %broadcast_in_dim3A_47 {strides = array<i32>} : memref<64x128xf32, #tpu.memory_space<vmem>>, vector<64x128xf32>,
    } else {
    }
    %gt3A = arith.constant 0 : i32
    %gt3A_52 = arith.cmpi sgt, %arg0, %gt3A : i32
    %convert_element_type3A_53 = arith.extui %gt3A_52 : i1 to i32
    %cond3A_54 = arith.constant 0 : i32
    %cond3A_55 = arith.cmpi ne, %convert_element_type3A_53, %cond3A_54 : i32
    scf.if %cond3A_55 {
      %get3A_61 = arith.constant 0 : index
      %get3A_62 = arith.constant 0 : index
      %get3A_63 = vector.load %arg13[%get3A_61, %get3A_62] : memref<64x128xf32, #tpu.memory_space<vmem>>, vector<64x128xf32>
      %add3A_64 = arith.addf %get3A_63, %dot_general3A_44 : vector<64x128xf32>
      %swap3A = arith.constant 0 : index
      %swap3A_65 = arith.constant 0 : index
      %swap3A_66 = vector.load %arg13[%swap3A, %swap3A_65] : memref<64x128xf32, #tpu.memory_space<vmem>>, vector<64x128xf32>
      tpu.vector_store %arg13[%swap3A, %swap3A_65], %add3A_64 {strides = array<i32>} : memref<64x128xf32, #tpu.memory_space<vmem>>, vector<64x128xf32>,
      %get3A_67 = arith.constant 0 : index
      %get3A_68 = arith.constant 0 : index
      %get3A_69 = vector.load %arg14[%get3A_67, %get3A_68] : memref<64x128xf32, #tpu.memory_space<vmem>>, vector<64x128xf32>
      %add3A_70 = arith.addf %get3A_69, %broadcast_in_dim3A_47 : vector<64x128xf32>
      %swap3A_71 = arith.constant 0 : index
      %swap3A_72 = arith.constant 0 : index
      %swap3A_73 = vector.load %arg14[%swap3A_71, %swap3A_72] : memref<64x128xf32, #tpu.memory_space<vmem>>, vector<64x128xf32>
      tpu.vector_store %arg14[%swap3A_71, %swap3A_72], %add3A_70 {strides = array<i32>} : memref<64x128xf32, #tpu.memory_space<vmem>>, vector<64x128xf32>,
    } else {
    }
    %eq3A_56 = arith.constant 15 : i32
    %eq3A_57 = arith.cmpi eq, %arg0, %eq3A_56 : i32
    %convert_element_type3A_58 = arith.extui %eq3A_57 : i1 to i32
    %cond3A_59 = arith.constant 0 : i32
    %cond3A_60 = arith.cmpi ne, %convert_element_type3A_58, %cond3A_59 : i32
    scf.if %cond3A_60 {
      %get3A_61 = arith.constant 0 : index
      %get3A_62 = arith.constant 0 : index
      %get3A_63 = vector.load %arg13[%get3A_61, %get3A_62] : memref<64x128xf32, #tpu.memory_space<vmem>>, vector<64x128xf32>
      %get3A_64 = arith.constant 0 : index
      %get3A_65 = arith.constant 0 : index
      %get3A_66 = vector.load %arg14[%get3A_64, %get3A_65] : memref<64x128xf32, #tpu.memory_space<vmem>>, vector<64x128xf32>
      %max3A_67 = arith.constant 1.000000e+00 : f32
      %max3A_68 = vector.broadcast %max3A_67 : f32 to vector<64x128xf32>
      %max3A_69 = arith.maximumf %get3A_66, %max3A_68 : vector<64x128xf32>
      %div3A = arith.divf %get3A_63, %max3A_69 : vector<64x128xf32>
      %get3A_70 = arith.constant 0 : index
      %get3A_71 = arith.constant 0 : index
      %get3A_72 = vector.load %arg8[%get3A_70, %get3A_71] : memref<128x128xf32, #tpu.memory_space<vmem>>, vector<128x128xf32>
      %dot_general3A_73 = arith.constant dense<0.000000e+00> : vector<64x128xf32>
      %dot_general3A_74 = tpu.matmul %div3A, %get3A_72, %dot_general3A_73 {dimension_numbers = #tpu.dot_dimension_numbers<[1], [0], [0], [1], [0, 0, 1, 1], [], []>, transpose_lhs_hint = false} : vector<64x128xf32>, vector<128x128xf32>, vector<64x128xf32> -> vector<64x128xf32>
      %get3A_75 = arith.constant 0 : index
      %get3A_76 = arith.constant 0 : index
      %get3A_77 = vector.load %arg9[%get3A_75, %get3A_76] : memref<1x128xf32, #tpu.memory_space<vmem>>, vector<1x128xf32>
      %add3A_78 = vector.broadcast %get3A_77 : vector<1x128xf32> to vector<64x128xf32>
      %add3A_79 = arith.addf %dot_general3A_74, %add3A_78 : vector<64x128xf32>
      %max3A_80 = arith.constant 0.000000e+00 : f32
      %max3A_81 = vector.broadcast %max3A_80 : f32 to vector<64x128xf32>
      %max3A_82 = arith.maximumf %add3A_79, %max3A_81 : vector<64x128xf32>
      %get3A_83 = arith.constant 0 : index
      %get3A_84 = arith.constant 0 : index
      %get3A_85 = vector.load %arg10[%get3A_83, %get3A_84] : memref<128x128xf32, #tpu.memory_space<vmem>>, vector<128x128xf32>
      %dot_general3A_86 = arith.constant dense<0.000000e+00> : vector<64x128xf32>
      %dot_general3A_87 = tpu.matmul %max3A_82, %get3A_85, %dot_general3A_86 {dimension_numbers = #tpu.dot_dimension_numbers<[1], [0], [0], [1], [0, 0, 1, 1], [], []>, transpose_lhs_hint = false} : vector<64x128xf32>, vector<128x128xf32>, vector<64x128xf32> -> vector<64x128xf32>
      %get3A_88 = arith.constant 0 : index
      %get3A_89 = arith.constant 0 : index
      %get3A_90 = vector.load %arg11[%get3A_88, %get3A_89] : memref<1x128xf32, #tpu.memory_space<vmem>>, vector<1x128xf32>
      %add3A_91 = vector.broadcast %get3A_90 : vector<1x128xf32> to vector<64x128xf32>
      %add3A_92 = arith.addf %dot_general3A_87, %add3A_91 : vector<64x128xf32>
      %swap3A = arith.constant 0 : index
      %swap3A_93 = arith.constant 0 : index
      %swap3A_94 = vector.load %arg12[%swap3A, %swap3A_93] : memref<64x128xf32, #tpu.memory_space<vmem>>, vector<64x128xf32>
      tpu.vector_store %arg12[%swap3A, %swap3A_93], %add3A_92 {strides = array<i32>} : memref<64x128xf32, #tpu.memory_space<vmem>>, vector<64x128xf32>,
    } else {
    }
    return
  }
  func.func @transform_0(%arg0: i32) -> (i32, i32, i32) {
    %c0_i32 = arith.constant 0 : i32
    %c0_i32_0 = arith.constant 0 : i32
    %c0_i32_1 = arith.constant 0 : i32
    return %c0_i32, %arg0, %c0_i32_0 : i32, i32, i32
  }
  func.func @transform_1(%arg0: i32) -> (i32, i32) {
    %c0_i32 = arith.constant 0 : i32
    %c0_i32_0 = arith.constant 0 : i32
    return %arg0, %c0_i32 : i32, i32
  }
  func.func @transform_2(%arg0: i32) -> (i32, i32, i32) {
    %c0_i32 = arith.constant 0 : i32
    %c0_i32_0 = arith.constant 0 : i32
    %c0_i32_1 = arith.constant 0 : i32
    return %arg0, %c0_i32, %c0_i32_0 : i32, i32, i32
  }
  func.func @transform_3(%arg0: i32) -> (i32, i32) {
    %c0_i32 = arith.constant 0 : i32
    %c0_i32_0 = arith.constant 0 : i32
    %c0_i32_1 = arith.constant 0 : i32
    return %c0_i32, %c0_i32_0 : i32, i32
  }
  func.func @transform_4(%arg0: i32) -> (i32, i32) {
    %c0_i32 = arith.constant 0 : i32
    %c0_i32_0 = arith.constant 0 : i32
    %c0_i32_1 = arith.constant 0 : i32
    return %c0_i32, %c0_i32_0 : i32, i32
  }
  func.func @transform_5(%arg0: i32) -> (i32, i32) {
    %c0_i32 = arith.constant 0 : i32
    %c0_i32_0 = arith.constant 0 : i32
    %c0_i32_1 = arith.constant 0 : i32
    return %c0_i32, %c0_i32_0 : i32, i32
  }
  func.func @transform_6(%arg0: i32) -> (i32, i32) {
    %c0_i32 = arith.constant 0 : i32
    %c0_i32_0 = arith.constant 0 : i32
    %c0_i32_1 = arith.constant 0 : i32
    return %c0_i32, %c0_i32_0 : i32, i32
  }
  func.func @transform_7(%arg0: i32) -> (i32, i32) {
    %c0_i32 = arith.constant 0 : i32
    %c0_i32_0 = arith.constant 0 : i32
    %c0_i32_1 = arith.constant 0 : i32
    return %c0_i32, %c0_i32_0 : i32, i32
  }
  func.func @transform_8(%arg0: i32) -> (i32, i32) {
    %c0_i32 = arith.constant 0 : i32
    %c0_i32_0 = arith.constant 0 : i32
    %c0_i32_1 = arith.constant 0 : i32
    return %c0_i32, %c0_i32_0 : i32, i32
  }
  func.func @transform_9(%arg0: i32) -> (i32, i32) {
    %c0_i32 = arith.constant 0 : i32
    %c0_i32_0 = arith.constant 0 : i32
    %c0_i32_1 = arith.constant 0 : i32
    return %c0_i32, %c0_i32_0 : i32, i32
  }
  func.func @transform_10(%arg0: i32) -> (i32, i32) {
    %c0_i32 = arith.constant 0 : i32
    %c0_i32_0 = arith.constant 0 : i32
    %c0_i32_1 = arith.constant 0 : i32
    return %c0_i32, %c0_i32_0 : i32, i32
  }
  func.func @transform_11(%arg0: i32) -> (i32, i32) {
    %c0_i32 = arith.constant 0 : i32
    %c0_i32_0 = arith.constant 0 : i32
    %c0_i32_1 = arith.constant 0 : i32
    return %c0_i32, %c0_i32_0 : i32, i32
  }
}

</mosaic_0001>

<sc_bundles>
// kernel: kernel.6.cloned.1.call-start
scs
__scs_entry_jumppad:
0x0: {  	(pc) =	sbr.rel $0x88, $3  }
0x1: {  	(tag) =	ssettag $0x0;
	lr =	simm.s32 $0x1  }
0x2: {  	[smem:$0x3F92] =	sst lr;
	_ =	strace $0xD0000000  }
0x3: {  	_ = 	snop  }
0x4: {  	_ = 	snop  }
0x5: {  	_ = 	snop  }
0x6: {  	_ = 	snop  }
0x7: {  	_ = 	snop  }
__scs_overlays_trampoline_lowered:
0x8: {  	[smem:$0x3FA1] =	sst s0  }
0x9: {  	[smem:$0x3FA2] =	sst s1  }
0xa: {  	[smem:$0x3FA3] =	sst s2  }
0xb: {  	[smem:$0x3FA4] =	sst s3  }
0xc: {  	[smem:$0x3FA5] =	sst s4  }
0xd: {  	[smem:$0x3FA6] =	sst s5  }
0xe: {  	[smem:$0x3FA7] =	sst s6  }
0xf: {  	[smem:$0x3FA8] =	sst s7  }
0x10: {  	[smem:$0x3FA9] =	sst s8  }
0x11: {  	[smem:$0x3FAA] =	sst s9;
	s0 =	simm.s32 @!p0 $0x0  }
0x12: {  	s1 =	sld [smem:$0x3F90];
	s0 =	simm.s32 @p0 $0x1  }
0x13: {  	[smem:$0x3FAB] =	sst s0;
	s0 =	simm.s32 @!p1 $0x0  }
0x14: {  	s2 =	sld [smem:$0x3F8F];
	s0 =	simm.s32 @p1 $0x1  }
0x15: {  	[smem:$0x3FAC] =	sst s0;
	s0 =	simm.s32 @!p2 $0x0  }
0x16: {  	s3 =	sld [smem:$0x3FDB];
	s0 =	simm.s32 @p2 $0x1  }
0x17: {  	s4 =	simm.s32 $0x1BF5;
	[smem:$0x3FAE] =	sst s0  }
0x18: {  	s0 =	sld [smem:$0x3F91];
	_ =	swait.ge [sflag:s4], $0x0  }
0x19: {  	s7 =	sld [smem:$0x3F92]  }
0x1a: {  	s8 =	sadd.s32 $0xFFFFE003, lr  }
0x1b: {  	s9 =	sadd.s32 $0xFFFFFEF7, lr;
	s5 =	simm.s32 $0xFFFFFFFF;
	p2 =	slt.u32 s8, $0xFFFFF086  }
0x1c: {  	p1 =	slt.u32 s9, $0xF7A;
	s5 =	simm.s32 @!p2 $0x0  }
0x1d: {  	s5 =	simm.s32 @p1 $0x1;
	p0 =	seq.s32 s7, s2  }
0x1e: {  	s7 =	smul.u32 @!p0 $0xF7A, s2;
	p2 =	seq.s32 @!p0 s5, $0x0  }
0x1f: {  	s9 =	smul.u32 $0xF7A, s1;
	s8 =	simm.s32 @!p0 $0x1BF5;
	p2 =	por !p2, p0  }
0x20: {  	[sflag:s8] =	ssyncset.s32 @!p0 $0xFFFFF086;
	s6 =	sadd.s32 @!p0 s3, s7;
	s7 =	simm.s32 @!p0 $0x108  }
0x21: {  	s3 =	sadd.s32 s3, s9;
	s6 =	sadd.s32 @!p0 $0x88, s6;
	s7 =	simm.s32 @p2 $0x1082  }
0x22: {  	[simem:s7], [sflag:s8] =	dma.local @!p0 [hbm:s6], $0xF7A  }
0x23: {  	s9 =	sor.u32 $0xD0000000, s2;
	s6 =	simm.s32 $0x108;
	_ =	swait.ge @!p0 [sflag:s8], $0x0  }
0x24: {  	s3 =	sadd.s32 $0x88, s3;
	s6 =	simm.s32 @!p1 $0x1082;
	[sflag:s4] =	ssyncset.s32 $0xFFFFF086  }
0x25: {  	[simem:s6], [sflag:s4] =	dma.local [hbm:s3], $0xF7A  }
0x26: {  	[smem:$0x3F92] =	sst s1;
	(tag) =	ssettag s2;
	_ =	strace s9  }
0x27: {  	s1 =	sld [smem:$0x3FA2]  }
0x28: {  	s2 =	sld [smem:$0x3FA3]  }
0x29: {  	s4 =	sld [smem:$0x3FA5]  }
0x2a: {  	p0 =	seq.s32 s5, $0x0;
	s5 =	sld [smem:$0x3FA6]  }
0x2b: {  	s6 =	sld [smem:$0x3FA7]  }
0x2c: {  	s7 =	sld [smem:$0x3FA8]  }
0x2d: {  	s3 =	simm.s32 $0x108;
	s8 =	sld [smem:$0x3FA9]  }
0x2e: {  	s3 =	simm.s32 @!p0 $0x1082;
	s9 =	sld [smem:$0x3FAA]  }
0x2f: {  	lr =	sadd.s32 s0, s3;
	s0 =	sld [smem:$0x3FA1]  }
0x30: {  	s3 =	sld [smem:$0x3FA4]  }
0x31: {  	[smem:$0x3FAD] =	sst s10  }
0x32: {  	s10 =	sld [smem:$0x3FAB];
	_ =	sdelay $0x3  }
0x33: {  	p0 =	seq.s32 s10, $0x1;
	s10 =	sld [smem:$0x3FAD];
	_ =	sdelay $0x3  }
0x34: {  	[smem:$0x3FAD] =	sst s10  }
0x35: {  	s10 =	sld [smem:$0x3FAC];
	_ =	sdelay $0x3  }
0x36: {  	p1 =	seq.s32 s10, $0x1;
	s10 =	sld [smem:$0x3FAD];
	_ =	sdelay $0x3  }
0x37: {  	[smem:$0x3FAD] =	sst s10  }
0x38: {  	s10 =	sld [smem:$0x3FAE]  }
0x39: {  	_ = 	snop;
	(pc) =	sbr.ind lr, $3  }
0x3a: {  	_ = 	snop  }
0x3b: {  	_ = 	snop  }
0x3c: {  	p2 =	seq.s32 s10, $0x1;
	s10 =	sld [smem:$0x3FAD]  }
0x3d: {  	_ =	shalt  }
0x3e: {  	_ =	shalt  }
0x3f: {  	_ =	shalt  }
0x40: {  	_ =	shalt  }
0x41: {  	_ =	shalt  }
0x42: {  	_ =	shalt  }
0x43: {  	_ =	shalt  }
0x44: {  	_ =	shalt  }
0x45: {  	_ =	shalt  }
0x46: {  	_ =	shalt  }
0x47: {  	_ =	shalt  }
0x48: {  	_ =	shalt  }
0x49: {  	_ =	shalt  }
0x4a: {  	_ =	shalt  }
0x4b: {  	_ =	shalt  }
0x4c: {  	_ =	shalt  }
0x4d: {  	_ =	shalt  }
0x4e: {  	_ =	shalt  }
0x4f: {  	_ =	shalt  }
0x50: {  	_ =	shalt  }
0x51: {  	_ =	shalt  }
0x52: {  	_ =	shalt  }
0x53: {  	_ =	shalt  }
0x54: {  	_ =	shalt  }
0x55: {  	_ =	shalt  }
0x56: {  	_ =	shalt  }
0x57: {  	_ =	shalt  }
0x58: {  	_ =	shalt  }
0x59: {  	_ =	shalt  }
0x5a: {  	_ =	shalt  }
0x5b: {  	_ =	shalt  }
0x5c: {  	_ =	shalt  }
0x5d: {  	_ =	shalt  }
0x5e: {  	_ =	shalt  }
0x5f: {  	_ =	shalt  }
0x60: {  	_ =	shalt  }
0x61: {  	_ =	shalt  }
0x62: {  	_ =	shalt  }
0x63: {  	_ =	shalt  }
0x64: {  	_ =	shalt  }
0x65: {  	_ =	shalt  }
0x66: {  	_ =	shalt  }
0x67: {  	_ =	shalt  }
0x68: {  	_ =	shalt  }
0x69: {  	_ =	shalt  }
0x6a: {  	_ =	shalt  }
0x6b: {  	_ =	shalt  }
0x6c: {  	_ =	shalt  }
0x6d: {  	_ =	shalt  }
0x6e: {  	_ =	shalt  }
0x6f: {  	_ =	shalt  }
0x70: {  	_ =	shalt  }
0x71: {  	_ =	shalt  }
0x72: {  	_ =	shalt  }
0x73: {  	_ =	shalt  }
0x74: {  	_ =	shalt  }
0x75: {  	_ =	shalt  }
0x76: {  	_ =	shalt  }
0x77: {  	_ =	shalt  }
0x78: {  	_ =	shalt  }
0x79: {  	_ =	shalt  }
0x7a: {  	_ =	shalt  }
0x7b: {  	_ =	shalt  }
0x7c: {  	_ =	shalt  }
0x7d: {  	_ =	shalt  }
0x7e: {  	_ =	shalt  }
0x7f: {  	_ =	shalt  }
0x80: {  	_ =	shalt  }
0x81: {  	_ =	shalt  }
0x82: {  	_ =	shalt  }
0x83: {  	_ =	shalt  }
0x84: {  	_ =	shalt  }
0x85: {  	_ =	shalt  }
0x86: {  	_ =	shalt  }
0x87: {  	_ =	shalt  }
.Lfunc_end0:
.L_simem_size_0:
called_computation_lowered:
.L_overlay_start_0:
0x88: {  	s2 =	sld [smem:$0x3FD9]  }
0x89: {  	s3 =	sld [smem:$0x3FFE];
	_ =	sdelay $0x1  }
0x8a: {  	s1 =	srdreg.scid  }
0x8b: {  	s0 =	sand.u32 $0x1, s1  }
0x8c: {  	s16 =	sshll.u32 s0, $0xA;
	s2 =	sadd.s32 s3, s2  }
0x8d: {  	s2 =	sadd.s32 s2, s16  }
0x8e: {  	[smem:$0x3FB9] =	sst s2  }
0x8f: {  	_ = 	snop  }
0x90: {  	(tm) =	ssettm $0x1  }
0x91: {  	s17 =	sld [smem:$0x3FFB];
	_ =	sdelay $0x3  }
0x92: {  	_ =	strace s17  }
0x93: {  	s2 =	sld [smem:$0x3FFC];
	_ =	sdelay $0x3  }
0x94: {  	_ =	strace s2  }
0x95: {  	s2 =	sld [smem:$0x3FFD];
	_ =	sdelay $0x3  }
0x96: {  	_ =	strace s2  }
0x97: {  	_ =	strace $0x8FFFFFFF  }
0x98: {  	s18 =	sld [smem:$0x3FDB];
	_ =	sdelay $0x1  }
0x99: {  	s19 =	simm.s32 $_scs_section_size  }
0x9a: {  	s4 =	simm.s32 $_size__tile_overlayer_lowered;
	s5 =	simm.s32 $_tile_overlayer_lowered  }
0x9b: {  	s22 =	simm.s32 $0x1BFF;
	s21 =	sshll.u32 s5, $0x1;
	s2 =	sadd.s32 s19, s18  }
0x9c: {  	s6 =	simm.s32 $0x0;
	s20 =	sshll.u32 s4, $0x1;
	s4 =	sadd.s32 s21, s2  }
0x9d: {  	[timem:s6], [sflag:s22] =	dma.local [hbm:s4], s20  }
0x9e: {  	_ =	swait.ge [sflag:s22], s20  }
0x9f: {  	s3 =	ssub.s32 $0x0, s20;
	[sflag:s22] =	ssyncset.done $0x0  }
0xa0: {  	[sflag:s22] =	ssyncadd.s32 s3;
	_ =	sdelay $0x1  }
0xa1: {  	s23 =	simm.s32 $0x1B8B  }
0xa2: {  	_ =	swait.ge [sflag:s23], $0x1  }
0xa3: {  	[sflag:s23] =	ssyncset.done $0x0  }
0xa4: {  	s25 =	simm.s32 $0x1B8E;
	s24 =	sld [smem:$0x3FFE];
	[sflag:s23] =	ssyncadd.s32 $0xFFFFFFFF  }
0xa5: {  	s26 =	simm.s32 $execute0_lowered;
	[smem:$0x3FD2] =	sst s25  }
0xa6: {  	s4 =	sshll.u32 s26, $0x1;
	_ =	strace $0x80000046;
	[dreg:$0x1] =	wrdreg $0xFFFFFFFF  }
0xa7: {  	s28 =	simm.s32 $_size_execute0_lowered;
	s2 =	sadd.s32 s2, s4;
	[dreg:$0x0] =	wrdreg $0x0  }
0xa8: {  	s4 =	sshll.u32 s28, $0x1;
	[dreg:$0x2] =	wrdreg s2  }
0xa9: {  	[dreg:$0x3] =	wrdreg s4  }
0xaa: {  	[dreg:$0x4] =	wrdreg $0xC0  }
0xab: {  	_ =	task [dreg:s6], $0x5FFFF  }
0xac: {  	[dreg:$0x1] =	wrdreg $0xFFFFFFFF  }
0xad: {  	[dreg:$0x0] =	wrdreg $0x60  }
0xae: {  	[dreg:$0x2] =	wrdreg s24  }
0xaf: {  	[dreg:$0x3] =	wrdreg $0xB8800  }
0xb0: {  	[dreg:$0x4] =	wrdreg $0x9  }
0xb1: {  	_ =	task.clear_ibuf [dreg:s6], $0x5FFFF;
	_ =	strace $0x90000046  }
0xb2: {  	s29 =	simm.s32 $0x9;
	_ =	strace $0x80000048  }
0xb3: {  	_ =	swait.ge [sflag:s29], $0x1  }
0xb4: {  	[sflag:s29] =	ssyncadd.s32 $0xFFFFFFFF  }
0xb5: {  	_ =	strace $0x90000048  }
0xb6: {  	_ =	sfence  }
0xb7: {  	s30 =	sld [smem:$0x0];
	_ =	sdelay $0x2  }
0xb8: {  	s31 =	sshll.u32 s1, $0xD;
	s1 =	sshrl.u32 s1, $0x2  }
0xb9: {  	s3 =	sand.u32 $0x4000, s31;
	s1 =	sadd.s32 s1, s30  }
0xba: {  	s0 =	sor.u32 s3, s0;
	s1 =	sshll.u32 s1, $0x11  }
0xbb: {  	s0 =	sor.u32 s1, s0  }
0xbc: {  	s0 =	sadd.s32 $0x8F2B, s0  }
0xbd: {  	[sflag:s0] =	ssyncadd.remote.s32 $0x1  }
0xbe: {  	_ =	sfence.sel $0xFFFF  }
0xbf: {  	[dreg:$0x0] =	wrdreg $0xFFFFFFFF;
	(pc) =	sbr.abs _section_cstart, $3  }
0xc0: {  	[dreg:$0x1] =	wrdreg $0xFFFFFFFF  }
0xc1: {  	_ =	task.clear_ibuf [dreg:s6], $0x2FFFF;
	_ =	strace $0x9FFFFFFF  }
0xc2: {  	(tm) =	ssettm $0x7FFFFFFF  }
0xc3: {  	_ =	shalt  }
tec
execute0_lowered:
.L_overlay_start_1:
0x0: {  	(tag) =	ssettag $0x1  }
0x1: {  	s0 =	rddreg [dreg:$0x0]  }
0x2: {  	s3 =	rddreg [dreg:$0x1];
	s4 =	simm.s32 $0x0;
	s1 =	srdreg.scid  }
0x3: {  	s2 =	stileid.u32;
	[smem:$0x7FF] =	sst s4  }
0x4: {  	s1 =	sand.u32 $0x1, s1;
	s9 =	smul.u32 $0x13C00, s2;
	s13 =	sadd.s32 $0x11C00, s0  }
0x5: {  	s14 =	sadd.s32 $0x2C00, s0;
	s15 =	sadd.s32 $0x20C00, s0;
	_ =	strace $0x80000047  }
0x6: {  	s6 =	smul.u32 $0x13C000, s1;
	s7 =	sshll.u32 s1, $0x4;
	[dreg:$0x5] =	wrdreg s13  }
0x7: {  	s8 =	ssub.s32 $0x2, s1;
	[dreg:$0x8] =	wrdreg s14;
	s7 =	sor.u32 s2, s7  }
0x8: {  	p0 =	seq.s32 s1, $0x0;
	[dreg:$0x7] =	wrdreg s15;
	s5 =	smul.u32 $0x3C00, s7  }
0x9: {  	s11 =	sshrl.u32 s8, $0x1;
	s6 =	sadd.s32 s9, s6;
	s9 =	sshrl.u32 s9, $0x3  }
0xa: {  	s7 =	simm.s32 $0x60;
	s26 =	sadd.s32 s15, s9;
	[dreg:$0x6] =	wrdreg s5  }
0xb: {  	s16 =	ssub.s32 s8, s11;
	s7 =	simm.s32 @!p0 $0x48;
	[dreg:$0x17] =	wrdreg s26  }
0xc: {  	s31 =	smax.u32 s16, $0x1;
	[dreg:$0x9] =	wrdreg s7  }
0xd: {  	s28 =	sadd.s32 $0xFFFFFFFF, s7;
	[dreg:$0x1a] =	wrdreg s31  }
0xe: {  	s17 =	sshrl.u32 s5, $0x3;
	s30 =	sadd.s32 $0xFFFFFFFE, s7;
	[dreg:$0x3] =	wrdreg s28  }
0xf: {  	s10 =	sshrl.u32 s6, $0x3;
	s5 =	sadd.s32 s13, s17;
	[dreg:$0x4] =	wrdreg s30  }
0x10: {  	s0 =	sadd.s32 s10, s0;
	s1 =	sadd.s32 s14, s17;
	[dreg:$0xd] =	wrdreg s5  }
0x11: {  	s18 =	sor.u32 $0x10, s17;
	s0 =	sadd.s32 $0x48400, s0;
	[dreg:$0x13] =	wrdreg s1  }
0x12: {  	s12 =	sor.u32 $0x20, s17;
	s19 =	sadd.s32 s13, s18;
	[dreg:$0x19] =	wrdreg s0  }
0x13: {  	s4 =	sadd.s32 s13, s12;
	[dreg:$0xe] =	wrdreg s19  }
0x14: {  	s20 =	sadd.s32 $0x30, s5;
	[dreg:$0xf] =	wrdreg s4  }
0x15: {  	s21 =	sadd.s32 $0x40, s5;
	[dreg:$0x10] =	wrdreg s20  }
0x16: {  	s22 =	sadd.s32 $0x50, s5;
	[dreg:$0x11] =	wrdreg s21  }
0x17: {  	s13 =	smul.u32 $0x4F000, s2;
	s23 =	sadd.s32 s14, s18;
	[dreg:$0x12] =	wrdreg s22  }
0x18: {  	s29 =	sshll.u32 s2, $0x6;
	s24 =	sadd.s32 s14, s12;
	[dreg:$0x14] =	wrdreg s23  }
0x19: {  	s2 =	sor.u32 $0x1C0D, s29;
	[dreg:$0x15] =	wrdreg s24;
	s25 =	sshrl.u32 s13, $0x2  }
0x1a: {  	[dreg:$0x18] =	wrdreg s2;
	s1 =	sadd.s32 s25, s3  }
0x1b: {  	s6 =	simm.s32 $0xD;
	[dreg:$0x16] =	wrdreg s1;
	s1 =	simm.s32 $0x0  }
.LBB2_1:
0x1c: {  	[dreg:$0x1b] =	wrdreg s1  }
0x1d: {  	s0 =	rddreg [dreg:$0xd]  }
0x1e: {  	s24 =	rddreg [dreg:$0xe]  }
0x1f: {  	s26 =	rddreg [dreg:$0xf]  }
0x20: {  	s3 =	simm.s32 $0x0;
	s30 =	rddreg [dreg:$0x10]  }
0x21: {  	[tilespmem:s3], [sflag:$0x1] =	stream.linear.gather [hbm4b:s0+s3], $0x80, $0x38;
	[tilespmem:$0x1F480] =	vst v63  }
0x22: {  	s25 =	simm.s32 $0x80;
	s8 =	rddreg [dreg:$0x12]  }
0x23: {  	[tilespmem:s25], [sflag:$0x2] =	stream.linear.gather [hbm4b:s24+s3], $0x80, $0x38;
	[tilespmem:$0x1F480] =	vst v63  }
0x24: {  	s4 =	simm.s32 $0x100;
	s10 =	rddreg [dreg:$0x13]  }
0x25: {  	[tilespmem:s4], [sflag:$0x3] =	stream.linear.gather [hbm4b:s26+s3], $0x80, $0x38;
	[tilespmem:$0x1F480] =	vst v63  }
0x26: {  	s5 =	simm.s32 $0x180;
	s12 =	rddreg [dreg:$0x14]  }
0x27: {  	[tilespmem:s5], [sflag:$0x4] =	stream.linear.gather [hbm4b:s30+s3], $0x80, $0x38;
	[tilespmem:$0x1F480] =	vst v63  }
0x28: {  	s7 =	simm.s32 $0x200;
	s5 =	rddreg [dreg:$0x11]  }
0x29: {  	[tilespmem:s7], [sflag:$0x5] =	stream.linear.gather [hbm4b:s5+s3], $0x80, $0x38;
	[tilespmem:$0x1F480] =	vst v63  }
0x2a: {  	s9 =	simm.s32 $0x280;
	s14 =	rddreg [dreg:$0x15]  }
0x2b: {  	[tilespmem:s9], [sflag:$0x6] =	stream.linear.gather [hbm4b:s8+s3], $0x80, $0x38;
	[tilespmem:$0x1F480] =	vst v63  }
0x2c: {  	s11 =	simm.s32 $0x300;
	s16 =	rddreg [dreg:$0x16]  }
0x2d: {  	[tilespmem:s11], [sflag:$0x7] =	stream.linear.gather [hbm4b:s10+s3], $0x80, $0x38;
	[tilespmem:$0x1F480] =	vst v63  }
0x2e: {  	s13 =	simm.s32 $0x380;
	s18 =	rddreg [dreg:$0x17];
	s17 =	sshrl.u32 s16, $0x3  }
0x2f: {  	[tilespmem:s13], [sflag:$0x8] =	stream.linear.gather [hbm4b:s12+s3], $0x80, $0x38;
	[tilespmem:$0x1F480] =	vst v63  }
0x30: {  	s15 =	simm.s32 $0x400;
	[dreg:$0x1c] =	wrdreg s17  }
0x31: {  	[tilespmem:s15], [sflag:$0x9] =	stream.linear.gather [hbm4b:s14+s3], $0x80, $0x38;
	[tilespmem:$0x1F480] =	vst v63  }
0x32: {  	[spmem:s17], [sflag:s2] =	dma.local [hbm:s18], $0x2780  }
0x33: {  	_ =	swait.ge [sflag:s6], $0x2780  }
0x34: {  	[sflag:s6] =	ssyncset.done $0x0  }
0x35: {  	s19 =	simm.s32 $0x1;
	[sflag:s6] =	ssyncadd.s32 $0xFFFFD880  }
0x36: {  	_ =	swait.ge [sflag:s19], $0x80  }
0x37: {  	s20 =	simm.s32 $0x78;
	s21 =	simm.s32 $0x480;
	[sflag:s19] =	ssyncset.done $0x0  }
0x38: {  	s22 =	simm.s32 $0x2;
	s6 =	rddreg [dreg:$0x7];
	[sflag:s19] =	ssyncadd.s32 $0xFFFFFF80  }
0x39: {  	[tilespmem:s21], [sflag:$0xA] =	stream.indirect.gather [hbm4b:s6+s20], $0x80, s3, s20, $0xb8;
	[tilespmem:$0x1F480] =	vst v63  }
0x3a: {  	_ =	swait.ge [sflag:s22], $0x80  }
0x3b: {  	[sflag:s22] =	ssyncset.done $0x0  }
0x3c: {  	s23 =	simm.s32 $0x4080;
	s24 =	simm.s32 $0x3;
	[sflag:s22] =	ssyncadd.s32 $0xFFFFFF80  }
0x3d: {  	[tilespmem:s23], [sflag:$0xB] =	stream.indirect.gather [hbm4b:s6+s20], $0x80, s25, s20, $0xb8;
	[tilespmem:$0x1F480] =	vst v63  }
0x3e: {  	_ =	swait.ge [sflag:s24], $0x80  }
0x3f: {  	[sflag:s24] =	ssyncset.done $0x0;
	s8 =	rddreg [dreg:$0x9]  }
0x40: {  	s25 =	simm.s32 $0x7C80;
	[sflag:s24] =	ssyncadd.s32 $0xFFFFFF80;
	p4 =	sle.u32 s8, $0x6  }
0x41: {  	p1 =	sle.u32 s8, $0x0;
	p0 =	sle.u32 s8, $0x3;
	p6 =	sle.u32 s8, $0x7  }
0x42: {  	[tilespmem:s25], [sflag:$0xC] =	stream.indirect.gather [hbm4b:s6+s20], $0x80, s4, s20, $0xb8;
	[tilespmem:$0x1F480] =	vst v63  }
0x43: {  	p3 =	sle.u32 s8, $0x5;
	s0 =	simm.s32 @!p4 $0x300;
	s9 =	simm.s32 @!p1 $0xD  }
0x44: {  	s10 =	simm.s32 @!p1 $0xA;
	s11 =	simm.s32 @!p1 $0x480;
	[bflag:$0x0] =	sbarrier.arrive $0xFFFF  }
0x45: {  	s12 =	simm.s32 @!p1 $0x300;
	s5 =	rddreg [dreg:$0x6];
	_ =	swait.ge @!p1 [sflag:s10], $0x3C00  }
0x46: {  	s13 =	simm.s32 @!p1 $0x7;
	s1 =	sand.u32 @!p4 $0xFC00, s0;
	[sflag:s10] =	ssyncset.done @!p1 $0x0  }
0x47: {  	s0 =	sand.u32 @!p4 $0x300, s0;
	s1 =	sadd.s32 @!p4 s5, s1;
	[sflag:s10] =	ssyncadd.s32 @!p1 $0xFFFFC400  }
0x48: {  	s0 =	sor.u32 @!p4 s0, s1;
	s1 =	simm.s32 @!p0 $0x180;
	_ =	swait.ge @!p1 [sflag:s13], $0x80  }
0x49: {  	s15 =	simm.s32 @!p0 $0x78;
	s10 =	sand.u32 @!p0 $0xFC00, s1;
	[sflag:s13] =	ssyncset.done @!p1 $0x0  }
0x4a: {  	s14 =	sand.u32 @!p0 $0x380, s1;
	s1 =	simm.s32 @!p1 $0x78;
	[sflag:s13] =	ssyncadd.s32 @!p1 $0xFFFFFF80  }
0x4b: {  	s10 =	sadd.s32 @!p0 s5, s10;
	s13 =	simm.s32 @!p6 $0x380;
	s2 =	rddreg [dreg:$0x1]  }
0x4c: {  	[spmem:s2] =	stream.indirect.scatter.add.f32 @!p1 [tilespmem:s11], [sflag:$0xD], $0x80, s12, s1, $0xb8;
	[tilespmem:$0x1F480] =	vst v63  }
0x4d: {  	s1 =	sshrl.u32 @!p4 s0, $0x3;
	s0 =	sor.u32 @!p0 s14, s10;
	_ =	swait.ge @!p1 [sflag:s9], $0x3C00  }
0x4e: {  	s16 =	sand.u32 @!p6 $0xFC00, s13;
	s0 =	sshrl.u32 @!p0 s0, $0x3;
	s4 =	rddreg [dreg:$0x5]  }
0x4f: {  	[sflag:s9] =	ssyncset.done @!p1 $0x0;
	s7 =	rddreg [dreg:$0x8];
	s10 =	sadd.s32 @!p4 s4, s1  }
0x50: {  	s11 =	sadd.s32 @!p0 s7, s0;
	s0 =	simm.s32 @!p4 $0x0;
	[sflag:s9] =	ssyncadd.s32 @!p1 $0xFFFFC400  }
0x51: {  	[tilespmem:s0], [sflag:$0x1] =	stream.linear.gather @!p4 [hbm4b:s10+s0], $0x80, $0x38;
	[tilespmem:$0x1F480] =	vst v63  }
0x52: {  	s12 =	simm.s32 @!p0 $0x4;
	s9 =	simm.s32 @!p0 $0x0;
	s10 =	simm.s32 @!p0 $0x300  }
0x53: {  	[tilespmem:s10], [sflag:$0x7] =	stream.linear.gather @!p0 [hbm4b:s11+s9], $0x80, $0x38;
	[tilespmem:$0x1F480] =	vst v63  }
0x54: {  	s13 =	sand.u32 @!p6 $0x380, s13;
	p1 =	sle.u32 s8, $0x4;
	_ =	swait.ge @!p0 [sflag:s12], $0x80  }
0x55: {  	s9 =	simm.s32 @!p0 $0x180;
	[sflag:s12] =	ssyncset.done @!p0 $0x0;
	s26 =	rddreg [dreg:$0x3]  }
0x56: {  	s11 =	simm.s32 @!p0 $0x480;
	[sflag:s12] =	ssyncadd.s32 @!p0 $0xFFFFFF80;
	p2 =	sle.u32 s26, $0x0  }
0x57: {  	[tilespmem:s11], [sflag:$0xA] =	stream.indirect.gather @!p0 [hbm4b:s6+s15], $0x80, s9, s15, $0xb8;
	[tilespmem:$0x1F480] =	vst v63  }
0x58: {  	s16 =	sadd.s32 @!p6 s5, s16;
	s18 =	simm.s32 @!p1 $0x380;
	s14 =	simm.s32 @!p2 $0xB  }
0x59: {  	s24 =	simm.s32 @!p1 $0x4080;
	s9 =	simm.s32 @!p1 $0x200;
	_ =	swait.ge @!p2 [sflag:s14], $0x3C00  }
0x5a: {  	s12 =	sand.u32 @!p1 $0xFC00, s9;
	s9 =	sand.u32 @!p1 $0x300, s9;
	[sflag:s14] =	ssyncset.done @!p2 $0x0  }
0x5b: {  	s12 =	sadd.s32 @!p1 s5, s12;
	[sflag:s14] =	ssyncadd.s32 @!p2 $0xFFFFC400;
	s14 =	simm.s32 @!p2 $0x8  }
0x5c: {  	s17 =	simm.s32 @!p2 $0x380;
	s9 =	sor.u32 @!p1 s9, s12;
	_ =	swait.ge @!p2 [sflag:s14], $0x80  }
0x5d: {  	s12 =	sor.u32 @!p6 s13, s16;
	s13 =	simm.s32 @!p2 $0x4080;
	[sflag:s14] =	ssyncset.done @!p2 $0x0  }
0x5e: {  	s9 =	sshrl.u32 @!p1 s9, $0x3;
	[sflag:s14] =	ssyncadd.s32 @!p2 $0xFFFFFF80;
	s14 =	simm.s32 @!p2 $0x78  }
0x5f: {  	[spmem:s2] =	stream.indirect.scatter.add.f32 @!p2 [tilespmem:s13], [sflag:$0xD], $0x80, s17, s14, $0xb8;
	[tilespmem:$0x1F480] =	vst v63  }
0x60: {  	s16 =	simm.s32 @!p2 $0xD;
	s9 =	sadd.s32 @!p1 s7, s9;
	s17 =	sshrl.u32 @!p6 s12, $0x3  }
0x61: {  	s14 =	simm.s32 @!p6 $0x80;
	s12 =	simm.s32 @!p6 $0x80;
	_ =	swait.ge @!p2 [sflag:s16], $0x3C00  }
0x62: {  	s13 =	sadd.s32 @!p6 s4, s17;
	[dreg:$0xa] =	wrdreg s12;
	[sflag:s16] =	ssyncset.done @!p2 $0x0  }
0x63: {  	s12 =	simm.s32 @!p6 $0x0;
	[sflag:s16] =	ssyncadd.s32 @!p2 $0xFFFFC400;
	s16 =	simm.s32 @!p6 $0x0  }
0x64: {  	[tilespmem:s14], [sflag:$0x2] =	stream.linear.gather @!p6 [hbm4b:s13+s16], $0x80, $0x38;
	[tilespmem:$0x1F480] =	vst v63  }
0x65: {  	[dreg:$0xb] =	wrdreg s12;
	s13 =	simm.s32 @!p1 $0x5;
	s16 =	simm.s32 @!p1 $0x0  }
0x66: {  	[tilespmem:s18], [sflag:$0x8] =	stream.linear.gather @!p1 [hbm4b:s9+s16], $0x80, $0x38;
	[tilespmem:$0x1F480] =	vst v63  }
0x67: {  	s21 =	simm.s32 @!p1 $0x78;
	p2 =	sle.u32 s8, $0x8;
	_ =	swait.ge @!p1 [sflag:s13], $0x80  }
0x68: {  	s9 =	simm.s32 @!p3 $0x280;
	[sflag:s13] =	ssyncset.done @!p1 $0x0;
	s30 =	rddreg [dreg:$0x4]  }
0x69: {  	[sflag:s13] =	ssyncadd.s32 @!p1 $0xFFFFFF80;
	s13 =	simm.s32 @!p1 $0x200;
	p5 =	sle.u32 s30, $0x0  }
0x6a: {  	[tilespmem:s24], [sflag:$0xB] =	stream.indirect.gather @!p1 [hbm4b:s6+s21], $0x80, s13, s21, $0xb8;
	[tilespmem:$0x1F480] =	vst v63  }
0x6b: {  	s19 =	sand.u32 @!p2 $0x300, s3;
	s20 =	sand.u32 @!p3 $0xFC00, s9;
	s16 =	simm.s32 @!p5 $0xC  }
0x6c: {  	s9 =	sand.u32 @!p3 $0x380, s9;
	s20 =	sadd.s32 @!p3 s5, s20;
	_ =	swait.ge @!p5 [sflag:s16], $0x3C00  }
0x6d: {  	s9 =	sor.u32 @!p3 s9, s20;
	s13 =	simm.s32 @!p2 $0x400;
	[sflag:s16] =	ssyncset.done @!p5 $0x0  }
0x6e: {  	s13 =	sand.u32 @!p2 $0xFC00, s13;
	[sflag:s16] =	ssyncadd.s32 @!p5 $0xFFFFC400;
	s16 =	simm.s32 @!p5 $0x9  }
0x6f: {  	s20 =	simm.s32 @!p5 $0x400;
	s13 =	sadd.s32 @!p2 s5, s13;
	_ =	swait.ge @!p5 [sflag:s16], $0x80  }
0x70: {  	s22 =	simm.s32 @!p5 $0x7C80;
	s13 =	sor.u32 @!p2 s19, s13;
	[sflag:s16] =	ssyncset.done @!p5 $0x0  }
0x71: {  	s19 =	simm.s32 @!p5 $0xD;
	[sflag:s16] =	ssyncadd.s32 @!p5 $0xFFFFFF80;
	s16 =	simm.s32 @!p5 $0x78  }
0x72: {  	[spmem:s2] =	stream.indirect.scatter.add.f32 @!p5 [tilespmem:s22], [sflag:$0xD], $0x80, s20, s16, $0xb8;
	[tilespmem:$0x1F480] =	vst v63  }
0x73: {  	s25 =	simm.s32 @!p3 $0x6;
	s9 =	sshrl.u32 @!p3 s9, $0x3;
	_ =	swait.ge @!p5 [sflag:s19], $0x3C00  }
0x74: {  	s20 =	sshrl.u32 @!p2 s13, $0x3;
	s16 =	simm.s32 @!p2 $0x0;
	[sflag:s19] =	ssyncset.done @!p5 $0x0  }
0x75: {  	s13 =	simm.s32 @!p2 $0x100;
	s22 =	sadd.s32 @!p2 s4, s20;
	[sflag:s19] =	ssyncadd.s32 @!p5 $0xFFFFC400  }
0x76: {  	[tilespmem:s13], [sflag:$0x3] =	stream.linear.gather @!p2 [hbm4b:s22+s16], $0x80, $0x38;
	[tilespmem:$0x1F480] =	vst v63  }
0x77: {  	s9 =	sadd.s32 @!p3 s7, s9;
	s19 =	simm.s32 @!p3 $0x400;
	s22 =	simm.s32 @!p3 $0x0  }
0x78: {  	[tilespmem:s19], [sflag:$0x9] =	stream.linear.gather @!p3 [hbm4b:s9+s22], $0x80, $0x38;
	[tilespmem:$0x1F480] =	vst v63  }
0x79: {  	_ =	swait.ge @!p3 [sflag:s25], $0x80  }
0x7a: {  	s14 =	simm.s32 @!p3 $0x7C80;
	[sflag:s25] =	ssyncset.done @!p3 $0x0  }
0x7b: {  	s9 =	simm.s32 @!p3 $0x78;
	s22 =	simm.s32 @!p3 $0x280;
	[sflag:s25] =	ssyncadd.s32 @!p3 $0xFFFFFF80  }
0x7c: {  	[tilespmem:s14], [sflag:$0xC] =	stream.indirect.gather @!p3 [hbm4b:s6+s9], $0x80, s22, s9, $0xb8;
	[tilespmem:$0x1F480] =	vst v63  }
0x7d: {  	s22 =	simm.s32 @!p0 $0xA  }
0x7e: {  	_ =	swait.ge @!p0 [sflag:s22], $0x3C00  }
0x7f: {  	[sflag:s22] =	ssyncset.done @!p0 $0x0  }
0x80: {  	[sflag:s22] =	ssyncadd.s32 @!p0 $0xFFFFC400;
	s22 =	simm.s32 @!p0 $0x7  }
0x81: {  	_ =	swait.ge @!p0 [sflag:s22], $0x80  }
0x82: {  	s31 =	simm.s32 $0x300;
	p5 =	sle.u32 s8, $0x9;
	[sflag:s22] =	ssyncset.done @!p0 $0x0  }
0x83: {  	s1 =	sadd.s32 @!p4 s7, s1;
	[sflag:s22] =	ssyncadd.s32 @!p0 $0xFFFFFF80;
	s22 =	simm.s32 @!p5 $0x480  }
0x84: {  	[spmem:s2] =	stream.indirect.scatter.add.f32 @!p0 [tilespmem:s11], [sflag:$0xD], $0x80, s10, s15, $0xb8;
	[tilespmem:$0x1F480] =	vst v63  }
0x85: {  	s17 =	sadd.s32 @!p6 s7, s17;
	s29 =	simm.s32 @!p2 $0x7C80;
	s10 =	sand.u32 @!p5 $0xFC00, s22  }
0x86: {  	s11 =	simm.s32 @!p0 $0xD;
	s15 =	sand.u32 @!p5 $0x380, s22;
	s10 =	sadd.s32 @!p5 s5, s10  }
0x87: {  	s28 =	simm.s32 @!p2 $0x78;
	_ =	swait.ge @!p0 [sflag:s11], $0x3C00;
	s10 =	sor.u32 @!p5 s15, s10  }
0x88: {  	[sflag:s11] =	ssyncset.done @!p0 $0x0;
	s15 =	simm.s32 @!p5 $0x180;
	s10 =	sshrl.u32 @!p5 s10, $0x3  }
0x89: {  	[sflag:s11] =	ssyncadd.s32 @!p0 $0xFFFFC400;
	s11 =	simm.s32 @!p5 $0x0;
	s10 =	sadd.s32 @!p5 s4, s10  }
0x8a: {  	[tilespmem:s15], [sflag:$0x4] =	stream.linear.gather @!p5 [hbm4b:s10+s11], $0x80, $0x38;
	[tilespmem:$0x1F480] =	vst v63  }
0x8b: {  	s12 =	sadd.s32 @!p2 s7, s20;
	s10 =	simm.s32 @!p4 $0x300;
	s11 =	simm.s32 @!p4 $0x1  }
0x8c: {  	[tilespmem:s10], [sflag:$0x7] =	stream.linear.gather @!p4 [hbm4b:s1+s0], $0x80, $0x38;
	[tilespmem:$0x1F480] =	vst v63  }
0x8d: {  	s15 =	simm.s32 @!p4 $0x78;
	s1 =	simm.s32 @!p6 $0x0;
	_ =	swait.ge @!p4 [sflag:s11], $0x80  }
0x8e: {  	p5 =	sle.u32 s8, $0xA;
	s1 =	simm.s32 @p6 $0x1;
	[sflag:s11] =	ssyncset.done @!p4 $0x0  }
0x8f: {  	[smem:$0x7FD] =	sst s1;
	s1 =	simm.s32 @!p4 $0x480;
	[sflag:s11] =	ssyncadd.s32 @!p4 $0xFFFFFF80  }
0x90: {  	[tilespmem:s1], [sflag:$0xA] =	stream.indirect.gather @!p4 [hbm4b:s6+s15], $0x80, s0, s15, $0xb8;
	[tilespmem:$0x1F480] =	vst v63  }
0x91: {  	s10 =	simm.s32 $0x6;
	s0 =	simm.s32 $0xB;
	s1 =	simm.s32 $0x0  }
.LBB2_2:
0x92: {  	s23 =	rddreg [dreg:$0x9];
	s20 =	sadd.s32 @!p5 $0x500, s1;
	s22 =	smov.u32 s31  }
0x93: {  	s31 =	sadd.s32 $0x300, s31;
	s11 =	smov.u32 s10;
	s3 =	simm.s32 @!p1 $0xD  }
0x94: {  	p4 =	por p2, p2;
	s2 =	simm.s32 @!p2 $0x0;
	s15 =	sld [smem:$0x7FD]  }
0x95: {  	s26 =	simm.s32 @!p1 $0xB;
	s8 =	rddreg [dreg:$0x6];
	s4 =	simm.s32 @!p1 $0x8  }
0x96: {  	s5 =	simm.s32 @!p5 $0x0;
	p0 =	sge.u32 s10, s23;
	s30 =	sand.u32 @!p5 $0xFC00, s20  }
0x97: {  	s2 =	simm.s32 @p2 $0x1;
	s20 =	sand.u32 @!p5 $0x300, s20;
	s25 =	simm.s32 @!p4 $0x400  }
0x98: {  	s10 =	sadd.s32 $0x6, s10;
	p6 =	sge.u32 s0, s23;
	[smem:$0x7FB] =	sst s2  }
0x99: {  	s30 =	sadd.s32 @!p5 s8, s30;
	s0 =	sadd.s32 @!p6 $0x580, s1;
	_ =	swait.ge @!p1 [sflag:s26], $0x3C00  }
0x9a: {  	p2 =	seq.s32 s15, $0x1;
	s30 =	sor.u32 @!p5 s20, s30;
	[sflag:s26] =	ssyncset.done @!p1 $0x0  }
0x9b: {  	s20 =	simm.s32 @!p4 $0x3;
	p4 =	sge.u32 s10, s23;
	[sflag:s26] =	ssyncadd.s32 @!p1 $0xFFFFC400  }
0x9c: {  	s2 =	simm.s32 @!p2 $0x78;
	s7 =	simm.s32 @!p2 $0x2;
	_ =	swait.ge @!p1 [sflag:s4], $0x80  }
0x9d: {  	s15 =	simm.s32 @!p2 $0x380;
	[dreg:$0xc] =	wrdreg s25;
	[sflag:s4] =	ssyncset.done @!p1 $0x0  }
0x9e: {  	s26 =	sshrl.u32 @!p5 s30, $0x3;
	s6 =	rddreg [dreg:$0x5];
	[sflag:s4] =	ssyncadd.s32 @!p1 $0xFFFFFF80  }
0x9f: {  	s25 =	smov.u32 s17;
	s26 =	sadd.s32 @!p5 s6, s26;
	s30 =	rddreg [dreg:$0x1]  }
0xa0: {  	[spmem:s30] =	stream.indirect.scatter.add.f32 @!p1 [tilespmem:s24], [sflag:$0xD], $0x80, s18, s21, $0xb8;
	[tilespmem:$0x1F480] =	vst v63  }
0xa1: {  	s4 =	simm.s32 @!p3 $0x9;
	s24 =	simm.s32 @!p3 $0xC;
	s30 =	simm.s32 @!p0 $0xD  }
0xa2: {  	s21 =	sadd.s32 @!p4 $0x300, s22;
	s18 =	smov.u32 s13;
	_ =	swait.ge @!p1 [sflag:s3], $0x3C00  }
0xa3: {  	s13 =	smov.u32 s12;
	s17 =	sand.u32 @!p4 $0xFC00, s21;
	[sflag:s3] =	ssyncset.done @!p1 $0x0  }
0xa4: {  	s12 =	rddreg [dreg:$0x8];
	[sflag:s3] =	ssyncadd.s32 @!p1 $0xFFFFC400;
	s3 =	simm.s32 @!p5 $0x200  }
0xa5: {  	[tilespmem:s3], [sflag:$0x5] =	stream.linear.gather @!p5 [hbm4b:s26+s5], $0x80, $0x38;
	[tilespmem:$0x1F480] =	vst v63  }
0xa6: {  	s5 =	sadd.s32 @!p4 s8, s17;
	s17 =	sand.u32 @!p4 $0x300, s21;
	s3 =	rddreg [dreg:$0xb]  }
0xa7: {  	[tilespmem:s15], [sflag:$0x8] =	stream.linear.gather @!p2 [hbm4b:s25+s3], $0x80, $0x38;
	[tilespmem:$0x1F480] =	vst v63  }
0xa8: {  	s21 =	simm.s32 @!p0 $0x7;
	s5 =	sor.u32 @!p4 s17, s5;
	s3 =	simm.s32 @!p0 $0x300  }
0xa9: {  	s15 =	simm.s32 @!p3 $0xD;
	s17 =	sshrl.u32 @!p4 s5, $0x3;
	_ =	swait.ge @!p2 [sflag:s7], $0x80  }
0xaa: {  	s5 =	simm.s32 @!p2 $0x4080;
	[sflag:s7] =	ssyncset.done @!p2 $0x0;
	s26 =	rddreg [dreg:$0x7]  }
0xab: {  	s25 =	sadd.s32 $0x4, s11;
	s1 =	rddreg [dreg:$0xa];
	[sflag:s7] =	ssyncadd.s32 @!p2 $0xFFFFFF80  }
0xac: {  	[tilespmem:s5], [sflag:$0xB] =	stream.indirect.gather @!p2 [hbm4b:s26+s2], $0x80, s1, s2, $0xb8;
	[tilespmem:$0x1F480] =	vst v63  }
0xad: {  	p1 =	sge.u32 s25, s23;
	s25 =	sadd.s32 $0x7, s11;
	_ =	swait.ge @!p3 [sflag:s24], $0x3C00  }
0xae: {  	s7 =	simm.s32 @!p6 $0x280;
	s1 =	sand.u32 @!p6 $0xFC00, s0;
	[sflag:s24] =	ssyncset.done @!p3 $0x0  }
0xaf: {  	s2 =	sand.u32 @!p6 $0x380, s0;
	s1 =	sadd.s32 @!p6 s8, s1;
	[sflag:s24] =	ssyncadd.s32 @!p3 $0xFFFFC400  }
0xb0: {  	s0 =	sadd.s32 @!p4 s6, s17;
	s1 =	sor.u32 @!p6 s2, s1;
	_ =	swait.ge @!p3 [sflag:s4], $0x80  }
0xb1: {  	s24 =	sadd.s32 $0x3, s11;
	s1 =	sshrl.u32 @!p6 s1, $0x3;
	[sflag:s4] =	ssyncset.done @!p3 $0x0  }
0xb2: {  	p5 =	sge.u32 s24, s23;
	s1 =	sadd.s32 @!p6 s6, s1;
	[sflag:s4] =	ssyncadd.s32 @!p3 $0xFFFFFF80  }
0xb3: {  	s5 =	sadd.s32 @!p5 $0x180, s22;
	s4 =	simm.s32 @!p6 $0x0;
	s24 =	rddreg [dreg:$0x1]  }
0xb4: {  	[spmem:s24] =	stream.indirect.scatter.add.f32 @!p3 [tilespmem:s14], [sflag:$0xD], $0x80, s19, s9, $0xb8;
	[tilespmem:$0x1F480] =	vst v63  }
0xb5: {  	s9 =	sand.u32 @!p5 $0xFC00, s5;
	s5 =	sand.u32 @!p5 $0x380, s5;
	_ =	swait.ge @!p3 [sflag:s15], $0x3C00  }
0xb6: {  	s9 =	sadd.s32 @!p5 s8, s9;
	[sflag:s15] =	ssyncset.done @!p3 $0x0;
	s19 =	sld [smem:$0x7FB]  }
0xb7: {  	s2 =	sor.u32 @!p5 s5, s9;
	s5 =	rddreg [dreg:$0xc];
	[sflag:s15] =	ssyncadd.s32 @!p3 $0xFFFFC400  }
0xb8: {  	[tilespmem:s7], [sflag:$0x6] =	stream.linear.gather @!p6 [hbm4b:s1+s4], $0x80, $0x38;
	[tilespmem:$0x1F480] =	vst v63  }
0xb9: {  	s2 =	sshrl.u32 @!p5 s2, $0x3;
	s15 =	simm.s32 @!p4 $0x0;
	s1 =	simm.s32 @!p0 $0xA  }
0xba: {  	s4 =	sadd.s32 @!p1 $0x200, s22;
	p6 =	sge.u32 s25, s23;
	s2 =	sadd.s32 @!p5 s12, s2  }
0xbb: {  	s25 =	sadd.s32 @!p4 s12, s17;
	p2 =	seq.s32 s19, $0x1;
	s7 =	sadd.s32 @!p6 $0x380, s22  }
0xbc: {  	[tilespmem:s5], [sflag:$0x9] =	stream.linear.gather @!p2 [hbm4b:s13+s16], $0x80, $0x38;
	[tilespmem:$0x1F480] =	vst v63  }
0xbd: {  	s5 =	sand.u32 @!p1 $0xFC00, s4;
	s4 =	sand.u32 @!p1 $0x300, s4;
	_ =	swait.ge @!p2 [sflag:s20], $0x80  }
0xbe: {  	s9 =	sand.u32 @!p6 $0xFC00, s7;
	s13 =	sadd.s32 $0x5, s11;
	[sflag:s20] =	ssyncset.done @!p2 $0x0  }
0xbf: {  	s5 =	sadd.s32 @!p1 s8, s5;
	p3 =	sge.u32 s13, s23;
	[sflag:s20] =	ssyncadd.s32 @!p2 $0xFFFFFF80  }
0xc0: {  	[tilespmem:s29], [sflag:$0xC] =	stream.indirect.gather @!p2 [hbm4b:s26+s28], $0x80, s18, s28, $0xb8;
	[tilespmem:$0x1F480] =	vst v63  }
0xc1: {  	s13 =	simm.s32 @!p1 $0x5;
	s4 =	sor.u32 @!p1 s4, s5;
	_ =	swait.ge @!p0 [sflag:s1], $0x3C00  }
0xc2: {  	s5 =	sand.u32 @!p6 $0x380, s7;
	s7 =	simm.s32 @!p0 $0x480;
	[sflag:s1] =	ssyncset.done @!p0 $0x0  }
0xc3: {  	s4 =	sshrl.u32 @!p1 s4, $0x3;
	[sflag:s1] =	ssyncadd.s32 @!p0 $0xFFFFC400;
	s1 =	sadd.s32 @!p6 s8, s9  }
0xc4: {  	s20 =	simm.s32 @!p5 $0x300;
	_ =	swait.ge @!p0 [sflag:s21], $0x80;
	s1 =	sor.u32 @!p6 s5, s1  }
0xc5: {  	p2 =	sne.s32 s31, $0x3600;
	[sflag:s21] =	ssyncset.done @!p0 $0x0;
	s5 =	sshrl.u32 @!p6 s1, $0x3  }
0xc6: {  	s1 =	sadd.s32 @!p1 s12, s4;
	s4 =	simm.s32 @!p0 $0x78;
	[sflag:s21] =	ssyncadd.s32 @!p0 $0xFFFFFF80  }
0xc7: {  	[spmem:s24] =	stream.indirect.scatter.add.f32 @!p0 [tilespmem:s7], [sflag:$0xD], $0x80, s3, s4, $0xb8;
	[tilespmem:$0x1F480] =	vst v63  }
0xc8: {  	s9 =	sadd.s32 @!p6 s6, s5;
	s17 =	sadd.s32 @!p6 s12, s5;
	s3 =	simm.s32 @!p2 $0x0  }
0xc9: {  	s4 =	simm.s32 @!p5 $0x4;
	s7 =	sadd.s32 $0x8, s11;
	_ =	swait.ge @!p0 [sflag:s30], $0x3C00  }
0xca: {  	s3 =	simm.s32 @p2 $0x1;
	p2 =	sge.u32 s7, s23;
	[sflag:s30] =	ssyncset.done @!p0 $0x0  }
0xcb: {  	[smem:$0x7FC] =	sst s3;
	s3 =	simm.s32 @!p5 $0x180;
	[sflag:s30] =	ssyncadd.s32 @!p0 $0xFFFFC400  }
0xcc: {  	[tilespmem:s15], [sflag:$0x1] =	stream.linear.gather @!p4 [hbm4b:s0+s15], $0x80, $0x38;
	[tilespmem:$0x1F480] =	vst v63  }
0xcd: {  	s5 =	sand.u32 @!p2 $0x300, s22;
	s30 =	simm.s32 @!p5 $0x480;
	s0 =	simm.s32 @!p5 $0x0  }
0xce: {  	[tilespmem:s20], [sflag:$0x7] =	stream.linear.gather @!p5 [hbm4b:s2+s0], $0x80, $0x38;
	[tilespmem:$0x1F480] =	vst v63  }
0xcf: {  	s0 =	simm.s32 @!p5 $0x78;
	s2 =	sadd.s32 @!p2 $0x400, s22;
	_ =	swait.ge @!p5 [sflag:s4], $0x80  }
0xd0: {  	s2 =	sand.u32 @!p2 $0xFC00, s2;
	[sflag:s4] =	ssyncset.done @!p5 $0x0;
	s14 =	rddreg [dreg:$0x3]  }
0xd1: {  	s2 =	sadd.s32 @!p2 s8, s2;
	[sflag:s4] =	ssyncadd.s32 @!p5 $0xFFFFFF80;
	p0 =	sge.u32 s11, s14  }
0xd2: {  	[tilespmem:s30], [sflag:$0xA] =	stream.indirect.gather @!p5 [hbm4b:s26+s0], $0x80, s3, s0, $0xb8;
	[tilespmem:$0x1F480] =	vst v63  }
0xd3: {  	s28 =	smov.u32 s24;
	s2 =	sor.u32 @!p2 s5, s2;
	s4 =	simm.s32 @!p0 $0xB  }
0xd4: {  	s3 =	sadd.s32 @!p3 $0x280, s22;
	s14 =	simm.s32 @!p0 $0xD;
	_ =	swait.ge @!p0 [sflag:s4], $0x3C00  }
0xd5: {  	s16 =	simm.s32 @!p0 $0x380;
	s7 =	sand.u32 @!p3 $0xFC00, s3;
	[sflag:s4] =	ssyncset.done @!p0 $0x0  }
0xd6: {  	s3 =	sand.u32 @!p3 $0x380, s3;
	[sflag:s4] =	ssyncadd.s32 @!p0 $0xFFFFC400;
	s4 =	simm.s32 @!p0 $0x8  }
0xd7: {  	s5 =	sadd.s32 @!p3 s8, s7;
	s7 =	simm.s32 @!p0 $0x4080;
	_ =	swait.ge @!p0 [sflag:s4], $0x80  }
0xd8: {  	s3 =	sor.u32 @!p3 s3, s5;
	s5 =	simm.s32 @!p6 $0x0;
	[sflag:s4] =	ssyncset.done @!p0 $0x0  }
0xd9: {  	s3 =	sshrl.u32 @!p3 s3, $0x3;
	[sflag:s4] =	ssyncadd.s32 @!p0 $0xFFFFFF80;
	s4 =	simm.s32 @!p0 $0x78  }
0xda: {  	[spmem:s24] =	stream.indirect.scatter.add.f32 @!p0 [tilespmem:s7], [sflag:$0xD], $0x80, s16, s4, $0xb8;
	[tilespmem:$0x1F480] =	vst v63  }
0xdb: {  	s29 =	sadd.s32 @!p3 s12, s3;
	s4 =	simm.s32 @!p6 $0x80;
	_ =	swait.ge @!p0 [sflag:s14], $0x3C00  }
0xdc: {  	s3 =	simm.s32 @!p6 $0x0;
	[dreg:$0xa] =	wrdreg s4;
	[sflag:s14] =	ssyncset.done @!p0 $0x0  }
0xdd: {  	s3 =	simm.s32 @p6 $0x1;
	[dreg:$0xb] =	wrdreg s5;
	[sflag:s14] =	ssyncadd.s32 @!p0 $0xFFFFC400  }
0xde: {  	[tilespmem:s4], [sflag:$0x2] =	stream.linear.gather @!p6 [hbm4b:s9+s5], $0x80, $0x38;
	[tilespmem:$0x1F480] =	vst v63  }
0xdf: {  	s18 =	simm.s32 @!p1 $0x380;
	[smem:$0x7FD] =	sst s3;
	s3 =	simm.s32 @!p1 $0x0  }
0xe0: {  	[tilespmem:s18], [sflag:$0x8] =	stream.linear.gather @!p1 [hbm4b:s1+s3], $0x80, $0x38;
	[tilespmem:$0x1F480] =	vst v63  }
0xe1: {  	s21 =	simm.s32 @!p1 $0x78;
	s2 =	sshrl.u32 @!p2 s2, $0x3;
	_ =	swait.ge @!p1 [sflag:s13], $0x80  }
0xe2: {  	s24 =	simm.s32 @!p1 $0x4080;
	[sflag:s13] =	ssyncset.done @!p1 $0x0;
	s16 =	rddreg [dreg:$0x4]  }
0xe3: {  	s3 =	simm.s32 @!p1 $0x200;
	[sflag:s13] =	ssyncadd.s32 @!p1 $0xFFFFFF80;
	p6 =	sge.u32 s11, s16  }
0xe4: {  	[tilespmem:s24], [sflag:$0xB] =	stream.indirect.gather @!p1 [hbm4b:s26+s21], $0x80, s3, s21, $0xb8;
	[tilespmem:$0x1F480] =	vst v63  }
0xe5: {  	s19 =	sadd.s32 @!p2 s6, s2;
	s12 =	sadd.s32 @!p2 s12, s2;
	s2 =	simm.s32 @!p6 $0xC  }
0xe6: {  	_ =	swait.ge @!p6 [sflag:s2], $0x3C00  }
0xe7: {  	s1 =	smov.u32 s22;
	s22 =	sadd.s32 $0x9, s11;
	[sflag:s2] =	ssyncset.done @!p6 $0x0  }
0xe8: {  	p0 =	sge.u32 s22, s23;
	[sflag:s2] =	ssyncadd.s32 @!p6 $0xFFFFC400;
	s2 =	simm.s32 @!p6 $0x9  }
0xe9: {  	s5 =	sadd.s32 @!p0 $0x480, s1;
	_ =	swait.ge @!p6 [sflag:s2], $0x80  }
0xea: {  	s3 =	simm.s32 @!p6 $0xD;
	s9 =	simm.s32 @!p6 $0x400;
	[sflag:s2] =	ssyncset.done @!p6 $0x0  }
0xeb: {  	s13 =	simm.s32 @!p6 $0x7C80;
	[sflag:s2] =	ssyncadd.s32 @!p6 $0xFFFFFF80;
	s2 =	simm.s32 @!p6 $0x78  }
0xec: {  	[spmem:s28] =	stream.indirect.scatter.add.f32 @!p6 [tilespmem:s13], [sflag:$0xD], $0x80, s9, s2, $0xb8;
	[tilespmem:$0x1F480] =	vst v63  }
0xed: {  	s7 =	sand.u32 @!p0 $0xFC00, s5;
	s5 =	sand.u32 @!p0 $0x380, s5;
	_ =	swait.ge @!p6 [sflag:s3], $0x3C00  }
0xee: {  	s16 =	simm.s32 @!p2 $0x0;
	s7 =	sadd.s32 @!p0 s8, s7;
	[sflag:s3] =	ssyncset.done @!p6 $0x0  }
0xef: {  	s2 =	sor.u32 @!p0 s5, s7;
	s13 =	simm.s32 @!p2 $0x100;
	[sflag:s3] =	ssyncadd.s32 @!p6 $0xFFFFC400  }
0xf0: {  	[tilespmem:s13], [sflag:$0x3] =	stream.linear.gather @!p2 [hbm4b:s19+s16], $0x80, $0x38;
	[tilespmem:$0x1F480] =	vst v63  }
0xf1: {  	s5 =	simm.s32 @!p3 $0x6;
	s3 =	simm.s32 @!p3 $0x0;
	s19 =	simm.s32 @!p3 $0x400  }
0xf2: {  	[tilespmem:s19], [sflag:$0x9] =	stream.linear.gather @!p3 [hbm4b:s29+s3], $0x80, $0x38;
	[tilespmem:$0x1F480] =	vst v63  }
0xf3: {  	_ =	swait.ge @!p3 [sflag:s5], $0x80  }
0xf4: {  	s14 =	simm.s32 @!p3 $0x7C80;
	s4 =	simm.s32 @!p5 $0xA;
	[sflag:s5] =	ssyncset.done @!p3 $0x0  }
0xf5: {  	s9 =	simm.s32 @!p3 $0x78;
	s3 =	simm.s32 @!p3 $0x280;
	[sflag:s5] =	ssyncadd.s32 @!p3 $0xFFFFFF80  }
0xf6: {  	[tilespmem:s14], [sflag:$0xC] =	stream.indirect.gather @!p3 [hbm4b:s26+s9], $0x80, s3, s9, $0xb8;
	[tilespmem:$0x1F480] =	vst v63  }
0xf7: {  	_ =	swait.ge @!p5 [sflag:s4], $0x3C00  }
0xf8: {  	[sflag:s4] =	ssyncset.done @!p5 $0x0  }
0xf9: {  	s3 =	simm.s32 @!p5 $0x7;
	[sflag:s4] =	ssyncadd.s32 @!p5 $0xFFFFC400  }
0xfa: {  	_ =	swait.ge @!p5 [sflag:s3], $0x80  }
0xfb: {  	[sflag:s3] =	ssyncset.done @!p5 $0x0  }
0xfc: {  	s5 =	simm.s32 @!p5 $0xD;
	[sflag:s3] =	ssyncadd.s32 @!p5 $0xFFFFFF80  }
0xfd: {  	[spmem:s28] =	stream.indirect.scatter.add.f32 @!p5 [tilespmem:s30], [sflag:$0xD], $0x80, s20, s0, $0xb8;
	[tilespmem:$0x1F480] =	vst v63  }
0xfe: {  	s2 =	sshrl.u32 @!p0 s2, $0x3;
	_ =	swait.ge @!p5 [sflag:s5], $0x3C00  }
0xff: {  	s2 =	sadd.s32 @!p0 s6, s2;
	[sflag:s5] =	ssyncset.done @!p5 $0x0  }
0x100: {  	s3 =	simm.s32 @!p0 $0x180;
	s0 =	simm.s32 @!p0 $0x0;
	[sflag:s5] =	ssyncadd.s32 @!p5 $0xFFFFC400  }
0x101: {  	[tilespmem:s3], [sflag:$0x4] =	stream.linear.gather @!p0 [hbm4b:s2+s0], $0x80, $0x38;
	[tilespmem:$0x1F480] =	vst v63  }
0x102: {  	s2 =	simm.s32 @!p4 $0x300;
	s3 =	simm.s32 @!p4 $0x1  }
0x103: {  	[tilespmem:s2], [sflag:$0x7] =	stream.linear.gather @!p4 [hbm4b:s25+s15], $0x80, $0x38;
	[tilespmem:$0x1F480] =	vst v63  }
0x104: {  	_ =	swait.ge @!p4 [sflag:s3], $0x80  }
0x105: {  	s30 =	sld [smem:$0x7FC];
	_ =	sdelay $0x2  }
0x106: {  	p0 =	seq.s32 s30, $0x1  }
.Ltmp0:
0x107: {  	_ = 	snop;
	(pc) =	sbr.rel @p0 .LBB2_2-.Ltmp0, $4  }
0x108: {  	s29 =	simm.s32 @!p2 $0x7C80;
	s28 =	simm.s32 @!p2 $0x78;
	s5 =	simm.s32 @!p4 $0x78  }
0x109: {  	s0 =	sadd.s32 $0xB, s11;
	s25 =	sadd.s32 $0xA, s11;
	[sflag:s3] =	ssyncset.done @!p4 $0x0  }
0x10a: {  	s2 =	simm.s32 @!p4 $0x480;
	p5 =	sge.u32 s25, s23;
	[sflag:s3] =	ssyncadd.s32 @!p4 $0xFFFFFF80  }
0x10b: {  	[tilespmem:s2], [sflag:$0xA] =	stream.indirect.gather @!p4 [hbm4b:s26+s5], $0x80, s15, s5, $0xb8;
	[tilespmem:$0x1F480] =	vst v63  }
0x10c: {  	s2 =	simm.s32 @!p1 $0xB  }
0x10d: {  	_ =	swait.ge @!p1 [sflag:s2], $0x3C00  }
0x10e: {  	[sflag:s2] =	ssyncset.done @!p1 $0x0  }
0x10f: {  	[sflag:s2] =	ssyncadd.s32 @!p1 $0xFFFFC400;
	s2 =	simm.s32 @!p1 $0x8  }
0x110: {  	_ =	swait.ge @!p1 [sflag:s2], $0x80  }
0x111: {  	[sflag:s2] =	ssyncset.done @!p1 $0x0  }
0x112: {  	s7 =	rddreg [dreg:$0x6];
	[sflag:s2] =	ssyncadd.s32 @!p1 $0xFFFFFF80;
	s2 =	sadd.s32 @!p5 $0x500, s1  }
0x113: {  	s4 =	simm.s32 @!p1 $0xD;
	s5 =	rddreg [dreg:$0x1];
	s3 =	sand.u32 @!p5 $0xFC00, s2  }
0x114: {  	[spmem:s5] =	stream.indirect.scatter.add.f32 @!p1 [tilespmem:s24], [sflag:$0xD], $0x80, s18, s21, $0xb8;
	[tilespmem:$0x1F480] =	vst v63  }
0x115: {  	s2 =	sand.u32 @!p5 $0x300, s2;
	s3 =	sadd.s32 @!p5 s7, s3;
	_ =	swait.ge @!p1 [sflag:s4], $0x3C00  }
0x116: {  	s2 =	sor.u32 @!p5 s2, s3;
	s3 =	simm.s32 @!p5 $0x0;
	s6 =	rddreg [dreg:$0x5]  }
0x117: {  	s2 =	sshrl.u32 @!p5 s2, $0x3;
	[sflag:s4] =	ssyncset.done @!p1 $0x0;
	s25 =	sld [smem:$0x7FD]  }
0x118: {  	s2 =	sadd.s32 @!p5 s6, s2;
	[sflag:s4] =	ssyncadd.s32 @!p1 $0xFFFFC400;
	s4 =	simm.s32 @!p5 $0x200  }
0x119: {  	[tilespmem:s4], [sflag:$0x5] =	stream.linear.gather @!p5 [hbm4b:s2+s3], $0x80, $0x38;
	[tilespmem:$0x1F480] =	vst v63  }
0x11a: {  	p0 =	seq.s32 s25, $0x1  }
0x11b: {  	s3 =	rddreg [dreg:$0xb];
	s2 =	simm.s32 @!p0 $0x380  }
0x11c: {  	[tilespmem:s2], [sflag:$0x8] =	stream.linear.gather @!p0 [hbm4b:s17+s3], $0x80, $0x38;
	[tilespmem:$0x1F480] =	vst v63  }
0x11d: {  	s2 =	simm.s32 @!p0 $0x2  }
0x11e: {  	_ =	swait.ge @!p0 [sflag:s2], $0x80  }
0x11f: {  	s3 =	simm.s32 @!p0 $0x4080;
	[sflag:s2] =	ssyncset.done @!p0 $0x0;
	s4 =	rddreg [dreg:$0x7]  }
0x120: {  	s8 =	rddreg [dreg:$0xa];
	[sflag:s2] =	ssyncadd.s32 @!p0 $0xFFFFFF80;
	s2 =	simm.s32 @!p0 $0x78  }
0x121: {  	[tilespmem:s3], [sflag:$0xB] =	stream.indirect.gather @!p0 [hbm4b:s4+s2], $0x80, s8, s2, $0xb8;
	[tilespmem:$0x1F480] =	vst v63  }
0x122: {  	s2 =	simm.s32 @!p3 $0xC  }
0x123: {  	_ =	swait.ge @!p3 [sflag:s2], $0x3C00  }
0x124: {  	[sflag:s2] =	ssyncset.done @!p3 $0x0  }
0x125: {  	[sflag:s2] =	ssyncadd.s32 @!p3 $0xFFFFC400;
	s2 =	simm.s32 @!p3 $0x9  }
0x126: {  	_ =	swait.ge @!p3 [sflag:s2], $0x80  }
0x127: {  	[sflag:s2] =	ssyncset.done @!p3 $0x0;
	s26 =	rddreg [dreg:$0x9]  }
0x128: {  	[sflag:s2] =	ssyncadd.s32 @!p3 $0xFFFFFF80;
	p0 =	sge.u32 s0, s26  }
0x129: {  	[spmem:s5] =	stream.indirect.scatter.add.f32 @!p3 [tilespmem:s14], [sflag:$0xD], $0x80, s19, s9, $0xb8;
	[tilespmem:$0x1F480] =	vst v63  }
0x12a: {  	s0 =	sadd.s32 @!p0 $0x580, s1  }
0x12b: {  	s1 =	sand.u32 @!p0 $0xFC00, s0  }
0x12c: {  	s2 =	simm.s32 @!p3 $0xD;
	s0 =	sand.u32 @!p0 $0x380, s0;
	s1 =	sadd.s32 @!p0 s7, s1  }
0x12d: {  	_ =	swait.ge @!p3 [sflag:s2], $0x3C00;
	s0 =	sor.u32 @!p0 s0, s1  }
0x12e: {  	[sflag:s2] =	ssyncset.done @!p3 $0x0;
	s1 =	simm.s32 @!p0 $0x0;
	s0 =	sshrl.u32 @!p0 s0, $0x3  }
0x12f: {  	[sflag:s2] =	ssyncadd.s32 @!p3 $0xFFFFC400;
	s2 =	simm.s32 @!p0 $0x280;
	s0 =	sadd.s32 @!p0 s6, s0  }
0x130: {  	[tilespmem:s2], [sflag:$0x6] =	stream.linear.gather @!p0 [hbm4b:s0+s1], $0x80, $0x38;
	[tilespmem:$0x1F480] =	vst v63  }
0x131: {  	s0 =	simm.s32 @!p2 $0x400  }
0x132: {  	[tilespmem:s0], [sflag:$0x9] =	stream.linear.gather @!p2 [hbm4b:s12+s16], $0x80, $0x38;
	[tilespmem:$0x1F480] =	vst v63  }
0x133: {  	s0 =	simm.s32 @!p2 $0x3  }
0x134: {  	_ =	swait.ge @!p2 [sflag:s0], $0x80  }
0x135: {  	[sflag:s0] =	ssyncset.done @!p2 $0x0  }
0x136: {  	[sflag:s0] =	ssyncadd.s32 @!p2 $0xFFFFFF80  }
0x137: {  	[tilespmem:s29], [sflag:$0xC] =	stream.indirect.gather @!p2 [hbm4b:s4+s28], $0x80, s13, s28, $0xb8;
	[tilespmem:$0x1F480] =	vst v63  }
0x138: {  	[bflag:$0x0] =	sbarrier.arrive $0xFFFF  }
0x139: {  	s2 =	rddreg [dreg:$0x18]  }
0x13a: {  	s28 =	rddreg [dreg:$0x19]  }
0x13b: {  	s6 =	simm.s32 $0xD;
	s29 =	rddreg [dreg:$0x1c]  }
0x13c: {  	[hbm:s28], [sflag:s2] =	dma.local [spmem:s29], $0x2780  }
0x13d: {  	_ =	swait.ge [sflag:s6], $0x2780  }
0x13e: {  	s30 =	rddreg [dreg:$0x1b]  }
0x13f: {  	s31 =	rddreg [dreg:$0x1a];
	s1 =	sadd.s32 $0x1, s30  }
0x140: {  	p0 =	sne.s32 s1, s31  }
.Ltmp1:
0x141: {  	_ = 	snop;
	(pc) =	sbr.rel @p0 .LBB2_1-.Ltmp1, $3  }
0x142: {  	_ =	sdelay $0x1  }
0x143: {  	[sflag:s6] =	ssyncset.done $0x0  }
0x144: {  	[sflag:s6] =	ssyncadd.s32 $0xFFFFD880  }
0x145: {  	_ =	sfence.sel $0x180000  }
0x146: {  	[bflag:$0x0] =	sbarrier.arrive $0xFFFF  }
0x147: {  	_ =	strace $0x90000047  }
0x148: {  	s0 =	stileid.u32;
	[bflag:$0x2] =	sbarrier.arrive $0xFFFF  }
0x149: {  	p0 =	sne.s32 s0, $0x0;
	s0 =	rddreg [dreg:$0x2]  }
0x14a: {  	s0 =	sadd.s32 @!p0 $0x100000, s0  }
0x14b: {  	[sflag:s0] =	ssyncadd.tile.s32 @!p0 $0x1;
	_ =	shalt  }
.Lfunc_end2:
_tile_overlayer_lowered:
.L_overlay_start_2:
0x14c: {  	(tag) =	ssettag $0x2  }
0x14d: {  	s0 =	rddreg [dreg:$0x0];
	s2 =	stileid.u32  }
0x14e: {  	s1 =	rddreg [dreg:$0x1];
	p0 =	sne.s32 s2, $0x0  }
0x14f: {  	s3 =	rddreg [dreg:$0x2];
	[bflag:$0x3] =	sbarrier.arrive $0xFFFF;
	s2 =	simm.s32 @!p0 $0x1C0D  }
0x150: {  	[timem:s3], [sflag:s2] =	dma.local @!p0 [hbm:s0], s1  }
0x151: {  	s0 =	simm.s32 @!p0 $0xD  }
0x152: {  	_ =	swait.ge @!p0 [sflag:s0], s1  }
0x153: {  	s1 =	ssub.s32 @!p0 $0x0, s1;
	[sflag:s0] =	ssyncset.done @!p0 $0x0  }
0x154: {  	[sflag:s0] =	ssyncadd.s32 @!p0 s1  }
0x155: {  	[bflag:$0x3] =	sbarrier.arrive $0xFFFF  }
0x156: {  	_ =	shalt  }

// kernel: kernel.9.cloned.1.call-start
scs
__scs_entry_jumppad:
0x0: {  	(pc) =	sbr.rel $0x88, $3  }
0x1: {  	(tag) =	ssettag $0x0;
	lr =	simm.s32 $0x1  }
0x2: {  	[smem:$0x3F92] =	sst lr;
	_ =	strace $0xD0000000  }
0x3: {  	_ = 	snop  }
0x4: {  	_ = 	snop  }
0x5: {  	_ = 	snop  }
0x6: {  	_ = 	snop  }
0x7: {  	_ = 	snop  }
__scs_overlays_trampoline_lowered:
0x8: {  	[smem:$0x3FA1] =	sst s0  }
0x9: {  	[smem:$0x3FA2] =	sst s1  }
0xa: {  	[smem:$0x3FA3] =	sst s2  }
0xb: {  	[smem:$0x3FA4] =	sst s3  }
0xc: {  	[smem:$0x3FA5] =	sst s4  }
0xd: {  	[smem:$0x3FA6] =	sst s5  }
0xe: {  	[smem:$0x3FA7] =	sst s6  }
0xf: {  	[smem:$0x3FA8] =	sst s7  }
0x10: {  	[smem:$0x3FA9] =	sst s8  }
0x11: {  	[smem:$0x3FAA] =	sst s9;
	s0 =	simm.s32 @!p0 $0x0  }
0x12: {  	s1 =	sld [smem:$0x3F90];
	s0 =	simm.s32 @p0 $0x1  }
0x13: {  	[smem:$0x3FAB] =	sst s0;
	s0 =	simm.s32 @!p1 $0x0  }
0x14: {  	s2 =	sld [smem:$0x3F8F];
	s0 =	simm.s32 @p1 $0x1  }
0x15: {  	[smem:$0x3FAC] =	sst s0;
	s0 =	simm.s32 @!p2 $0x0  }
0x16: {  	s3 =	sld [smem:$0x3FDB];
	s0 =	simm.s32 @p2 $0x1  }
0x17: {  	s4 =	simm.s32 $0x1BF5;
	[smem:$0x3FAE] =	sst s0  }
0x18: {  	s0 =	sld [smem:$0x3F91];
	_ =	swait.ge [sflag:s4], $0x0  }
0x19: {  	s7 =	sld [smem:$0x3F92]  }
0x1a: {  	s8 =	sadd.s32 $0xFFFFE003, lr  }
0x1b: {  	s9 =	sadd.s32 $0xFFFFFEF7, lr;
	s5 =	simm.s32 $0xFFFFFFFF;
	p2 =	slt.u32 s8, $0xFFFFF086  }
0x1c: {  	p1 =	slt.u32 s9, $0xF7A;
	s5 =	simm.s32 @!p2 $0x0  }
0x1d: {  	s5 =	simm.s32 @p1 $0x1;
	p0 =	seq.s32 s7, s2  }
0x1e: {  	s7 =	smul.u32 @!p0 $0xF7A, s2;
	p2 =	seq.s32 @!p0 s5, $0x0  }
0x1f: {  	s9 =	smul.u32 $0xF7A, s1;
	s8 =	simm.s32 @!p0 $0x1BF5;
	p2 =	por !p2, p0  }
0x20: {  	[sflag:s8] =	ssyncset.s32 @!p0 $0xFFFFF086;
	s6 =	sadd.s32 @!p0 s3, s7;
	s7 =	simm.s32 @!p0 $0x108  }
0x21: {  	s3 =	sadd.s32 s3, s9;
	s6 =	sadd.s32 @!p0 $0x88, s6;
	s7 =	simm.s32 @p2 $0x1082  }
0x22: {  	[simem:s7], [sflag:s8] =	dma.local @!p0 [hbm:s6], $0xF7A  }
0x23: {  	s9 =	sor.u32 $0xD0000000, s2;
	s6 =	simm.s32 $0x108;
	_ =	swait.ge @!p0 [sflag:s8], $0x0  }
0x24: {  	s3 =	sadd.s32 $0x88, s3;
	s6 =	simm.s32 @!p1 $0x1082;
	[sflag:s4] =	ssyncset.s32 $0xFFFFF086  }
0x25: {  	[simem:s6], [sflag:s4] =	dma.local [hbm:s3], $0xF7A  }
0x26: {  	[smem:$0x3F92] =	sst s1;
	(tag) =	ssettag s2;
	_ =	strace s9  }
0x27: {  	s1 =	sld [smem:$0x3FA2]  }
0x28: {  	s2 =	sld [smem:$0x3FA3]  }
0x29: {  	s4 =	sld [smem:$0x3FA5]  }
0x2a: {  	p0 =	seq.s32 s5, $0x0;
	s5 =	sld [smem:$0x3FA6]  }
0x2b: {  	s6 =	sld [smem:$0x3FA7]  }
0x2c: {  	s7 =	sld [smem:$0x3FA8]  }
0x2d: {  	s3 =	simm.s32 $0x108;
	s8 =	sld [smem:$0x3FA9]  }
0x2e: {  	s3 =	simm.s32 @!p0 $0x1082;
	s9 =	sld [smem:$0x3FAA]  }
0x2f: {  	lr =	sadd.s32 s0, s3;
	s0 =	sld [smem:$0x3FA1]  }
0x30: {  	s3 =	sld [smem:$0x3FA4]  }
0x31: {  	[smem:$0x3FAD] =	sst s10  }
0x32: {  	s10 =	sld [smem:$0x3FAB];
	_ =	sdelay $0x3  }
0x33: {  	p0 =	seq.s32 s10, $0x1;
	s10 =	sld [smem:$0x3FAD];
	_ =	sdelay $0x3  }
0x34: {  	[smem:$0x3FAD] =	sst s10  }
0x35: {  	s10 =	sld [smem:$0x3FAC];
	_ =	sdelay $0x3  }
0x36: {  	p1 =	seq.s32 s10, $0x1;
	s10 =	sld [smem:$0x3FAD];
	_ =	sdelay $0x3  }
0x37: {  	[smem:$0x3FAD] =	sst s10  }
0x38: {  	s10 =	sld [smem:$0x3FAE]  }
0x39: {  	_ = 	snop;
	(pc) =	sbr.ind lr, $3  }
0x3a: {  	_ = 	snop  }
0x3b: {  	_ = 	snop  }
0x3c: {  	p2 =	seq.s32 s10, $0x1;
	s10 =	sld [smem:$0x3FAD]  }
0x3d: {  	_ =	shalt  }
0x3e: {  	_ =	shalt  }
0x3f: {  	_ =	shalt  }
0x40: {  	_ =	shalt  }
0x41: {  	_ =	shalt  }
0x42: {  	_ =	shalt  }
0x43: {  	_ =	shalt  }
0x44: {  	_ =	shalt  }
0x45: {  	_ =	shalt  }
0x46: {  	_ =	shalt  }
0x47: {  	_ =	shalt  }
0x48: {  	_ =	shalt  }
0x49: {  	_ =	shalt  }
0x4a: {  	_ =	shalt  }
0x4b: {  	_ =	shalt  }
0x4c: {  	_ =	shalt  }
0x4d: {  	_ =	shalt  }
0x4e: {  	_ =	shalt  }
0x4f: {  	_ =	shalt  }
0x50: {  	_ =	shalt  }
0x51: {  	_ =	shalt  }
0x52: {  	_ =	shalt  }
0x53: {  	_ =	shalt  }
0x54: {  	_ =	shalt  }
0x55: {  	_ =	shalt  }
0x56: {  	_ =	shalt  }
0x57: {  	_ =	shalt  }
0x58: {  	_ =	shalt  }
0x59: {  	_ =	shalt  }
0x5a: {  	_ =	shalt  }
0x5b: {  	_ =	shalt  }
0x5c: {  	_ =	shalt  }
0x5d: {  	_ =	shalt  }
0x5e: {  	_ =	shalt  }
0x5f: {  	_ =	shalt  }
0x60: {  	_ =	shalt  }
0x61: {  	_ =	shalt  }
0x62: {  	_ =	shalt  }
0x63: {  	_ =	shalt  }
0x64: {  	_ =	shalt  }
0x65: {  	_ =	shalt  }
0x66: {  	_ =	shalt  }
0x67: {  	_ =	shalt  }
0x68: {  	_ =	shalt  }
0x69: {  	_ =	shalt  }
0x6a: {  	_ =	shalt  }
0x6b: {  	_ =	shalt  }
0x6c: {  	_ =	shalt  }
0x6d: {  	_ =	shalt  }
0x6e: {  	_ =	shalt  }
0x6f: {  	_ =	shalt  }
0x70: {  	_ =	shalt  }
0x71: {  	_ =	shalt  }
0x72: {  	_ =	shalt  }
0x73: {  	_ =	shalt  }
0x74: {  	_ =	shalt  }
0x75: {  	_ =	shalt  }
0x76: {  	_ =	shalt  }
0x77: {  	_ =	shalt  }
0x78: {  	_ =	shalt  }
0x79: {  	_ =	shalt  }
0x7a: {  	_ =	shalt  }
0x7b: {  	_ =	shalt  }
0x7c: {  	_ =	shalt  }
0x7d: {  	_ =	shalt  }
0x7e: {  	_ =	shalt  }
0x7f: {  	_ =	shalt  }
0x80: {  	_ =	shalt  }
0x81: {  	_ =	shalt  }
0x82: {  	_ =	shalt  }
0x83: {  	_ =	shalt  }
0x84: {  	_ =	shalt  }
0x85: {  	_ =	shalt  }
0x86: {  	_ =	shalt  }
0x87: {  	_ =	shalt  }
.Lfunc_end0:
.L_simem_size_0:
called_computation.1_lowered:
.L_overlay_start_0:
0x88: {  	s2 =	sld [smem:$0x3FD9]  }
0x89: {  	s3 =	sld [smem:$0x3FFE];
	_ =	sdelay $0x1  }
0x8a: {  	s1 =	srdreg.scid  }
0x8b: {  	s0 =	sand.u32 $0x1, s1  }
0x8c: {  	s16 =	sshll.u32 s0, $0xA;
	s2 =	sadd.s32 s3, s2  }
0x8d: {  	s2 =	sadd.s32 s2, s16  }
0x8e: {  	[smem:$0x3FB9] =	sst s2  }
0x8f: {  	_ = 	snop  }
0x90: {  	(tm) =	ssettm $0x1  }
0x91: {  	s17 =	sld [smem:$0x3FFB];
	_ =	sdelay $0x3  }
0x92: {  	_ =	strace s17  }
0x93: {  	s2 =	sld [smem:$0x3FFC];
	_ =	sdelay $0x3  }
0x94: {  	_ =	strace s2  }
0x95: {  	s2 =	sld [smem:$0x3FFD];
	_ =	sdelay $0x3  }
0x96: {  	_ =	strace s2  }
0x97: {  	_ =	strace $0x8FFFFFFF  }
0x98: {  	s18 =	sld [smem:$0x3FDB];
	_ =	sdelay $0x1  }
0x99: {  	s19 =	simm.s32 $_scs_section_size  }
0x9a: {  	s4 =	simm.s32 $_size__tile_overlayer_lowered;
	s5 =	simm.s32 $_tile_overlayer_lowered  }
0x9b: {  	s22 =	simm.s32 $0x1BFF;
	s21 =	sshll.u32 s5, $0x1;
	s2 =	sadd.s32 s19, s18  }
0x9c: {  	s6 =	simm.s32 $0x0;
	s20 =	sshll.u32 s4, $0x1;
	s4 =	sadd.s32 s21, s2  }
0x9d: {  	[timem:s6], [sflag:s22] =	dma.local [hbm:s4], s20  }
0x9e: {  	_ =	swait.ge [sflag:s22], s20  }
0x9f: {  	s3 =	ssub.s32 $0x0, s20;
	[sflag:s22] =	ssyncset.done $0x0  }
0xa0: {  	[sflag:s22] =	ssyncadd.s32 s3;
	_ =	sdelay $0x1  }
0xa1: {  	s23 =	simm.s32 $0x1B8B  }
0xa2: {  	_ =	swait.ge [sflag:s23], $0x1  }
0xa3: {  	[sflag:s23] =	ssyncset.done $0x0  }
0xa4: {  	s25 =	simm.s32 $0x1B8E;
	s24 =	sld [smem:$0x3FFE];
	[sflag:s23] =	ssyncadd.s32 $0xFFFFFFFF  }
0xa5: {  	s26 =	simm.s32 $execute0_lowered;
	[smem:$0x3FD2] =	sst s25  }
0xa6: {  	s4 =	sshll.u32 s26, $0x1;
	_ =	strace $0x80000049;
	[dreg:$0x1] =	wrdreg $0xFFFFFFFF  }
0xa7: {  	s28 =	simm.s32 $_size_execute0_lowered;
	s2 =	sadd.s32 s2, s4;
	[dreg:$0x0] =	wrdreg $0x0  }
0xa8: {  	s4 =	sshll.u32 s28, $0x1;
	[dreg:$0x2] =	wrdreg s2  }
0xa9: {  	[dreg:$0x3] =	wrdreg s4  }
0xaa: {  	[dreg:$0x4] =	wrdreg $0xC0  }
0xab: {  	_ =	task [dreg:s6], $0x5FFFF  }
0xac: {  	[dreg:$0x1] =	wrdreg $0xFFFFFFFF  }
0xad: {  	[dreg:$0x0] =	wrdreg $0x60  }
0xae: {  	[dreg:$0x2] =	wrdreg s24  }
0xaf: {  	[dreg:$0x3] =	wrdreg $0xB8800  }
0xb0: {  	[dreg:$0x4] =	wrdreg $0x9  }
0xb1: {  	_ =	task.clear_ibuf [dreg:s6], $0x5FFFF;
	_ =	strace $0x90000049  }
0xb2: {  	s29 =	simm.s32 $0x9;
	_ =	strace $0x8000004B  }
0xb3: {  	_ =	swait.ge [sflag:s29], $0x1  }
0xb4: {  	[sflag:s29] =	ssyncadd.s32 $0xFFFFFFFF  }
0xb5: {  	_ =	strace $0x9000004B  }
0xb6: {  	_ =	sfence  }
0xb7: {  	s30 =	sld [smem:$0x0];
	_ =	sdelay $0x2  }
0xb8: {  	s31 =	sshll.u32 s1, $0xD;
	s1 =	sshrl.u32 s1, $0x2  }
0xb9: {  	s3 =	sand.u32 $0x4000, s31;
	s1 =	sadd.s32 s1, s30  }
0xba: {  	s0 =	sor.u32 s3, s0;
	s1 =	sshll.u32 s1, $0x11  }
0xbb: {  	s0 =	sor.u32 s1, s0  }
0xbc: {  	s0 =	sadd.s32 $0x8F2B, s0  }
0xbd: {  	[sflag:s0] =	ssyncadd.remote.s32 $0x1  }
0xbe: {  	_ =	sfence.sel $0xFFFF  }
0xbf: {  	[dreg:$0x0] =	wrdreg $0xFFFFFFFF;
	(pc) =	sbr.abs _section_cstart, $3  }
0xc0: {  	[dreg:$0x1] =	wrdreg $0xFFFFFFFF  }
0xc1: {  	_ =	task.clear_ibuf [dreg:s6], $0x2FFFF;
	_ =	strace $0x9FFFFFFF  }
0xc2: {  	(tm) =	ssettm $0x7FFFFFFF  }
0xc3: {  	_ =	shalt  }
tec
execute0_lowered:
.L_overlay_start_1:
0x0: {  	(tag) =	ssettag $0x1  }
0x1: {  	s0 =	rddreg [dreg:$0x0]  }
0x2: {  	s3 =	rddreg [dreg:$0x1];
	s4 =	simm.s32 $0x0;
	s1 =	srdreg.scid  }
0x3: {  	s2 =	stileid.u32;
	[smem:$0x7FF] =	sst s4  }
0x4: {  	s1 =	sand.u32 $0x1, s1;
	s9 =	smul.u32 $0x13C00, s2;
	s13 =	sadd.s32 $0x11C00, s0  }
0x5: {  	s14 =	sadd.s32 $0x2C00, s0;
	s15 =	sadd.s32 $0x20C00, s0;
	_ =	strace $0x8000004A  }
0x6: {  	s6 =	smul.u32 $0x13C000, s1;
	s7 =	sshll.u32 s1, $0x4;
	[dreg:$0x5] =	wrdreg s13  }
0x7: {  	s8 =	ssub.s32 $0x2, s1;
	[dreg:$0x8] =	wrdreg s14;
	s7 =	sor.u32 s2, s7  }
0x8: {  	p0 =	seq.s32 s1, $0x0;
	[dreg:$0x7] =	wrdreg s15;
	s5 =	smul.u32 $0x3C00, s7  }
0x9: {  	s11 =	sshrl.u32 s8, $0x1;
	s6 =	sadd.s32 s9, s6;
	s9 =	sshrl.u32 s9, $0x3  }
0xa: {  	s7 =	simm.s32 $0x60;
	s26 =	sadd.s32 s15, s9;
	[dreg:$0x6] =	wrdreg s5  }
0xb: {  	s16 =	ssub.s32 s8, s11;
	s7 =	simm.s32 @!p0 $0x48;
	[dreg:$0x17] =	wrdreg s26  }
0xc: {  	s31 =	smax.u32 s16, $0x1;
	[dreg:$0x9] =	wrdreg s7  }
0xd: {  	s28 =	sadd.s32 $0xFFFFFFFF, s7;
	[dreg:$0x1a] =	wrdreg s31  }
0xe: {  	s17 =	sshrl.u32 s5, $0x3;
	s30 =	sadd.s32 $0xFFFFFFFE, s7;
	[dreg:$0x3] =	wrdreg s28  }
0xf: {  	s10 =	sshrl.u32 s6, $0x3;
	s5 =	sadd.s32 s13, s17;
	[dreg:$0x4] =	wrdreg s30  }
0x10: {  	s0 =	sadd.s32 s10, s0;
	s1 =	sadd.s32 s14, s17;
	[dreg:$0xd] =	wrdreg s5  }
0x11: {  	s18 =	sor.u32 $0x10, s17;
	s0 =	sadd.s32 $0x48400, s0;
	[dreg:$0x13] =	wrdreg s1  }
0x12: {  	s12 =	sor.u32 $0x20, s17;
	s19 =	sadd.s32 s13, s18;
	[dreg:$0x19] =	wrdreg s0  }
0x13: {  	s4 =	sadd.s32 s13, s12;
	[dreg:$0xe] =	wrdreg s19  }
0x14: {  	s20 =	sadd.s32 $0x30, s5;
	[dreg:$0xf] =	wrdreg s4  }
0x15: {  	s21 =	sadd.s32 $0x40, s5;
	[dreg:$0x10] =	wrdreg s20  }
0x16: {  	s22 =	sadd.s32 $0x50, s5;
	[dreg:$0x11] =	wrdreg s21  }
0x17: {  	s13 =	smul.u32 $0x4F000, s2;
	s23 =	sadd.s32 s14, s18;
	[dreg:$0x12] =	wrdreg s22  }
0x18: {  	s29 =	sshll.u32 s2, $0x6;
	s24 =	sadd.s32 s14, s12;
	[dreg:$0x14] =	wrdreg s23  }
0x19: {  	s2 =	sor.u32 $0x1C0D, s29;
	[dreg:$0x15] =	wrdreg s24;
	s25 =	sshrl.u32 s13, $0x2  }
0x1a: {  	[dreg:$0x18] =	wrdreg s2;
	s1 =	sadd.s32 s25, s3  }
0x1b: {  	s6 =	simm.s32 $0xD;
	[dreg:$0x16] =	wrdreg s1;
	s1 =	simm.s32 $0x0  }
.LBB2_1:
0x1c: {  	[dreg:$0x1b] =	wrdreg s1  }
0x1d: {  	s0 =	rddreg [dreg:$0xd]  }
0x1e: {  	s24 =	rddreg [dreg:$0xe]  }
0x1f: {  	s26 =	rddreg [dreg:$0xf]  }
0x20: {  	s3 =	simm.s32 $0x0;
	s30 =	rddreg [dreg:$0x10]  }
0x21: {  	[tilespmem:s3], [sflag:$0x1] =	stream.linear.gather [hbm4b:s0+s3], $0x80, $0x38;
	[tilespmem:$0x1F480] =	vst v63  }
0x22: {  	s25 =	simm.s32 $0x80;
	s8 =	rddreg [dreg:$0x12]  }
0x23: {  	[tilespmem:s25], [sflag:$0x2] =	stream.linear.gather [hbm4b:s24+s3], $0x80, $0x38;
	[tilespmem:$0x1F480] =	vst v63  }
0x24: {  	s4 =	simm.s32 $0x100;
	s10 =	rddreg [dreg:$0x13]  }
0x25: {  	[tilespmem:s4], [sflag:$0x3] =	stream.linear.gather [hbm4b:s26+s3], $0x80, $0x38;
	[tilespmem:$0x1F480] =	vst v63  }
0x26: {  	s5 =	simm.s32 $0x180;
	s12 =	rddreg [dreg:$0x14]  }
0x27: {  	[tilespmem:s5], [sflag:$0x4] =	stream.linear.gather [hbm4b:s30+s3], $0x80, $0x38;
	[tilespmem:$0x1F480] =	vst v63  }
0x28: {  	s7 =	simm.s32 $0x200;
	s5 =	rddreg [dreg:$0x11]  }
0x29: {  	[tilespmem:s7], [sflag:$0x5] =	stream.linear.gather [hbm4b:s5+s3], $0x80, $0x38;
	[tilespmem:$0x1F480] =	vst v63  }
0x2a: {  	s9 =	simm.s32 $0x280;
	s14 =	rddreg [dreg:$0x15]  }
0x2b: {  	[tilespmem:s9], [sflag:$0x6] =	stream.linear.gather [hbm4b:s8+s3], $0x80, $0x38;
	[tilespmem:$0x1F480] =	vst v63  }
0x2c: {  	s11 =	simm.s32 $0x300;
	s16 =	rddreg [dreg:$0x16]  }
0x2d: {  	[tilespmem:s11], [sflag:$0x7] =	stream.linear.gather [hbm4b:s10+s3], $0x80, $0x38;
	[tilespmem:$0x1F480] =	vst v63  }
0x2e: {  	s13 =	simm.s32 $0x380;
	s18 =	rddreg [dreg:$0x17];
	s17 =	sshrl.u32 s16, $0x3  }
0x2f: {  	[tilespmem:s13], [sflag:$0x8] =	stream.linear.gather [hbm4b:s12+s3], $0x80, $0x38;
	[tilespmem:$0x1F480] =	vst v63  }
0x30: {  	s15 =	simm.s32 $0x400;
	[dreg:$0x1c] =	wrdreg s17  }
0x31: {  	[tilespmem:s15], [sflag:$0x9] =	stream.linear.gather [hbm4b:s14+s3], $0x80, $0x38;
	[tilespmem:$0x1F480] =	vst v63  }
0x32: {  	[spmem:s17], [sflag:s2] =	dma.local [hbm:s18], $0x2780  }
0x33: {  	_ =	swait.ge [sflag:s6], $0x2780  }
0x34: {  	[sflag:s6] =	ssyncset.done $0x0  }
0x35: {  	s19 =	simm.s32 $0x1;
	[sflag:s6] =	ssyncadd.s32 $0xFFFFD880  }
0x36: {  	_ =	swait.ge [sflag:s19], $0x80  }
0x37: {  	s20 =	simm.s32 $0x78;
	s21 =	simm.s32 $0x480;
	[sflag:s19] =	ssyncset.done $0x0  }
0x38: {  	s22 =	simm.s32 $0x2;
	s6 =	rddreg [dreg:$0x7];
	[sflag:s19] =	ssyncadd.s32 $0xFFFFFF80  }
0x39: {  	[tilespmem:s21], [sflag:$0xA] =	stream.indirect.gather [hbm4b:s6+s20], $0x80, s3, s20, $0xb8;
	[tilespmem:$0x1F480] =	vst v63  }
0x3a: {  	_ =	swait.ge [sflag:s22], $0x80  }
0x3b: {  	[sflag:s22] =	ssyncset.done $0x0  }
0x3c: {  	s23 =	simm.s32 $0x4080;
	s24 =	simm.s32 $0x3;
	[sflag:s22] =	ssyncadd.s32 $0xFFFFFF80  }
0x3d: {  	[tilespmem:s23], [sflag:$0xB] =	stream.indirect.gather [hbm4b:s6+s20], $0x80, s25, s20, $0xb8;
	[tilespmem:$0x1F480] =	vst v63  }
0x3e: {  	_ =	swait.ge [sflag:s24], $0x80  }
0x3f: {  	[sflag:s24] =	ssyncset.done $0x0;
	s8 =	rddreg [dreg:$0x9]  }
0x40: {  	s25 =	simm.s32 $0x7C80;
	[sflag:s24] =	ssyncadd.s32 $0xFFFFFF80;
	p4 =	sle.u32 s8, $0x6  }
0x41: {  	p1 =	sle.u32 s8, $0x0;
	p0 =	sle.u32 s8, $0x3;
	p6 =	sle.u32 s8, $0x7  }
0x42: {  	[tilespmem:s25], [sflag:$0xC] =	stream.indirect.gather [hbm4b:s6+s20], $0x80, s4, s20, $0xb8;
	[tilespmem:$0x1F480] =	vst v63  }
0x43: {  	p3 =	sle.u32 s8, $0x5;
	s0 =	simm.s32 @!p4 $0x300;
	s9 =	simm.s32 @!p1 $0xD  }
0x44: {  	s10 =	simm.s32 @!p1 $0xA;
	s11 =	simm.s32 @!p1 $0x480;
	[bflag:$0x0] =	sbarrier.arrive $0xFFFF  }
0x45: {  	s12 =	simm.s32 @!p1 $0x300;
	s5 =	rddreg [dreg:$0x6];
	_ =	swait.ge @!p1 [sflag:s10], $0x3C00  }
0x46: {  	s13 =	simm.s32 @!p1 $0x7;
	s1 =	sand.u32 @!p4 $0xFC00, s0;
	[sflag:s10] =	ssyncset.done @!p1 $0x0  }
0x47: {  	s0 =	sand.u32 @!p4 $0x300, s0;
	s1 =	sadd.s32 @!p4 s5, s1;
	[sflag:s10] =	ssyncadd.s32 @!p1 $0xFFFFC400  }
0x48: {  	s0 =	sor.u32 @!p4 s0, s1;
	s1 =	simm.s32 @!p0 $0x180;
	_ =	swait.ge @!p1 [sflag:s13], $0x80  }
0x49: {  	s15 =	simm.s32 @!p0 $0x78;
	s10 =	sand.u32 @!p0 $0xFC00, s1;
	[sflag:s13] =	ssyncset.done @!p1 $0x0  }
0x4a: {  	s14 =	sand.u32 @!p0 $0x380, s1;
	s1 =	simm.s32 @!p1 $0x78;
	[sflag:s13] =	ssyncadd.s32 @!p1 $0xFFFFFF80  }
0x4b: {  	s10 =	sadd.s32 @!p0 s5, s10;
	s13 =	simm.s32 @!p6 $0x380;
	s2 =	rddreg [dreg:$0x1]  }
0x4c: {  	[spmem:s2] =	stream.indirect.scatter.add.f32 @!p1 [tilespmem:s11], [sflag:$0xD], $0x80, s12, s1, $0xb8;
	[tilespmem:$0x1F480] =	vst v63  }
0x4d: {  	s1 =	sshrl.u32 @!p4 s0, $0x3;
	s0 =	sor.u32 @!p0 s14, s10;
	_ =	swait.ge @!p1 [sflag:s9], $0x3C00  }
0x4e: {  	s16 =	sand.u32 @!p6 $0xFC00, s13;
	s0 =	sshrl.u32 @!p0 s0, $0x3;
	s4 =	rddreg [dreg:$0x5]  }
0x4f: {  	[sflag:s9] =	ssyncset.done @!p1 $0x0;
	s7 =	rddreg [dreg:$0x8];
	s10 =	sadd.s32 @!p4 s4, s1  }
0x50: {  	s11 =	sadd.s32 @!p0 s7, s0;
	s0 =	simm.s32 @!p4 $0x0;
	[sflag:s9] =	ssyncadd.s32 @!p1 $0xFFFFC400  }
0x51: {  	[tilespmem:s0], [sflag:$0x1] =	stream.linear.gather @!p4 [hbm4b:s10+s0], $0x80, $0x38;
	[tilespmem:$0x1F480] =	vst v63  }
0x52: {  	s12 =	simm.s32 @!p0 $0x4;
	s9 =	simm.s32 @!p0 $0x0;
	s10 =	simm.s32 @!p0 $0x300  }
0x53: {  	[tilespmem:s10], [sflag:$0x7] =	stream.linear.gather @!p0 [hbm4b:s11+s9], $0x80, $0x38;
	[tilespmem:$0x1F480] =	vst v63  }
0x54: {  	s13 =	sand.u32 @!p6 $0x380, s13;
	p1 =	sle.u32 s8, $0x4;
	_ =	swait.ge @!p0 [sflag:s12], $0x80  }
0x55: {  	s9 =	simm.s32 @!p0 $0x180;
	[sflag:s12] =	ssyncset.done @!p0 $0x0;
	s26 =	rddreg [dreg:$0x3]  }
0x56: {  	s11 =	simm.s32 @!p0 $0x480;
	[sflag:s12] =	ssyncadd.s32 @!p0 $0xFFFFFF80;
	p2 =	sle.u32 s26, $0x0  }
0x57: {  	[tilespmem:s11], [sflag:$0xA] =	stream.indirect.gather @!p0 [hbm4b:s6+s15], $0x80, s9, s15, $0xb8;
	[tilespmem:$0x1F480] =	vst v63  }
0x58: {  	s16 =	sadd.s32 @!p6 s5, s16;
	s18 =	simm.s32 @!p1 $0x380;
	s14 =	simm.s32 @!p2 $0xB  }
0x59: {  	s24 =	simm.s32 @!p1 $0x4080;
	s9 =	simm.s32 @!p1 $0x200;
	_ =	swait.ge @!p2 [sflag:s14], $0x3C00  }
0x5a: {  	s12 =	sand.u32 @!p1 $0xFC00, s9;
	s9 =	sand.u32 @!p1 $0x300, s9;
	[sflag:s14] =	ssyncset.done @!p2 $0x0  }
0x5b: {  	s12 =	sadd.s32 @!p1 s5, s12;
	[sflag:s14] =	ssyncadd.s32 @!p2 $0xFFFFC400;
	s14 =	simm.s32 @!p2 $0x8  }
0x5c: {  	s17 =	simm.s32 @!p2 $0x380;
	s9 =	sor.u32 @!p1 s9, s12;
	_ =	swait.ge @!p2 [sflag:s14], $0x80  }
0x5d: {  	s12 =	sor.u32 @!p6 s13, s16;
	s13 =	simm.s32 @!p2 $0x4080;
	[sflag:s14] =	ssyncset.done @!p2 $0x0  }
0x5e: {  	s9 =	sshrl.u32 @!p1 s9, $0x3;
	[sflag:s14] =	ssyncadd.s32 @!p2 $0xFFFFFF80;
	s14 =	simm.s32 @!p2 $0x78  }
0x5f: {  	[spmem:s2] =	stream.indirect.scatter.add.f32 @!p2 [tilespmem:s13], [sflag:$0xD], $0x80, s17, s14, $0xb8;
	[tilespmem:$0x1F480] =	vst v63  }
0x60: {  	s16 =	simm.s32 @!p2 $0xD;
	s9 =	sadd.s32 @!p1 s7, s9;
	s17 =	sshrl.u32 @!p6 s12, $0x3  }
0x61: {  	s14 =	simm.s32 @!p6 $0x80;
	s12 =	simm.s32 @!p6 $0x80;
	_ =	swait.ge @!p2 [sflag:s16], $0x3C00  }
0x62: {  	s13 =	sadd.s32 @!p6 s4, s17;
	[dreg:$0xa] =	wrdreg s12;
	[sflag:s16] =	ssyncset.done @!p2 $0x0  }
0x63: {  	s12 =	simm.s32 @!p6 $0x0;
	[sflag:s16] =	ssyncadd.s32 @!p2 $0xFFFFC400;
	s16 =	simm.s32 @!p6 $0x0  }
0x64: {  	[tilespmem:s14], [sflag:$0x2] =	stream.linear.gather @!p6 [hbm4b:s13+s16], $0x80, $0x38;
	[tilespmem:$0x1F480] =	vst v63  }
0x65: {  	[dreg:$0xb] =	wrdreg s12;
	s13 =	simm.s32 @!p1 $0x5;
	s16 =	simm.s32 @!p1 $0x0  }
0x66: {  	[tilespmem:s18], [sflag:$0x8] =	stream.linear.gather @!p1 [hbm4b:s9+s16], $0x80, $0x38;
	[tilespmem:$0x1F480] =	vst v63  }
0x67: {  	s21 =	simm.s32 @!p1 $0x78;
	p2 =	sle.u32 s8, $0x8;
	_ =	swait.ge @!p1 [sflag:s13], $0x80  }
0x68: {  	s9 =	simm.s32 @!p3 $0x280;
	[sflag:s13] =	ssyncset.done @!p1 $0x0;
	s30 =	rddreg [dreg:$0x4]  }
0x69: {  	[sflag:s13] =	ssyncadd.s32 @!p1 $0xFFFFFF80;
	s13 =	simm.s32 @!p1 $0x200;
	p5 =	sle.u32 s30, $0x0  }
0x6a: {  	[tilespmem:s24], [sflag:$0xB] =	stream.indirect.gather @!p1 [hbm4b:s6+s21], $0x80, s13, s21, $0xb8;
	[tilespmem:$0x1F480] =	vst v63  }
0x6b: {  	s19 =	sand.u32 @!p2 $0x300, s3;
	s20 =	sand.u32 @!p3 $0xFC00, s9;
	s16 =	simm.s32 @!p5 $0xC  }
0x6c: {  	s9 =	sand.u32 @!p3 $0x380, s9;
	s20 =	sadd.s32 @!p3 s5, s20;
	_ =	swait.ge @!p5 [sflag:s16], $0x3C00  }
0x6d: {  	s9 =	sor.u32 @!p3 s9, s20;
	s13 =	simm.s32 @!p2 $0x400;
	[sflag:s16] =	ssyncset.done @!p5 $0x0  }
0x6e: {  	s13 =	sand.u32 @!p2 $0xFC00, s13;
	[sflag:s16] =	ssyncadd.s32 @!p5 $0xFFFFC400;
	s16 =	simm.s32 @!p5 $0x9  }
0x6f: {  	s20 =	simm.s32 @!p5 $0x400;
	s13 =	sadd.s32 @!p2 s5, s13;
	_ =	swait.ge @!p5 [sflag:s16], $0x80  }
0x70: {  	s22 =	simm.s32 @!p5 $0x7C80;
	s13 =	sor.u32 @!p2 s19, s13;
	[sflag:s16] =	ssyncset.done @!p5 $0x0  }
0x71: {  	s19 =	simm.s32 @!p5 $0xD;
	[sflag:s16] =	ssyncadd.s32 @!p5 $0xFFFFFF80;
	s16 =	simm.s32 @!p5 $0x78  }
0x72: {  	[spmem:s2] =	stream.indirect.scatter.add.f32 @!p5 [tilespmem:s22], [sflag:$0xD], $0x80, s20, s16, $0xb8;
	[tilespmem:$0x1F480] =	vst v63  }
0x73: {  	s25 =	simm.s32 @!p3 $0x6;
	s9 =	sshrl.u32 @!p3 s9, $0x3;
	_ =	swait.ge @!p5 [sflag:s19], $0x3C00  }
0x74: {  	s20 =	sshrl.u32 @!p2 s13, $0x3;
	s16 =	simm.s32 @!p2 $0x0;
	[sflag:s19] =	ssyncset.done @!p5 $0x0  }
0x75: {  	s13 =	simm.s32 @!p2 $0x100;
	s22 =	sadd.s32 @!p2 s4, s20;
	[sflag:s19] =	ssyncadd.s32 @!p5 $0xFFFFC400  }
0x76: {  	[tilespmem:s13], [sflag:$0x3] =	stream.linear.gather @!p2 [hbm4b:s22+s16], $0x80, $0x38;
	[tilespmem:$0x1F480] =	vst v63  }
0x77: {  	s9 =	sadd.s32 @!p3 s7, s9;
	s19 =	simm.s32 @!p3 $0x400;
	s22 =	simm.s32 @!p3 $0x0  }
0x78: {  	[tilespmem:s19], [sflag:$0x9] =	stream.linear.gather @!p3 [hbm4b:s9+s22], $0x80, $0x38;
	[tilespmem:$0x1F480] =	vst v63  }
0x79: {  	_ =	swait.ge @!p3 [sflag:s25], $0x80  }
0x7a: {  	s14 =	simm.s32 @!p3 $0x7C80;
	[sflag:s25] =	ssyncset.done @!p3 $0x0  }
0x7b: {  	s9 =	simm.s32 @!p3 $0x78;
	s22 =	simm.s32 @!p3 $0x280;
	[sflag:s25] =	ssyncadd.s32 @!p3 $0xFFFFFF80  }
0x7c: {  	[tilespmem:s14], [sflag:$0xC] =	stream.indirect.gather @!p3 [hbm4b:s6+s9], $0x80, s22, s9, $0xb8;
	[tilespmem:$0x1F480] =	vst v63  }
0x7d: {  	s22 =	simm.s32 @!p0 $0xA  }
0x7e: {  	_ =	swait.ge @!p0 [sflag:s22], $0x3C00  }
0x7f: {  	[sflag:s22] =	ssyncset.done @!p0 $0x0  }
0x80: {  	[sflag:s22] =	ssyncadd.s32 @!p0 $0xFFFFC400;
	s22 =	simm.s32 @!p0 $0x7  }
0x81: {  	_ =	swait.ge @!p0 [sflag:s22], $0x80  }
0x82: {  	s31 =	simm.s32 $0x300;
	p5 =	sle.u32 s8, $0x9;
	[sflag:s22] =	ssyncset.done @!p0 $0x0  }
0x83: {  	s1 =	sadd.s32 @!p4 s7, s1;
	[sflag:s22] =	ssyncadd.s32 @!p0 $0xFFFFFF80;
	s22 =	simm.s32 @!p5 $0x480  }
0x84: {  	[spmem:s2] =	stream.indirect.scatter.add.f32 @!p0 [tilespmem:s11], [sflag:$0xD], $0x80, s10, s15, $0xb8;
	[tilespmem:$0x1F480] =	vst v63  }
0x85: {  	s17 =	sadd.s32 @!p6 s7, s17;
	s29 =	simm.s32 @!p2 $0x7C80;
	s10 =	sand.u32 @!p5 $0xFC00, s22  }
0x86: {  	s11 =	simm.s32 @!p0 $0xD;
	s15 =	sand.u32 @!p5 $0x380, s22;
	s10 =	sadd.s32 @!p5 s5, s10  }
0x87: {  	s28 =	simm.s32 @!p2 $0x78;
	_ =	swait.ge @!p0 [sflag:s11], $0x3C00;
	s10 =	sor.u32 @!p5 s15, s10  }
0x88: {  	[sflag:s11] =	ssyncset.done @!p0 $0x0;
	s15 =	simm.s32 @!p5 $0x180;
	s10 =	sshrl.u32 @!p5 s10, $0x3  }
0x89: {  	[sflag:s11] =	ssyncadd.s32 @!p0 $0xFFFFC400;
	s11 =	simm.s32 @!p5 $0x0;
	s10 =	sadd.s32 @!p5 s4, s10  }
0x8a: {  	[tilespmem:s15], [sflag:$0x4] =	stream.linear.gather @!p5 [hbm4b:s10+s11], $0x80, $0x38;
	[tilespmem:$0x1F480] =	vst v63  }
0x8b: {  	s12 =	sadd.s32 @!p2 s7, s20;
	s10 =	simm.s32 @!p4 $0x300;
	s11 =	simm.s32 @!p4 $0x1  }
0x8c: {  	[tilespmem:s10], [sflag:$0x7] =	stream.linear.gather @!p4 [hbm4b:s1+s0], $0x80, $0x38;
	[tilespmem:$0x1F480] =	vst v63  }
0x8d: {  	s15 =	simm.s32 @!p4 $0x78;
	s1 =	simm.s32 @!p6 $0x0;
	_ =	swait.ge @!p4 [sflag:s11], $0x80  }
0x8e: {  	p5 =	sle.u32 s8, $0xA;
	s1 =	simm.s32 @p6 $0x1;
	[sflag:s11] =	ssyncset.done @!p4 $0x0  }
0x8f: {  	[smem:$0x7FD] =	sst s1;
	s1 =	simm.s32 @!p4 $0x480;
	[sflag:s11] =	ssyncadd.s32 @!p4 $0xFFFFFF80  }
0x90: {  	[tilespmem:s1], [sflag:$0xA] =	stream.indirect.gather @!p4 [hbm4b:s6+s15], $0x80, s0, s15, $0xb8;
	[tilespmem:$0x1F480] =	vst v63  }
0x91: {  	s10 =	simm.s32 $0x6;
	s0 =	simm.s32 $0xB;
	s1 =	simm.s32 $0x0  }
.LBB2_2:
0x92: {  	s23 =	rddreg [dreg:$0x9];
	s20 =	sadd.s32 @!p5 $0x500, s1;
	s22 =	smov.u32 s31  }
0x93: {  	s31 =	sadd.s32 $0x300, s31;
	s11 =	smov.u32 s10;
	s3 =	simm.s32 @!p1 $0xD  }
0x94: {  	p4 =	por p2, p2;
	s2 =	simm.s32 @!p2 $0x0;
	s15 =	sld [smem:$0x7FD]  }
0x95: {  	s26 =	simm.s32 @!p1 $0xB;
	s8 =	rddreg [dreg:$0x6];
	s4 =	simm.s32 @!p1 $0x8  }
0x96: {  	s5 =	simm.s32 @!p5 $0x0;
	p0 =	sge.u32 s10, s23;
	s30 =	sand.u32 @!p5 $0xFC00, s20  }
0x97: {  	s2 =	simm.s32 @p2 $0x1;
	s20 =	sand.u32 @!p5 $0x300, s20;
	s25 =	simm.s32 @!p4 $0x400  }
0x98: {  	s10 =	sadd.s32 $0x6, s10;
	p6 =	sge.u32 s0, s23;
	[smem:$0x7FB] =	sst s2  }
0x99: {  	s30 =	sadd.s32 @!p5 s8, s30;
	s0 =	sadd.s32 @!p6 $0x580, s1;
	_ =	swait.ge @!p1 [sflag:s26], $0x3C00  }
0x9a: {  	p2 =	seq.s32 s15, $0x1;
	s30 =	sor.u32 @!p5 s20, s30;
	[sflag:s26] =	ssyncset.done @!p1 $0x0  }
0x9b: {  	s20 =	simm.s32 @!p4 $0x3;
	p4 =	sge.u32 s10, s23;
	[sflag:s26] =	ssyncadd.s32 @!p1 $0xFFFFC400  }
0x9c: {  	s2 =	simm.s32 @!p2 $0x78;
	s7 =	simm.s32 @!p2 $0x2;
	_ =	swait.ge @!p1 [sflag:s4], $0x80  }
0x9d: {  	s15 =	simm.s32 @!p2 $0x380;
	[dreg:$0xc] =	wrdreg s25;
	[sflag:s4] =	ssyncset.done @!p1 $0x0  }
0x9e: {  	s26 =	sshrl.u32 @!p5 s30, $0x3;
	s6 =	rddreg [dreg:$0x5];
	[sflag:s4] =	ssyncadd.s32 @!p1 $0xFFFFFF80  }
0x9f: {  	s25 =	smov.u32 s17;
	s26 =	sadd.s32 @!p5 s6, s26;
	s30 =	rddreg [dreg:$0x1]  }
0xa0: {  	[spmem:s30] =	stream.indirect.scatter.add.f32 @!p1 [tilespmem:s24], [sflag:$0xD], $0x80, s18, s21, $0xb8;
	[tilespmem:$0x1F480] =	vst v63  }
0xa1: {  	s4 =	simm.s32 @!p3 $0x9;
	s24 =	simm.s32 @!p3 $0xC;
	s30 =	simm.s32 @!p0 $0xD  }
0xa2: {  	s21 =	sadd.s32 @!p4 $0x300, s22;
	s18 =	smov.u32 s13;
	_ =	swait.ge @!p1 [sflag:s3], $0x3C00  }
0xa3: {  	s13 =	smov.u32 s12;
	s17 =	sand.u32 @!p4 $0xFC00, s21;
	[sflag:s3] =	ssyncset.done @!p1 $0x0  }
0xa4: {  	s12 =	rddreg [dreg:$0x8];
	[sflag:s3] =	ssyncadd.s32 @!p1 $0xFFFFC400;
	s3 =	simm.s32 @!p5 $0x200  }
0xa5: {  	[tilespmem:s3], [sflag:$0x5] =	stream.linear.gather @!p5 [hbm4b:s26+s5], $0x80, $0x38;
	[tilespmem:$0x1F480] =	vst v63  }
0xa6: {  	s5 =	sadd.s32 @!p4 s8, s17;
	s17 =	sand.u32 @!p4 $0x300, s21;
	s3 =	rddreg [dreg:$0xb]  }
0xa7: {  	[tilespmem:s15], [sflag:$0x8] =	stream.linear.gather @!p2 [hbm4b:s25+s3], $0x80, $0x38;
	[tilespmem:$0x1F480] =	vst v63  }
0xa8: {  	s21 =	simm.s32 @!p0 $0x7;
	s5 =	sor.u32 @!p4 s17, s5;
	s3 =	simm.s32 @!p0 $0x300  }
0xa9: {  	s15 =	simm.s32 @!p3 $0xD;
	s17 =	sshrl.u32 @!p4 s5, $0x3;
	_ =	swait.ge @!p2 [sflag:s7], $0x80  }
0xaa: {  	s5 =	simm.s32 @!p2 $0x4080;
	[sflag:s7] =	ssyncset.done @!p2 $0x0;
	s26 =	rddreg [dreg:$0x7]  }
0xab: {  	s25 =	sadd.s32 $0x4, s11;
	s1 =	rddreg [dreg:$0xa];
	[sflag:s7] =	ssyncadd.s32 @!p2 $0xFFFFFF80  }
0xac: {  	[tilespmem:s5], [sflag:$0xB] =	stream.indirect.gather @!p2 [hbm4b:s26+s2], $0x80, s1, s2, $0xb8;
	[tilespmem:$0x1F480] =	vst v63  }
0xad: {  	p1 =	sge.u32 s25, s23;
	s25 =	sadd.s32 $0x7, s11;
	_ =	swait.ge @!p3 [sflag:s24], $0x3C00  }
0xae: {  	s7 =	simm.s32 @!p6 $0x280;
	s1 =	sand.u32 @!p6 $0xFC00, s0;
	[sflag:s24] =	ssyncset.done @!p3 $0x0  }
0xaf: {  	s2 =	sand.u32 @!p6 $0x380, s0;
	s1 =	sadd.s32 @!p6 s8, s1;
	[sflag:s24] =	ssyncadd.s32 @!p3 $0xFFFFC400  }
0xb0: {  	s0 =	sadd.s32 @!p4 s6, s17;
	s1 =	sor.u32 @!p6 s2, s1;
	_ =	swait.ge @!p3 [sflag:s4], $0x80  }
0xb1: {  	s24 =	sadd.s32 $0x3, s11;
	s1 =	sshrl.u32 @!p6 s1, $0x3;
	[sflag:s4] =	ssyncset.done @!p3 $0x0  }
0xb2: {  	p5 =	sge.u32 s24, s23;
	s1 =	sadd.s32 @!p6 s6, s1;
	[sflag:s4] =	ssyncadd.s32 @!p3 $0xFFFFFF80  }
0xb3: {  	s5 =	sadd.s32 @!p5 $0x180, s22;
	s4 =	simm.s32 @!p6 $0x0;
	s24 =	rddreg [dreg:$0x1]  }
0xb4: {  	[spmem:s24] =	stream.indirect.scatter.add.f32 @!p3 [tilespmem:s14], [sflag:$0xD], $0x80, s19, s9, $0xb8;
	[tilespmem:$0x1F480] =	vst v63  }
0xb5: {  	s9 =	sand.u32 @!p5 $0xFC00, s5;
	s5 =	sand.u32 @!p5 $0x380, s5;
	_ =	swait.ge @!p3 [sflag:s15], $0x3C00  }
0xb6: {  	s9 =	sadd.s32 @!p5 s8, s9;
	[sflag:s15] =	ssyncset.done @!p3 $0x0;
	s19 =	sld [smem:$0x7FB]  }
0xb7: {  	s2 =	sor.u32 @!p5 s5, s9;
	s5 =	rddreg [dreg:$0xc];
	[sflag:s15] =	ssyncadd.s32 @!p3 $0xFFFFC400  }
0xb8: {  	[tilespmem:s7], [sflag:$0x6] =	stream.linear.gather @!p6 [hbm4b:s1+s4], $0x80, $0x38;
	[tilespmem:$0x1F480] =	vst v63  }
0xb9: {  	s2 =	sshrl.u32 @!p5 s2, $0x3;
	s15 =	simm.s32 @!p4 $0x0;
	s1 =	simm.s32 @!p0 $0xA  }
0xba: {  	s4 =	sadd.s32 @!p1 $0x200, s22;
	p6 =	sge.u32 s25, s23;
	s2 =	sadd.s32 @!p5 s12, s2  }
0xbb: {  	s25 =	sadd.s32 @!p4 s12, s17;
	p2 =	seq.s32 s19, $0x1;
	s7 =	sadd.s32 @!p6 $0x380, s22  }
0xbc: {  	[tilespmem:s5], [sflag:$0x9] =	stream.linear.gather @!p2 [hbm4b:s13+s16], $0x80, $0x38;
	[tilespmem:$0x1F480] =	vst v63  }
0xbd: {  	s5 =	sand.u32 @!p1 $0xFC00, s4;
	s4 =	sand.u32 @!p1 $0x300, s4;
	_ =	swait.ge @!p2 [sflag:s20], $0x80  }
0xbe: {  	s9 =	sand.u32 @!p6 $0xFC00, s7;
	s13 =	sadd.s32 $0x5, s11;
	[sflag:s20] =	ssyncset.done @!p2 $0x0  }
0xbf: {  	s5 =	sadd.s32 @!p1 s8, s5;
	p3 =	sge.u32 s13, s23;
	[sflag:s20] =	ssyncadd.s32 @!p2 $0xFFFFFF80  }
0xc0: {  	[tilespmem:s29], [sflag:$0xC] =	stream.indirect.gather @!p2 [hbm4b:s26+s28], $0x80, s18, s28, $0xb8;
	[tilespmem:$0x1F480] =	vst v63  }
0xc1: {  	s13 =	simm.s32 @!p1 $0x5;
	s4 =	sor.u32 @!p1 s4, s5;
	_ =	swait.ge @!p0 [sflag:s1], $0x3C00  }
0xc2: {  	s5 =	sand.u32 @!p6 $0x380, s7;
	s7 =	simm.s32 @!p0 $0x480;
	[sflag:s1] =	ssyncset.done @!p0 $0x0  }
0xc3: {  	s4 =	sshrl.u32 @!p1 s4, $0x3;
	[sflag:s1] =	ssyncadd.s32 @!p0 $0xFFFFC400;
	s1 =	sadd.s32 @!p6 s8, s9  }
0xc4: {  	s20 =	simm.s32 @!p5 $0x300;
	_ =	swait.ge @!p0 [sflag:s21], $0x80;
	s1 =	sor.u32 @!p6 s5, s1  }
0xc5: {  	p2 =	sne.s32 s31, $0x3600;
	[sflag:s21] =	ssyncset.done @!p0 $0x0;
	s5 =	sshrl.u32 @!p6 s1, $0x3  }
0xc6: {  	s1 =	sadd.s32 @!p1 s12, s4;
	s4 =	simm.s32 @!p0 $0x78;
	[sflag:s21] =	ssyncadd.s32 @!p0 $0xFFFFFF80  }
0xc7: {  	[spmem:s24] =	stream.indirect.scatter.add.f32 @!p0 [tilespmem:s7], [sflag:$0xD], $0x80, s3, s4, $0xb8;
	[tilespmem:$0x1F480] =	vst v63  }
0xc8: {  	s9 =	sadd.s32 @!p6 s6, s5;
	s17 =	sadd.s32 @!p6 s12, s5;
	s3 =	simm.s32 @!p2 $0x0  }
0xc9: {  	s4 =	simm.s32 @!p5 $0x4;
	s7 =	sadd.s32 $0x8, s11;
	_ =	swait.ge @!p0 [sflag:s30], $0x3C00  }
0xca: {  	s3 =	simm.s32 @p2 $0x1;
	p2 =	sge.u32 s7, s23;
	[sflag:s30] =	ssyncset.done @!p0 $0x0  }
0xcb: {  	[smem:$0x7FC] =	sst s3;
	s3 =	simm.s32 @!p5 $0x180;
	[sflag:s30] =	ssyncadd.s32 @!p0 $0xFFFFC400  }
0xcc: {  	[tilespmem:s15], [sflag:$0x1] =	stream.linear.gather @!p4 [hbm4b:s0+s15], $0x80, $0x38;
	[tilespmem:$0x1F480] =	vst v63  }
0xcd: {  	s5 =	sand.u32 @!p2 $0x300, s22;
	s30 =	simm.s32 @!p5 $0x480;
	s0 =	simm.s32 @!p5 $0x0  }
0xce: {  	[tilespmem:s20], [sflag:$0x7] =	stream.linear.gather @!p5 [hbm4b:s2+s0], $0x80, $0x38;
	[tilespmem:$0x1F480] =	vst v63  }
0xcf: {  	s0 =	simm.s32 @!p5 $0x78;
	s2 =	sadd.s32 @!p2 $0x400, s22;
	_ =	swait.ge @!p5 [sflag:s4], $0x80  }
0xd0: {  	s2 =	sand.u32 @!p2 $0xFC00, s2;
	[sflag:s4] =	ssyncset.done @!p5 $0x0;
	s14 =	rddreg [dreg:$0x3]  }
0xd1: {  	s2 =	sadd.s32 @!p2 s8, s2;
	[sflag:s4] =	ssyncadd.s32 @!p5 $0xFFFFFF80;
	p0 =	sge.u32 s11, s14  }
0xd2: {  	[tilespmem:s30], [sflag:$0xA] =	stream.indirect.gather @!p5 [hbm4b:s26+s0], $0x80, s3, s0, $0xb8;
	[tilespmem:$0x1F480] =	vst v63  }
0xd3: {  	s28 =	smov.u32 s24;
	s2 =	sor.u32 @!p2 s5, s2;
	s4 =	simm.s32 @!p0 $0xB  }
0xd4: {  	s3 =	sadd.s32 @!p3 $0x280, s22;
	s14 =	simm.s32 @!p0 $0xD;
	_ =	swait.ge @!p0 [sflag:s4], $0x3C00  }
0xd5: {  	s16 =	simm.s32 @!p0 $0x380;
	s7 =	sand.u32 @!p3 $0xFC00, s3;
	[sflag:s4] =	ssyncset.done @!p0 $0x0  }
0xd6: {  	s3 =	sand.u32 @!p3 $0x380, s3;
	[sflag:s4] =	ssyncadd.s32 @!p0 $0xFFFFC400;
	s4 =	simm.s32 @!p0 $0x8  }
0xd7: {  	s5 =	sadd.s32 @!p3 s8, s7;
	s7 =	simm.s32 @!p0 $0x4080;
	_ =	swait.ge @!p0 [sflag:s4], $0x80  }
0xd8: {  	s3 =	sor.u32 @!p3 s3, s5;
	s5 =	simm.s32 @!p6 $0x0;
	[sflag:s4] =	ssyncset.done @!p0 $0x0  }
0xd9: {  	s3 =	sshrl.u32 @!p3 s3, $0x3;
	[sflag:s4] =	ssyncadd.s32 @!p0 $0xFFFFFF80;
	s4 =	simm.s32 @!p0 $0x78  }
0xda: {  	[spmem:s24] =	stream.indirect.scatter.add.f32 @!p0 [tilespmem:s7], [sflag:$0xD], $0x80, s16, s4, $0xb8;
	[tilespmem:$0x1F480] =	vst v63  }
0xdb: {  	s29 =	sadd.s32 @!p3 s12, s3;
	s4 =	simm.s32 @!p6 $0x80;
	_ =	swait.ge @!p0 [sflag:s14], $0x3C00  }
0xdc: {  	s3 =	simm.s32 @!p6 $0x0;
	[dreg:$0xa] =	wrdreg s4;
	[sflag:s14] =	ssyncset.done @!p0 $0x0  }
0xdd: {  	s3 =	simm.s32 @p6 $0x1;
	[dreg:$0xb] =	wrdreg s5;
	[sflag:s14] =	ssyncadd.s32 @!p0 $0xFFFFC400  }
0xde: {  	[tilespmem:s4], [sflag:$0x2] =	stream.linear.gather @!p6 [hbm4b:s9+s5], $0x80, $0x38;
	[tilespmem:$0x1F480] =	vst v63  }
0xdf: {  	s18 =	simm.s32 @!p1 $0x380;
	[smem:$0x7FD] =	sst s3;
	s3 =	simm.s32 @!p1 $0x0  }
0xe0: {  	[tilespmem:s18], [sflag:$0x8] =	stream.linear.gather @!p1 [hbm4b:s1+s3], $0x80, $0x38;
	[tilespmem:$0x1F480] =	vst v63  }
0xe1: {  	s21 =	simm.s32 @!p1 $0x78;
	s2 =	sshrl.u32 @!p2 s2, $0x3;
	_ =	swait.ge @!p1 [sflag:s13], $0x80  }
0xe2: {  	s24 =	simm.s32 @!p1 $0x4080;
	[sflag:s13] =	ssyncset.done @!p1 $0x0;
	s16 =	rddreg [dreg:$0x4]  }
0xe3: {  	s3 =	simm.s32 @!p1 $0x200;
	[sflag:s13] =	ssyncadd.s32 @!p1 $0xFFFFFF80;
	p6 =	sge.u32 s11, s16  }
0xe4: {  	[tilespmem:s24], [sflag:$0xB] =	stream.indirect.gather @!p1 [hbm4b:s26+s21], $0x80, s3, s21, $0xb8;
	[tilespmem:$0x1F480] =	vst v63  }
0xe5: {  	s19 =	sadd.s32 @!p2 s6, s2;
	s12 =	sadd.s32 @!p2 s12, s2;
	s2 =	simm.s32 @!p6 $0xC  }
0xe6: {  	_ =	swait.ge @!p6 [sflag:s2], $0x3C00  }
0xe7: {  	s1 =	smov.u32 s22;
	s22 =	sadd.s32 $0x9, s11;
	[sflag:s2] =	ssyncset.done @!p6 $0x0  }
0xe8: {  	p0 =	sge.u32 s22, s23;
	[sflag:s2] =	ssyncadd.s32 @!p6 $0xFFFFC400;
	s2 =	simm.s32 @!p6 $0x9  }
0xe9: {  	s5 =	sadd.s32 @!p0 $0x480, s1;
	_ =	swait.ge @!p6 [sflag:s2], $0x80  }
0xea: {  	s3 =	simm.s32 @!p6 $0xD;
	s9 =	simm.s32 @!p6 $0x400;
	[sflag:s2] =	ssyncset.done @!p6 $0x0  }
0xeb: {  	s13 =	simm.s32 @!p6 $0x7C80;
	[sflag:s2] =	ssyncadd.s32 @!p6 $0xFFFFFF80;
	s2 =	simm.s32 @!p6 $0x78  }
0xec: {  	[spmem:s28] =	stream.indirect.scatter.add.f32 @!p6 [tilespmem:s13], [sflag:$0xD], $0x80, s9, s2, $0xb8;
	[tilespmem:$0x1F480] =	vst v63  }
0xed: {  	s7 =	sand.u32 @!p0 $0xFC00, s5;
	s5 =	sand.u32 @!p0 $0x380, s5;
	_ =	swait.ge @!p6 [sflag:s3], $0x3C00  }
0xee: {  	s16 =	simm.s32 @!p2 $0x0;
	s7 =	sadd.s32 @!p0 s8, s7;
	[sflag:s3] =	ssyncset.done @!p6 $0x0  }
0xef: {  	s2 =	sor.u32 @!p0 s5, s7;
	s13 =	simm.s32 @!p2 $0x100;
	[sflag:s3] =	ssyncadd.s32 @!p6 $0xFFFFC400  }
0xf0: {  	[tilespmem:s13], [sflag:$0x3] =	stream.linear.gather @!p2 [hbm4b:s19+s16], $0x80, $0x38;
	[tilespmem:$0x1F480] =	vst v63  }
0xf1: {  	s5 =	simm.s32 @!p3 $0x6;
	s3 =	simm.s32 @!p3 $0x0;
	s19 =	simm.s32 @!p3 $0x400  }
0xf2: {  	[tilespmem:s19], [sflag:$0x9] =	stream.linear.gather @!p3 [hbm4b:s29+s3], $0x80, $0x38;
	[tilespmem:$0x1F480] =	vst v63  }
0xf3: {  	_ =	swait.ge @!p3 [sflag:s5], $0x80  }
0xf4: {  	s14 =	simm.s32 @!p3 $0x7C80;
	s4 =	simm.s32 @!p5 $0xA;
	[sflag:s5] =	ssyncset.done @!p3 $0x0  }
0xf5: {  	s9 =	simm.s32 @!p3 $0x78;
	s3 =	simm.s32 @!p3 $0x280;
	[sflag:s5] =	ssyncadd.s32 @!p3 $0xFFFFFF80  }
0xf6: {  	[tilespmem:s14], [sflag:$0xC] =	stream.indirect.gather @!p3 [hbm4b:s26+s9], $0x80, s3, s9, $0xb8;
	[tilespmem:$0x1F480] =	vst v63  }
0xf7: {  	_ =	swait.ge @!p5 [sflag:s4], $0x3C00  }
0xf8: {  	[sflag:s4] =	ssyncset.done @!p5 $0x0  }
0xf9: {  	s3 =	simm.s32 @!p5 $0x7;
	[sflag:s4] =	ssyncadd.s32 @!p5 $0xFFFFC400  }
0xfa: {  	_ =	swait.ge @!p5 [sflag:s3], $0x80  }
0xfb: {  	[sflag:s3] =	ssyncset.done @!p5 $0x0  }
0xfc: {  	s5 =	simm.s32 @!p5 $0xD;
	[sflag:s3] =	ssyncadd.s32 @!p5 $0xFFFFFF80  }
0xfd: {  	[spmem:s28] =	stream.indirect.scatter.add.f32 @!p5 [tilespmem:s30], [sflag:$0xD], $0x80, s20, s0, $0xb8;
	[tilespmem:$0x1F480] =	vst v63  }
0xfe: {  	s2 =	sshrl.u32 @!p0 s2, $0x3;
	_ =	swait.ge @!p5 [sflag:s5], $0x3C00  }
0xff: {  	s2 =	sadd.s32 @!p0 s6, s2;
	[sflag:s5] =	ssyncset.done @!p5 $0x0  }
0x100: {  	s3 =	simm.s32 @!p0 $0x180;
	s0 =	simm.s32 @!p0 $0x0;
	[sflag:s5] =	ssyncadd.s32 @!p5 $0xFFFFC400  }
0x101: {  	[tilespmem:s3], [sflag:$0x4] =	stream.linear.gather @!p0 [hbm4b:s2+s0], $0x80, $0x38;
	[tilespmem:$0x1F480] =	vst v63  }
0x102: {  	s2 =	simm.s32 @!p4 $0x300;
	s3 =	simm.s32 @!p4 $0x1  }
0x103: {  	[tilespmem:s2], [sflag:$0x7] =	stream.linear.gather @!p4 [hbm4b:s25+s15], $0x80, $0x38;
	[tilespmem:$0x1F480] =	vst v63  }
0x104: {  	_ =	swait.ge @!p4 [sflag:s3], $0x80  }
0x105: {  	s30 =	sld [smem:$0x7FC];
	_ =	sdelay $0x2  }
0x106: {  	p0 =	seq.s32 s30, $0x1  }
.Ltmp0:
0x107: {  	_ = 	snop;
	(pc) =	sbr.rel @p0 .LBB2_2-.Ltmp0, $4  }
0x108: {  	s29 =	simm.s32 @!p2 $0x7C80;
	s28 =	simm.s32 @!p2 $0x78;
	s5 =	simm.s32 @!p4 $0x78  }
0x109: {  	s0 =	sadd.s32 $0xB, s11;
	s25 =	sadd.s32 $0xA, s11;
	[sflag:s3] =	ssyncset.done @!p4 $0x0  }
0x10a: {  	s2 =	simm.s32 @!p4 $0x480;
	p5 =	sge.u32 s25, s23;
	[sflag:s3] =	ssyncadd.s32 @!p4 $0xFFFFFF80  }
0x10b: {  	[tilespmem:s2], [sflag:$0xA] =	stream.indirect.gather @!p4 [hbm4b:s26+s5], $0x80, s15, s5, $0xb8;
	[tilespmem:$0x1F480] =	vst v63  }
0x10c: {  	s2 =	simm.s32 @!p1 $0xB  }
0x10d: {  	_ =	swait.ge @!p1 [sflag:s2], $0x3C00  }
0x10e: {  	[sflag:s2] =	ssyncset.done @!p1 $0x0  }
0x10f: {  	[sflag:s2] =	ssyncadd.s32 @!p1 $0xFFFFC400;
	s2 =	simm.s32 @!p1 $0x8  }
0x110: {  	_ =	swait.ge @!p1 [sflag:s2], $0x80  }
0x111: {  	[sflag:s2] =	ssyncset.done @!p1 $0x0  }
0x112: {  	s7 =	rddreg [dreg:$0x6];
	[sflag:s2] =	ssyncadd.s32 @!p1 $0xFFFFFF80;
	s2 =	sadd.s32 @!p5 $0x500, s1  }
0x113: {  	s4 =	simm.s32 @!p1 $0xD;
	s5 =	rddreg [dreg:$0x1];
	s3 =	sand.u32 @!p5 $0xFC00, s2  }
0x114: {  	[spmem:s5] =	stream.indirect.scatter.add.f32 @!p1 [tilespmem:s24], [sflag:$0xD], $0x80, s18, s21, $0xb8;
	[tilespmem:$0x1F480] =	vst v63  }
0x115: {  	s2 =	sand.u32 @!p5 $0x300, s2;
	s3 =	sadd.s32 @!p5 s7, s3;
	_ =	swait.ge @!p1 [sflag:s4], $0x3C00  }
0x116: {  	s2 =	sor.u32 @!p5 s2, s3;
	s3 =	simm.s32 @!p5 $0x0;
	s6 =	rddreg [dreg:$0x5]  }
0x117: {  	s2 =	sshrl.u32 @!p5 s2, $0x3;
	[sflag:s4] =	ssyncset.done @!p1 $0x0;
	s25 =	sld [smem:$0x7FD]  }
0x118: {  	s2 =	sadd.s32 @!p5 s6, s2;
	[sflag:s4] =	ssyncadd.s32 @!p1 $0xFFFFC400;
	s4 =	simm.s32 @!p5 $0x200  }
0x119: {  	[tilespmem:s4], [sflag:$0x5] =	stream.linear.gather @!p5 [hbm4b:s2+s3], $0x80, $0x38;
	[tilespmem:$0x1F480] =	vst v63  }
0x11a: {  	p0 =	seq.s32 s25, $0x1  }
0x11b: {  	s3 =	rddreg [dreg:$0xb];
	s2 =	simm.s32 @!p0 $0x380  }
0x11c: {  	[tilespmem:s2], [sflag:$0x8] =	stream.linear.gather @!p0 [hbm4b:s17+s3], $0x80, $0x38;
	[tilespmem:$0x1F480] =	vst v63  }
0x11d: {  	s2 =	simm.s32 @!p0 $0x2  }
0x11e: {  	_ =	swait.ge @!p0 [sflag:s2], $0x80  }
0x11f: {  	s3 =	simm.s32 @!p0 $0x4080;
	[sflag:s2] =	ssyncset.done @!p0 $0x0;
	s4 =	rddreg [dreg:$0x7]  }
0x120: {  	s8 =	rddreg [dreg:$0xa];
	[sflag:s2] =	ssyncadd.s32 @!p0 $0xFFFFFF80;
	s2 =	simm.s32 @!p0 $0x78  }
0x121: {  	[tilespmem:s3], [sflag:$0xB] =	stream.indirect.gather @!p0 [hbm4b:s4+s2], $0x80, s8, s2, $0xb8;
	[tilespmem:$0x1F480] =	vst v63  }
0x122: {  	s2 =	simm.s32 @!p3 $0xC  }
0x123: {  	_ =	swait.ge @!p3 [sflag:s2], $0x3C00  }
0x124: {  	[sflag:s2] =	ssyncset.done @!p3 $0x0  }
0x125: {  	[sflag:s2] =	ssyncadd.s32 @!p3 $0xFFFFC400;
	s2 =	simm.s32 @!p3 $0x9  }
0x126: {  	_ =	swait.ge @!p3 [sflag:s2], $0x80  }
0x127: {  	[sflag:s2] =	ssyncset.done @!p3 $0x0;
	s26 =	rddreg [dreg:$0x9]  }
0x128: {  	[sflag:s2] =	ssyncadd.s32 @!p3 $0xFFFFFF80;
	p0 =	sge.u32 s0, s26  }
0x129: {  	[spmem:s5] =	stream.indirect.scatter.add.f32 @!p3 [tilespmem:s14], [sflag:$0xD], $0x80, s19, s9, $0xb8;
	[tilespmem:$0x1F480] =	vst v63  }
0x12a: {  	s0 =	sadd.s32 @!p0 $0x580, s1  }
0x12b: {  	s1 =	sand.u32 @!p0 $0xFC00, s0  }
0x12c: {  	s2 =	simm.s32 @!p3 $0xD;
	s0 =	sand.u32 @!p0 $0x380, s0;
	s1 =	sadd.s32 @!p0 s7, s1  }
0x12d: {  	_ =	swait.ge @!p3 [sflag:s2], $0x3C00;
	s0 =	sor.u32 @!p0 s0, s1  }
0x12e: {  	[sflag:s2] =	ssyncset.done @!p3 $0x0;
	s1 =	simm.s32 @!p0 $0x0;
	s0 =	sshrl.u32 @!p0 s0, $0x3  }
0x12f: {  	[sflag:s2] =	ssyncadd.s32 @!p3 $0xFFFFC400;
	s2 =	simm.s32 @!p0 $0x280;
	s0 =	sadd.s32 @!p0 s6, s0  }
0x130: {  	[tilespmem:s2], [sflag:$0x6] =	stream.linear.gather @!p0 [hbm4b:s0+s1], $0x80, $0x38;
	[tilespmem:$0x1F480] =	vst v63  }
0x131: {  	s0 =	simm.s32 @!p2 $0x400  }
0x132: {  	[tilespmem:s0], [sflag:$0x9] =	stream.linear.gather @!p2 [hbm4b:s12+s16], $0x80, $0x38;
	[tilespmem:$0x1F480] =	vst v63  }
0x133: {  	s0 =	simm.s32 @!p2 $0x3  }
0x134: {  	_ =	swait.ge @!p2 [sflag:s0], $0x80  }
0x135: {  	[sflag:s0] =	ssyncset.done @!p2 $0x0  }
0x136: {  	[sflag:s0] =	ssyncadd.s32 @!p2 $0xFFFFFF80  }
0x137: {  	[tilespmem:s29], [sflag:$0xC] =	stream.indirect.gather @!p2 [hbm4b:s4+s28], $0x80, s13, s28, $0xb8;
	[tilespmem:$0x1F480] =	vst v63  }
0x138: {  	[bflag:$0x0] =	sbarrier.arrive $0xFFFF  }
0x139: {  	s2 =	rddreg [dreg:$0x18]  }
0x13a: {  	s28 =	rddreg [dreg:$0x19]  }
0x13b: {  	s6 =	simm.s32 $0xD;
	s29 =	rddreg [dreg:$0x1c]  }
0x13c: {  	[hbm:s28], [sflag:s2] =	dma.local [spmem:s29], $0x2780  }
0x13d: {  	_ =	swait.ge [sflag:s6], $0x2780  }
0x13e: {  	s30 =	rddreg [dreg:$0x1b]  }
0x13f: {  	s31 =	rddreg [dreg:$0x1a];
	s1 =	sadd.s32 $0x1, s30  }
0x140: {  	p0 =	sne.s32 s1, s31  }
.Ltmp1:
0x141: {  	_ = 	snop;
	(pc) =	sbr.rel @p0 .LBB2_1-.Ltmp1, $3  }
0x142: {  	_ =	sdelay $0x1  }
0x143: {  	[sflag:s6] =	ssyncset.done $0x0  }
0x144: {  	[sflag:s6] =	ssyncadd.s32 $0xFFFFD880  }
0x145: {  	_ =	sfence.sel $0x180000  }
0x146: {  	[bflag:$0x0] =	sbarrier.arrive $0xFFFF  }
0x147: {  	_ =	strace $0x9000004A  }
0x148: {  	s0 =	stileid.u32;
	[bflag:$0x2] =	sbarrier.arrive $0xFFFF  }
0x149: {  	p0 =	sne.s32 s0, $0x0;
	s0 =	rddreg [dreg:$0x2]  }
0x14a: {  	s0 =	sadd.s32 @!p0 $0x100000, s0  }
0x14b: {  	[sflag:s0] =	ssyncadd.tile.s32 @!p0 $0x1;
	_ =	shalt  }
.Lfunc_end2:
_tile_overlayer_lowered:
.L_overlay_start_2:
0x14c: {  	(tag) =	ssettag $0x2  }
0x14d: {  	s0 =	rddreg [dreg:$0x0];
	s2 =	stileid.u32  }
0x14e: {  	s1 =	rddreg [dreg:$0x1];
	p0 =	sne.s32 s2, $0x0  }
0x14f: {  	s3 =	rddreg [dreg:$0x2];
	[bflag:$0x3] =	sbarrier.arrive $0xFFFF;
	s2 =	simm.s32 @!p0 $0x1C0D  }
0x150: {  	[timem:s3], [sflag:s2] =	dma.local @!p0 [hbm:s0], s1  }
0x151: {  	s0 =	simm.s32 @!p0 $0xD  }
0x152: {  	_ =	swait.ge @!p0 [sflag:s0], s1  }
0x153: {  	s1 =	ssub.s32 @!p0 $0x0, s1;
	[sflag:s0] =	ssyncset.done @!p0 $0x0  }
0x154: {  	[sflag:s0] =	ssyncadd.s32 @!p0 s1  }
0x155: {  	[bflag:$0x3] =	sbarrier.arrive $0xFFFF  }
0x156: {  	_ =	shalt  }

</sc_bundles>
